<compile_context>
chip_gen: v7x
topology: tpu7x:2x2x1
jax: 0.10.2.dev20260603
libtpu: 0.0.44.dev20260713+nightly
codegen_flags: <defaults>
</compile_context>

<pallas_src>
import jax
import jax.numpy as jnp
from jax import lax
from jax.experimental import pallas as pl
from jax.experimental.pallas import tpu as pltpu
from jax.experimental.pallas import tpu_sc as plsc

N = 10000
C = 128
OUTC = 64
W = 144
WS = 160
NPAD = 10048
NW = 32
B = 64
E_TOT = 320000 + N
E_PAD = 331776
EPW = E_PAD // NW
NB = EPW // B
NBH = NB // 2
KTOT = E_PAD // B
RPT = NPAD // 16


def _tables(h):
    norm = jnp.sqrt(jnp.sum(h * h, axis=1, keepdims=True))
    rinv = 1.0 / jnp.maximum(norm, 1e-12)
    t160 = jnp.concatenate(
        [h, jnp.broadcast_to(rinv, (h.shape[0], 32))], axis=1).astype(jnp.bfloat16)
    return t160, (h * rinv).astype(jnp.bfloat16)


def _enc_body(x_ref, w1_ref, b1_ref, o144_ref, o128_ref):
    i = pl.program_id(0)
    h = lax.dot_general(x_ref[...], w1_ref[...], (((1,), (1,)), ((), ())),
                        preferred_element_type=jnp.float32)
    h = jnp.maximum(h + b1_ref[...], 0.0)
    rid = i * 256 + lax.broadcasted_iota(jnp.int32, (256, 1), 0)
    h = jnp.where(rid < N, h, 0.0)
    o144_ref[...], o128_ref[...] = _tables(h)


def _encode(x, W1, b1r):
    return pl.pallas_call(
        _enc_body,
        grid=(40,),
        in_specs=[
            pl.BlockSpec((256, C), lambda i: (i, 0)),
            pl.BlockSpec((C, C), lambda i: (0, 0)),
            pl.BlockSpec((1, C), lambda i: (0, 0)),
        ],
        out_specs=[
            pl.BlockSpec((256, WS), lambda i: (i, 0)),
            pl.BlockSpec((256, C), lambda i: (i, 0)),
        ],
        out_shape=[
            jax.ShapeDtypeStruct((NPAD, WS), jnp.bfloat16),
            jax.ShapeDtypeStruct((NPAD, C), jnp.bfloat16),
        ],
    )(x, W1, b1r)


def _comb_body(p0_ref, p1_ref, o144_ref, o128_ref):
    y = p0_ref[...] + p1_ref[...]
    h = y[:, :C] / (y[:, C:C + 1] + 1e-16)
    o144_ref[...], o128_ref[...] = _tables(h)


def _combine(p0, p1):
    return pl.pallas_call(
        _comb_body,
        grid=(40,),
        in_specs=[
            pl.BlockSpec((256, W), lambda i: (i, 0)),
            pl.BlockSpec((256, W), lambda i: (i, 0)),
        ],
        out_specs=[
            pl.BlockSpec((256, WS), lambda i: (i, 0)),
            pl.BlockSpec((256, C), lambda i: (i, 0)),
        ],
        out_shape=[
            jax.ShapeDtypeStruct((NPAD, WS), jnp.bfloat16),
            jax.ShapeDtypeStruct((NPAD, C), jnp.bfloat16),
        ],
    )(p0, p1)


def _head_body(p0_ref, p1_ref, w2_ref, b2_ref, o_ref):
    y = p0_ref[...] + p1_ref[...]
    h = y[:, :C] / (y[:, C:C + 1] + 1e-16)
    z = lax.dot_general(h, w2_ref[...], (((1,), (1,)), ((), ())),
                        preferred_element_type=jnp.float32)
    z = z + b2_ref[...]
    m = jnp.max(z, axis=1, keepdims=True)
    zz = z - m
    lse = jnp.log(jnp.sum(jnp.exp(zz), axis=1, keepdims=True))
    o_ref[...] = zz - lse


def _head(p0, p1, W2, b2r):
    return pl.pallas_call(
        _head_body,
        grid=(25,),
        in_specs=[
            pl.BlockSpec((400, W), lambda i: (i, 0)),
            pl.BlockSpec((400, W), lambda i: (i, 0)),
            pl.BlockSpec((OUTC, C), lambda i: (0, 0)),
            pl.BlockSpec((1, OUTC), lambda i: (0, 0)),
        ],
        out_specs=pl.BlockSpec((400, OUTC), lambda i: (i, 0)),
        out_shape=jax.ShapeDtypeStruct((N, OUTC), jnp.float32),
    )(p0, p1, W2, b2r)


def _prop_body(t144_hbm, t128_hbm, idx_hbm, beta_hbm, out_hbm,
               idxA, idxB, didxA, didxB, srowsA, srowsB, drowsA, drowsB,
               orowsA, orowsB, betav,
               acc, semSA, semSB, semDA, semDB, semOA, semOB, semIA, semIB):
    cid = lax.axis_index("c")
    sid = lax.axis_index("s")
    wid = sid * 2 + cid

    zero16 = jnp.zeros((16,), jnp.float32)

    def zrow(r, carry):
        for k in range(W // 16):
            orowsA[r, pl.ds(16 * k, 16)] = zero16
        return carry

    lax.fori_loop(0, B, zrow, None)

    r0 = sid * RPT
    for t in range(RPT // B):
        pltpu.sync_copy(orowsA, acc.at[pl.ds(r0 + t * B, B)])
    pltpu.sync_copy(orowsA.at[pl.ds(0, RPT % B)],
                    acc.at[pl.ds(r0 + (RPT // B) * B, RPT % B)])

    pltpu.sync_copy(beta_hbm, betav)
    plsc.subcore_barrier()

    bv = betav[...]
    babs = jnp.abs(bv)
    lanes = lax.iota(jnp.int32, 16)
    m0 = lanes == 0
    perms = [lanes ^ s for s in (8, 4, 2, 1)]

    def hsum(v):
        for p in perms:
            v = v + v.at[p].get(mode="promise_in_bounds")
        return v

    def compute(srows, drows, orows):
        @plsc.parallel_loop(0, B, unroll=4)
        def edge(j):
            s = [srows[j, pl.ds(32 * k, 32)] for k in range(4)]
            d = [drows[j, pl.ds(32 * k, 32)] for k in range(4)]
            c32 = (s[0] * d[0] + s[1] * d[1]) + (s[2] * d[2] + s[3] * d[3])
            ca, cb = plsc.unpack(c32, format=plsc.PackFormat.INTERLEAVED)
            ra, rb = plsc.unpack(srows[j, pl.ds(C, 32)],
                                 format=plsc.PackFormat.INTERLEAVED)
            a = hsum(ca + cb) * ra
            ev = jnp.exp(bv * a - babs)
            for k in range(4):
                ua, ub = plsc.unpack(s[k], format=plsc.PackFormat.INTERLEAVED)
                orows[j, pl.ds(32 * k, 16)] = ua * ev
                orows[j, pl.ds(32 * k + 16, 16)] = ub * ev
            orows[j, pl.ds(C, 16)] = jnp.where(m0, ev, 0.0)

    H = B // 2

    def start_gathers(idx, srows, drows, semS, semD):
        pltpu.async_copy(t144_hbm.at[idx.at[0, pl.ds(0, H)]],
                         srows.at[pl.ds(0, H)], semS)
        pltpu.async_copy(t144_hbm.at[idx.at[0, pl.ds(H, H)]],
                         srows.at[pl.ds(H, H)], semS)
        pltpu.async_copy(t128_hbm.at[idx.at[1, pl.ds(0, H)]],
                         drows.at[pl.ds(0, H)], semD)
        pltpu.async_copy(t128_hbm.at[idx.at[1, pl.ds(H, H)]],
                         drows.at[pl.ds(H, H)], semD)

    kbase = wid * NB
    pltpu.sync_copy(idx_hbm.at[kbase], idxA)
    pltpu.async_copy(idx_hbm.at[kbase + 1], idxB, semIB)
    start_gathers(idxA, srowsA, drowsA, semSA, semDA)

    def stage(t, k_next, idx, didx, srows, drows, orows,
              semS, semD, semO, semI):
        pltpu.make_async_copy(t144_hbm.at[idx.at[0]], srows, semS).wait()
        pltpu.make_async_copy(t128_hbm.at[idx.at[1]], drows, semD).wait()

        @pl.when(t > 0)
        def _():
            pltpu.make_async_copy(orows, acc.at[didx], semO).wait()

        for k in range(B // 16):
            didx[pl.ds(16 * k, 16)] = idx[1, pl.ds(16 * k, 16)]
        pltpu.async_copy(idx_hbm.at[k_next], idx, semI)
        compute(srows, drows, orows)
        pltpu.async_copy(orows, acc.at[didx], semO, add=True)

    def pair_body(t, carry):
        k0 = kbase + 2 * t
        pltpu.make_async_copy(idx_hbm.at[k0 + 1], idxB, semIB).wait()
        start_gathers(idxB, srowsB, drowsB, semSB, semDB)
        stage(t, k0 + 2, idxA, didxA, srowsA, drowsA, orowsA,
              semSA, semDA, semOA, semIA)
        pltpu.make_async_copy(idx_hbm.at[k0 + 2], idxA, semIA).wait()
        start_gathers(idxA, srowsA, drowsA, semSA, semDA)
        stage(t, k0 + 3, idxB, didxB, srowsB, drowsB, orowsB,
              semSB, semDB, semOB, semIB)
        return carry

    lax.fori_loop(0, NBH, pair_body, None)

    pltpu.make_async_copy(orowsA, acc.at[didxA], semOA).wait()
    pltpu.make_async_copy(orowsB, acc.at[didxB], semOB).wait()
    pltpu.make_async_copy(t144_hbm.at[idxA.at[0]], srowsA, semSA).wait()
    pltpu.make_async_copy(t128_hbm.at[idxA.at[1]], drowsA, semDA).wait()
    pltpu.make_async_copy(idx_hbm.at[kbase], idxB, semIB).wait()

    plsc.subcore_barrier()
    pltpu.sync_copy(acc.at[pl.ds(r0, RPT)], out_hbm.at[cid, pl.ds(r0, RPT)])


def _prop():
  return pl.kernel(
    _prop_body,
    out_type=jax.ShapeDtypeStruct((2, NPAD, W), jnp.float32),
    mesh=plsc.VectorSubcoreMesh(core_axis_name="c", subcore_axis_name="s"),
    compiler_params=pltpu.CompilerParams(use_tc_tiling_on_sc=False, needs_layout_passes=False),
    scratch_types=[
        pltpu.VMEM((2, B), jnp.int32),
        pltpu.VMEM((2, B), jnp.int32),
        pltpu.VMEM((B,), jnp.int32),
        pltpu.VMEM((B,), jnp.int32),
        pltpu.VMEM((B, WS), jnp.bfloat16),
        pltpu.VMEM((B, WS), jnp.bfloat16),
        pltpu.VMEM((B, C), jnp.bfloat16),
        pltpu.VMEM((B, C), jnp.bfloat16),
        pltpu.VMEM((B, W), jnp.float32),
        pltpu.VMEM((B, W), jnp.float32),
        pltpu.VMEM((16,), jnp.float32),
        pltpu.VMEM_SHARED((NPAD, W), jnp.float32),
        pltpu.SemaphoreType.DMA,
        pltpu.SemaphoreType.DMA,
        pltpu.SemaphoreType.DMA,
        pltpu.SemaphoreType.DMA,
        pltpu.SemaphoreType.DMA,
        pltpu.SemaphoreType.DMA,
        pltpu.SemaphoreType.DMA,
        pltpu.SemaphoreType.DMA,
    ],
  )


import numpy as _np
_P = _np.empty((C,), dtype=_np.int32)
for _k in range(4):
    for _i in range(16):
        _P[32 * _k + _i] = 32 * _k + 2 * _i
        _P[32 * _k + 16 + _i] = 32 * _k + 2 * _i + 1
_PP = _P[_P]


@jax.jit
def kernel(x, edge_index, W1, b1, W2, b2, beta2):
    loop = jnp.arange(N, dtype=jnp.int32)
    padv = jnp.zeros((E_PAD - E_TOT,), dtype=jnp.int32) + N
    src = jnp.concatenate([edge_index[0].astype(jnp.int32), loop, padv])
    dst = jnp.concatenate([edge_index[1].astype(jnp.int32), loop, padv])
    idx = jnp.stack([src.reshape(KTOT, B), dst.reshape(KTOT, B)], axis=1)
    idx = jnp.concatenate([idx, jnp.zeros((2, 2, B), jnp.int32)], axis=0)
    b1r = b1.reshape(1, C)
    b2r = b2.reshape(1, OUTC)
    beta1v = jnp.full((16,), 1.0, dtype=jnp.float32)
    beta2v = jnp.broadcast_to(beta2.astype(jnp.float32), (16,))

    t144_0, t128_0 = _encode(x, W1, b1r)
    p = _prop()(t144_0, t128_0, idx, beta1v)
    t144_1, t128_1 = _combine(p[0], p[1])
    q = _prop()(t144_1, t128_1, idx, beta2v)
    return _head(q[0], q[1], W2[:, _PP], b2r)

# --- scband reference (transcript-rebuilt; emitter-appended) ---
"""Pipeline reference for scband-agnn-16286515986689 (READ-ONLY COPY).

The authoritative reference and input builder live on the scoring server;
editing this copy changes nothing except your own understanding.
"""

import jax, jax.numpy as jnp
import numpy as np

N_NODES = 10000
IN_C = 128
HID_C = 128
OUT_C = 64
N_EDGES = 320000


def setup_inputs(seed: int = 0) -> dict:
    key = jax.random.key(seed)
    k1, k2, k3, k4, k5, k6 = jax.random.split(key, 6)
    x = jax.random.normal(k1, (N_NODES, IN_C), dtype=jnp.float32)
    edge_index = jax.random.randint(k2, (2, N_EDGES), 0, N_NODES, dtype=jnp.int64)
    W1 = jax.random.normal(k3, (HID_C, IN_C), dtype=jnp.float32) * (1.0 / np.sqrt(IN_C))
    b1 = jnp.zeros((HID_C,), dtype=jnp.float32)
    W2 = jax.random.normal(k4, (OUT_C, HID_C), dtype=jnp.float32) * (1.0 / np.sqrt(HID_C))
    b2 = jnp.zeros((OUT_C,), dtype=jnp.float32)
    beta2 = jnp.ones((1,), dtype=jnp.float32)  # learnable beta of prop2
    return {"x": x, "edge_index": edge_index, "W1": W1, "b1": b1, "W2": W2, "b2": b2, "beta2": beta2}


def _segment_softmax(logits, seg, num_segments):
    m = jax.ops.segment_max(logits, seg, num_segments=num_segments)
    m = jnp.where(jnp.isfinite(m), m, 0.0)
    e = jnp.exp(logits - m[seg])
    s = jax.ops.segment_sum(e, seg, num_segments=num_segments)
    return e / (s[seg] + 1e-16)


def _agnn_conv(x, src, dst, beta, num_nodes):
    # F.normalize(x, p=2, dim=-1)
    norm = jnp.sqrt(jnp.sum(x * x, axis=-1, keepdims=True))
    xn = x / jnp.maximum(norm, 1e-12)
    alpha = beta * jnp.sum(xn[src] * xn[dst], axis=-1)
    a = _segment_softmax(alpha, dst, num_nodes)
    out = jax.ops.segment_sum(x[src] * a[:, None], dst, num_segments=num_nodes)
    return out


def reference(x, edge_index, W1, b1, W2, b2, beta2):
    n = x.shape[0]
    # add self loops (PyG AGNNConv default add_self_loops=True)
    loop = jnp.arange(n, dtype=edge_index.dtype)
    src = jnp.concatenate([edge_index[0], loop])
    dst = jnp.concatenate([edge_index[1], loop])
    # dropout is identity in eval mode
    h = jax.nn.relu(x @ W1.T + b1)
    h = _agnn_conv(h, src, dst, jnp.float32(1.0), n)   # prop1: beta fixed to 1.0
    h = _agnn_conv(h, src, dst, beta2[0], n)           # prop2: learnable beta
    h = h @ W2.T + b2
    return jax.nn.log_softmax(h, axis=1)

if __name__ == "__main__":
    import jax
    _d = setup_inputs()
    print(jax.jit(kernel)(*tuple(_d.values())))

</pallas_src>

<mosaic_0001>
#map = affine_map<(d0, d1) -> (0, 0)>
#map1 = affine_map<(d0, d1) -> (0, 0, 0)>
#map2 = affine_map<(d0, d1) -> (0)>
module attributes {stable_mosaic.version = 14 : i64} {
  func.func @_prop_body(%arg0: i32, %arg1: i32, %arg2: memref<10048x160xbf16, #tpu.memory_space<hbm>>, %arg3: memref<10048x128xbf16, #tpu.memory_space<hbm>>, %arg4: memref<5186x2x64xi32, #tpu.memory_space<hbm>>, %arg5: memref<16xf32, #tpu.memory_space<hbm>>, %arg6: memref<2x10048x144xf32, #tpu.memory_space<hbm>>, %arg7: memref<2x64xi32, #tpu.memory_space<vmem>>, %arg8: memref<2x64xi32, #tpu.memory_space<vmem>>, %arg9: memref<64xi32, #tpu.memory_space<vmem>>, %arg10: memref<64xi32, #tpu.memory_space<vmem>>, %arg11: memref<64x160xbf16, #tpu.memory_space<vmem>>, %arg12: memref<64x160xbf16, #tpu.memory_space<vmem>>, %arg13: memref<64x128xbf16, #tpu.memory_space<vmem>>, %arg14: memref<64x128xbf16, #tpu.memory_space<vmem>>, %arg15: memref<64x144xf32, #tpu.memory_space<vmem>>, %arg16: memref<64x144xf32, #tpu.memory_space<vmem>>, %arg17: memref<16xf32, #tpu.memory_space<vmem>>, %arg18: memref<10048x144xf32, #tpu.memory_space<vmem_shared>>, %arg19: memref<!tpu.dma_semaphore, #tpu.memory_space<semaphore_mem>>, %arg20: memref<!tpu.dma_semaphore, #tpu.memory_space<semaphore_mem>>, %arg21: memref<!tpu.dma_semaphore, #tpu.memory_space<semaphore_mem>>, %arg22: memref<!tpu.dma_semaphore, #tpu.memory_space<semaphore_mem>>, %arg23: memref<!tpu.dma_semaphore, #tpu.memory_space<semaphore_mem>>, %arg24: memref<!tpu.dma_semaphore, #tpu.memory_space<semaphore_mem>>, %arg25: memref<!tpu.dma_semaphore, #tpu.memory_space<semaphore_mem>>, %arg26: memref<!tpu.dma_semaphore, #tpu.memory_space<semaphore_mem>>) attributes {dimension_semantics = [#tpu.dimension_semantics<core_parallel>, #tpu.dimension_semantics<subcore_parallel>], iteration_bounds = array<i64: 2, 16>, scalar_prefetch = 0 : i64, scratch_operands = 20 : i64, tpu.core_type = #tpu.core_type<sc_vector_subcore>, window_params = [{transform_indices = #map}, {transform_indices = #map}, {transform_indices = #map1}, {transform_indices = #map2}, {transform_indices = #map1}]} {
    %mul3A = arith.constant 2 : i32
    %mul3A_0 = arith.muli %arg1, %mul3A : i32
    %add3A = arith.addi %mul3A_0, %arg0 : i32
    %broadcast_in_dim3A = arith.constant 0.000000e+00 : f32
    %broadcast_in_dim3A_1 = vector.broadcast %broadcast_in_dim3A : f32 to vector<16xf32>
    %scan3A = arith.constant 0 : i32
    %scan3A_2 = arith.constant 64 : i32
    %scan3A_3 = arith.addi %scan3A, %scan3A_2 : i32
    %scan3A_4 = arith.constant 1 : i32
    scf.for %scan3A_126 = %scan3A to %scan3A_3 step %scan3A_4  : i32 {
      %swap3A = arith.index_cast %scan3A_126 : i32 to index
      %swap3A_127 = arith.constant 0 : index
      %swap3A_128 = tpu.vector_load %arg15[%swap3A, %swap3A_127] {strides = array<i32>} : memref<64x144xf32, #tpu.memory_space<vmem>>, vector<16xf32>,
      tpu.vector_store %arg15[%swap3A, %swap3A_127], %broadcast_in_dim3A_1 {strides = array<i32>} : memref<64x144xf32, #tpu.memory_space<vmem>>, vector<16xf32>,
      %swap3A_129 = arith.index_cast %scan3A_126 : i32 to index
      %swap3A_130 = arith.constant 16 : index
      %swap3A_131 = tpu.vector_load %arg15[%swap3A_129, %swap3A_130] {strides = array<i32>} : memref<64x144xf32, #tpu.memory_space<vmem>>, vector<16xf32>,
      tpu.vector_store %arg15[%swap3A_129, %swap3A_130], %broadcast_in_dim3A_1 {strides = array<i32>} : memref<64x144xf32, #tpu.memory_space<vmem>>, vector<16xf32>,
      %swap3A_132 = arith.index_cast %scan3A_126 : i32 to index
      %swap3A_133 = arith.constant 32 : index
      %swap3A_134 = tpu.vector_load %arg15[%swap3A_132, %swap3A_133] {strides = array<i32>} : memref<64x144xf32, #tpu.memory_space<vmem>>, vector<16xf32>,
      tpu.vector_store %arg15[%swap3A_132, %swap3A_133], %broadcast_in_dim3A_1 {strides = array<i32>} : memref<64x144xf32, #tpu.memory_space<vmem>>, vector<16xf32>,
      %swap3A_135 = arith.index_cast %scan3A_126 : i32 to index
      %swap3A_136 = arith.constant 48 : index
      %swap3A_137 = tpu.vector_load %arg15[%swap3A_135, %swap3A_136] {strides = array<i32>} : memref<64x144xf32, #tpu.memory_space<vmem>>, vector<16xf32>,
      tpu.vector_store %arg15[%swap3A_135, %swap3A_136], %broadcast_in_dim3A_1 {strides = array<i32>} : memref<64x144xf32, #tpu.memory_space<vmem>>, vector<16xf32>,
      %swap3A_138 = arith.index_cast %scan3A_126 : i32 to index
      %swap3A_139 = arith.constant 64 : index
      %swap3A_140 = tpu.vector_load %arg15[%swap3A_138, %swap3A_139] {strides = array<i32>} : memref<64x144xf32, #tpu.memory_space<vmem>>, vector<16xf32>,
      tpu.vector_store %arg15[%swap3A_138, %swap3A_139], %broadcast_in_dim3A_1 {strides = array<i32>} : memref<64x144xf32, #tpu.memory_space<vmem>>, vector<16xf32>,
      %swap3A_141 = arith.index_cast %scan3A_126 : i32 to index
      %swap3A_142 = arith.constant 80 : index
      %swap3A_143 = tpu.vector_load %arg15[%swap3A_141, %swap3A_142] {strides = array<i32>} : memref<64x144xf32, #tpu.memory_space<vmem>>, vector<16xf32>,
      tpu.vector_store %arg15[%swap3A_141, %swap3A_142], %broadcast_in_dim3A_1 {strides = array<i32>} : memref<64x144xf32, #tpu.memory_space<vmem>>, vector<16xf32>,
      %swap3A_144 = arith.index_cast %scan3A_126 : i32 to index
      %swap3A_145 = arith.constant 96 : index
      %swap3A_146 = tpu.vector_load %arg15[%swap3A_144, %swap3A_145] {strides = array<i32>} : memref<64x144xf32, #tpu.memory_space<vmem>>, vector<16xf32>,
      tpu.vector_store %arg15[%swap3A_144, %swap3A_145], %broadcast_in_dim3A_1 {strides = array<i32>} : memref<64x144xf32, #tpu.memory_space<vmem>>, vector<16xf32>,
      %swap3A_147 = arith.index_cast %scan3A_126 : i32 to index
      %swap3A_148 = arith.constant 112 : index
      %swap3A_149 = tpu.vector_load %arg15[%swap3A_147, %swap3A_148] {strides = array<i32>} : memref<64x144xf32, #tpu.memory_space<vmem>>, vector<16xf32>,
      tpu.vector_store %arg15[%swap3A_147, %swap3A_148], %broadcast_in_dim3A_1 {strides = array<i32>} : memref<64x144xf32, #tpu.memory_space<vmem>>, vector<16xf32>,
      %swap3A_150 = arith.index_cast %scan3A_126 : i32 to index
      %swap3A_151 = arith.constant 128 : index
      %swap3A_152 = tpu.vector_load %arg15[%swap3A_150, %swap3A_151] {strides = array<i32>} : memref<64x144xf32, #tpu.memory_space<vmem>>, vector<16xf32>,
      tpu.vector_store %arg15[%swap3A_150, %swap3A_151], %broadcast_in_dim3A_1 {strides = array<i32>} : memref<64x144xf32, #tpu.memory_space<vmem>>, vector<16xf32>,
    }
    %scan3A_5 = arith.constant 64 : i32
    %mul3A_6 = arith.constant 628 : i32
    %mul3A_7 = arith.muli %arg1, %mul3A_6 : i32
    %add3A_8 = arith.constant 0 : i32
    %add3A_9 = arith.addi %mul3A_7, %add3A_8 : i32
    "tpu.region"() ({
      %run_scoped3A = tpu.sem_alloc : memref<!tpu.dma_semaphore, #tpu.memory_space<semaphore_mem>>
      %dma_start3A_126 = arith.constant 0 : i32
      %dma_start3A_127 = tpu.memref_slice %arg18[%add3A_9, %dma_start3A_126] : memref<10048x144xf32, #tpu.memory_space<vmem_shared>> -> memref<64x144xf32, #tpu.memory_space<vmem_shared>>
      %dma_start3A_128 = arith.constant 0 : i32
      %dma_start3A_129 = tpu.memref_slice %arg18[%add3A_9, %dma_start3A_128] : memref<10048x144xf32, #tpu.memory_space<vmem_shared>> -> memref<64x144xf32, #tpu.memory_space<vmem_shared>>
      tpu.enqueue_dma source(%arg15 : memref<64x144xf32, #tpu.memory_space<vmem>>) target(%dma_start3A_129 : memref<64x144xf32, #tpu.memory_space<vmem_shared>>) target_semaphore(%run_scoped3A : memref<!tpu.dma_semaphore, #tpu.memory_space<semaphore_mem>>)
      %dma_wait3A_130 = arith.constant 0 : i32
      %dma_wait3A_131 = tpu.memref_slice %arg18[%add3A_9, %dma_wait3A_130] : memref<10048x144xf32, #tpu.memory_space<vmem_shared>> -> memref<64x144xf32, #tpu.memory_space<vmem_shared>>
      %dma_wait3A_132 = arith.constant 0 : i32
      %dma_wait3A_133 = tpu.memref_slice %arg18[%add3A_9, %dma_wait3A_132] : memref<10048x144xf32, #tpu.memory_space<vmem_shared>> -> memref<64x144xf32, #tpu.memory_space<vmem_shared>>
      tpu.wait_dma2 semaphore(%run_scoped3A : memref<!tpu.dma_semaphore, #tpu.memory_space<semaphore_mem>>) src(%arg15 : memref<64x144xf32, #tpu.memory_space<vmem>>) dst(%dma_wait3A_133 : memref<64x144xf32, #tpu.memory_space<vmem_shared>>)
      tpu.yield
    }) : () -> ()
    %add3A_10 = arith.constant 64 : i32
    %add3A_11 = arith.addi %mul3A_7, %add3A_10 : i32
    "tpu.region"() ({
      %run_scoped3A = tpu.sem_alloc : memref<!tpu.dma_semaphore, #tpu.memory_space<semaphore_mem>>
      %dma_start3A_126 = arith.constant 0 : i32
      %dma_start3A_127 = tpu.memref_slice %arg18[%add3A_11, %dma_start3A_126] : memref<10048x144xf32, #tpu.memory_space<vmem_shared>> -> memref<64x144xf32, #tpu.memory_space<vmem_shared>>
      %dma_start3A_128 = arith.constant 0 : i32
      %dma_start3A_129 = tpu.memref_slice %arg18[%add3A_11, %dma_start3A_128] : memref<10048x144xf32, #tpu.memory_space<vmem_shared>> -> memref<64x144xf32, #tpu.memory_space<vmem_shared>>
      tpu.enqueue_dma source(%arg15 : memref<64x144xf32, #tpu.memory_space<vmem>>) target(%dma_start3A_129 : memref<64x144xf32, #tpu.memory_space<vmem_shared>>) target_semaphore(%run_scoped3A : memref<!tpu.dma_semaphore, #tpu.memory_space<semaphore_mem>>)
      %dma_wait3A_130 = arith.constant 0 : i32
      %dma_wait3A_131 = tpu.memref_slice %arg18[%add3A_11, %dma_wait3A_130] : memref<10048x144xf32, #tpu.memory_space<vmem_shared>> -> memref<64x144xf32, #tpu.memory_space<vmem_shared>>
      %dma_wait3A_132 = arith.constant 0 : i32
      %dma_wait3A_133 = tpu.memref_slice %arg18[%add3A_11, %dma_wait3A_132] : memref<10048x144xf32, #tpu.memory_space<vmem_shared>> -> memref<64x144xf32, #tpu.memory_space<vmem_shared>>
      tpu.wait_dma2 semaphore(%run_scoped3A : memref<!tpu.dma_semaphore, #tpu.memory_space<semaphore_mem>>) src(%arg15 : memref<64x144xf32, #tpu.memory_space<vmem>>) dst(%dma_wait3A_133 : memref<64x144xf32, #tpu.memory_space<vmem_shared>>)
      tpu.yield
    }) : () -> ()
    %add3A_12 = arith.constant 128 : i32
    %add3A_13 = arith.addi %mul3A_7, %add3A_12 : i32
    "tpu.region"() ({
      %run_scoped3A = tpu.sem_alloc : memref<!tpu.dma_semaphore, #tpu.memory_space<semaphore_mem>>
      %dma_start3A_126 = arith.constant 0 : i32
      %dma_start3A_127 = tpu.memref_slice %arg18[%add3A_13, %dma_start3A_126] : memref<10048x144xf32, #tpu.memory_space<vmem_shared>> -> memref<64x144xf32, #tpu.memory_space<vmem_shared>>
      %dma_start3A_128 = arith.constant 0 : i32
      %dma_start3A_129 = tpu.memref_slice %arg18[%add3A_13, %dma_start3A_128] : memref<10048x144xf32, #tpu.memory_space<vmem_shared>> -> memref<64x144xf32, #tpu.memory_space<vmem_shared>>
      tpu.enqueue_dma source(%arg15 : memref<64x144xf32, #tpu.memory_space<vmem>>) target(%dma_start3A_129 : memref<64x144xf32, #tpu.memory_space<vmem_shared>>) target_semaphore(%run_scoped3A : memref<!tpu.dma_semaphore, #tpu.memory_space<semaphore_mem>>)
      %dma_wait3A_130 = arith.constant 0 : i32
      %dma_wait3A_131 = tpu.memref_slice %arg18[%add3A_13, %dma_wait3A_130] : memref<10048x144xf32, #tpu.memory_space<vmem_shared>> -> memref<64x144xf32, #tpu.memory_space<vmem_shared>>
      %dma_wait3A_132 = arith.constant 0 : i32
      %dma_wait3A_133 = tpu.memref_slice %arg18[%add3A_13, %dma_wait3A_132] : memref<10048x144xf32, #tpu.memory_space<vmem_shared>> -> memref<64x144xf32, #tpu.memory_space<vmem_shared>>
      tpu.wait_dma2 semaphore(%run_scoped3A : memref<!tpu.dma_semaphore, #tpu.memory_space<semaphore_mem>>) src(%arg15 : memref<64x144xf32, #tpu.memory_space<vmem>>) dst(%dma_wait3A_133 : memref<64x144xf32, #tpu.memory_space<vmem_shared>>)
      tpu.yield
    }) : () -> ()
    %add3A_14 = arith.constant 192 : i32
    %add3A_15 = arith.addi %mul3A_7, %add3A_14 : i32
    "tpu.region"() ({
      %run_scoped3A = tpu.sem_alloc : memref<!tpu.dma_semaphore, #tpu.memory_space<semaphore_mem>>
      %dma_start3A_126 = arith.constant 0 : i32
      %dma_start3A_127 = tpu.memref_slice %arg18[%add3A_15, %dma_start3A_126] : memref<10048x144xf32, #tpu.memory_space<vmem_shared>> -> memref<64x144xf32, #tpu.memory_space<vmem_shared>>
      %dma_start3A_128 = arith.constant 0 : i32
      %dma_start3A_129 = tpu.memref_slice %arg18[%add3A_15, %dma_start3A_128] : memref<10048x144xf32, #tpu.memory_space<vmem_shared>> -> memref<64x144xf32, #tpu.memory_space<vmem_shared>>
      tpu.enqueue_dma source(%arg15 : memref<64x144xf32, #tpu.memory_space<vmem>>) target(%dma_start3A_129 : memref<64x144xf32, #tpu.memory_space<vmem_shared>>) target_semaphore(%run_scoped3A : memref<!tpu.dma_semaphore, #tpu.memory_space<semaphore_mem>>)
      %dma_wait3A_130 = arith.constant 0 : i32
      %dma_wait3A_131 = tpu.memref_slice %arg18[%add3A_15, %dma_wait3A_130] : memref<10048x144xf32, #tpu.memory_space<vmem_shared>> -> memref<64x144xf32, #tpu.memory_space<vmem_shared>>
      %dma_wait3A_132 = arith.constant 0 : i32
      %dma_wait3A_133 = tpu.memref_slice %arg18[%add3A_15, %dma_wait3A_132] : memref<10048x144xf32, #tpu.memory_space<vmem_shared>> -> memref<64x144xf32, #tpu.memory_space<vmem_shared>>
      tpu.wait_dma2 semaphore(%run_scoped3A : memref<!tpu.dma_semaphore, #tpu.memory_space<semaphore_mem>>) src(%arg15 : memref<64x144xf32, #tpu.memory_space<vmem>>) dst(%dma_wait3A_133 : memref<64x144xf32, #tpu.memory_space<vmem_shared>>)
      tpu.yield
    }) : () -> ()
    %add3A_16 = arith.constant 256 : i32
    %add3A_17 = arith.addi %mul3A_7, %add3A_16 : i32
    "tpu.region"() ({
      %run_scoped3A = tpu.sem_alloc : memref<!tpu.dma_semaphore, #tpu.memory_space<semaphore_mem>>
      %dma_start3A_126 = arith.constant 0 : i32
      %dma_start3A_127 = tpu.memref_slice %arg18[%add3A_17, %dma_start3A_126] : memref<10048x144xf32, #tpu.memory_space<vmem_shared>> -> memref<64x144xf32, #tpu.memory_space<vmem_shared>>
      %dma_start3A_128 = arith.constant 0 : i32
      %dma_start3A_129 = tpu.memref_slice %arg18[%add3A_17, %dma_start3A_128] : memref<10048x144xf32, #tpu.memory_space<vmem_shared>> -> memref<64x144xf32, #tpu.memory_space<vmem_shared>>
      tpu.enqueue_dma source(%arg15 : memref<64x144xf32, #tpu.memory_space<vmem>>) target(%dma_start3A_129 : memref<64x144xf32, #tpu.memory_space<vmem_shared>>) target_semaphore(%run_scoped3A : memref<!tpu.dma_semaphore, #tpu.memory_space<semaphore_mem>>)
      %dma_wait3A_130 = arith.constant 0 : i32
      %dma_wait3A_131 = tpu.memref_slice %arg18[%add3A_17, %dma_wait3A_130] : memref<10048x144xf32, #tpu.memory_space<vmem_shared>> -> memref<64x144xf32, #tpu.memory_space<vmem_shared>>
      %dma_wait3A_132 = arith.constant 0 : i32
      %dma_wait3A_133 = tpu.memref_slice %arg18[%add3A_17, %dma_wait3A_132] : memref<10048x144xf32, #tpu.memory_space<vmem_shared>> -> memref<64x144xf32, #tpu.memory_space<vmem_shared>>
      tpu.wait_dma2 semaphore(%run_scoped3A : memref<!tpu.dma_semaphore, #tpu.memory_space<semaphore_mem>>) src(%arg15 : memref<64x144xf32, #tpu.memory_space<vmem>>) dst(%dma_wait3A_133 : memref<64x144xf32, #tpu.memory_space<vmem_shared>>)
      tpu.yield
    }) : () -> ()
    %add3A_18 = arith.constant 320 : i32
    %add3A_19 = arith.addi %mul3A_7, %add3A_18 : i32
    "tpu.region"() ({
      %run_scoped3A = tpu.sem_alloc : memref<!tpu.dma_semaphore, #tpu.memory_space<semaphore_mem>>
      %dma_start3A_126 = arith.constant 0 : i32
      %dma_start3A_127 = tpu.memref_slice %arg18[%add3A_19, %dma_start3A_126] : memref<10048x144xf32, #tpu.memory_space<vmem_shared>> -> memref<64x144xf32, #tpu.memory_space<vmem_shared>>
      %dma_start3A_128 = arith.constant 0 : i32
      %dma_start3A_129 = tpu.memref_slice %arg18[%add3A_19, %dma_start3A_128] : memref<10048x144xf32, #tpu.memory_space<vmem_shared>> -> memref<64x144xf32, #tpu.memory_space<vmem_shared>>
      tpu.enqueue_dma source(%arg15 : memref<64x144xf32, #tpu.memory_space<vmem>>) target(%dma_start3A_129 : memref<64x144xf32, #tpu.memory_space<vmem_shared>>) target_semaphore(%run_scoped3A : memref<!tpu.dma_semaphore, #tpu.memory_space<semaphore_mem>>)
      %dma_wait3A_130 = arith.constant 0 : i32
      %dma_wait3A_131 = tpu.memref_slice %arg18[%add3A_19, %dma_wait3A_130] : memref<10048x144xf32, #tpu.memory_space<vmem_shared>> -> memref<64x144xf32, #tpu.memory_space<vmem_shared>>
      %dma_wait3A_132 = arith.constant 0 : i32
      %dma_wait3A_133 = tpu.memref_slice %arg18[%add3A_19, %dma_wait3A_132] : memref<10048x144xf32, #tpu.memory_space<vmem_shared>> -> memref<64x144xf32, #tpu.memory_space<vmem_shared>>
      tpu.wait_dma2 semaphore(%run_scoped3A : memref<!tpu.dma_semaphore, #tpu.memory_space<semaphore_mem>>) src(%arg15 : memref<64x144xf32, #tpu.memory_space<vmem>>) dst(%dma_wait3A_133 : memref<64x144xf32, #tpu.memory_space<vmem_shared>>)
      tpu.yield
    }) : () -> ()
    %add3A_20 = arith.constant 384 : i32
    %add3A_21 = arith.addi %mul3A_7, %add3A_20 : i32
    "tpu.region"() ({
      %run_scoped3A = tpu.sem_alloc : memref<!tpu.dma_semaphore, #tpu.memory_space<semaphore_mem>>
      %dma_start3A_126 = arith.constant 0 : i32
      %dma_start3A_127 = tpu.memref_slice %arg18[%add3A_21, %dma_start3A_126] : memref<10048x144xf32, #tpu.memory_space<vmem_shared>> -> memref<64x144xf32, #tpu.memory_space<vmem_shared>>
      %dma_start3A_128 = arith.constant 0 : i32
      %dma_start3A_129 = tpu.memref_slice %arg18[%add3A_21, %dma_start3A_128] : memref<10048x144xf32, #tpu.memory_space<vmem_shared>> -> memref<64x144xf32, #tpu.memory_space<vmem_shared>>
      tpu.enqueue_dma source(%arg15 : memref<64x144xf32, #tpu.memory_space<vmem>>) target(%dma_start3A_129 : memref<64x144xf32, #tpu.memory_space<vmem_shared>>) target_semaphore(%run_scoped3A : memref<!tpu.dma_semaphore, #tpu.memory_space<semaphore_mem>>)
      %dma_wait3A_130 = arith.constant 0 : i32
      %dma_wait3A_131 = tpu.memref_slice %arg18[%add3A_21, %dma_wait3A_130] : memref<10048x144xf32, #tpu.memory_space<vmem_shared>> -> memref<64x144xf32, #tpu.memory_space<vmem_shared>>
      %dma_wait3A_132 = arith.constant 0 : i32
      %dma_wait3A_133 = tpu.memref_slice %arg18[%add3A_21, %dma_wait3A_132] : memref<10048x144xf32, #tpu.memory_space<vmem_shared>> -> memref<64x144xf32, #tpu.memory_space<vmem_shared>>
      tpu.wait_dma2 semaphore(%run_scoped3A : memref<!tpu.dma_semaphore, #tpu.memory_space<semaphore_mem>>) src(%arg15 : memref<64x144xf32, #tpu.memory_space<vmem>>) dst(%dma_wait3A_133 : memref<64x144xf32, #tpu.memory_space<vmem_shared>>)
      tpu.yield
    }) : () -> ()
    %add3A_22 = arith.constant 448 : i32
    %add3A_23 = arith.addi %mul3A_7, %add3A_22 : i32
    "tpu.region"() ({
      %run_scoped3A = tpu.sem_alloc : memref<!tpu.dma_semaphore, #tpu.memory_space<semaphore_mem>>
      %dma_start3A_126 = arith.constant 0 : i32
      %dma_start3A_127 = tpu.memref_slice %arg18[%add3A_23, %dma_start3A_126] : memref<10048x144xf32, #tpu.memory_space<vmem_shared>> -> memref<64x144xf32, #tpu.memory_space<vmem_shared>>
      %dma_start3A_128 = arith.constant 0 : i32
      %dma_start3A_129 = tpu.memref_slice %arg18[%add3A_23, %dma_start3A_128] : memref<10048x144xf32, #tpu.memory_space<vmem_shared>> -> memref<64x144xf32, #tpu.memory_space<vmem_shared>>
      tpu.enqueue_dma source(%arg15 : memref<64x144xf32, #tpu.memory_space<vmem>>) target(%dma_start3A_129 : memref<64x144xf32, #tpu.memory_space<vmem_shared>>) target_semaphore(%run_scoped3A : memref<!tpu.dma_semaphore, #tpu.memory_space<semaphore_mem>>)
      %dma_wait3A_130 = arith.constant 0 : i32
      %dma_wait3A_131 = tpu.memref_slice %arg18[%add3A_23, %dma_wait3A_130] : memref<10048x144xf32, #tpu.memory_space<vmem_shared>> -> memref<64x144xf32, #tpu.memory_space<vmem_shared>>
      %dma_wait3A_132 = arith.constant 0 : i32
      %dma_wait3A_133 = tpu.memref_slice %arg18[%add3A_23, %dma_wait3A_132] : memref<10048x144xf32, #tpu.memory_space<vmem_shared>> -> memref<64x144xf32, #tpu.memory_space<vmem_shared>>
      tpu.wait_dma2 semaphore(%run_scoped3A : memref<!tpu.dma_semaphore, #tpu.memory_space<semaphore_mem>>) src(%arg15 : memref<64x144xf32, #tpu.memory_space<vmem>>) dst(%dma_wait3A_133 : memref<64x144xf32, #tpu.memory_space<vmem_shared>>)
      tpu.yield
    }) : () -> ()
    %add3A_24 = arith.constant 512 : i32
    %add3A_25 = arith.addi %mul3A_7, %add3A_24 : i32
    "tpu.region"() ({
      %run_scoped3A = tpu.sem_alloc : memref<!tpu.dma_semaphore, #tpu.memory_space<semaphore_mem>>
      %dma_start3A_126 = arith.constant 0 : i32
      %dma_start3A_127 = tpu.memref_slice %arg18[%add3A_25, %dma_start3A_126] : memref<10048x144xf32, #tpu.memory_space<vmem_shared>> -> memref<64x144xf32, #tpu.memory_space<vmem_shared>>
      %dma_start3A_128 = arith.constant 0 : i32
      %dma_start3A_129 = tpu.memref_slice %arg18[%add3A_25, %dma_start3A_128] : memref<10048x144xf32, #tpu.memory_space<vmem_shared>> -> memref<64x144xf32, #tpu.memory_space<vmem_shared>>
      tpu.enqueue_dma source(%arg15 : memref<64x144xf32, #tpu.memory_space<vmem>>) target(%dma_start3A_129 : memref<64x144xf32, #tpu.memory_space<vmem_shared>>) target_semaphore(%run_scoped3A : memref<!tpu.dma_semaphore, #tpu.memory_space<semaphore_mem>>)
      %dma_wait3A_130 = arith.constant 0 : i32
      %dma_wait3A_131 = tpu.memref_slice %arg18[%add3A_25, %dma_wait3A_130] : memref<10048x144xf32, #tpu.memory_space<vmem_shared>> -> memref<64x144xf32, #tpu.memory_space<vmem_shared>>
      %dma_wait3A_132 = arith.constant 0 : i32
      %dma_wait3A_133 = tpu.memref_slice %arg18[%add3A_25, %dma_wait3A_132] : memref<10048x144xf32, #tpu.memory_space<vmem_shared>> -> memref<64x144xf32, #tpu.memory_space<vmem_shared>>
      tpu.wait_dma2 semaphore(%run_scoped3A : memref<!tpu.dma_semaphore, #tpu.memory_space<semaphore_mem>>) src(%arg15 : memref<64x144xf32, #tpu.memory_space<vmem>>) dst(%dma_wait3A_133 : memref<64x144xf32, #tpu.memory_space<vmem_shared>>)
      tpu.yield
    }) : () -> ()
    %add3A_26 = arith.constant 576 : i32
    %add3A_27 = arith.addi %mul3A_7, %add3A_26 : i32
    "tpu.region"() ({
      %run_scoped3A = tpu.sem_alloc : memref<!tpu.dma_semaphore, #tpu.memory_space<semaphore_mem>>
      %dma_start3A_126 = arith.constant 0 : i32
      %dma_start3A_127 = arith.constant 0 : i32
      %dma_start3A_128 = tpu.memref_slice %arg15[%dma_start3A_126, %dma_start3A_127] : memref<64x144xf32, #tpu.memory_space<vmem>> -> memref<52x144xf32, #tpu.memory_space<vmem>>
      %dma_start3A_129 = arith.constant 0 : i32
      %dma_start3A_130 = tpu.memref_slice %arg18[%add3A_27, %dma_start3A_129] : memref<10048x144xf32, #tpu.memory_space<vmem_shared>> -> memref<52x144xf32, #tpu.memory_space<vmem_shared>>
      %dma_start3A_131 = arith.constant 0 : i32
      %dma_start3A_132 = tpu.memref_slice %arg18[%add3A_27, %dma_start3A_131] : memref<10048x144xf32, #tpu.memory_space<vmem_shared>> -> memref<52x144xf32, #tpu.memory_space<vmem_shared>>
      %dma_start3A_133 = arith.constant 0 : i32
      %dma_start3A_134 = arith.constant 0 : i32
      %dma_start3A_135 = tpu.memref_slice %arg15[%dma_start3A_133, %dma_start3A_134] : memref<64x144xf32, #tpu.memory_space<vmem>> -> memref<52x144xf32, #tpu.memory_space<vmem>>
      tpu.enqueue_dma source(%dma_start3A_135 : memref<52x144xf32, #tpu.memory_space<vmem>>) target(%dma_start3A_132 : memref<52x144xf32, #tpu.memory_space<vmem_shared>>) target_semaphore(%run_scoped3A : memref<!tpu.dma_semaphore, #tpu.memory_space<semaphore_mem>>)
      %dma_wait3A_136 = arith.constant 0 : i32
      %dma_wait3A_137 = arith.constant 0 : i32
      %dma_wait3A_138 = tpu.memref_slice %arg15[%dma_wait3A_136, %dma_wait3A_137] : memref<64x144xf32, #tpu.memory_space<vmem>> -> memref<52x144xf32, #tpu.memory_space<vmem>>
      %dma_wait3A_139 = arith.constant 0 : i32
      %dma_wait3A_140 = tpu.memref_slice %arg18[%add3A_27, %dma_wait3A_139] : memref<10048x144xf32, #tpu.memory_space<vmem_shared>> -> memref<52x144xf32, #tpu.memory_space<vmem_shared>>
      %dma_wait3A_141 = arith.constant 0 : i32
      %dma_wait3A_142 = tpu.memref_slice %arg18[%add3A_27, %dma_wait3A_141] : memref<10048x144xf32, #tpu.memory_space<vmem_shared>> -> memref<52x144xf32, #tpu.memory_space<vmem_shared>>
      %dma_wait3A_143 = arith.constant 0 : i32
      %dma_wait3A_144 = arith.constant 0 : i32
      %dma_wait3A_145 = tpu.memref_slice %arg15[%dma_wait3A_143, %dma_wait3A_144] : memref<64x144xf32, #tpu.memory_space<vmem>> -> memref<52x144xf32, #tpu.memory_space<vmem>>
      tpu.wait_dma2 semaphore(%run_scoped3A : memref<!tpu.dma_semaphore, #tpu.memory_space<semaphore_mem>>) src(%dma_wait3A_145 : memref<52x144xf32, #tpu.memory_space<vmem>>) dst(%dma_wait3A_142 : memref<52x144xf32, #tpu.memory_space<vmem_shared>>)
      tpu.yield
    }) : () -> ()
    "tpu.region"() ({
      %run_scoped3A = tpu.sem_alloc : memref<!tpu.dma_semaphore, #tpu.memory_space<semaphore_mem>>
      tpu.enqueue_dma source(%arg5 : memref<16xf32, #tpu.memory_space<hbm>>) target(%arg17 : memref<16xf32, #tpu.memory_space<vmem>>) target_semaphore(%run_scoped3A : memref<!tpu.dma_semaphore, #tpu.memory_space<semaphore_mem>>)
      tpu.wait_dma2 semaphore(%run_scoped3A : memref<!tpu.dma_semaphore, #tpu.memory_space<semaphore_mem>>) src(%arg5 : memref<16xf32, #tpu.memory_space<hbm>>) dst(%arg17 : memref<16xf32, #tpu.memory_space<vmem>>)
      tpu.yield
    }) : () -> ()
    %barrier3A = arith.constant 0 : index
    tpu.barrier barrier_id(%barrier3A)
    %get3A = arith.constant 0 : index
    %get3A_28 = tpu.vector_load %arg17[%get3A] {strides = array<i32>} : memref<16xf32, #tpu.memory_space<vmem>>, vector<16xf32>,
    %abs3A = math.absf %get3A_28 : vector<16xf32>
    %iota3A = tpu.iota {dimensions = array<i32: 0>} : vector<16xi32>
    %eq3A = arith.constant 0 : i32
    %eq3A_29 = vector.broadcast %eq3A : i32 to vector<16xi32>
    %eq3A_30 = arith.cmpi eq, %iota3A, %eq3A_29 : vector<16xi32>
    %xor3A = arith.constant 8 : i32
    %xor3A_31 = vector.broadcast %xor3A : i32 to vector<16xi32>
    %xor3A_32 = arith.xori %iota3A, %xor3A_31 : vector<16xi32>
    %xor3A_33 = arith.constant 4 : i32
    %xor3A_34 = vector.broadcast %xor3A_33 : i32 to vector<16xi32>
    %xor3A_35 = arith.xori %iota3A, %xor3A_34 : vector<16xi32>
    %xor3A_36 = arith.constant 2 : i32
    %xor3A_37 = vector.broadcast %xor3A_36 : i32 to vector<16xi32>
    %xor3A_38 = arith.xori %iota3A, %xor3A_37 : vector<16xi32>
    %xor3A_39 = arith.constant 1 : i32
    %xor3A_40 = vector.broadcast %xor3A_39 : i32 to vector<16xi32>
    %xor3A_41 = arith.xori %iota3A, %xor3A_40 : vector<16xi32>
    %mul3A_42 = arith.constant 162 : i32
    %mul3A_43 = arith.muli %add3A, %mul3A_42 : i32
    "tpu.region"() ({
      %run_scoped3A = tpu.sem_alloc : memref<!tpu.dma_semaphore, #tpu.memory_space<semaphore_mem>>
      %dma_start3A_126 = arith.constant 0 : i32
      %dma_start3A_127 = arith.constant 0 : i32
      %dma_start3A_128 = tpu.memref_slice %arg4[%mul3A_43, %dma_start3A_126, %dma_start3A_127] : memref<5186x2x64xi32, #tpu.memory_space<hbm>> -> memref<1x2x64xi32, #tpu.memory_space<hbm>>
      %dma_start3A_129 = tpu.memref_squeeze %dma_start3A_128 : memref<1x2x64xi32, #tpu.memory_space<hbm>> -> memref<2x64xi32, #tpu.memory_space<hbm>>
      %dma_start3A_130 = arith.constant 0 : i32
      %dma_start3A_131 = arith.constant 0 : i32
      %dma_start3A_132 = tpu.memref_slice %arg4[%mul3A_43, %dma_start3A_130, %dma_start3A_131] : memref<5186x2x64xi32, #tpu.memory_space<hbm>> -> memref<1x2x64xi32, #tpu.memory_space<hbm>>
      %dma_start3A_133 = tpu.memref_squeeze %dma_start3A_132 : memref<1x2x64xi32, #tpu.memory_space<hbm>> -> memref<2x64xi32, #tpu.memory_space<hbm>>
      tpu.enqueue_dma source(%dma_start3A_133 : memref<2x64xi32, #tpu.memory_space<hbm>>) target(%arg7 : memref<2x64xi32, #tpu.memory_space<vmem>>) target_semaphore(%run_scoped3A : memref<!tpu.dma_semaphore, #tpu.memory_space<semaphore_mem>>)
      %dma_wait3A_134 = arith.constant 0 : i32
      %dma_wait3A_135 = arith.constant 0 : i32
      %dma_wait3A_136 = tpu.memref_slice %arg4[%mul3A_43, %dma_wait3A_134, %dma_wait3A_135] : memref<5186x2x64xi32, #tpu.memory_space<hbm>> -> memref<1x2x64xi32, #tpu.memory_space<hbm>>
      %dma_wait3A_137 = tpu.memref_squeeze %dma_wait3A_136 : memref<1x2x64xi32, #tpu.memory_space<hbm>> -> memref<2x64xi32, #tpu.memory_space<hbm>>
      %dma_wait3A_138 = arith.constant 0 : i32
      %dma_wait3A_139 = arith.constant 0 : i32
      %dma_wait3A_140 = tpu.memref_slice %arg4[%mul3A_43, %dma_wait3A_138, %dma_wait3A_139] : memref<5186x2x64xi32, #tpu.memory_space<hbm>> -> memref<1x2x64xi32, #tpu.memory_space<hbm>>
      %dma_wait3A_141 = tpu.memref_squeeze %dma_wait3A_140 : memref<1x2x64xi32, #tpu.memory_space<hbm>> -> memref<2x64xi32, #tpu.memory_space<hbm>>
      tpu.wait_dma2 semaphore(%run_scoped3A : memref<!tpu.dma_semaphore, #tpu.memory_space<semaphore_mem>>) src(%dma_wait3A_141 : memref<2x64xi32, #tpu.memory_space<hbm>>) dst(%arg7 : memref<2x64xi32, #tpu.memory_space<vmem>>)
      tpu.yield
    }) : () -> ()
    %add3A_44 = arith.constant 1 : i32
    %add3A_45 = arith.addi %mul3A_43, %add3A_44 : i32
    %dma_start3A = arith.constant 0 : i32
    %dma_start3A_46 = arith.constant 0 : i32
    %dma_start3A_47 = tpu.memref_slice %arg4[%add3A_45, %dma_start3A, %dma_start3A_46] : memref<5186x2x64xi32, #tpu.memory_space<hbm>> -> memref<1x2x64xi32, #tpu.memory_space<hbm>>
    %dma_start3A_48 = tpu.memref_squeeze %dma_start3A_47 : memref<1x2x64xi32, #tpu.memory_space<hbm>> -> memref<2x64xi32, #tpu.memory_space<hbm>>
    %dma_start3A_49 = arith.constant 0 : i32
    %dma_start3A_50 = arith.constant 0 : i32
    %dma_start3A_51 = tpu.memref_slice %arg4[%add3A_45, %dma_start3A_49, %dma_start3A_50] : memref<5186x2x64xi32, #tpu.memory_space<hbm>> -> memref<1x2x64xi32, #tpu.memory_space<hbm>>
    %dma_start3A_52 = tpu.memref_squeeze %dma_start3A_51 : memref<1x2x64xi32, #tpu.memory_space<hbm>> -> memref<2x64xi32, #tpu.memory_space<hbm>>
    tpu.enqueue_dma source(%dma_start3A_52 : memref<2x64xi32, #tpu.memory_space<hbm>>) target(%arg8 : memref<2x64xi32, #tpu.memory_space<vmem>>) target_semaphore(%arg26 : memref<!tpu.dma_semaphore, #tpu.memory_space<semaphore_mem>>)
    %dma_start3A_53 = arith.constant 0 : i32
    %dma_start3A_54 = arith.constant 0 : i32
    %dma_start3A_55 = arith.constant 0 : i32
    %dma_start3A_56 = tpu.memref_slice %arg11[%dma_start3A_54, %dma_start3A_55] : memref<64x160xbf16, #tpu.memory_space<vmem>> -> memref<32x160xbf16, #tpu.memory_space<vmem>>
    %dma_start3A_57 = arith.constant 0 : i32
    %dma_start3A_58 = tpu.memref_slice %arg7[%dma_start3A_53, %dma_start3A_57] : memref<2x64xi32, #tpu.memory_space<vmem>> -> memref<1x32xi32, #tpu.memory_space<vmem>>
    %dma_start3A_59 = tpu.memref_squeeze %dma_start3A_58 : memref<1x32xi32, #tpu.memory_space<vmem>> -> memref<32xi32, #tpu.memory_space<vmem>>
    %dma_start3A_60 = arith.constant 0 : i32
    %dma_start3A_61 = arith.constant 0 : i32
    %dma_start3A_62 = tpu.memref_slice %arg2[%dma_start3A_60, %dma_start3A_61] : memref<10048x160xbf16, #tpu.memory_space<hbm>> -> memref<10048x160xbf16, #tpu.memory_space<hbm>>
    tpu.enqueue_indirect_dma source(%dma_start3A_62 : memref<10048x160xbf16, #tpu.memory_space<hbm>>) target(%dma_start3A_56 : memref<32x160xbf16, #tpu.memory_space<vmem>>) offsets(%dma_start3A_59 : memref<32xi32, #tpu.memory_space<vmem>>) semaphore(%arg19 : memref<!tpu.dma_semaphore, #tpu.memory_space<semaphore_mem>>)
    %dma_start3A_63 = arith.constant 0 : i32
    %dma_start3A_64 = arith.constant 32 : i32
    %dma_start3A_65 = arith.constant 0 : i32
    %dma_start3A_66 = tpu.memref_slice %arg11[%dma_start3A_64, %dma_start3A_65] : memref<64x160xbf16, #tpu.memory_space<vmem>> -> memref<32x160xbf16, #tpu.memory_space<vmem>>
    %dma_start3A_67 = arith.constant 32 : i32
    %dma_start3A_68 = tpu.memref_slice %arg7[%dma_start3A_63, %dma_start3A_67] : memref<2x64xi32, #tpu.memory_space<vmem>> -> memref<1x32xi32, #tpu.memory_space<vmem>>
    %dma_start3A_69 = tpu.memref_squeeze %dma_start3A_68 : memref<1x32xi32, #tpu.memory_space<vmem>> -> memref<32xi32, #tpu.memory_space<vmem>>
    %dma_start3A_70 = arith.constant 0 : i32
    %dma_start3A_71 = arith.constant 0 : i32
    %dma_start3A_72 = tpu.memref_slice %arg2[%dma_start3A_70, %dma_start3A_71] : memref<10048x160xbf16, #tpu.memory_space<hbm>> -> memref<10048x160xbf16, #tpu.memory_space<hbm>>
    tpu.enqueue_indirect_dma source(%dma_start3A_72 : memref<10048x160xbf16, #tpu.memory_space<hbm>>) target(%dma_start3A_66 : memref<32x160xbf16, #tpu.memory_space<vmem>>) offsets(%dma_start3A_69 : memref<32xi32, #tpu.memory_space<vmem>>) semaphore(%arg19 : memref<!tpu.dma_semaphore, #tpu.memory_space<semaphore_mem>>)
    %dma_start3A_73 = arith.constant 1 : i32
    %dma_start3A_74 = arith.constant 0 : i32
    %dma_start3A_75 = arith.constant 0 : i32
    %dma_start3A_76 = tpu.memref_slice %arg13[%dma_start3A_74, %dma_start3A_75] : memref<64x128xbf16, #tpu.memory_space<vmem>> -> memref<32x128xbf16, #tpu.memory_space<vmem>>
    %dma_start3A_77 = arith.constant 0 : i32
    %dma_start3A_78 = tpu.memref_slice %arg7[%dma_start3A_73, %dma_start3A_77] : memref<2x64xi32, #tpu.memory_space<vmem>> -> memref<1x32xi32, #tpu.memory_space<vmem>>
    %dma_start3A_79 = tpu.memref_squeeze %dma_start3A_78 : memref<1x32xi32, #tpu.memory_space<vmem>> -> memref<32xi32, #tpu.memory_space<vmem>>
    %dma_start3A_80 = arith.constant 0 : i32
    %dma_start3A_81 = arith.constant 0 : i32
    %dma_start3A_82 = tpu.memref_slice %arg3[%dma_start3A_80, %dma_start3A_81] : memref<10048x128xbf16, #tpu.memory_space<hbm>> -> memref<10048x128xbf16, #tpu.memory_space<hbm>>
    tpu.enqueue_indirect_dma source(%dma_start3A_82 : memref<10048x128xbf16, #tpu.memory_space<hbm>>) target(%dma_start3A_76 : memref<32x128xbf16, #tpu.memory_space<vmem>>) offsets(%dma_start3A_79 : memref<32xi32, #tpu.memory_space<vmem>>) semaphore(%arg21 : memref<!tpu.dma_semaphore, #tpu.memory_space<semaphore_mem>>)
    %dma_start3A_83 = arith.constant 1 : i32
    %dma_start3A_84 = arith.constant 32 : i32
    %dma_start3A_85 = arith.constant 0 : i32
    %dma_start3A_86 = tpu.memref_slice %arg13[%dma_start3A_84, %dma_start3A_85] : memref<64x128xbf16, #tpu.memory_space<vmem>> -> memref<32x128xbf16, #tpu.memory_space<vmem>>
    %dma_start3A_87 = arith.constant 32 : i32
    %dma_start3A_88 = tpu.memref_slice %arg7[%dma_start3A_83, %dma_start3A_87] : memref<2x64xi32, #tpu.memory_space<vmem>> -> memref<1x32xi32, #tpu.memory_space<vmem>>
    %dma_start3A_89 = tpu.memref_squeeze %dma_start3A_88 : memref<1x32xi32, #tpu.memory_space<vmem>> -> memref<32xi32, #tpu.memory_space<vmem>>
    %dma_start3A_90 = arith.constant 0 : i32
    %dma_start3A_91 = arith.constant 0 : i32
    %dma_start3A_92 = tpu.memref_slice %arg3[%dma_start3A_90, %dma_start3A_91] : memref<10048x128xbf16, #tpu.memory_space<hbm>> -> memref<10048x128xbf16, #tpu.memory_space<hbm>>
    tpu.enqueue_indirect_dma source(%dma_start3A_92 : memref<10048x128xbf16, #tpu.memory_space<hbm>>) target(%dma_start3A_86 : memref<32x128xbf16, #tpu.memory_space<vmem>>) offsets(%dma_start3A_89 : memref<32xi32, #tpu.memory_space<vmem>>) semaphore(%arg21 : memref<!tpu.dma_semaphore, #tpu.memory_space<semaphore_mem>>)
    %scan3A_93 = arith.constant 0 : i32
    %scan3A_94 = arith.constant 81 : i32
    %scan3A_95 = arith.addi %scan3A_93, %scan3A_94 : i32
    %scan3A_96 = arith.constant 1 : i32
    scf.for %scan3A_126 = %scan3A_93 to %scan3A_95 step %scan3A_96  : i32 {
      %mul3A_127 = arith.constant 2 : i32
      %mul3A_128 = arith.muli %mul3A_127, %scan3A_126 : i32
      %add3A_129 = arith.addi %mul3A_43, %mul3A_128 : i32
      %add3A_130 = arith.constant 1 : i32
      %add3A_131 = arith.addi %add3A_129, %add3A_130 : i32
      %dma_wait3A_132 = arith.constant 0 : i32
      %dma_wait3A_133 = arith.constant 0 : i32
      %dma_wait3A_134 = tpu.memref_slice %arg4[%add3A_131, %dma_wait3A_132, %dma_wait3A_133] : memref<5186x2x64xi32, #tpu.memory_space<hbm>> -> memref<1x2x64xi32, #tpu.memory_space<hbm>>
      %dma_wait3A_135 = tpu.memref_squeeze %dma_wait3A_134 : memref<1x2x64xi32, #tpu.memory_space<hbm>> -> memref<2x64xi32, #tpu.memory_space<hbm>>
      %dma_wait3A_136 = arith.constant 0 : i32
      %dma_wait3A_137 = arith.constant 0 : i32
      %dma_wait3A_138 = tpu.memref_slice %arg4[%add3A_131, %dma_wait3A_136, %dma_wait3A_137] : memref<5186x2x64xi32, #tpu.memory_space<hbm>> -> memref<1x2x64xi32, #tpu.memory_space<hbm>>
      %dma_wait3A_139 = tpu.memref_squeeze %dma_wait3A_138 : memref<1x2x64xi32, #tpu.memory_space<hbm>> -> memref<2x64xi32, #tpu.memory_space<hbm>>
      tpu.wait_dma2 semaphore(%arg26 : memref<!tpu.dma_semaphore, #tpu.memory_space<semaphore_mem>>) src(%dma_wait3A_139 : memref<2x64xi32, #tpu.memory_space<hbm>>) dst(%arg8 : memref<2x64xi32, #tpu.memory_space<vmem>>)
      %dma_start3A_140 = arith.constant 0 : i32
      %dma_start3A_141 = arith.constant 0 : i32
      %dma_start3A_142 = arith.constant 0 : i32
      %dma_start3A_143 = tpu.memref_slice %arg12[%dma_start3A_141, %dma_start3A_142] : memref<64x160xbf16, #tpu.memory_space<vmem>> -> memref<32x160xbf16, #tpu.memory_space<vmem>>
      %dma_start3A_144 = arith.constant 0 : i32
      %dma_start3A_145 = tpu.memref_slice %arg8[%dma_start3A_140, %dma_start3A_144] : memref<2x64xi32, #tpu.memory_space<vmem>> -> memref<1x32xi32, #tpu.memory_space<vmem>>
      %dma_start3A_146 = tpu.memref_squeeze %dma_start3A_145 : memref<1x32xi32, #tpu.memory_space<vmem>> -> memref<32xi32, #tpu.memory_space<vmem>>
      %dma_start3A_147 = arith.constant 0 : i32
      %dma_start3A_148 = arith.constant 0 : i32
      %dma_start3A_149 = tpu.memref_slice %arg2[%dma_start3A_147, %dma_start3A_148] : memref<10048x160xbf16, #tpu.memory_space<hbm>> -> memref<10048x160xbf16, #tpu.memory_space<hbm>>
      tpu.enqueue_indirect_dma source(%dma_start3A_149 : memref<10048x160xbf16, #tpu.memory_space<hbm>>) target(%dma_start3A_143 : memref<32x160xbf16, #tpu.memory_space<vmem>>) offsets(%dma_start3A_146 : memref<32xi32, #tpu.memory_space<vmem>>) semaphore(%arg20 : memref<!tpu.dma_semaphore, #tpu.memory_space<semaphore_mem>>)
      %dma_start3A_150 = arith.constant 0 : i32
      %dma_start3A_151 = arith.constant 32 : i32
      %dma_start3A_152 = arith.constant 0 : i32
      %dma_start3A_153 = tpu.memref_slice %arg12[%dma_start3A_151, %dma_start3A_152] : memref<64x160xbf16, #tpu.memory_space<vmem>> -> memref<32x160xbf16, #tpu.memory_space<vmem>>
      %dma_start3A_154 = arith.constant 32 : i32
      %dma_start3A_155 = tpu.memref_slice %arg8[%dma_start3A_150, %dma_start3A_154] : memref<2x64xi32, #tpu.memory_space<vmem>> -> memref<1x32xi32, #tpu.memory_space<vmem>>
      %dma_start3A_156 = tpu.memref_squeeze %dma_start3A_155 : memref<1x32xi32, #tpu.memory_space<vmem>> -> memref<32xi32, #tpu.memory_space<vmem>>
      %dma_start3A_157 = arith.constant 0 : i32
      %dma_start3A_158 = arith.constant 0 : i32
      %dma_start3A_159 = tpu.memref_slice %arg2[%dma_start3A_157, %dma_start3A_158] : memref<10048x160xbf16, #tpu.memory_space<hbm>> -> memref<10048x160xbf16, #tpu.memory_space<hbm>>
      tpu.enqueue_indirect_dma source(%dma_start3A_159 : memref<10048x160xbf16, #tpu.memory_space<hbm>>) target(%dma_start3A_153 : memref<32x160xbf16, #tpu.memory_space<vmem>>) offsets(%dma_start3A_156 : memref<32xi32, #tpu.memory_space<vmem>>) semaphore(%arg20 : memref<!tpu.dma_semaphore, #tpu.memory_space<semaphore_mem>>)
      %dma_start3A_160 = arith.constant 1 : i32
      %dma_start3A_161 = arith.constant 0 : i32
      %dma_start3A_162 = arith.constant 0 : i32
      %dma_start3A_163 = tpu.memref_slice %arg14[%dma_start3A_161, %dma_start3A_162] : memref<64x128xbf16, #tpu.memory_space<vmem>> -> memref<32x128xbf16, #tpu.memory_space<vmem>>
      %dma_start3A_164 = arith.constant 0 : i32
      %dma_start3A_165 = tpu.memref_slice %arg8[%dma_start3A_160, %dma_start3A_164] : memref<2x64xi32, #tpu.memory_space<vmem>> -> memref<1x32xi32, #tpu.memory_space<vmem>>
      %dma_start3A_166 = tpu.memref_squeeze %dma_start3A_165 : memref<1x32xi32, #tpu.memory_space<vmem>> -> memref<32xi32, #tpu.memory_space<vmem>>
      %dma_start3A_167 = arith.constant 0 : i32
      %dma_start3A_168 = arith.constant 0 : i32
      %dma_start3A_169 = tpu.memref_slice %arg3[%dma_start3A_167, %dma_start3A_168] : memref<10048x128xbf16, #tpu.memory_space<hbm>> -> memref<10048x128xbf16, #tpu.memory_space<hbm>>
      tpu.enqueue_indirect_dma source(%dma_start3A_169 : memref<10048x128xbf16, #tpu.memory_space<hbm>>) target(%dma_start3A_163 : memref<32x128xbf16, #tpu.memory_space<vmem>>) offsets(%dma_start3A_166 : memref<32xi32, #tpu.memory_space<vmem>>) semaphore(%arg22 : memref<!tpu.dma_semaphore, #tpu.memory_space<semaphore_mem>>)
      %dma_start3A_170 = arith.constant 1 : i32
      %dma_start3A_171 = arith.constant 32 : i32
      %dma_start3A_172 = arith.constant 0 : i32
      %dma_start3A_173 = tpu.memref_slice %arg14[%dma_start3A_171, %dma_start3A_172] : memref<64x128xbf16, #tpu.memory_space<vmem>> -> memref<32x128xbf16, #tpu.memory_space<vmem>>
      %dma_start3A_174 = arith.constant 32 : i32
      %dma_start3A_175 = tpu.memref_slice %arg8[%dma_start3A_170, %dma_start3A_174] : memref<2x64xi32, #tpu.memory_space<vmem>> -> memref<1x32xi32, #tpu.memory_space<vmem>>
      %dma_start3A_176 = tpu.memref_squeeze %dma_start3A_175 : memref<1x32xi32, #tpu.memory_space<vmem>> -> memref<32xi32, #tpu.memory_space<vmem>>
      %dma_start3A_177 = arith.constant 0 : i32
      %dma_start3A_178 = arith.constant 0 : i32
      %dma_start3A_179 = tpu.memref_slice %arg3[%dma_start3A_177, %dma_start3A_178] : memref<10048x128xbf16, #tpu.memory_space<hbm>> -> memref<10048x128xbf16, #tpu.memory_space<hbm>>
      tpu.enqueue_indirect_dma source(%dma_start3A_179 : memref<10048x128xbf16, #tpu.memory_space<hbm>>) target(%dma_start3A_173 : memref<32x128xbf16, #tpu.memory_space<vmem>>) offsets(%dma_start3A_176 : memref<32xi32, #tpu.memory_space<vmem>>) semaphore(%arg22 : memref<!tpu.dma_semaphore, #tpu.memory_space<semaphore_mem>>)
      %add3A_180 = arith.constant 2 : i32
      %add3A_181 = arith.addi %add3A_129, %add3A_180 : i32
      %dma_wait3A_182 = arith.constant 0 : i32
      %dma_wait3A_183 = arith.constant 0 : i32
      %dma_wait3A_184 = tpu.memref_slice %arg7[%dma_wait3A_182, %dma_wait3A_183] : memref<2x64xi32, #tpu.memory_space<vmem>> -> memref<1x64xi32, #tpu.memory_space<vmem>>
      %dma_wait3A_185 = tpu.memref_squeeze %dma_wait3A_184 : memref<1x64xi32, #tpu.memory_space<vmem>> -> memref<64xi32, #tpu.memory_space<vmem>>
      %dma_wait3A_186 = arith.constant 0 : i32
      %dma_wait3A_187 = arith.constant 0 : i32
      %dma_wait3A_188 = tpu.memref_slice %arg2[%dma_wait3A_186, %dma_wait3A_187] : memref<10048x160xbf16, #tpu.memory_space<hbm>> -> memref<10048x160xbf16, #tpu.memory_space<hbm>>
      tpu.wait_indirect_dma semaphore(%arg19 : memref<!tpu.dma_semaphore, #tpu.memory_space<semaphore_mem>>) src(%dma_wait3A_188 : memref<10048x160xbf16, #tpu.memory_space<hbm>>) dst(%arg11 : memref<64x160xbf16, #tpu.memory_space<vmem>>)
      %dma_wait3A_189 = arith.constant 1 : i32
      %dma_wait3A_190 = arith.constant 0 : i32
      %dma_wait3A_191 = tpu.memref_slice %arg7[%dma_wait3A_189, %dma_wait3A_190] : memref<2x64xi32, #tpu.memory_space<vmem>> -> memref<1x64xi32, #tpu.memory_space<vmem>>
      %dma_wait3A_192 = tpu.memref_squeeze %dma_wait3A_191 : memref<1x64xi32, #tpu.memory_space<vmem>> -> memref<64xi32, #tpu.memory_space<vmem>>
      %dma_wait3A_193 = arith.constant 0 : i32
      %dma_wait3A_194 = arith.constant 0 : i32
      %dma_wait3A_195 = tpu.memref_slice %arg3[%dma_wait3A_193, %dma_wait3A_194] : memref<10048x128xbf16, #tpu.memory_space<hbm>> -> memref<10048x128xbf16, #tpu.memory_space<hbm>>
      tpu.wait_indirect_dma semaphore(%arg21 : memref<!tpu.dma_semaphore, #tpu.memory_space<semaphore_mem>>) src(%dma_wait3A_195 : memref<10048x128xbf16, #tpu.memory_space<hbm>>) dst(%arg13 : memref<64x128xbf16, #tpu.memory_space<vmem>>)
      %gt3A = arith.constant 0 : i32
      %gt3A_196 = arith.cmpi sgt, %scan3A_126, %gt3A : i32
      %convert_element_type3A = arith.extui %gt3A_196 : i1 to i32
      %cond3A = arith.constant 0 : i32
      %cond3A_197 = arith.cmpi ne, %convert_element_type3A, %cond3A : i32
      scf.if %cond3A_197 {
        %dma_wait3A_343 = arith.constant 0 : i32
        %dma_wait3A_344 = arith.constant 0 : i32
        %dma_wait3A_345 = tpu.memref_slice %arg18[%dma_wait3A_343, %dma_wait3A_344] : memref<10048x144xf32, #tpu.memory_space<vmem_shared>> -> memref<10048x144xf32, #tpu.memory_space<vmem_shared>>
        tpu.wait_indirect_dma semaphore(%arg23 : memref<!tpu.dma_semaphore, #tpu.memory_space<semaphore_mem>>) src(%arg15 : memref<64x144xf32, #tpu.memory_space<vmem>>) dst(%dma_wait3A_345 : memref<10048x144xf32, #tpu.memory_space<vmem_shared>>)
      } else {
      }
      %get3A_198 = arith.constant 1 : i32
      %get3A_199 = arith.index_cast %get3A_198 : i32 to index
      %get3A_200 = arith.constant 0 : index
      %get3A_201 = tpu.vector_load %arg7[%get3A_199, %get3A_200] {strides = array<i32>} : memref<2x64xi32, #tpu.memory_space<vmem>>, vector<16xi32>,
      %swap3A = arith.constant 0 : index
      %swap3A_202 = tpu.vector_load %arg9[%swap3A] {strides = array<i32>} : memref<64xi32, #tpu.memory_space<vmem>>, vector<16xi32>,
      tpu.vector_store %arg9[%swap3A], %get3A_201 {strides = array<i32>} : memref<64xi32, #tpu.memory_space<vmem>>, vector<16xi32>,
      %get3A_203 = arith.constant 1 : i32
      %get3A_204 = arith.index_cast %get3A_203 : i32 to index
      %get3A_205 = arith.constant 16 : index
      %get3A_206 = tpu.vector_load %arg7[%get3A_204, %get3A_205] {strides = array<i32>} : memref<2x64xi32, #tpu.memory_space<vmem>>, vector<16xi32>,
      %swap3A_207 = arith.constant 16 : index
      %swap3A_208 = tpu.vector_load %arg9[%swap3A_207] {strides = array<i32>} : memref<64xi32, #tpu.memory_space<vmem>>, vector<16xi32>,
      tpu.vector_store %arg9[%swap3A_207], %get3A_206 {strides = array<i32>} : memref<64xi32, #tpu.memory_space<vmem>>, vector<16xi32>,
      %get3A_209 = arith.constant 1 : i32
      %get3A_210 = arith.index_cast %get3A_209 : i32 to index
      %get3A_211 = arith.constant 32 : index
      %get3A_212 = tpu.vector_load %arg7[%get3A_210, %get3A_211] {strides = array<i32>} : memref<2x64xi32, #tpu.memory_space<vmem>>, vector<16xi32>,
      %swap3A_213 = arith.constant 32 : index
      %swap3A_214 = tpu.vector_load %arg9[%swap3A_213] {strides = array<i32>} : memref<64xi32, #tpu.memory_space<vmem>>, vector<16xi32>,
      tpu.vector_store %arg9[%swap3A_213], %get3A_212 {strides = array<i32>} : memref<64xi32, #tpu.memory_space<vmem>>, vector<16xi32>,
      %get3A_215 = arith.constant 1 : i32
      %get3A_216 = arith.index_cast %get3A_215 : i32 to index
      %get3A_217 = arith.constant 48 : index
      %get3A_218 = tpu.vector_load %arg7[%get3A_216, %get3A_217] {strides = array<i32>} : memref<2x64xi32, #tpu.memory_space<vmem>>, vector<16xi32>,
      %swap3A_219 = arith.constant 48 : index
      %swap3A_220 = tpu.vector_load %arg9[%swap3A_219] {strides = array<i32>} : memref<64xi32, #tpu.memory_space<vmem>>, vector<16xi32>,
      tpu.vector_store %arg9[%swap3A_219], %get3A_218 {strides = array<i32>} : memref<64xi32, #tpu.memory_space<vmem>>, vector<16xi32>,
      %dma_start3A_221 = arith.constant 0 : i32
      %dma_start3A_222 = arith.constant 0 : i32
      %dma_start3A_223 = tpu.memref_slice %arg4[%add3A_181, %dma_start3A_221, %dma_start3A_222] : memref<5186x2x64xi32, #tpu.memory_space<hbm>> -> memref<1x2x64xi32, #tpu.memory_space<hbm>>
      %dma_start3A_224 = tpu.memref_squeeze %dma_start3A_223 : memref<1x2x64xi32, #tpu.memory_space<hbm>> -> memref<2x64xi32, #tpu.memory_space<hbm>>
      %dma_start3A_225 = arith.constant 0 : i32
      %dma_start3A_226 = arith.constant 0 : i32
      %dma_start3A_227 = tpu.memref_slice %arg4[%add3A_181, %dma_start3A_225, %dma_start3A_226] : memref<5186x2x64xi32, #tpu.memory_space<hbm>> -> memref<1x2x64xi32, #tpu.memory_space<hbm>>
      %dma_start3A_228 = tpu.memref_squeeze %dma_start3A_227 : memref<1x2x64xi32, #tpu.memory_space<hbm>> -> memref<2x64xi32, #tpu.memory_space<hbm>>
      tpu.enqueue_dma source(%dma_start3A_228 : memref<2x64xi32, #tpu.memory_space<hbm>>) target(%arg7 : memref<2x64xi32, #tpu.memory_space<vmem>>) target_semaphore(%arg25 : memref<!tpu.dma_semaphore, #tpu.memory_space<semaphore_mem>>)
      %parallel_loop3A = arith.constant 0 : i32
      %parallel_loop3A_229 = arith.constant 64 : i32
      %parallel_loop3A_230 = arith.constant 1 : i32
      scf.for %parallel_loop3A_343 = %parallel_loop3A to %parallel_loop3A_229 step %parallel_loop3A_230  : i32 {
        %parallel_loop3A_344 = arith.index_cast %parallel_loop3A_343 : i32 to index
        %parallel_loop3A_345 = arith.constant 0 : index
        %parallel_loop3A_346 = tpu.vector_load %arg11[%parallel_loop3A_344, %parallel_loop3A_345] {strides = array<i32>} : memref<64x160xbf16, #tpu.memory_space<vmem>>, vector<32xbf16>,
        %parallel_loop3A_347 = arith.index_cast %parallel_loop3A_343 : i32 to index
        %parallel_loop3A_348 = arith.constant 32 : index
        %parallel_loop3A_349 = tpu.vector_load %arg11[%parallel_loop3A_347, %parallel_loop3A_348] {strides = array<i32>} : memref<64x160xbf16, #tpu.memory_space<vmem>>, vector<32xbf16>,
        %parallel_loop3A_350 = arith.index_cast %parallel_loop3A_343 : i32 to index
        %parallel_loop3A_351 = arith.constant 64 : index
        %parallel_loop3A_352 = tpu.vector_load %arg11[%parallel_loop3A_350, %parallel_loop3A_351] {strides = array<i32>} : memref<64x160xbf16, #tpu.memory_space<vmem>>, vector<32xbf16>,
        %parallel_loop3A_353 = arith.index_cast %parallel_loop3A_343 : i32 to index
        %parallel_loop3A_354 = arith.constant 96 : index
        %parallel_loop3A_355 = tpu.vector_load %arg11[%parallel_loop3A_353, %parallel_loop3A_354] {strides = array<i32>} : memref<64x160xbf16, #tpu.memory_space<vmem>>, vector<32xbf16>,
        %parallel_loop3A_356 = arith.index_cast %parallel_loop3A_343 : i32 to index
        %parallel_loop3A_357 = arith.constant 0 : index
        %parallel_loop3A_358 = tpu.vector_load %arg13[%parallel_loop3A_356, %parallel_loop3A_357] {strides = array<i32>} : memref<64x128xbf16, #tpu.memory_space<vmem>>, vector<32xbf16>,
        %parallel_loop3A_359 = arith.index_cast %parallel_loop3A_343 : i32 to index
        %parallel_loop3A_360 = arith.constant 32 : index
        %parallel_loop3A_361 = tpu.vector_load %arg13[%parallel_loop3A_359, %parallel_loop3A_360] {strides = array<i32>} : memref<64x128xbf16, #tpu.memory_space<vmem>>, vector<32xbf16>,
        %parallel_loop3A_362 = arith.index_cast %parallel_loop3A_343 : i32 to index
        %parallel_loop3A_363 = arith.constant 64 : index
        %parallel_loop3A_364 = tpu.vector_load %arg13[%parallel_loop3A_362, %parallel_loop3A_363] {strides = array<i32>} : memref<64x128xbf16, #tpu.memory_space<vmem>>, vector<32xbf16>,
        %parallel_loop3A_365 = arith.index_cast %parallel_loop3A_343 : i32 to index
        %parallel_loop3A_366 = arith.constant 96 : index
        %parallel_loop3A_367 = tpu.vector_load %arg13[%parallel_loop3A_365, %parallel_loop3A_366] {strides = array<i32>} : memref<64x128xbf16, #tpu.memory_space<vmem>>, vector<32xbf16>,
        %parallel_loop3A_368 = arith.mulf %parallel_loop3A_346, %parallel_loop3A_358 : vector<32xbf16>
        %parallel_loop3A_369 = arith.mulf %parallel_loop3A_349, %parallel_loop3A_361 : vector<32xbf16>
        %parallel_loop3A_370 = arith.addf %parallel_loop3A_368, %parallel_loop3A_369 : vector<32xbf16>
        %parallel_loop3A_371 = arith.mulf %parallel_loop3A_352, %parallel_loop3A_364 : vector<32xbf16>
        %parallel_loop3A_372 = arith.mulf %parallel_loop3A_355, %parallel_loop3A_367 : vector<32xbf16>
        %parallel_loop3A_373 = arith.addf %parallel_loop3A_371, %parallel_loop3A_372 : vector<32xbf16>
        %parallel_loop3A_374 = arith.addf %parallel_loop3A_370, %parallel_loop3A_373 : vector<32xbf16>
        %parallel_loop3A_375 = tpu.unpack_subelements %parallel_loop3A_374, 0 {pack_format = #tpu.pack_format<interleaved>} : vector<32xbf16> -> vector<16xf32>
        %parallel_loop3A_376 = tpu.unpack_subelements %parallel_loop3A_374, 1 {pack_format = #tpu.pack_format<interleaved>} : vector<32xbf16> -> vector<16xf32>
        %parallel_loop3A_377 = arith.index_cast %parallel_loop3A_343 : i32 to index
        %parallel_loop3A_378 = arith.constant 128 : index
        %parallel_loop3A_379 = tpu.vector_load %arg11[%parallel_loop3A_377, %parallel_loop3A_378] {strides = array<i32>} : memref<64x160xbf16, #tpu.memory_space<vmem>>, vector<32xbf16>,
        %parallel_loop3A_380 = tpu.unpack_subelements %parallel_loop3A_379, 0 {pack_format = #tpu.pack_format<interleaved>} : vector<32xbf16> -> vector<16xf32>
        %parallel_loop3A_381 = tpu.unpack_subelements %parallel_loop3A_379, 1 {pack_format = #tpu.pack_format<interleaved>} : vector<32xbf16> -> vector<16xf32>
        %parallel_loop3A_382 = arith.addf %parallel_loop3A_375, %parallel_loop3A_376 : vector<16xf32>
        %parallel_loop3A_383 = arith.constant 0 : i32
        %parallel_loop3A_384 = vector.broadcast %parallel_loop3A_383 : i32 to vector<16xi32>
        %parallel_loop3A_385 = arith.cmpi slt, %xor3A_32, %parallel_loop3A_384 : vector<16xi32>
        %parallel_loop3A_386 = arith.constant 16 : i32
        %parallel_loop3A_387 = vector.broadcast %parallel_loop3A_386 : i32 to vector<16xi32>
        %parallel_loop3A_388 = arith.addi %xor3A_32, %parallel_loop3A_387 : vector<16xi32>
        %parallel_loop3A_389 = arith.select %parallel_loop3A_385, %parallel_loop3A_388, %xor3A_32 : vector<16xi1>, vector<16xi32>
        %parallel_loop3A_390 = vector.shape_cast %parallel_loop3A_389 : vector<16xi32> to vector<16x1xi32>
        %parallel_loop3A_391 = vector.shape_cast %parallel_loop3A_390 : vector<16x1xi32> to vector<16xi32>
        %parallel_loop3A_392 = tpu.dynamic_gather %parallel_loop3A_382[%parallel_loop3A_391] in [0] : vector<16xf32>, vector<16xi32> -> vector<16xf32>
        %parallel_loop3A_393 = arith.addf %parallel_loop3A_382, %parallel_loop3A_392 : vector<16xf32>
        %parallel_loop3A_394 = arith.constant 0 : i32
        %parallel_loop3A_395 = vector.broadcast %parallel_loop3A_394 : i32 to vector<16xi32>
        %parallel_loop3A_396 = arith.cmpi slt, %xor3A_35, %parallel_loop3A_395 : vector<16xi32>
        %parallel_loop3A_397 = arith.constant 16 : i32
        %parallel_loop3A_398 = vector.broadcast %parallel_loop3A_397 : i32 to vector<16xi32>
        %parallel_loop3A_399 = arith.addi %xor3A_35, %parallel_loop3A_398 : vector<16xi32>
        %parallel_loop3A_400 = arith.select %parallel_loop3A_396, %parallel_loop3A_399, %xor3A_35 : vector<16xi1>, vector<16xi32>
        %parallel_loop3A_401 = vector.shape_cast %parallel_loop3A_400 : vector<16xi32> to vector<16x1xi32>
        %parallel_loop3A_402 = vector.shape_cast %parallel_loop3A_401 : vector<16x1xi32> to vector<16xi32>
        %parallel_loop3A_403 = tpu.dynamic_gather %parallel_loop3A_393[%parallel_loop3A_402] in [0] : vector<16xf32>, vector<16xi32> -> vector<16xf32>
        %parallel_loop3A_404 = arith.addf %parallel_loop3A_393, %parallel_loop3A_403 : vector<16xf32>
        %parallel_loop3A_405 = arith.constant 0 : i32
        %parallel_loop3A_406 = vector.broadcast %parallel_loop3A_405 : i32 to vector<16xi32>
        %parallel_loop3A_407 = arith.cmpi slt, %xor3A_38, %parallel_loop3A_406 : vector<16xi32>
        %parallel_loop3A_408 = arith.constant 16 : i32
        %parallel_loop3A_409 = vector.broadcast %parallel_loop3A_408 : i32 to vector<16xi32>
        %parallel_loop3A_410 = arith.addi %xor3A_38, %parallel_loop3A_409 : vector<16xi32>
        %parallel_loop3A_411 = arith.select %parallel_loop3A_407, %parallel_loop3A_410, %xor3A_38 : vector<16xi1>, vector<16xi32>
        %parallel_loop3A_412 = vector.shape_cast %parallel_loop3A_411 : vector<16xi32> to vector<16x1xi32>
        %parallel_loop3A_413 = vector.shape_cast %parallel_loop3A_412 : vector<16x1xi32> to vector<16xi32>
        %parallel_loop3A_414 = tpu.dynamic_gather %parallel_loop3A_404[%parallel_loop3A_413] in [0] : vector<16xf32>, vector<16xi32> -> vector<16xf32>
        %parallel_loop3A_415 = arith.addf %parallel_loop3A_404, %parallel_loop3A_414 : vector<16xf32>
        %parallel_loop3A_416 = arith.constant 0 : i32
        %parallel_loop3A_417 = vector.broadcast %parallel_loop3A_416 : i32 to vector<16xi32>
        %parallel_loop3A_418 = arith.cmpi slt, %xor3A_41, %parallel_loop3A_417 : vector<16xi32>
        %parallel_loop3A_419 = arith.constant 16 : i32
        %parallel_loop3A_420 = vector.broadcast %parallel_loop3A_419 : i32 to vector<16xi32>
        %parallel_loop3A_421 = arith.addi %xor3A_41, %parallel_loop3A_420 : vector<16xi32>
        %parallel_loop3A_422 = arith.select %parallel_loop3A_418, %parallel_loop3A_421, %xor3A_41 : vector<16xi1>, vector<16xi32>
        %parallel_loop3A_423 = vector.shape_cast %parallel_loop3A_422 : vector<16xi32> to vector<16x1xi32>
        %parallel_loop3A_424 = vector.shape_cast %parallel_loop3A_423 : vector<16x1xi32> to vector<16xi32>
        %parallel_loop3A_425 = tpu.dynamic_gather %parallel_loop3A_415[%parallel_loop3A_424] in [0] : vector<16xf32>, vector<16xi32> -> vector<16xf32>
        %parallel_loop3A_426 = arith.addf %parallel_loop3A_415, %parallel_loop3A_425 : vector<16xf32>
        %parallel_loop3A_427 = arith.mulf %parallel_loop3A_426, %parallel_loop3A_380 : vector<16xf32>
        %parallel_loop3A_428 = arith.mulf %get3A_28, %parallel_loop3A_427 : vector<16xf32>
        %parallel_loop3A_429 = arith.subf %parallel_loop3A_428, %abs3A : vector<16xf32>
        %parallel_loop3A_430 = math.exp %parallel_loop3A_429 : vector<16xf32>
        %parallel_loop3A_431 = tpu.unpack_subelements %parallel_loop3A_346, 0 {pack_format = #tpu.pack_format<interleaved>} : vector<32xbf16> -> vector<16xf32>
        %parallel_loop3A_432 = tpu.unpack_subelements %parallel_loop3A_346, 1 {pack_format = #tpu.pack_format<interleaved>} : vector<32xbf16> -> vector<16xf32>
        %parallel_loop3A_433 = arith.mulf %parallel_loop3A_431, %parallel_loop3A_430 : vector<16xf32>
        %parallel_loop3A_434 = arith.index_cast %parallel_loop3A_343 : i32 to index
        %parallel_loop3A_435 = arith.constant 0 : index
        %parallel_loop3A_436 = tpu.vector_load %arg15[%parallel_loop3A_434, %parallel_loop3A_435] {strides = array<i32>} : memref<64x144xf32, #tpu.memory_space<vmem>>, vector<16xf32>,
        tpu.vector_store %arg15[%parallel_loop3A_434, %parallel_loop3A_435], %parallel_loop3A_433 {strides = array<i32>} : memref<64x144xf32, #tpu.memory_space<vmem>>, vector<16xf32>,
        %parallel_loop3A_437 = arith.mulf %parallel_loop3A_432, %parallel_loop3A_430 : vector<16xf32>
        %parallel_loop3A_438 = arith.index_cast %parallel_loop3A_343 : i32 to index
        %parallel_loop3A_439 = arith.constant 16 : index
        %parallel_loop3A_440 = tpu.vector_load %arg15[%parallel_loop3A_438, %parallel_loop3A_439] {strides = array<i32>} : memref<64x144xf32, #tpu.memory_space<vmem>>, vector<16xf32>,
        tpu.vector_store %arg15[%parallel_loop3A_438, %parallel_loop3A_439], %parallel_loop3A_437 {strides = array<i32>} : memref<64x144xf32, #tpu.memory_space<vmem>>, vector<16xf32>,
        %parallel_loop3A_441 = tpu.unpack_subelements %parallel_loop3A_349, 0 {pack_format = #tpu.pack_format<interleaved>} : vector<32xbf16> -> vector<16xf32>
        %parallel_loop3A_442 = tpu.unpack_subelements %parallel_loop3A_349, 1 {pack_format = #tpu.pack_format<interleaved>} : vector<32xbf16> -> vector<16xf32>
        %parallel_loop3A_443 = arith.mulf %parallel_loop3A_441, %parallel_loop3A_430 : vector<16xf32>
        %parallel_loop3A_444 = arith.index_cast %parallel_loop3A_343 : i32 to index
        %parallel_loop3A_445 = arith.constant 32 : index
        %parallel_loop3A_446 = tpu.vector_load %arg15[%parallel_loop3A_444, %parallel_loop3A_445] {strides = array<i32>} : memref<64x144xf32, #tpu.memory_space<vmem>>, vector<16xf32>,
        tpu.vector_store %arg15[%parallel_loop3A_444, %parallel_loop3A_445], %parallel_loop3A_443 {strides = array<i32>} : memref<64x144xf32, #tpu.memory_space<vmem>>, vector<16xf32>,
        %parallel_loop3A_447 = arith.mulf %parallel_loop3A_442, %parallel_loop3A_430 : vector<16xf32>
        %parallel_loop3A_448 = arith.index_cast %parallel_loop3A_343 : i32 to index
        %parallel_loop3A_449 = arith.constant 48 : index
        %parallel_loop3A_450 = tpu.vector_load %arg15[%parallel_loop3A_448, %parallel_loop3A_449] {strides = array<i32>} : memref<64x144xf32, #tpu.memory_space<vmem>>, vector<16xf32>,
        tpu.vector_store %arg15[%parallel_loop3A_448, %parallel_loop3A_449], %parallel_loop3A_447 {strides = array<i32>} : memref<64x144xf32, #tpu.memory_space<vmem>>, vector<16xf32>,
        %parallel_loop3A_451 = tpu.unpack_subelements %parallel_loop3A_352, 0 {pack_format = #tpu.pack_format<interleaved>} : vector<32xbf16> -> vector<16xf32>
        %parallel_loop3A_452 = tpu.unpack_subelements %parallel_loop3A_352, 1 {pack_format = #tpu.pack_format<interleaved>} : vector<32xbf16> -> vector<16xf32>
        %parallel_loop3A_453 = arith.mulf %parallel_loop3A_451, %parallel_loop3A_430 : vector<16xf32>
        %parallel_loop3A_454 = arith.index_cast %parallel_loop3A_343 : i32 to index
        %parallel_loop3A_455 = arith.constant 64 : index
        %parallel_loop3A_456 = tpu.vector_load %arg15[%parallel_loop3A_454, %parallel_loop3A_455] {strides = array<i32>} : memref<64x144xf32, #tpu.memory_space<vmem>>, vector<16xf32>,
        tpu.vector_store %arg15[%parallel_loop3A_454, %parallel_loop3A_455], %parallel_loop3A_453 {strides = array<i32>} : memref<64x144xf32, #tpu.memory_space<vmem>>, vector<16xf32>,
        %parallel_loop3A_457 = arith.mulf %parallel_loop3A_452, %parallel_loop3A_430 : vector<16xf32>
        %parallel_loop3A_458 = arith.index_cast %parallel_loop3A_343 : i32 to index
        %parallel_loop3A_459 = arith.constant 80 : index
        %parallel_loop3A_460 = tpu.vector_load %arg15[%parallel_loop3A_458, %parallel_loop3A_459] {strides = array<i32>} : memref<64x144xf32, #tpu.memory_space<vmem>>, vector<16xf32>,
        tpu.vector_store %arg15[%parallel_loop3A_458, %parallel_loop3A_459], %parallel_loop3A_457 {strides = array<i32>} : memref<64x144xf32, #tpu.memory_space<vmem>>, vector<16xf32>,
        %parallel_loop3A_461 = tpu.unpack_subelements %parallel_loop3A_355, 0 {pack_format = #tpu.pack_format<interleaved>} : vector<32xbf16> -> vector<16xf32>
        %parallel_loop3A_462 = tpu.unpack_subelements %parallel_loop3A_355, 1 {pack_format = #tpu.pack_format<interleaved>} : vector<32xbf16> -> vector<16xf32>
        %parallel_loop3A_463 = arith.mulf %parallel_loop3A_461, %parallel_loop3A_430 : vector<16xf32>
        %parallel_loop3A_464 = arith.index_cast %parallel_loop3A_343 : i32 to index
        %parallel_loop3A_465 = arith.constant 96 : index
        %parallel_loop3A_466 = tpu.vector_load %arg15[%parallel_loop3A_464, %parallel_loop3A_465] {strides = array<i32>} : memref<64x144xf32, #tpu.memory_space<vmem>>, vector<16xf32>,
        tpu.vector_store %arg15[%parallel_loop3A_464, %parallel_loop3A_465], %parallel_loop3A_463 {strides = array<i32>} : memref<64x144xf32, #tpu.memory_space<vmem>>, vector<16xf32>,
        %parallel_loop3A_467 = arith.mulf %parallel_loop3A_462, %parallel_loop3A_430 : vector<16xf32>
        %parallel_loop3A_468 = arith.index_cast %parallel_loop3A_343 : i32 to index
        %parallel_loop3A_469 = arith.constant 112 : index
        %parallel_loop3A_470 = tpu.vector_load %arg15[%parallel_loop3A_468, %parallel_loop3A_469] {strides = array<i32>} : memref<64x144xf32, #tpu.memory_space<vmem>>, vector<16xf32>,
        tpu.vector_store %arg15[%parallel_loop3A_468, %parallel_loop3A_469], %parallel_loop3A_467 {strides = array<i32>} : memref<64x144xf32, #tpu.memory_space<vmem>>, vector<16xf32>,
        %parallel_loop3A_471 = arith.constant 0.000000e+00 : f32
        %parallel_loop3A_472 = vector.broadcast %parallel_loop3A_471 : f32 to vector<16xf32>
        %parallel_loop3A_473 = arith.select %eq3A_30, %parallel_loop3A_430, %parallel_loop3A_472 : vector<16xi1>, vector<16xf32>
        %parallel_loop3A_474 = arith.index_cast %parallel_loop3A_343 : i32 to index
        %parallel_loop3A_475 = arith.constant 128 : index
        %parallel_loop3A_476 = tpu.vector_load %arg15[%parallel_loop3A_474, %parallel_loop3A_475] {strides = array<i32>} : memref<64x144xf32, #tpu.memory_space<vmem>>, vector<16xf32>,
        tpu.vector_store %arg15[%parallel_loop3A_474, %parallel_loop3A_475], %parallel_loop3A_473 {strides = array<i32>} : memref<64x144xf32, #tpu.memory_space<vmem>>, vector<16xf32>,
      } {sc.loop_unroll_factor = 4 : i64, sc.parallel_access}
      %dma_start3A_231 = arith.constant 0 : i32
      %dma_start3A_232 = arith.constant 0 : i32
      %dma_start3A_233 = tpu.memref_slice %arg18[%dma_start3A_231, %dma_start3A_232] : memref<10048x144xf32, #tpu.memory_space<vmem_shared>> -> memref<10048x144xf32, #tpu.memory_space<vmem_shared>>
      tpu.enqueue_indirect_dma source(%arg15 : memref<64x144xf32, #tpu.memory_space<vmem>>) target(%dma_start3A_233 : memref<10048x144xf32, #tpu.memory_space<vmem_shared>>) offsets(%arg9 : memref<64xi32, #tpu.memory_space<vmem>>) semaphore(%arg23 : memref<!tpu.dma_semaphore, #tpu.memory_space<semaphore_mem>>) {add = true}
      %add3A_234 = arith.constant 2 : i32
      %add3A_235 = arith.addi %add3A_129, %add3A_234 : i32
      %dma_wait3A_236 = arith.constant 0 : i32
      %dma_wait3A_237 = arith.constant 0 : i32
      %dma_wait3A_238 = tpu.memref_slice %arg4[%add3A_235, %dma_wait3A_236, %dma_wait3A_237] : memref<5186x2x64xi32, #tpu.memory_space<hbm>> -> memref<1x2x64xi32, #tpu.memory_space<hbm>>
      %dma_wait3A_239 = tpu.memref_squeeze %dma_wait3A_238 : memref<1x2x64xi32, #tpu.memory_space<hbm>> -> memref<2x64xi32, #tpu.memory_space<hbm>>
      %dma_wait3A_240 = arith.constant 0 : i32
      %dma_wait3A_241 = arith.constant 0 : i32
      %dma_wait3A_242 = tpu.memref_slice %arg4[%add3A_235, %dma_wait3A_240, %dma_wait3A_241] : memref<5186x2x64xi32, #tpu.memory_space<hbm>> -> memref<1x2x64xi32, #tpu.memory_space<hbm>>
      %dma_wait3A_243 = tpu.memref_squeeze %dma_wait3A_242 : memref<1x2x64xi32, #tpu.memory_space<hbm>> -> memref<2x64xi32, #tpu.memory_space<hbm>>
      tpu.wait_dma2 semaphore(%arg25 : memref<!tpu.dma_semaphore, #tpu.memory_space<semaphore_mem>>) src(%dma_wait3A_243 : memref<2x64xi32, #tpu.memory_space<hbm>>) dst(%arg7 : memref<2x64xi32, #tpu.memory_space<vmem>>)
      %dma_start3A_244 = arith.constant 0 : i32
      %dma_start3A_245 = arith.constant 0 : i32
      %dma_start3A_246 = arith.constant 0 : i32
      %dma_start3A_247 = tpu.memref_slice %arg11[%dma_start3A_245, %dma_start3A_246] : memref<64x160xbf16, #tpu.memory_space<vmem>> -> memref<32x160xbf16, #tpu.memory_space<vmem>>
      %dma_start3A_248 = arith.constant 0 : i32
      %dma_start3A_249 = tpu.memref_slice %arg7[%dma_start3A_244, %dma_start3A_248] : memref<2x64xi32, #tpu.memory_space<vmem>> -> memref<1x32xi32, #tpu.memory_space<vmem>>
      %dma_start3A_250 = tpu.memref_squeeze %dma_start3A_249 : memref<1x32xi32, #tpu.memory_space<vmem>> -> memref<32xi32, #tpu.memory_space<vmem>>
      %dma_start3A_251 = arith.constant 0 : i32
      %dma_start3A_252 = arith.constant 0 : i32
      %dma_start3A_253 = tpu.memref_slice %arg2[%dma_start3A_251, %dma_start3A_252] : memref<10048x160xbf16, #tpu.memory_space<hbm>> -> memref<10048x160xbf16, #tpu.memory_space<hbm>>
      tpu.enqueue_indirect_dma source(%dma_start3A_253 : memref<10048x160xbf16, #tpu.memory_space<hbm>>) target(%dma_start3A_247 : memref<32x160xbf16, #tpu.memory_space<vmem>>) offsets(%dma_start3A_250 : memref<32xi32, #tpu.memory_space<vmem>>) semaphore(%arg19 : memref<!tpu.dma_semaphore, #tpu.memory_space<semaphore_mem>>)
      %dma_start3A_254 = arith.constant 0 : i32
      %dma_start3A_255 = arith.constant 32 : i32
      %dma_start3A_256 = arith.constant 0 : i32
      %dma_start3A_257 = tpu.memref_slice %arg11[%dma_start3A_255, %dma_start3A_256] : memref<64x160xbf16, #tpu.memory_space<vmem>> -> memref<32x160xbf16, #tpu.memory_space<vmem>>
      %dma_start3A_258 = arith.constant 32 : i32
      %dma_start3A_259 = tpu.memref_slice %arg7[%dma_start3A_254, %dma_start3A_258] : memref<2x64xi32, #tpu.memory_space<vmem>> -> memref<1x32xi32, #tpu.memory_space<vmem>>
      %dma_start3A_260 = tpu.memref_squeeze %dma_start3A_259 : memref<1x32xi32, #tpu.memory_space<vmem>> -> memref<32xi32, #tpu.memory_space<vmem>>
      %dma_start3A_261 = arith.constant 0 : i32
      %dma_start3A_262 = arith.constant 0 : i32
      %dma_start3A_263 = tpu.memref_slice %arg2[%dma_start3A_261, %dma_start3A_262] : memref<10048x160xbf16, #tpu.memory_space<hbm>> -> memref<10048x160xbf16, #tpu.memory_space<hbm>>
      tpu.enqueue_indirect_dma source(%dma_start3A_263 : memref<10048x160xbf16, #tpu.memory_space<hbm>>) target(%dma_start3A_257 : memref<32x160xbf16, #tpu.memory_space<vmem>>) offsets(%dma_start3A_260 : memref<32xi32, #tpu.memory_space<vmem>>) semaphore(%arg19 : memref<!tpu.dma_semaphore, #tpu.memory_space<semaphore_mem>>)
      %dma_start3A_264 = arith.constant 1 : i32
      %dma_start3A_265 = arith.constant 0 : i32
      %dma_start3A_266 = arith.constant 0 : i32
      %dma_start3A_267 = tpu.memref_slice %arg13[%dma_start3A_265, %dma_start3A_266] : memref<64x128xbf16, #tpu.memory_space<vmem>> -> memref<32x128xbf16, #tpu.memory_space<vmem>>
      %dma_start3A_268 = arith.constant 0 : i32
      %dma_start3A_269 = tpu.memref_slice %arg7[%dma_start3A_264, %dma_start3A_268] : memref<2x64xi32, #tpu.memory_space<vmem>> -> memref<1x32xi32, #tpu.memory_space<vmem>>
      %dma_start3A_270 = tpu.memref_squeeze %dma_start3A_269 : memref<1x32xi32, #tpu.memory_space<vmem>> -> memref<32xi32, #tpu.memory_space<vmem>>
      %dma_start3A_271 = arith.constant 0 : i32
      %dma_start3A_272 = arith.constant 0 : i32
      %dma_start3A_273 = tpu.memref_slice %arg3[%dma_start3A_271, %dma_start3A_272] : memref<10048x128xbf16, #tpu.memory_space<hbm>> -> memref<10048x128xbf16, #tpu.memory_space<hbm>>
      tpu.enqueue_indirect_dma source(%dma_start3A_273 : memref<10048x128xbf16, #tpu.memory_space<hbm>>) target(%dma_start3A_267 : memref<32x128xbf16, #tpu.memory_space<vmem>>) offsets(%dma_start3A_270 : memref<32xi32, #tpu.memory_space<vmem>>) semaphore(%arg21 : memref<!tpu.dma_semaphore, #tpu.memory_space<semaphore_mem>>)
      %dma_start3A_274 = arith.constant 1 : i32
      %dma_start3A_275 = arith.constant 32 : i32
      %dma_start3A_276 = arith.constant 0 : i32
      %dma_start3A_277 = tpu.memref_slice %arg13[%dma_start3A_275, %dma_start3A_276] : memref<64x128xbf16, #tpu.memory_space<vmem>> -> memref<32x128xbf16, #tpu.memory_space<vmem>>
      %dma_start3A_278 = arith.constant 32 : i32
      %dma_start3A_279 = tpu.memref_slice %arg7[%dma_start3A_274, %dma_start3A_278] : memref<2x64xi32, #tpu.memory_space<vmem>> -> memref<1x32xi32, #tpu.memory_space<vmem>>
      %dma_start3A_280 = tpu.memref_squeeze %dma_start3A_279 : memref<1x32xi32, #tpu.memory_space<vmem>> -> memref<32xi32, #tpu.memory_space<vmem>>
      %dma_start3A_281 = arith.constant 0 : i32
      %dma_start3A_282 = arith.constant 0 : i32
      %dma_start3A_283 = tpu.memref_slice %arg3[%dma_start3A_281, %dma_start3A_282] : memref<10048x128xbf16, #tpu.memory_space<hbm>> -> memref<10048x128xbf16, #tpu.memory_space<hbm>>
      tpu.enqueue_indirect_dma source(%dma_start3A_283 : memref<10048x128xbf16, #tpu.memory_space<hbm>>) target(%dma_start3A_277 : memref<32x128xbf16, #tpu.memory_space<vmem>>) offsets(%dma_start3A_280 : memref<32xi32, #tpu.memory_space<vmem>>) semaphore(%arg21 : memref<!tpu.dma_semaphore, #tpu.memory_space<semaphore_mem>>)
      %add3A_284 = arith.constant 3 : i32
      %add3A_285 = arith.addi %add3A_129, %add3A_284 : i32
      %dma_wait3A_286 = arith.constant 0 : i32
      %dma_wait3A_287 = arith.constant 0 : i32
      %dma_wait3A_288 = tpu.memref_slice %arg8[%dma_wait3A_286, %dma_wait3A_287] : memref<2x64xi32, #tpu.memory_space<vmem>> -> memref<1x64xi32, #tpu.memory_space<vmem>>
      %dma_wait3A_289 = tpu.memref_squeeze %dma_wait3A_288 : memref<1x64xi32, #tpu.memory_space<vmem>> -> memref<64xi32, #tpu.memory_space<vmem>>
      %dma_wait3A_290 = arith.constant 0 : i32
      %dma_wait3A_291 = arith.constant 0 : i32
      %dma_wait3A_292 = tpu.memref_slice %arg2[%dma_wait3A_290, %dma_wait3A_291] : memref<10048x160xbf16, #tpu.memory_space<hbm>> -> memref<10048x160xbf16, #tpu.memory_space<hbm>>
      tpu.wait_indirect_dma semaphore(%arg20 : memref<!tpu.dma_semaphore, #tpu.memory_space<semaphore_mem>>) src(%dma_wait3A_292 : memref<10048x160xbf16, #tpu.memory_space<hbm>>) dst(%arg12 : memref<64x160xbf16, #tpu.memory_space<vmem>>)
      %dma_wait3A_293 = arith.constant 1 : i32
      %dma_wait3A_294 = arith.constant 0 : i32
      %dma_wait3A_295 = tpu.memref_slice %arg8[%dma_wait3A_293, %dma_wait3A_294] : memref<2x64xi32, #tpu.memory_space<vmem>> -> memref<1x64xi32, #tpu.memory_space<vmem>>
      %dma_wait3A_296 = tpu.memref_squeeze %dma_wait3A_295 : memref<1x64xi32, #tpu.memory_space<vmem>> -> memref<64xi32, #tpu.memory_space<vmem>>
      %dma_wait3A_297 = arith.constant 0 : i32
      %dma_wait3A_298 = arith.constant 0 : i32
      %dma_wait3A_299 = tpu.memref_slice %arg3[%dma_wait3A_297, %dma_wait3A_298] : memref<10048x128xbf16, #tpu.memory_space<hbm>> -> memref<10048x128xbf16, #tpu.memory_space<hbm>>
      tpu.wait_indirect_dma semaphore(%arg22 : memref<!tpu.dma_semaphore, #tpu.memory_space<semaphore_mem>>) src(%dma_wait3A_299 : memref<10048x128xbf16, #tpu.memory_space<hbm>>) dst(%arg14 : memref<64x128xbf16, #tpu.memory_space<vmem>>)
      %gt3A_300 = arith.constant 0 : i32
      %gt3A_301 = arith.cmpi sgt, %scan3A_126, %gt3A_300 : i32
      %convert_element_type3A_302 = arith.extui %gt3A_301 : i1 to i32
      %cond3A_303 = arith.constant 0 : i32
      %cond3A_304 = arith.cmpi ne, %convert_element_type3A_302, %cond3A_303 : i32
      scf.if %cond3A_304 {
        %dma_wait3A_343 = arith.constant 0 : i32
        %dma_wait3A_344 = arith.constant 0 : i32
        %dma_wait3A_345 = tpu.memref_slice %arg18[%dma_wait3A_343, %dma_wait3A_344] : memref<10048x144xf32, #tpu.memory_space<vmem_shared>> -> memref<10048x144xf32, #tpu.memory_space<vmem_shared>>
        tpu.wait_indirect_dma semaphore(%arg24 : memref<!tpu.dma_semaphore, #tpu.memory_space<semaphore_mem>>) src(%arg16 : memref<64x144xf32, #tpu.memory_space<vmem>>) dst(%dma_wait3A_345 : memref<10048x144xf32, #tpu.memory_space<vmem_shared>>)
      } else {
      }
      %get3A_305 = arith.constant 1 : i32
      %get3A_306 = arith.index_cast %get3A_305 : i32 to index
      %get3A_307 = arith.constant 0 : index
      %get3A_308 = tpu.vector_load %arg8[%get3A_306, %get3A_307] {strides = array<i32>} : memref<2x64xi32, #tpu.memory_space<vmem>>, vector<16xi32>,
      %swap3A_309 = arith.constant 0 : index
      %swap3A_310 = tpu.vector_load %arg10[%swap3A_309] {strides = array<i32>} : memref<64xi32, #tpu.memory_space<vmem>>, vector<16xi32>,
      tpu.vector_store %arg10[%swap3A_309], %get3A_308 {strides = array<i32>} : memref<64xi32, #tpu.memory_space<vmem>>, vector<16xi32>,
      %get3A_311 = arith.constant 1 : i32
      %get3A_312 = arith.index_cast %get3A_311 : i32 to index
      %get3A_313 = arith.constant 16 : index
      %get3A_314 = tpu.vector_load %arg8[%get3A_312, %get3A_313] {strides = array<i32>} : memref<2x64xi32, #tpu.memory_space<vmem>>, vector<16xi32>,
      %swap3A_315 = arith.constant 16 : index
      %swap3A_316 = tpu.vector_load %arg10[%swap3A_315] {strides = array<i32>} : memref<64xi32, #tpu.memory_space<vmem>>, vector<16xi32>,
      tpu.vector_store %arg10[%swap3A_315], %get3A_314 {strides = array<i32>} : memref<64xi32, #tpu.memory_space<vmem>>, vector<16xi32>,
      %get3A_317 = arith.constant 1 : i32
      %get3A_318 = arith.index_cast %get3A_317 : i32 to index
      %get3A_319 = arith.constant 32 : index
      %get3A_320 = tpu.vector_load %arg8[%get3A_318, %get3A_319] {strides = array<i32>} : memref<2x64xi32, #tpu.memory_space<vmem>>, vector<16xi32>,
      %swap3A_321 = arith.constant 32 : index
      %swap3A_322 = tpu.vector_load %arg10[%swap3A_321] {strides = array<i32>} : memref<64xi32, #tpu.memory_space<vmem>>, vector<16xi32>,
      tpu.vector_store %arg10[%swap3A_321], %get3A_320 {strides = array<i32>} : memref<64xi32, #tpu.memory_space<vmem>>, vector<16xi32>,
      %get3A_323 = arith.constant 1 : i32
      %get3A_324 = arith.index_cast %get3A_323 : i32 to index
      %get3A_325 = arith.constant 48 : index
      %get3A_326 = tpu.vector_load %arg8[%get3A_324, %get3A_325] {strides = array<i32>} : memref<2x64xi32, #tpu.memory_space<vmem>>, vector<16xi32>,
      %swap3A_327 = arith.constant 48 : index
      %swap3A_328 = tpu.vector_load %arg10[%swap3A_327] {strides = array<i32>} : memref<64xi32, #tpu.memory_space<vmem>>, vector<16xi32>,
      tpu.vector_store %arg10[%swap3A_327], %get3A_326 {strides = array<i32>} : memref<64xi32, #tpu.memory_space<vmem>>, vector<16xi32>,
      %dma_start3A_329 = arith.constant 0 : i32
      %dma_start3A_330 = arith.constant 0 : i32
      %dma_start3A_331 = tpu.memref_slice %arg4[%add3A_285, %dma_start3A_329, %dma_start3A_330] : memref<5186x2x64xi32, #tpu.memory_space<hbm>> -> memref<1x2x64xi32, #tpu.memory_space<hbm>>
      %dma_start3A_332 = tpu.memref_squeeze %dma_start3A_331 : memref<1x2x64xi32, #tpu.memory_space<hbm>> -> memref<2x64xi32, #tpu.memory_space<hbm>>
      %dma_start3A_333 = arith.constant 0 : i32
      %dma_start3A_334 = arith.constant 0 : i32
      %dma_start3A_335 = tpu.memref_slice %arg4[%add3A_285, %dma_start3A_333, %dma_start3A_334] : memref<5186x2x64xi32, #tpu.memory_space<hbm>> -> memref<1x2x64xi32, #tpu.memory_space<hbm>>
      %dma_start3A_336 = tpu.memref_squeeze %dma_start3A_335 : memref<1x2x64xi32, #tpu.memory_space<hbm>> -> memref<2x64xi32, #tpu.memory_space<hbm>>
      tpu.enqueue_dma source(%dma_start3A_336 : memref<2x64xi32, #tpu.memory_space<hbm>>) target(%arg8 : memref<2x64xi32, #tpu.memory_space<vmem>>) target_semaphore(%arg26 : memref<!tpu.dma_semaphore, #tpu.memory_space<semaphore_mem>>)
      %parallel_loop3A_337 = arith.constant 0 : i32
      %parallel_loop3A_338 = arith.constant 64 : i32
      %parallel_loop3A_339 = arith.constant 1 : i32
      scf.for %parallel_loop3A_343 = %parallel_loop3A_337 to %parallel_loop3A_338 step %parallel_loop3A_339  : i32 {
        %parallel_loop3A_344 = arith.index_cast %parallel_loop3A_343 : i32 to index
        %parallel_loop3A_345 = arith.constant 0 : index
        %parallel_loop3A_346 = tpu.vector_load %arg12[%parallel_loop3A_344, %parallel_loop3A_345] {strides = array<i32>} : memref<64x160xbf16, #tpu.memory_space<vmem>>, vector<32xbf16>,
        %parallel_loop3A_347 = arith.index_cast %parallel_loop3A_343 : i32 to index
        %parallel_loop3A_348 = arith.constant 32 : index
        %parallel_loop3A_349 = tpu.vector_load %arg12[%parallel_loop3A_347, %parallel_loop3A_348] {strides = array<i32>} : memref<64x160xbf16, #tpu.memory_space<vmem>>, vector<32xbf16>,
        %parallel_loop3A_350 = arith.index_cast %parallel_loop3A_343 : i32 to index
        %parallel_loop3A_351 = arith.constant 64 : index
        %parallel_loop3A_352 = tpu.vector_load %arg12[%parallel_loop3A_350, %parallel_loop3A_351] {strides = array<i32>} : memref<64x160xbf16, #tpu.memory_space<vmem>>, vector<32xbf16>,
        %parallel_loop3A_353 = arith.index_cast %parallel_loop3A_343 : i32 to index
        %parallel_loop3A_354 = arith.constant 96 : index
        %parallel_loop3A_355 = tpu.vector_load %arg12[%parallel_loop3A_353, %parallel_loop3A_354] {strides = array<i32>} : memref<64x160xbf16, #tpu.memory_space<vmem>>, vector<32xbf16>,
        %parallel_loop3A_356 = arith.index_cast %parallel_loop3A_343 : i32 to index
        %parallel_loop3A_357 = arith.constant 0 : index
        %parallel_loop3A_358 = tpu.vector_load %arg14[%parallel_loop3A_356, %parallel_loop3A_357] {strides = array<i32>} : memref<64x128xbf16, #tpu.memory_space<vmem>>, vector<32xbf16>,
        %parallel_loop3A_359 = arith.index_cast %parallel_loop3A_343 : i32 to index
        %parallel_loop3A_360 = arith.constant 32 : index
        %parallel_loop3A_361 = tpu.vector_load %arg14[%parallel_loop3A_359, %parallel_loop3A_360] {strides = array<i32>} : memref<64x128xbf16, #tpu.memory_space<vmem>>, vector<32xbf16>,
        %parallel_loop3A_362 = arith.index_cast %parallel_loop3A_343 : i32 to index
        %parallel_loop3A_363 = arith.constant 64 : index
        %parallel_loop3A_364 = tpu.vector_load %arg14[%parallel_loop3A_362, %parallel_loop3A_363] {strides = array<i32>} : memref<64x128xbf16, #tpu.memory_space<vmem>>, vector<32xbf16>,
        %parallel_loop3A_365 = arith.index_cast %parallel_loop3A_343 : i32 to index
        %parallel_loop3A_366 = arith.constant 96 : index
        %parallel_loop3A_367 = tpu.vector_load %arg14[%parallel_loop3A_365, %parallel_loop3A_366] {strides = array<i32>} : memref<64x128xbf16, #tpu.memory_space<vmem>>, vector<32xbf16>,
        %parallel_loop3A_368 = arith.mulf %parallel_loop3A_346, %parallel_loop3A_358 : vector<32xbf16>
        %parallel_loop3A_369 = arith.mulf %parallel_loop3A_349, %parallel_loop3A_361 : vector<32xbf16>
        %parallel_loop3A_370 = arith.addf %parallel_loop3A_368, %parallel_loop3A_369 : vector<32xbf16>
        %parallel_loop3A_371 = arith.mulf %parallel_loop3A_352, %parallel_loop3A_364 : vector<32xbf16>
        %parallel_loop3A_372 = arith.mulf %parallel_loop3A_355, %parallel_loop3A_367 : vector<32xbf16>
        %parallel_loop3A_373 = arith.addf %parallel_loop3A_371, %parallel_loop3A_372 : vector<32xbf16>
        %parallel_loop3A_374 = arith.addf %parallel_loop3A_370, %parallel_loop3A_373 : vector<32xbf16>
        %parallel_loop3A_375 = tpu.unpack_subelements %parallel_loop3A_374, 0 {pack_format = #tpu.pack_format<interleaved>} : vector<32xbf16> -> vector<16xf32>
        %parallel_loop3A_376 = tpu.unpack_subelements %parallel_loop3A_374, 1 {pack_format = #tpu.pack_format<interleaved>} : vector<32xbf16> -> vector<16xf32>
        %parallel_loop3A_377 = arith.index_cast %parallel_loop3A_343 : i32 to index
        %parallel_loop3A_378 = arith.constant 128 : index
        %parallel_loop3A_379 = tpu.vector_load %arg12[%parallel_loop3A_377, %parallel_loop3A_378] {strides = array<i32>} : memref<64x160xbf16, #tpu.memory_space<vmem>>, vector<32xbf16>,
        %parallel_loop3A_380 = tpu.unpack_subelements %parallel_loop3A_379, 0 {pack_format = #tpu.pack_format<interleaved>} : vector<32xbf16> -> vector<16xf32>
        %parallel_loop3A_381 = tpu.unpack_subelements %parallel_loop3A_379, 1 {pack_format = #tpu.pack_format<interleaved>} : vector<32xbf16> -> vector<16xf32>
        %parallel_loop3A_382 = arith.addf %parallel_loop3A_375, %parallel_loop3A_376 : vector<16xf32>
        %parallel_loop3A_383 = arith.constant 0 : i32
        %parallel_loop3A_384 = vector.broadcast %parallel_loop3A_383 : i32 to vector<16xi32>
        %parallel_loop3A_385 = arith.cmpi slt, %xor3A_32, %parallel_loop3A_384 : vector<16xi32>
        %parallel_loop3A_386 = arith.constant 16 : i32
        %parallel_loop3A_387 = vector.broadcast %parallel_loop3A_386 : i32 to vector<16xi32>
        %parallel_loop3A_388 = arith.addi %xor3A_32, %parallel_loop3A_387 : vector<16xi32>
        %parallel_loop3A_389 = arith.select %parallel_loop3A_385, %parallel_loop3A_388, %xor3A_32 : vector<16xi1>, vector<16xi32>
        %parallel_loop3A_390 = vector.shape_cast %parallel_loop3A_389 : vector<16xi32> to vector<16x1xi32>
        %parallel_loop3A_391 = vector.shape_cast %parallel_loop3A_390 : vector<16x1xi32> to vector<16xi32>
        %parallel_loop3A_392 = tpu.dynamic_gather %parallel_loop3A_382[%parallel_loop3A_391] in [0] : vector<16xf32>, vector<16xi32> -> vector<16xf32>
        %parallel_loop3A_393 = arith.addf %parallel_loop3A_382, %parallel_loop3A_392 : vector<16xf32>
        %parallel_loop3A_394 = arith.constant 0 : i32
        %parallel_loop3A_395 = vector.broadcast %parallel_loop3A_394 : i32 to vector<16xi32>
        %parallel_loop3A_396 = arith.cmpi slt, %xor3A_35, %parallel_loop3A_395 : vector<16xi32>
        %parallel_loop3A_397 = arith.constant 16 : i32
        %parallel_loop3A_398 = vector.broadcast %parallel_loop3A_397 : i32 to vector<16xi32>
        %parallel_loop3A_399 = arith.addi %xor3A_35, %parallel_loop3A_398 : vector<16xi32>
        %parallel_loop3A_400 = arith.select %parallel_loop3A_396, %parallel_loop3A_399, %xor3A_35 : vector<16xi1>, vector<16xi32>
        %parallel_loop3A_401 = vector.shape_cast %parallel_loop3A_400 : vector<16xi32> to vector<16x1xi32>
        %parallel_loop3A_402 = vector.shape_cast %parallel_loop3A_401 : vector<16x1xi32> to vector<16xi32>
        %parallel_loop3A_403 = tpu.dynamic_gather %parallel_loop3A_393[%parallel_loop3A_402] in [0] : vector<16xf32>, vector<16xi32> -> vector<16xf32>
        %parallel_loop3A_404 = arith.addf %parallel_loop3A_393, %parallel_loop3A_403 : vector<16xf32>
        %parallel_loop3A_405 = arith.constant 0 : i32
        %parallel_loop3A_406 = vector.broadcast %parallel_loop3A_405 : i32 to vector<16xi32>
        %parallel_loop3A_407 = arith.cmpi slt, %xor3A_38, %parallel_loop3A_406 : vector<16xi32>
        %parallel_loop3A_408 = arith.constant 16 : i32
        %parallel_loop3A_409 = vector.broadcast %parallel_loop3A_408 : i32 to vector<16xi32>
        %parallel_loop3A_410 = arith.addi %xor3A_38, %parallel_loop3A_409 : vector<16xi32>
        %parallel_loop3A_411 = arith.select %parallel_loop3A_407, %parallel_loop3A_410, %xor3A_38 : vector<16xi1>, vector<16xi32>
        %parallel_loop3A_412 = vector.shape_cast %parallel_loop3A_411 : vector<16xi32> to vector<16x1xi32>
        %parallel_loop3A_413 = vector.shape_cast %parallel_loop3A_412 : vector<16x1xi32> to vector<16xi32>
        %parallel_loop3A_414 = tpu.dynamic_gather %parallel_loop3A_404[%parallel_loop3A_413] in [0] : vector<16xf32>, vector<16xi32> -> vector<16xf32>
        %parallel_loop3A_415 = arith.addf %parallel_loop3A_404, %parallel_loop3A_414 : vector<16xf32>
        %parallel_loop3A_416 = arith.constant 0 : i32
        %parallel_loop3A_417 = vector.broadcast %parallel_loop3A_416 : i32 to vector<16xi32>
        %parallel_loop3A_418 = arith.cmpi slt, %xor3A_41, %parallel_loop3A_417 : vector<16xi32>
        %parallel_loop3A_419 = arith.constant 16 : i32
        %parallel_loop3A_420 = vector.broadcast %parallel_loop3A_419 : i32 to vector<16xi32>
        %parallel_loop3A_421 = arith.addi %xor3A_41, %parallel_loop3A_420 : vector<16xi32>
        %parallel_loop3A_422 = arith.select %parallel_loop3A_418, %parallel_loop3A_421, %xor3A_41 : vector<16xi1>, vector<16xi32>
        %parallel_loop3A_423 = vector.shape_cast %parallel_loop3A_422 : vector<16xi32> to vector<16x1xi32>
        %parallel_loop3A_424 = vector.shape_cast %parallel_loop3A_423 : vector<16x1xi32> to vector<16xi32>
        %parallel_loop3A_425 = tpu.dynamic_gather %parallel_loop3A_415[%parallel_loop3A_424] in [0] : vector<16xf32>, vector<16xi32> -> vector<16xf32>
        %parallel_loop3A_426 = arith.addf %parallel_loop3A_415, %parallel_loop3A_425 : vector<16xf32>
        %parallel_loop3A_427 = arith.mulf %parallel_loop3A_426, %parallel_loop3A_380 : vector<16xf32>
        %parallel_loop3A_428 = arith.mulf %get3A_28, %parallel_loop3A_427 : vector<16xf32>
        %parallel_loop3A_429 = arith.subf %parallel_loop3A_428, %abs3A : vector<16xf32>
        %parallel_loop3A_430 = math.exp %parallel_loop3A_429 : vector<16xf32>
        %parallel_loop3A_431 = tpu.unpack_subelements %parallel_loop3A_346, 0 {pack_format = #tpu.pack_format<interleaved>} : vector<32xbf16> -> vector<16xf32>
        %parallel_loop3A_432 = tpu.unpack_subelements %parallel_loop3A_346, 1 {pack_format = #tpu.pack_format<interleaved>} : vector<32xbf16> -> vector<16xf32>
        %parallel_loop3A_433 = arith.mulf %parallel_loop3A_431, %parallel_loop3A_430 : vector<16xf32>
        %parallel_loop3A_434 = arith.index_cast %parallel_loop3A_343 : i32 to index
        %parallel_loop3A_435 = arith.constant 0 : index
        %parallel_loop3A_436 = tpu.vector_load %arg16[%parallel_loop3A_434, %parallel_loop3A_435] {strides = array<i32>} : memref<64x144xf32, #tpu.memory_space<vmem>>, vector<16xf32>,
        tpu.vector_store %arg16[%parallel_loop3A_434, %parallel_loop3A_435], %parallel_loop3A_433 {strides = array<i32>} : memref<64x144xf32, #tpu.memory_space<vmem>>, vector<16xf32>,
        %parallel_loop3A_437 = arith.mulf %parallel_loop3A_432, %parallel_loop3A_430 : vector<16xf32>
        %parallel_loop3A_438 = arith.index_cast %parallel_loop3A_343 : i32 to index
        %parallel_loop3A_439 = arith.constant 16 : index
        %parallel_loop3A_440 = tpu.vector_load %arg16[%parallel_loop3A_438, %parallel_loop3A_439] {strides = array<i32>} : memref<64x144xf32, #tpu.memory_space<vmem>>, vector<16xf32>,
        tpu.vector_store %arg16[%parallel_loop3A_438, %parallel_loop3A_439], %parallel_loop3A_437 {strides = array<i32>} : memref<64x144xf32, #tpu.memory_space<vmem>>, vector<16xf32>,
        %parallel_loop3A_441 = tpu.unpack_subelements %parallel_loop3A_349, 0 {pack_format = #tpu.pack_format<interleaved>} : vector<32xbf16> -> vector<16xf32>
        %parallel_loop3A_442 = tpu.unpack_subelements %parallel_loop3A_349, 1 {pack_format = #tpu.pack_format<interleaved>} : vector<32xbf16> -> vector<16xf32>
        %parallel_loop3A_443 = arith.mulf %parallel_loop3A_441, %parallel_loop3A_430 : vector<16xf32>
        %parallel_loop3A_444 = arith.index_cast %parallel_loop3A_343 : i32 to index
        %parallel_loop3A_445 = arith.constant 32 : index
        %parallel_loop3A_446 = tpu.vector_load %arg16[%parallel_loop3A_444, %parallel_loop3A_445] {strides = array<i32>} : memref<64x144xf32, #tpu.memory_space<vmem>>, vector<16xf32>,
        tpu.vector_store %arg16[%parallel_loop3A_444, %parallel_loop3A_445], %parallel_loop3A_443 {strides = array<i32>} : memref<64x144xf32, #tpu.memory_space<vmem>>, vector<16xf32>,
        %parallel_loop3A_447 = arith.mulf %parallel_loop3A_442, %parallel_loop3A_430 : vector<16xf32>
        %parallel_loop3A_448 = arith.index_cast %parallel_loop3A_343 : i32 to index
        %parallel_loop3A_449 = arith.constant 48 : index
        %parallel_loop3A_450 = tpu.vector_load %arg16[%parallel_loop3A_448, %parallel_loop3A_449] {strides = array<i32>} : memref<64x144xf32, #tpu.memory_space<vmem>>, vector<16xf32>,
        tpu.vector_store %arg16[%parallel_loop3A_448, %parallel_loop3A_449], %parallel_loop3A_447 {strides = array<i32>} : memref<64x144xf32, #tpu.memory_space<vmem>>, vector<16xf32>,
        %parallel_loop3A_451 = tpu.unpack_subelements %parallel_loop3A_352, 0 {pack_format = #tpu.pack_format<interleaved>} : vector<32xbf16> -> vector<16xf32>
        %parallel_loop3A_452 = tpu.unpack_subelements %parallel_loop3A_352, 1 {pack_format = #tpu.pack_format<interleaved>} : vector<32xbf16> -> vector<16xf32>
        %parallel_loop3A_453 = arith.mulf %parallel_loop3A_451, %parallel_loop3A_430 : vector<16xf32>
        %parallel_loop3A_454 = arith.index_cast %parallel_loop3A_343 : i32 to index
        %parallel_loop3A_455 = arith.constant 64 : index
        %parallel_loop3A_456 = tpu.vector_load %arg16[%parallel_loop3A_454, %parallel_loop3A_455] {strides = array<i32>} : memref<64x144xf32, #tpu.memory_space<vmem>>, vector<16xf32>,
        tpu.vector_store %arg16[%parallel_loop3A_454, %parallel_loop3A_455], %parallel_loop3A_453 {strides = array<i32>} : memref<64x144xf32, #tpu.memory_space<vmem>>, vector<16xf32>,
        %parallel_loop3A_457 = arith.mulf %parallel_loop3A_452, %parallel_loop3A_430 : vector<16xf32>
        %parallel_loop3A_458 = arith.index_cast %parallel_loop3A_343 : i32 to index
        %parallel_loop3A_459 = arith.constant 80 : index
        %parallel_loop3A_460 = tpu.vector_load %arg16[%parallel_loop3A_458, %parallel_loop3A_459] {strides = array<i32>} : memref<64x144xf32, #tpu.memory_space<vmem>>, vector<16xf32>,
        tpu.vector_store %arg16[%parallel_loop3A_458, %parallel_loop3A_459], %parallel_loop3A_457 {strides = array<i32>} : memref<64x144xf32, #tpu.memory_space<vmem>>, vector<16xf32>,
        %parallel_loop3A_461 = tpu.unpack_subelements %parallel_loop3A_355, 0 {pack_format = #tpu.pack_format<interleaved>} : vector<32xbf16> -> vector<16xf32>
        %parallel_loop3A_462 = tpu.unpack_subelements %parallel_loop3A_355, 1 {pack_format = #tpu.pack_format<interleaved>} : vector<32xbf16> -> vector<16xf32>
        %parallel_loop3A_463 = arith.mulf %parallel_loop3A_461, %parallel_loop3A_430 : vector<16xf32>
        %parallel_loop3A_464 = arith.index_cast %parallel_loop3A_343 : i32 to index
        %parallel_loop3A_465 = arith.constant 96 : index
        %parallel_loop3A_466 = tpu.vector_load %arg16[%parallel_loop3A_464, %parallel_loop3A_465] {strides = array<i32>} : memref<64x144xf32, #tpu.memory_space<vmem>>, vector<16xf32>,
        tpu.vector_store %arg16[%parallel_loop3A_464, %parallel_loop3A_465], %parallel_loop3A_463 {strides = array<i32>} : memref<64x144xf32, #tpu.memory_space<vmem>>, vector<16xf32>,
        %parallel_loop3A_467 = arith.mulf %parallel_loop3A_462, %parallel_loop3A_430 : vector<16xf32>
        %parallel_loop3A_468 = arith.index_cast %parallel_loop3A_343 : i32 to index
        %parallel_loop3A_469 = arith.constant 112 : index
        %parallel_loop3A_470 = tpu.vector_load %arg16[%parallel_loop3A_468, %parallel_loop3A_469] {strides = array<i32>} : memref<64x144xf32, #tpu.memory_space<vmem>>, vector<16xf32>,
        tpu.vector_store %arg16[%parallel_loop3A_468, %parallel_loop3A_469], %parallel_loop3A_467 {strides = array<i32>} : memref<64x144xf32, #tpu.memory_space<vmem>>, vector<16xf32>,
        %parallel_loop3A_471 = arith.constant 0.000000e+00 : f32
        %parallel_loop3A_472 = vector.broadcast %parallel_loop3A_471 : f32 to vector<16xf32>
        %parallel_loop3A_473 = arith.select %eq3A_30, %parallel_loop3A_430, %parallel_loop3A_472 : vector<16xi1>, vector<16xf32>
        %parallel_loop3A_474 = arith.index_cast %parallel_loop3A_343 : i32 to index
        %parallel_loop3A_475 = arith.constant 128 : index
        %parallel_loop3A_476 = tpu.vector_load %arg16[%parallel_loop3A_474, %parallel_loop3A_475] {strides = array<i32>} : memref<64x144xf32, #tpu.memory_space<vmem>>, vector<16xf32>,
        tpu.vector_store %arg16[%parallel_loop3A_474, %parallel_loop3A_475], %parallel_loop3A_473 {strides = array<i32>} : memref<64x144xf32, #tpu.memory_space<vmem>>, vector<16xf32>,
      } {sc.loop_unroll_factor = 4 : i64, sc.parallel_access}
      %dma_start3A_340 = arith.constant 0 : i32
      %dma_start3A_341 = arith.constant 0 : i32
      %dma_start3A_342 = tpu.memref_slice %arg18[%dma_start3A_340, %dma_start3A_341] : memref<10048x144xf32, #tpu.memory_space<vmem_shared>> -> memref<10048x144xf32, #tpu.memory_space<vmem_shared>>
      tpu.enqueue_indirect_dma source(%arg16 : memref<64x144xf32, #tpu.memory_space<vmem>>) target(%dma_start3A_342 : memref<10048x144xf32, #tpu.memory_space<vmem_shared>>) offsets(%arg10 : memref<64xi32, #tpu.memory_space<vmem>>) semaphore(%arg24 : memref<!tpu.dma_semaphore, #tpu.memory_space<semaphore_mem>>) {add = true}
    }
    %scan3A_97 = arith.constant 81 : i32
    %dma_wait3A = arith.constant 0 : i32
    %dma_wait3A_98 = arith.constant 0 : i32
    %dma_wait3A_99 = tpu.memref_slice %arg18[%dma_wait3A, %dma_wait3A_98] : memref<10048x144xf32, #tpu.memory_space<vmem_shared>> -> memref<10048x144xf32, #tpu.memory_space<vmem_shared>>
    tpu.wait_indirect_dma semaphore(%arg23 : memref<!tpu.dma_semaphore, #tpu.memory_space<semaphore_mem>>) src(%arg15 : memref<64x144xf32, #tpu.memory_space<vmem>>) dst(%dma_wait3A_99 : memref<10048x144xf32, #tpu.memory_space<vmem_shared>>)
    %dma_wait3A_100 = arith.constant 0 : i32
    %dma_wait3A_101 = arith.constant 0 : i32
    %dma_wait3A_102 = tpu.memref_slice %arg18[%dma_wait3A_100, %dma_wait3A_101] : memref<10048x144xf32, #tpu.memory_space<vmem_shared>> -> memref<10048x144xf32, #tpu.memory_space<vmem_shared>>
    tpu.wait_indirect_dma semaphore(%arg24 : memref<!tpu.dma_semaphore, #tpu.memory_space<semaphore_mem>>) src(%arg16 : memref<64x144xf32, #tpu.memory_space<vmem>>) dst(%dma_wait3A_102 : memref<10048x144xf32, #tpu.memory_space<vmem_shared>>)
    %dma_wait3A_103 = arith.constant 0 : i32
    %dma_wait3A_104 = arith.constant 0 : i32
    %dma_wait3A_105 = tpu.memref_slice %arg7[%dma_wait3A_103, %dma_wait3A_104] : memref<2x64xi32, #tpu.memory_space<vmem>> -> memref<1x64xi32, #tpu.memory_space<vmem>>
    %dma_wait3A_106 = tpu.memref_squeeze %dma_wait3A_105 : memref<1x64xi32, #tpu.memory_space<vmem>> -> memref<64xi32, #tpu.memory_space<vmem>>
    %dma_wait3A_107 = arith.constant 0 : i32
    %dma_wait3A_108 = arith.constant 0 : i32
    %dma_wait3A_109 = tpu.memref_slice %arg2[%dma_wait3A_107, %dma_wait3A_108] : memref<10048x160xbf16, #tpu.memory_space<hbm>> -> memref<10048x160xbf16, #tpu.memory_space<hbm>>
    tpu.wait_indirect_dma semaphore(%arg19 : memref<!tpu.dma_semaphore, #tpu.memory_space<semaphore_mem>>) src(%dma_wait3A_109 : memref<10048x160xbf16, #tpu.memory_space<hbm>>) dst(%arg11 : memref<64x160xbf16, #tpu.memory_space<vmem>>)
    %dma_wait3A_110 = arith.constant 1 : i32
    %dma_wait3A_111 = arith.constant 0 : i32
    %dma_wait3A_112 = tpu.memref_slice %arg7[%dma_wait3A_110, %dma_wait3A_111] : memref<2x64xi32, #tpu.memory_space<vmem>> -> memref<1x64xi32, #tpu.memory_space<vmem>>
    %dma_wait3A_113 = tpu.memref_squeeze %dma_wait3A_112 : memref<1x64xi32, #tpu.memory_space<vmem>> -> memref<64xi32, #tpu.memory_space<vmem>>
    %dma_wait3A_114 = arith.constant 0 : i32
    %dma_wait3A_115 = arith.constant 0 : i32
    %dma_wait3A_116 = tpu.memref_slice %arg3[%dma_wait3A_114, %dma_wait3A_115] : memref<10048x128xbf16, #tpu.memory_space<hbm>> -> memref<10048x128xbf16, #tpu.memory_space<hbm>>
    tpu.wait_indirect_dma semaphore(%arg21 : memref<!tpu.dma_semaphore, #tpu.memory_space<semaphore_mem>>) src(%dma_wait3A_116 : memref<10048x128xbf16, #tpu.memory_space<hbm>>) dst(%arg13 : memref<64x128xbf16, #tpu.memory_space<vmem>>)
    %dma_wait3A_117 = arith.constant 0 : i32
    %dma_wait3A_118 = arith.constant 0 : i32
    %dma_wait3A_119 = tpu.memref_slice %arg4[%mul3A_43, %dma_wait3A_117, %dma_wait3A_118] : memref<5186x2x64xi32, #tpu.memory_space<hbm>> -> memref<1x2x64xi32, #tpu.memory_space<hbm>>
    %dma_wait3A_120 = tpu.memref_squeeze %dma_wait3A_119 : memref<1x2x64xi32, #tpu.memory_space<hbm>> -> memref<2x64xi32, #tpu.memory_space<hbm>>
    %dma_wait3A_121 = arith.constant 0 : i32
    %dma_wait3A_122 = arith.constant 0 : i32
    %dma_wait3A_123 = tpu.memref_slice %arg4[%mul3A_43, %dma_wait3A_121, %dma_wait3A_122] : memref<5186x2x64xi32, #tpu.memory_space<hbm>> -> memref<1x2x64xi32, #tpu.memory_space<hbm>>
    %dma_wait3A_124 = tpu.memref_squeeze %dma_wait3A_123 : memref<1x2x64xi32, #tpu.memory_space<hbm>> -> memref<2x64xi32, #tpu.memory_space<hbm>>
    tpu.wait_dma2 semaphore(%arg26 : memref<!tpu.dma_semaphore, #tpu.memory_space<semaphore_mem>>) src(%dma_wait3A_124 : memref<2x64xi32, #tpu.memory_space<hbm>>) dst(%arg8 : memref<2x64xi32, #tpu.memory_space<vmem>>)
    %barrier3A_125 = arith.constant 0 : index
    tpu.barrier barrier_id(%barrier3A_125)
    "tpu.region"() ({
      %run_scoped3A = tpu.sem_alloc : memref<!tpu.dma_semaphore, #tpu.memory_space<semaphore_mem>>
      %dma_start3A_126 = arith.constant 0 : i32
      %dma_start3A_127 = tpu.memref_slice %arg6[%arg0, %mul3A_7, %dma_start3A_126] : memref<2x10048x144xf32, #tpu.memory_space<hbm>> -> memref<1x628x144xf32, #tpu.memory_space<hbm>>
      %dma_start3A_128 = tpu.memref_squeeze %dma_start3A_127 : memref<1x628x144xf32, #tpu.memory_space<hbm>> -> memref<628x144xf32, #tpu.memory_space<hbm>>
      %dma_start3A_129 = arith.constant 0 : i32
      %dma_start3A_130 = tpu.memref_slice %arg18[%mul3A_7, %dma_start3A_129] : memref<10048x144xf32, #tpu.memory_space<vmem_shared>> -> memref<628x144xf32, #tpu.memory_space<vmem_shared>>
      tpu.enqueue_dma source(%dma_start3A_130 : memref<628x144xf32, #tpu.memory_space<vmem_shared>>) target(%dma_start3A_128 : memref<628x144xf32, #tpu.memory_space<hbm>>) target_semaphore(%run_scoped3A : memref<!tpu.dma_semaphore, #tpu.memory_space<semaphore_mem>>)
      %dma_wait3A_131 = arith.constant 0 : i32
      %dma_wait3A_132 = tpu.memref_slice %arg6[%arg0, %mul3A_7, %dma_wait3A_131] : memref<2x10048x144xf32, #tpu.memory_space<hbm>> -> memref<1x628x144xf32, #tpu.memory_space<hbm>>
      %dma_wait3A_133 = tpu.memref_squeeze %dma_wait3A_132 : memref<1x628x144xf32, #tpu.memory_space<hbm>> -> memref<628x144xf32, #tpu.memory_space<hbm>>
      %dma_wait3A_134 = arith.constant 0 : i32
      %dma_wait3A_135 = tpu.memref_slice %arg18[%mul3A_7, %dma_wait3A_134] : memref<10048x144xf32, #tpu.memory_space<vmem_shared>> -> memref<628x144xf32, #tpu.memory_space<vmem_shared>>
      tpu.wait_dma2 semaphore(%run_scoped3A : memref<!tpu.dma_semaphore, #tpu.memory_space<semaphore_mem>>) src(%dma_wait3A_135 : memref<628x144xf32, #tpu.memory_space<vmem_shared>>) dst(%dma_wait3A_133 : memref<628x144xf32, #tpu.memory_space<hbm>>)
      tpu.yield
    }) : () -> ()
    return
  }
}

#map = affine_map<(d0, d1) -> (0, 0)>
#map1 = affine_map<(d0, d1) -> (0, 0, 0)>
#map2 = affine_map<(d0, d1) -> (0)>
module attributes {stable_mosaic.version = 14 : i64} {
  func.func @_prop_body(%arg0: i32, %arg1: i32, %arg2: memref<10048x160xbf16, #tpu.memory_space<hbm>>, %arg3: memref<10048x128xbf16, #tpu.memory_space<hbm>>, %arg4: memref<5186x2x64xi32, #tpu.memory_space<hbm>>, %arg5: memref<16xf32, #tpu.memory_space<hbm>>, %arg6: memref<2x10048x144xf32, #tpu.memory_space<hbm>>, %arg7: memref<2x64xi32, #tpu.memory_space<vmem>>, %arg8: memref<2x64xi32, #tpu.memory_space<vmem>>, %arg9: memref<64xi32, #tpu.memory_space<vmem>>, %arg10: memref<64xi32, #tpu.memory_space<vmem>>, %arg11: memref<64x160xbf16, #tpu.memory_space<vmem>>, %arg12: memref<64x160xbf16, #tpu.memory_space<vmem>>, %arg13: memref<64x128xbf16, #tpu.memory_space<vmem>>, %arg14: memref<64x128xbf16, #tpu.memory_space<vmem>>, %arg15: memref<64x144xf32, #tpu.memory_space<vmem>>, %arg16: memref<64x144xf32, #tpu.memory_space<vmem>>, %arg17: memref<16xf32, #tpu.memory_space<vmem>>, %arg18: memref<10048x144xf32, #tpu.memory_space<vmem_shared>>, %arg19: memref<!tpu.dma_semaphore, #tpu.memory_space<semaphore_mem>>, %arg20: memref<!tpu.dma_semaphore, #tpu.memory_space<semaphore_mem>>, %arg21: memref<!tpu.dma_semaphore, #tpu.memory_space<semaphore_mem>>, %arg22: memref<!tpu.dma_semaphore, #tpu.memory_space<semaphore_mem>>, %arg23: memref<!tpu.dma_semaphore, #tpu.memory_space<semaphore_mem>>, %arg24: memref<!tpu.dma_semaphore, #tpu.memory_space<semaphore_mem>>, %arg25: memref<!tpu.dma_semaphore, #tpu.memory_space<semaphore_mem>>, %arg26: memref<!tpu.dma_semaphore, #tpu.memory_space<semaphore_mem>>) attributes {dimension_semantics = [#tpu.dimension_semantics<core_parallel>, #tpu.dimension_semantics<subcore_parallel>], iteration_bounds = array<i64: 2, 16>, scalar_prefetch = 0 : i64, scratch_operands = 20 : i64, tpu.core_type = #tpu.core_type<sc_vector_subcore>, window_params = [{transform_indices = #map}, {transform_indices = #map}, {transform_indices = #map1}, {transform_indices = #map2}, {transform_indices = #map1}]} {
    %mul3A = arith.constant 2 : i32
    %mul3A_0 = arith.muli %arg1, %mul3A : i32
    %add3A = arith.addi %mul3A_0, %arg0 : i32
    %broadcast_in_dim3A = arith.constant 0.000000e+00 : f32
    %broadcast_in_dim3A_1 = vector.broadcast %broadcast_in_dim3A : f32 to vector<16xf32>
    %scan3A = arith.constant 0 : i32
    %scan3A_2 = arith.constant 64 : i32
    %scan3A_3 = arith.addi %scan3A, %scan3A_2 : i32
    %scan3A_4 = arith.constant 1 : i32
    scf.for %scan3A_126 = %scan3A to %scan3A_3 step %scan3A_4  : i32 {
      %swap3A = arith.index_cast %scan3A_126 : i32 to index
      %swap3A_127 = arith.constant 0 : index
      %swap3A_128 = tpu.vector_load %arg15[%swap3A, %swap3A_127] {strides = array<i32>} : memref<64x144xf32, #tpu.memory_space<vmem>>, vector<16xf32>,
      tpu.vector_store %arg15[%swap3A, %swap3A_127], %broadcast_in_dim3A_1 {strides = array<i32>} : memref<64x144xf32, #tpu.memory_space<vmem>>, vector<16xf32>,
      %swap3A_129 = arith.index_cast %scan3A_126 : i32 to index
      %swap3A_130 = arith.constant 16 : index
      %swap3A_131 = tpu.vector_load %arg15[%swap3A_129, %swap3A_130] {strides = array<i32>} : memref<64x144xf32, #tpu.memory_space<vmem>>, vector<16xf32>,
      tpu.vector_store %arg15[%swap3A_129, %swap3A_130], %broadcast_in_dim3A_1 {strides = array<i32>} : memref<64x144xf32, #tpu.memory_space<vmem>>, vector<16xf32>,
      %swap3A_132 = arith.index_cast %scan3A_126 : i32 to index
      %swap3A_133 = arith.constant 32 : index
      %swap3A_134 = tpu.vector_load %arg15[%swap3A_132, %swap3A_133] {strides = array<i32>} : memref<64x144xf32, #tpu.memory_space<vmem>>, vector<16xf32>,
      tpu.vector_store %arg15[%swap3A_132, %swap3A_133], %broadcast_in_dim3A_1 {strides = array<i32>} : memref<64x144xf32, #tpu.memory_space<vmem>>, vector<16xf32>,
      %swap3A_135 = arith.index_cast %scan3A_126 : i32 to index
      %swap3A_136 = arith.constant 48 : index
      %swap3A_137 = tpu.vector_load %arg15[%swap3A_135, %swap3A_136] {strides = array<i32>} : memref<64x144xf32, #tpu.memory_space<vmem>>, vector<16xf32>,
      tpu.vector_store %arg15[%swap3A_135, %swap3A_136], %broadcast_in_dim3A_1 {strides = array<i32>} : memref<64x144xf32, #tpu.memory_space<vmem>>, vector<16xf32>,
      %swap3A_138 = arith.index_cast %scan3A_126 : i32 to index
      %swap3A_139 = arith.constant 64 : index
      %swap3A_140 = tpu.vector_load %arg15[%swap3A_138, %swap3A_139] {strides = array<i32>} : memref<64x144xf32, #tpu.memory_space<vmem>>, vector<16xf32>,
      tpu.vector_store %arg15[%swap3A_138, %swap3A_139], %broadcast_in_dim3A_1 {strides = array<i32>} : memref<64x144xf32, #tpu.memory_space<vmem>>, vector<16xf32>,
      %swap3A_141 = arith.index_cast %scan3A_126 : i32 to index
      %swap3A_142 = arith.constant 80 : index
      %swap3A_143 = tpu.vector_load %arg15[%swap3A_141, %swap3A_142] {strides = array<i32>} : memref<64x144xf32, #tpu.memory_space<vmem>>, vector<16xf32>,
      tpu.vector_store %arg15[%swap3A_141, %swap3A_142], %broadcast_in_dim3A_1 {strides = array<i32>} : memref<64x144xf32, #tpu.memory_space<vmem>>, vector<16xf32>,
      %swap3A_144 = arith.index_cast %scan3A_126 : i32 to index
      %swap3A_145 = arith.constant 96 : index
      %swap3A_146 = tpu.vector_load %arg15[%swap3A_144, %swap3A_145] {strides = array<i32>} : memref<64x144xf32, #tpu.memory_space<vmem>>, vector<16xf32>,
      tpu.vector_store %arg15[%swap3A_144, %swap3A_145], %broadcast_in_dim3A_1 {strides = array<i32>} : memref<64x144xf32, #tpu.memory_space<vmem>>, vector<16xf32>,
      %swap3A_147 = arith.index_cast %scan3A_126 : i32 to index
      %swap3A_148 = arith.constant 112 : index
      %swap3A_149 = tpu.vector_load %arg15[%swap3A_147, %swap3A_148] {strides = array<i32>} : memref<64x144xf32, #tpu.memory_space<vmem>>, vector<16xf32>,
      tpu.vector_store %arg15[%swap3A_147, %swap3A_148], %broadcast_in_dim3A_1 {strides = array<i32>} : memref<64x144xf32, #tpu.memory_space<vmem>>, vector<16xf32>,
      %swap3A_150 = arith.index_cast %scan3A_126 : i32 to index
      %swap3A_151 = arith.constant 128 : index
      %swap3A_152 = tpu.vector_load %arg15[%swap3A_150, %swap3A_151] {strides = array<i32>} : memref<64x144xf32, #tpu.memory_space<vmem>>, vector<16xf32>,
      tpu.vector_store %arg15[%swap3A_150, %swap3A_151], %broadcast_in_dim3A_1 {strides = array<i32>} : memref<64x144xf32, #tpu.memory_space<vmem>>, vector<16xf32>,
    }
    %scan3A_5 = arith.constant 64 : i32
    %mul3A_6 = arith.constant 628 : i32
    %mul3A_7 = arith.muli %arg1, %mul3A_6 : i32
    %add3A_8 = arith.constant 0 : i32
    %add3A_9 = arith.addi %mul3A_7, %add3A_8 : i32
    "tpu.region"() ({
      %run_scoped3A = tpu.sem_alloc : memref<!tpu.dma_semaphore, #tpu.memory_space<semaphore_mem>>
      %dma_start3A_126 = arith.constant 0 : i32
      %dma_start3A_127 = tpu.memref_slice %arg18[%add3A_9, %dma_start3A_126] : memref<10048x144xf32, #tpu.memory_space<vmem_shared>> -> memref<64x144xf32, #tpu.memory_space<vmem_shared>>
      %dma_start3A_128 = arith.constant 0 : i32
      %dma_start3A_129 = tpu.memref_slice %arg18[%add3A_9, %dma_start3A_128] : memref<10048x144xf32, #tpu.memory_space<vmem_shared>> -> memref<64x144xf32, #tpu.memory_space<vmem_shared>>
      tpu.enqueue_dma source(%arg15 : memref<64x144xf32, #tpu.memory_space<vmem>>) target(%dma_start3A_129 : memref<64x144xf32, #tpu.memory_space<vmem_shared>>) target_semaphore(%run_scoped3A : memref<!tpu.dma_semaphore, #tpu.memory_space<semaphore_mem>>)
      %dma_wait3A_130 = arith.constant 0 : i32
      %dma_wait3A_131 = tpu.memref_slice %arg18[%add3A_9, %dma_wait3A_130] : memref<10048x144xf32, #tpu.memory_space<vmem_shared>> -> memref<64x144xf32, #tpu.memory_space<vmem_shared>>
      %dma_wait3A_132 = arith.constant 0 : i32
      %dma_wait3A_133 = tpu.memref_slice %arg18[%add3A_9, %dma_wait3A_132] : memref<10048x144xf32, #tpu.memory_space<vmem_shared>> -> memref<64x144xf32, #tpu.memory_space<vmem_shared>>
      tpu.wait_dma2 semaphore(%run_scoped3A : memref<!tpu.dma_semaphore, #tpu.memory_space<semaphore_mem>>) src(%arg15 : memref<64x144xf32, #tpu.memory_space<vmem>>) dst(%dma_wait3A_133 : memref<64x144xf32, #tpu.memory_space<vmem_shared>>)
      tpu.yield
    }) : () -> ()
    %add3A_10 = arith.constant 64 : i32
    %add3A_11 = arith.addi %mul3A_7, %add3A_10 : i32
    "tpu.region"() ({
      %run_scoped3A = tpu.sem_alloc : memref<!tpu.dma_semaphore, #tpu.memory_space<semaphore_mem>>
      %dma_start3A_126 = arith.constant 0 : i32
      %dma_start3A_127 = tpu.memref_slice %arg18[%add3A_11, %dma_start3A_126] : memref<10048x144xf32, #tpu.memory_space<vmem_shared>> -> memref<64x144xf32, #tpu.memory_space<vmem_shared>>
      %dma_start3A_128 = arith.constant 0 : i32
      %dma_start3A_129 = tpu.memref_slice %arg18[%add3A_11, %dma_start3A_128] : memref<10048x144xf32, #tpu.memory_space<vmem_shared>> -> memref<64x144xf32, #tpu.memory_space<vmem_shared>>
      tpu.enqueue_dma source(%arg15 : memref<64x144xf32, #tpu.memory_space<vmem>>) target(%dma_start3A_129 : memref<64x144xf32, #tpu.memory_space<vmem_shared>>) target_semaphore(%run_scoped3A : memref<!tpu.dma_semaphore, #tpu.memory_space<semaphore_mem>>)
      %dma_wait3A_130 = arith.constant 0 : i32
      %dma_wait3A_131 = tpu.memref_slice %arg18[%add3A_11, %dma_wait3A_130] : memref<10048x144xf32, #tpu.memory_space<vmem_shared>> -> memref<64x144xf32, #tpu.memory_space<vmem_shared>>
      %dma_wait3A_132 = arith.constant 0 : i32
      %dma_wait3A_133 = tpu.memref_slice %arg18[%add3A_11, %dma_wait3A_132] : memref<10048x144xf32, #tpu.memory_space<vmem_shared>> -> memref<64x144xf32, #tpu.memory_space<vmem_shared>>
      tpu.wait_dma2 semaphore(%run_scoped3A : memref<!tpu.dma_semaphore, #tpu.memory_space<semaphore_mem>>) src(%arg15 : memref<64x144xf32, #tpu.memory_space<vmem>>) dst(%dma_wait3A_133 : memref<64x144xf32, #tpu.memory_space<vmem_shared>>)
      tpu.yield
    }) : () -> ()
    %add3A_12 = arith.constant 128 : i32
    %add3A_13 = arith.addi %mul3A_7, %add3A_12 : i32
    "tpu.region"() ({
      %run_scoped3A = tpu.sem_alloc : memref<!tpu.dma_semaphore, #tpu.memory_space<semaphore_mem>>
      %dma_start3A_126 = arith.constant 0 : i32
      %dma_start3A_127 = tpu.memref_slice %arg18[%add3A_13, %dma_start3A_126] : memref<10048x144xf32, #tpu.memory_space<vmem_shared>> -> memref<64x144xf32, #tpu.memory_space<vmem_shared>>
      %dma_start3A_128 = arith.constant 0 : i32
      %dma_start3A_129 = tpu.memref_slice %arg18[%add3A_13, %dma_start3A_128] : memref<10048x144xf32, #tpu.memory_space<vmem_shared>> -> memref<64x144xf32, #tpu.memory_space<vmem_shared>>
      tpu.enqueue_dma source(%arg15 : memref<64x144xf32, #tpu.memory_space<vmem>>) target(%dma_start3A_129 : memref<64x144xf32, #tpu.memory_space<vmem_shared>>) target_semaphore(%run_scoped3A : memref<!tpu.dma_semaphore, #tpu.memory_space<semaphore_mem>>)
      %dma_wait3A_130 = arith.constant 0 : i32
      %dma_wait3A_131 = tpu.memref_slice %arg18[%add3A_13, %dma_wait3A_130] : memref<10048x144xf32, #tpu.memory_space<vmem_shared>> -> memref<64x144xf32, #tpu.memory_space<vmem_shared>>
      %dma_wait3A_132 = arith.constant 0 : i32
      %dma_wait3A_133 = tpu.memref_slice %arg18[%add3A_13, %dma_wait3A_132] : memref<10048x144xf32, #tpu.memory_space<vmem_shared>> -> memref<64x144xf32, #tpu.memory_space<vmem_shared>>
      tpu.wait_dma2 semaphore(%run_scoped3A : memref<!tpu.dma_semaphore, #tpu.memory_space<semaphore_mem>>) src(%arg15 : memref<64x144xf32, #tpu.memory_space<vmem>>) dst(%dma_wait3A_133 : memref<64x144xf32, #tpu.memory_space<vmem_shared>>)
      tpu.yield
    }) : () -> ()
    %add3A_14 = arith.constant 192 : i32
    %add3A_15 = arith.addi %mul3A_7, %add3A_14 : i32
    "tpu.region"() ({
      %run_scoped3A = tpu.sem_alloc : memref<!tpu.dma_semaphore, #tpu.memory_space<semaphore_mem>>
      %dma_start3A_126 = arith.constant 0 : i32
      %dma_start3A_127 = tpu.memref_slice %arg18[%add3A_15, %dma_start3A_126] : memref<10048x144xf32, #tpu.memory_space<vmem_shared>> -> memref<64x144xf32, #tpu.memory_space<vmem_shared>>
      %dma_start3A_128 = arith.constant 0 : i32
      %dma_start3A_129 = tpu.memref_slice %arg18[%add3A_15, %dma_start3A_128] : memref<10048x144xf32, #tpu.memory_space<vmem_shared>> -> memref<64x144xf32, #tpu.memory_space<vmem_shared>>
      tpu.enqueue_dma source(%arg15 : memref<64x144xf32, #tpu.memory_space<vmem>>) target(%dma_start3A_129 : memref<64x144xf32, #tpu.memory_space<vmem_shared>>) target_semaphore(%run_scoped3A : memref<!tpu.dma_semaphore, #tpu.memory_space<semaphore_mem>>)
      %dma_wait3A_130 = arith.constant 0 : i32
      %dma_wait3A_131 = tpu.memref_slice %arg18[%add3A_15, %dma_wait3A_130] : memref<10048x144xf32, #tpu.memory_space<vmem_shared>> -> memref<64x144xf32, #tpu.memory_space<vmem_shared>>
      %dma_wait3A_132 = arith.constant 0 : i32
      %dma_wait3A_133 = tpu.memref_slice %arg18[%add3A_15, %dma_wait3A_132] : memref<10048x144xf32, #tpu.memory_space<vmem_shared>> -> memref<64x144xf32, #tpu.memory_space<vmem_shared>>
      tpu.wait_dma2 semaphore(%run_scoped3A : memref<!tpu.dma_semaphore, #tpu.memory_space<semaphore_mem>>) src(%arg15 : memref<64x144xf32, #tpu.memory_space<vmem>>) dst(%dma_wait3A_133 : memref<64x144xf32, #tpu.memory_space<vmem_shared>>)
      tpu.yield
    }) : () -> ()
    %add3A_16 = arith.constant 256 : i32
    %add3A_17 = arith.addi %mul3A_7, %add3A_16 : i32
    "tpu.region"() ({
      %run_scoped3A = tpu.sem_alloc : memref<!tpu.dma_semaphore, #tpu.memory_space<semaphore_mem>>
      %dma_start3A_126 = arith.constant 0 : i32
      %dma_start3A_127 = tpu.memref_slice %arg18[%add3A_17, %dma_start3A_126] : memref<10048x144xf32, #tpu.memory_space<vmem_shared>> -> memref<64x144xf32, #tpu.memory_space<vmem_shared>>
      %dma_start3A_128 = arith.constant 0 : i32
      %dma_start3A_129 = tpu.memref_slice %arg18[%add3A_17, %dma_start3A_128] : memref<10048x144xf32, #tpu.memory_space<vmem_shared>> -> memref<64x144xf32, #tpu.memory_space<vmem_shared>>
      tpu.enqueue_dma source(%arg15 : memref<64x144xf32, #tpu.memory_space<vmem>>) target(%dma_start3A_129 : memref<64x144xf32, #tpu.memory_space<vmem_shared>>) target_semaphore(%run_scoped3A : memref<!tpu.dma_semaphore, #tpu.memory_space<semaphore_mem>>)
      %dma_wait3A_130 = arith.constant 0 : i32
      %dma_wait3A_131 = tpu.memref_slice %arg18[%add3A_17, %dma_wait3A_130] : memref<10048x144xf32, #tpu.memory_space<vmem_shared>> -> memref<64x144xf32, #tpu.memory_space<vmem_shared>>
      %dma_wait3A_132 = arith.constant 0 : i32
      %dma_wait3A_133 = tpu.memref_slice %arg18[%add3A_17, %dma_wait3A_132] : memref<10048x144xf32, #tpu.memory_space<vmem_shared>> -> memref<64x144xf32, #tpu.memory_space<vmem_shared>>
      tpu.wait_dma2 semaphore(%run_scoped3A : memref<!tpu.dma_semaphore, #tpu.memory_space<semaphore_mem>>) src(%arg15 : memref<64x144xf32, #tpu.memory_space<vmem>>) dst(%dma_wait3A_133 : memref<64x144xf32, #tpu.memory_space<vmem_shared>>)
      tpu.yield
    }) : () -> ()
    %add3A_18 = arith.constant 320 : i32
    %add3A_19 = arith.addi %mul3A_7, %add3A_18 : i32
    "tpu.region"() ({
      %run_scoped3A = tpu.sem_alloc : memref<!tpu.dma_semaphore, #tpu.memory_space<semaphore_mem>>
      %dma_start3A_126 = arith.constant 0 : i32
      %dma_start3A_127 = tpu.memref_slice %arg18[%add3A_19, %dma_start3A_126] : memref<10048x144xf32, #tpu.memory_space<vmem_shared>> -> memref<64x144xf32, #tpu.memory_space<vmem_shared>>
      %dma_start3A_128 = arith.constant 0 : i32
      %dma_start3A_129 = tpu.memref_slice %arg18[%add3A_19, %dma_start3A_128] : memref<10048x144xf32, #tpu.memory_space<vmem_shared>> -> memref<64x144xf32, #tpu.memory_space<vmem_shared>>
      tpu.enqueue_dma source(%arg15 : memref<64x144xf32, #tpu.memory_space<vmem>>) target(%dma_start3A_129 : memref<64x144xf32, #tpu.memory_space<vmem_shared>>) target_semaphore(%run_scoped3A : memref<!tpu.dma_semaphore, #tpu.memory_space<semaphore_mem>>)
      %dma_wait3A_130 = arith.constant 0 : i32
      %dma_wait3A_131 = tpu.memref_slice %arg18[%add3A_19, %dma_wait3A_130] : memref<10048x144xf32, #tpu.memory_space<vmem_shared>> -> memref<64x144xf32, #tpu.memory_space<vmem_shared>>
      %dma_wait3A_132 = arith.constant 0 : i32
      %dma_wait3A_133 = tpu.memref_slice %arg18[%add3A_19, %dma_wait3A_132] : memref<10048x144xf32, #tpu.memory_space<vmem_shared>> -> memref<64x144xf32, #tpu.memory_space<vmem_shared>>
      tpu.wait_dma2 semaphore(%run_scoped3A : memref<!tpu.dma_semaphore, #tpu.memory_space<semaphore_mem>>) src(%arg15 : memref<64x144xf32, #tpu.memory_space<vmem>>) dst(%dma_wait3A_133 : memref<64x144xf32, #tpu.memory_space<vmem_shared>>)
      tpu.yield
    }) : () -> ()
    %add3A_20 = arith.constant 384 : i32
    %add3A_21 = arith.addi %mul3A_7, %add3A_20 : i32
    "tpu.region"() ({
      %run_scoped3A = tpu.sem_alloc : memref<!tpu.dma_semaphore, #tpu.memory_space<semaphore_mem>>
      %dma_start3A_126 = arith.constant 0 : i32
      %dma_start3A_127 = tpu.memref_slice %arg18[%add3A_21, %dma_start3A_126] : memref<10048x144xf32, #tpu.memory_space<vmem_shared>> -> memref<64x144xf32, #tpu.memory_space<vmem_shared>>
      %dma_start3A_128 = arith.constant 0 : i32
      %dma_start3A_129 = tpu.memref_slice %arg18[%add3A_21, %dma_start3A_128] : memref<10048x144xf32, #tpu.memory_space<vmem_shared>> -> memref<64x144xf32, #tpu.memory_space<vmem_shared>>
      tpu.enqueue_dma source(%arg15 : memref<64x144xf32, #tpu.memory_space<vmem>>) target(%dma_start3A_129 : memref<64x144xf32, #tpu.memory_space<vmem_shared>>) target_semaphore(%run_scoped3A : memref<!tpu.dma_semaphore, #tpu.memory_space<semaphore_mem>>)
      %dma_wait3A_130 = arith.constant 0 : i32
      %dma_wait3A_131 = tpu.memref_slice %arg18[%add3A_21, %dma_wait3A_130] : memref<10048x144xf32, #tpu.memory_space<vmem_shared>> -> memref<64x144xf32, #tpu.memory_space<vmem_shared>>
      %dma_wait3A_132 = arith.constant 0 : i32
      %dma_wait3A_133 = tpu.memref_slice %arg18[%add3A_21, %dma_wait3A_132] : memref<10048x144xf32, #tpu.memory_space<vmem_shared>> -> memref<64x144xf32, #tpu.memory_space<vmem_shared>>
      tpu.wait_dma2 semaphore(%run_scoped3A : memref<!tpu.dma_semaphore, #tpu.memory_space<semaphore_mem>>) src(%arg15 : memref<64x144xf32, #tpu.memory_space<vmem>>) dst(%dma_wait3A_133 : memref<64x144xf32, #tpu.memory_space<vmem_shared>>)
      tpu.yield
    }) : () -> ()
    %add3A_22 = arith.constant 448 : i32
    %add3A_23 = arith.addi %mul3A_7, %add3A_22 : i32
    "tpu.region"() ({
      %run_scoped3A = tpu.sem_alloc : memref<!tpu.dma_semaphore, #tpu.memory_space<semaphore_mem>>
      %dma_start3A_126 = arith.constant 0 : i32
      %dma_start3A_127 = tpu.memref_slice %arg18[%add3A_23, %dma_start3A_126] : memref<10048x144xf32, #tpu.memory_space<vmem_shared>> -> memref<64x144xf32, #tpu.memory_space<vmem_shared>>
      %dma_start3A_128 = arith.constant 0 : i32
      %dma_start3A_129 = tpu.memref_slice %arg18[%add3A_23, %dma_start3A_128] : memref<10048x144xf32, #tpu.memory_space<vmem_shared>> -> memref<64x144xf32, #tpu.memory_space<vmem_shared>>
      tpu.enqueue_dma source(%arg15 : memref<64x144xf32, #tpu.memory_space<vmem>>) target(%dma_start3A_129 : memref<64x144xf32, #tpu.memory_space<vmem_shared>>) target_semaphore(%run_scoped3A : memref<!tpu.dma_semaphore, #tpu.memory_space<semaphore_mem>>)
      %dma_wait3A_130 = arith.constant 0 : i32
      %dma_wait3A_131 = tpu.memref_slice %arg18[%add3A_23, %dma_wait3A_130] : memref<10048x144xf32, #tpu.memory_space<vmem_shared>> -> memref<64x144xf32, #tpu.memory_space<vmem_shared>>
      %dma_wait3A_132 = arith.constant 0 : i32
      %dma_wait3A_133 = tpu.memref_slice %arg18[%add3A_23, %dma_wait3A_132] : memref<10048x144xf32, #tpu.memory_space<vmem_shared>> -> memref<64x144xf32, #tpu.memory_space<vmem_shared>>
      tpu.wait_dma2 semaphore(%run_scoped3A : memref<!tpu.dma_semaphore, #tpu.memory_space<semaphore_mem>>) src(%arg15 : memref<64x144xf32, #tpu.memory_space<vmem>>) dst(%dma_wait3A_133 : memref<64x144xf32, #tpu.memory_space<vmem_shared>>)
      tpu.yield
    }) : () -> ()
    %add3A_24 = arith.constant 512 : i32
    %add3A_25 = arith.addi %mul3A_7, %add3A_24 : i32
    "tpu.region"() ({
      %run_scoped3A = tpu.sem_alloc : memref<!tpu.dma_semaphore, #tpu.memory_space<semaphore_mem>>
      %dma_start3A_126 = arith.constant 0 : i32
      %dma_start3A_127 = tpu.memref_slice %arg18[%add3A_25, %dma_start3A_126] : memref<10048x144xf32, #tpu.memory_space<vmem_shared>> -> memref<64x144xf32, #tpu.memory_space<vmem_shared>>
      %dma_start3A_128 = arith.constant 0 : i32
      %dma_start3A_129 = tpu.memref_slice %arg18[%add3A_25, %dma_start3A_128] : memref<10048x144xf32, #tpu.memory_space<vmem_shared>> -> memref<64x144xf32, #tpu.memory_space<vmem_shared>>
      tpu.enqueue_dma source(%arg15 : memref<64x144xf32, #tpu.memory_space<vmem>>) target(%dma_start3A_129 : memref<64x144xf32, #tpu.memory_space<vmem_shared>>) target_semaphore(%run_scoped3A : memref<!tpu.dma_semaphore, #tpu.memory_space<semaphore_mem>>)
      %dma_wait3A_130 = arith.constant 0 : i32
      %dma_wait3A_131 = tpu.memref_slice %arg18[%add3A_25, %dma_wait3A_130] : memref<10048x144xf32, #tpu.memory_space<vmem_shared>> -> memref<64x144xf32, #tpu.memory_space<vmem_shared>>
      %dma_wait3A_132 = arith.constant 0 : i32
      %dma_wait3A_133 = tpu.memref_slice %arg18[%add3A_25, %dma_wait3A_132] : memref<10048x144xf32, #tpu.memory_space<vmem_shared>> -> memref<64x144xf32, #tpu.memory_space<vmem_shared>>
      tpu.wait_dma2 semaphore(%run_scoped3A : memref<!tpu.dma_semaphore, #tpu.memory_space<semaphore_mem>>) src(%arg15 : memref<64x144xf32, #tpu.memory_space<vmem>>) dst(%dma_wait3A_133 : memref<64x144xf32, #tpu.memory_space<vmem_shared>>)
      tpu.yield
    }) : () -> ()
    %add3A_26 = arith.constant 576 : i32
    %add3A_27 = arith.addi %mul3A_7, %add3A_26 : i32
    "tpu.region"() ({
      %run_scoped3A = tpu.sem_alloc : memref<!tpu.dma_semaphore, #tpu.memory_space<semaphore_mem>>
      %dma_start3A_126 = arith.constant 0 : i32
      %dma_start3A_127 = arith.constant 0 : i32
      %dma_start3A_128 = tpu.memref_slice %arg15[%dma_start3A_126, %dma_start3A_127] : memref<64x144xf32, #tpu.memory_space<vmem>> -> memref<52x144xf32, #tpu.memory_space<vmem>>
      %dma_start3A_129 = arith.constant 0 : i32
      %dma_start3A_130 = tpu.memref_slice %arg18[%add3A_27, %dma_start3A_129] : memref<10048x144xf32, #tpu.memory_space<vmem_shared>> -> memref<52x144xf32, #tpu.memory_space<vmem_shared>>
      %dma_start3A_131 = arith.constant 0 : i32
      %dma_start3A_132 = tpu.memref_slice %arg18[%add3A_27, %dma_start3A_131] : memref<10048x144xf32, #tpu.memory_space<vmem_shared>> -> memref<52x144xf32, #tpu.memory_space<vmem_shared>>
      %dma_start3A_133 = arith.constant 0 : i32
      %dma_start3A_134 = arith.constant 0 : i32
      %dma_start3A_135 = tpu.memref_slice %arg15[%dma_start3A_133, %dma_start3A_134] : memref<64x144xf32, #tpu.memory_space<vmem>> -> memref<52x144xf32, #tpu.memory_space<vmem>>
      tpu.enqueue_dma source(%dma_start3A_135 : memref<52x144xf32, #tpu.memory_space<vmem>>) target(%dma_start3A_132 : memref<52x144xf32, #tpu.memory_space<vmem_shared>>) target_semaphore(%run_scoped3A : memref<!tpu.dma_semaphore, #tpu.memory_space<semaphore_mem>>)
      %dma_wait3A_136 = arith.constant 0 : i32
      %dma_wait3A_137 = arith.constant 0 : i32
      %dma_wait3A_138 = tpu.memref_slice %arg15[%dma_wait3A_136, %dma_wait3A_137] : memref<64x144xf32, #tpu.memory_space<vmem>> -> memref<52x144xf32, #tpu.memory_space<vmem>>
      %dma_wait3A_139 = arith.constant 0 : i32
      %dma_wait3A_140 = tpu.memref_slice %arg18[%add3A_27, %dma_wait3A_139] : memref<10048x144xf32, #tpu.memory_space<vmem_shared>> -> memref<52x144xf32, #tpu.memory_space<vmem_shared>>
      %dma_wait3A_141 = arith.constant 0 : i32
      %dma_wait3A_142 = tpu.memref_slice %arg18[%add3A_27, %dma_wait3A_141] : memref<10048x144xf32, #tpu.memory_space<vmem_shared>> -> memref<52x144xf32, #tpu.memory_space<vmem_shared>>
      %dma_wait3A_143 = arith.constant 0 : i32
      %dma_wait3A_144 = arith.constant 0 : i32
      %dma_wait3A_145 = tpu.memref_slice %arg15[%dma_wait3A_143, %dma_wait3A_144] : memref<64x144xf32, #tpu.memory_space<vmem>> -> memref<52x144xf32, #tpu.memory_space<vmem>>
      tpu.wait_dma2 semaphore(%run_scoped3A : memref<!tpu.dma_semaphore, #tpu.memory_space<semaphore_mem>>) src(%dma_wait3A_145 : memref<52x144xf32, #tpu.memory_space<vmem>>) dst(%dma_wait3A_142 : memref<52x144xf32, #tpu.memory_space<vmem_shared>>)
      tpu.yield
    }) : () -> ()
    "tpu.region"() ({
      %run_scoped3A = tpu.sem_alloc : memref<!tpu.dma_semaphore, #tpu.memory_space<semaphore_mem>>
      tpu.enqueue_dma source(%arg5 : memref<16xf32, #tpu.memory_space<hbm>>) target(%arg17 : memref<16xf32, #tpu.memory_space<vmem>>) target_semaphore(%run_scoped3A : memref<!tpu.dma_semaphore, #tpu.memory_space<semaphore_mem>>)
      tpu.wait_dma2 semaphore(%run_scoped3A : memref<!tpu.dma_semaphore, #tpu.memory_space<semaphore_mem>>) src(%arg5 : memref<16xf32, #tpu.memory_space<hbm>>) dst(%arg17 : memref<16xf32, #tpu.memory_space<vmem>>)
      tpu.yield
    }) : () -> ()
    %barrier3A = arith.constant 0 : index
    tpu.barrier barrier_id(%barrier3A)
    %get3A = arith.constant 0 : index
    %get3A_28 = tpu.vector_load %arg17[%get3A] {strides = array<i32>} : memref<16xf32, #tpu.memory_space<vmem>>, vector<16xf32>,
    %abs3A = math.absf %get3A_28 : vector<16xf32>
    %iota3A = tpu.iota {dimensions = array<i32: 0>} : vector<16xi32>
    %eq3A = arith.constant 0 : i32
    %eq3A_29 = vector.broadcast %eq3A : i32 to vector<16xi32>
    %eq3A_30 = arith.cmpi eq, %iota3A, %eq3A_29 : vector<16xi32>
    %xor3A = arith.constant 8 : i32
    %xor3A_31 = vector.broadcast %xor3A : i32 to vector<16xi32>
    %xor3A_32 = arith.xori %iota3A, %xor3A_31 : vector<16xi32>
    %xor3A_33 = arith.constant 4 : i32
    %xor3A_34 = vector.broadcast %xor3A_33 : i32 to vector<16xi32>
    %xor3A_35 = arith.xori %iota3A, %xor3A_34 : vector<16xi32>
    %xor3A_36 = arith.constant 2 : i32
    %xor3A_37 = vector.broadcast %xor3A_36 : i32 to vector<16xi32>
    %xor3A_38 = arith.xori %iota3A, %xor3A_37 : vector<16xi32>
    %xor3A_39 = arith.constant 1 : i32
    %xor3A_40 = vector.broadcast %xor3A_39 : i32 to vector<16xi32>
    %xor3A_41 = arith.xori %iota3A, %xor3A_40 : vector<16xi32>
    %mul3A_42 = arith.constant 162 : i32
    %mul3A_43 = arith.muli %add3A, %mul3A_42 : i32
    "tpu.region"() ({
      %run_scoped3A = tpu.sem_alloc : memref<!tpu.dma_semaphore, #tpu.memory_space<semaphore_mem>>
      %dma_start3A_126 = arith.constant 0 : i32
      %dma_start3A_127 = arith.constant 0 : i32
      %dma_start3A_128 = tpu.memref_slice %arg4[%mul3A_43, %dma_start3A_126, %dma_start3A_127] : memref<5186x2x64xi32, #tpu.memory_space<hbm>> -> memref<1x2x64xi32, #tpu.memory_space<hbm>>
      %dma_start3A_129 = tpu.memref_squeeze %dma_start3A_128 : memref<1x2x64xi32, #tpu.memory_space<hbm>> -> memref<2x64xi32, #tpu.memory_space<hbm>>
      %dma_start3A_130 = arith.constant 0 : i32
      %dma_start3A_131 = arith.constant 0 : i32
      %dma_start3A_132 = tpu.memref_slice %arg4[%mul3A_43, %dma_start3A_130, %dma_start3A_131] : memref<5186x2x64xi32, #tpu.memory_space<hbm>> -> memref<1x2x64xi32, #tpu.memory_space<hbm>>
      %dma_start3A_133 = tpu.memref_squeeze %dma_start3A_132 : memref<1x2x64xi32, #tpu.memory_space<hbm>> -> memref<2x64xi32, #tpu.memory_space<hbm>>
      tpu.enqueue_dma source(%dma_start3A_133 : memref<2x64xi32, #tpu.memory_space<hbm>>) target(%arg7 : memref<2x64xi32, #tpu.memory_space<vmem>>) target_semaphore(%run_scoped3A : memref<!tpu.dma_semaphore, #tpu.memory_space<semaphore_mem>>)
      %dma_wait3A_134 = arith.constant 0 : i32
      %dma_wait3A_135 = arith.constant 0 : i32
      %dma_wait3A_136 = tpu.memref_slice %arg4[%mul3A_43, %dma_wait3A_134, %dma_wait3A_135] : memref<5186x2x64xi32, #tpu.memory_space<hbm>> -> memref<1x2x64xi32, #tpu.memory_space<hbm>>
      %dma_wait3A_137 = tpu.memref_squeeze %dma_wait3A_136 : memref<1x2x64xi32, #tpu.memory_space<hbm>> -> memref<2x64xi32, #tpu.memory_space<hbm>>
      %dma_wait3A_138 = arith.constant 0 : i32
      %dma_wait3A_139 = arith.constant 0 : i32
      %dma_wait3A_140 = tpu.memref_slice %arg4[%mul3A_43, %dma_wait3A_138, %dma_wait3A_139] : memref<5186x2x64xi32, #tpu.memory_space<hbm>> -> memref<1x2x64xi32, #tpu.memory_space<hbm>>
      %dma_wait3A_141 = tpu.memref_squeeze %dma_wait3A_140 : memref<1x2x64xi32, #tpu.memory_space<hbm>> -> memref<2x64xi32, #tpu.memory_space<hbm>>
      tpu.wait_dma2 semaphore(%run_scoped3A : memref<!tpu.dma_semaphore, #tpu.memory_space<semaphore_mem>>) src(%dma_wait3A_141 : memref<2x64xi32, #tpu.memory_space<hbm>>) dst(%arg7 : memref<2x64xi32, #tpu.memory_space<vmem>>)
      tpu.yield
    }) : () -> ()
    %add3A_44 = arith.constant 1 : i32
    %add3A_45 = arith.addi %mul3A_43, %add3A_44 : i32
    %dma_start3A = arith.constant 0 : i32
    %dma_start3A_46 = arith.constant 0 : i32
    %dma_start3A_47 = tpu.memref_slice %arg4[%add3A_45, %dma_start3A, %dma_start3A_46] : memref<5186x2x64xi32, #tpu.memory_space<hbm>> -> memref<1x2x64xi32, #tpu.memory_space<hbm>>
    %dma_start3A_48 = tpu.memref_squeeze %dma_start3A_47 : memref<1x2x64xi32, #tpu.memory_space<hbm>> -> memref<2x64xi32, #tpu.memory_space<hbm>>
    %dma_start3A_49 = arith.constant 0 : i32
    %dma_start3A_50 = arith.constant 0 : i32
    %dma_start3A_51 = tpu.memref_slice %arg4[%add3A_45, %dma_start3A_49, %dma_start3A_50] : memref<5186x2x64xi32, #tpu.memory_space<hbm>> -> memref<1x2x64xi32, #tpu.memory_space<hbm>>
    %dma_start3A_52 = tpu.memref_squeeze %dma_start3A_51 : memref<1x2x64xi32, #tpu.memory_space<hbm>> -> memref<2x64xi32, #tpu.memory_space<hbm>>
    tpu.enqueue_dma source(%dma_start3A_52 : memref<2x64xi32, #tpu.memory_space<hbm>>) target(%arg8 : memref<2x64xi32, #tpu.memory_space<vmem>>) target_semaphore(%arg26 : memref<!tpu.dma_semaphore, #tpu.memory_space<semaphore_mem>>)
    %dma_start3A_53 = arith.constant 0 : i32
    %dma_start3A_54 = arith.constant 0 : i32
    %dma_start3A_55 = arith.constant 0 : i32
    %dma_start3A_56 = tpu.memref_slice %arg11[%dma_start3A_54, %dma_start3A_55] : memref<64x160xbf16, #tpu.memory_space<vmem>> -> memref<32x160xbf16, #tpu.memory_space<vmem>>
    %dma_start3A_57 = arith.constant 0 : i32
    %dma_start3A_58 = tpu.memref_slice %arg7[%dma_start3A_53, %dma_start3A_57] : memref<2x64xi32, #tpu.memory_space<vmem>> -> memref<1x32xi32, #tpu.memory_space<vmem>>
    %dma_start3A_59 = tpu.memref_squeeze %dma_start3A_58 : memref<1x32xi32, #tpu.memory_space<vmem>> -> memref<32xi32, #tpu.memory_space<vmem>>
    %dma_start3A_60 = arith.constant 0 : i32
    %dma_start3A_61 = arith.constant 0 : i32
    %dma_start3A_62 = tpu.memref_slice %arg2[%dma_start3A_60, %dma_start3A_61] : memref<10048x160xbf16, #tpu.memory_space<hbm>> -> memref<10048x160xbf16, #tpu.memory_space<hbm>>
    tpu.enqueue_indirect_dma source(%dma_start3A_62 : memref<10048x160xbf16, #tpu.memory_space<hbm>>) target(%dma_start3A_56 : memref<32x160xbf16, #tpu.memory_space<vmem>>) offsets(%dma_start3A_59 : memref<32xi32, #tpu.memory_space<vmem>>) semaphore(%arg19 : memref<!tpu.dma_semaphore, #tpu.memory_space<semaphore_mem>>)
    %dma_start3A_63 = arith.constant 0 : i32
    %dma_start3A_64 = arith.constant 32 : i32
    %dma_start3A_65 = arith.constant 0 : i32
    %dma_start3A_66 = tpu.memref_slice %arg11[%dma_start3A_64, %dma_start3A_65] : memref<64x160xbf16, #tpu.memory_space<vmem>> -> memref<32x160xbf16, #tpu.memory_space<vmem>>
    %dma_start3A_67 = arith.constant 32 : i32
    %dma_start3A_68 = tpu.memref_slice %arg7[%dma_start3A_63, %dma_start3A_67] : memref<2x64xi32, #tpu.memory_space<vmem>> -> memref<1x32xi32, #tpu.memory_space<vmem>>
    %dma_start3A_69 = tpu.memref_squeeze %dma_start3A_68 : memref<1x32xi32, #tpu.memory_space<vmem>> -> memref<32xi32, #tpu.memory_space<vmem>>
    %dma_start3A_70 = arith.constant 0 : i32
    %dma_start3A_71 = arith.constant 0 : i32
    %dma_start3A_72 = tpu.memref_slice %arg2[%dma_start3A_70, %dma_start3A_71] : memref<10048x160xbf16, #tpu.memory_space<hbm>> -> memref<10048x160xbf16, #tpu.memory_space<hbm>>
    tpu.enqueue_indirect_dma source(%dma_start3A_72 : memref<10048x160xbf16, #tpu.memory_space<hbm>>) target(%dma_start3A_66 : memref<32x160xbf16, #tpu.memory_space<vmem>>) offsets(%dma_start3A_69 : memref<32xi32, #tpu.memory_space<vmem>>) semaphore(%arg19 : memref<!tpu.dma_semaphore, #tpu.memory_space<semaphore_mem>>)
    %dma_start3A_73 = arith.constant 1 : i32
    %dma_start3A_74 = arith.constant 0 : i32
    %dma_start3A_75 = arith.constant 0 : i32
    %dma_start3A_76 = tpu.memref_slice %arg13[%dma_start3A_74, %dma_start3A_75] : memref<64x128xbf16, #tpu.memory_space<vmem>> -> memref<32x128xbf16, #tpu.memory_space<vmem>>
    %dma_start3A_77 = arith.constant 0 : i32
    %dma_start3A_78 = tpu.memref_slice %arg7[%dma_start3A_73, %dma_start3A_77] : memref<2x64xi32, #tpu.memory_space<vmem>> -> memref<1x32xi32, #tpu.memory_space<vmem>>
    %dma_start3A_79 = tpu.memref_squeeze %dma_start3A_78 : memref<1x32xi32, #tpu.memory_space<vmem>> -> memref<32xi32, #tpu.memory_space<vmem>>
    %dma_start3A_80 = arith.constant 0 : i32
    %dma_start3A_81 = arith.constant 0 : i32
    %dma_start3A_82 = tpu.memref_slice %arg3[%dma_start3A_80, %dma_start3A_81] : memref<10048x128xbf16, #tpu.memory_space<hbm>> -> memref<10048x128xbf16, #tpu.memory_space<hbm>>
    tpu.enqueue_indirect_dma source(%dma_start3A_82 : memref<10048x128xbf16, #tpu.memory_space<hbm>>) target(%dma_start3A_76 : memref<32x128xbf16, #tpu.memory_space<vmem>>) offsets(%dma_start3A_79 : memref<32xi32, #tpu.memory_space<vmem>>) semaphore(%arg21 : memref<!tpu.dma_semaphore, #tpu.memory_space<semaphore_mem>>)
    %dma_start3A_83 = arith.constant 1 : i32
    %dma_start3A_84 = arith.constant 32 : i32
    %dma_start3A_85 = arith.constant 0 : i32
    %dma_start3A_86 = tpu.memref_slice %arg13[%dma_start3A_84, %dma_start3A_85] : memref<64x128xbf16, #tpu.memory_space<vmem>> -> memref<32x128xbf16, #tpu.memory_space<vmem>>
    %dma_start3A_87 = arith.constant 32 : i32
    %dma_start3A_88 = tpu.memref_slice %arg7[%dma_start3A_83, %dma_start3A_87] : memref<2x64xi32, #tpu.memory_space<vmem>> -> memref<1x32xi32, #tpu.memory_space<vmem>>
    %dma_start3A_89 = tpu.memref_squeeze %dma_start3A_88 : memref<1x32xi32, #tpu.memory_space<vmem>> -> memref<32xi32, #tpu.memory_space<vmem>>
    %dma_start3A_90 = arith.constant 0 : i32
    %dma_start3A_91 = arith.constant 0 : i32
    %dma_start3A_92 = tpu.memref_slice %arg3[%dma_start3A_90, %dma_start3A_91] : memref<10048x128xbf16, #tpu.memory_space<hbm>> -> memref<10048x128xbf16, #tpu.memory_space<hbm>>
    tpu.enqueue_indirect_dma source(%dma_start3A_92 : memref<10048x128xbf16, #tpu.memory_space<hbm>>) target(%dma_start3A_86 : memref<32x128xbf16, #tpu.memory_space<vmem>>) offsets(%dma_start3A_89 : memref<32xi32, #tpu.memory_space<vmem>>) semaphore(%arg21 : memref<!tpu.dma_semaphore, #tpu.memory_space<semaphore_mem>>)
    %scan3A_93 = arith.constant 0 : i32
    %scan3A_94 = arith.constant 81 : i32
    %scan3A_95 = arith.addi %scan3A_93, %scan3A_94 : i32
    %scan3A_96 = arith.constant 1 : i32
    scf.for %scan3A_126 = %scan3A_93 to %scan3A_95 step %scan3A_96  : i32 {
      %mul3A_127 = arith.constant 2 : i32
      %mul3A_128 = arith.muli %mul3A_127, %scan3A_126 : i32
      %add3A_129 = arith.addi %mul3A_43, %mul3A_128 : i32
      %add3A_130 = arith.constant 1 : i32
      %add3A_131 = arith.addi %add3A_129, %add3A_130 : i32
      %dma_wait3A_132 = arith.constant 0 : i32
      %dma_wait3A_133 = arith.constant 0 : i32
      %dma_wait3A_134 = tpu.memref_slice %arg4[%add3A_131, %dma_wait3A_132, %dma_wait3A_133] : memref<5186x2x64xi32, #tpu.memory_space<hbm>> -> memref<1x2x64xi32, #tpu.memory_space<hbm>>
      %dma_wait3A_135 = tpu.memref_squeeze %dma_wait3A_134 : memref<1x2x64xi32, #tpu.memory_space<hbm>> -> memref<2x64xi32, #tpu.memory_space<hbm>>
      %dma_wait3A_136 = arith.constant 0 : i32
      %dma_wait3A_137 = arith.constant 0 : i32
      %dma_wait3A_138 = tpu.memref_slice %arg4[%add3A_131, %dma_wait3A_136, %dma_wait3A_137] : memref<5186x2x64xi32, #tpu.memory_space<hbm>> -> memref<1x2x64xi32, #tpu.memory_space<hbm>>
      %dma_wait3A_139 = tpu.memref_squeeze %dma_wait3A_138 : memref<1x2x64xi32, #tpu.memory_space<hbm>> -> memref<2x64xi32, #tpu.memory_space<hbm>>
      tpu.wait_dma2 semaphore(%arg26 : memref<!tpu.dma_semaphore, #tpu.memory_space<semaphore_mem>>) src(%dma_wait3A_139 : memref<2x64xi32, #tpu.memory_space<hbm>>) dst(%arg8 : memref<2x64xi32, #tpu.memory_space<vmem>>)
      %dma_start3A_140 = arith.constant 0 : i32
      %dma_start3A_141 = arith.constant 0 : i32
      %dma_start3A_142 = arith.constant 0 : i32
      %dma_start3A_143 = tpu.memref_slice %arg12[%dma_start3A_141, %dma_start3A_142] : memref<64x160xbf16, #tpu.memory_space<vmem>> -> memref<32x160xbf16, #tpu.memory_space<vmem>>
      %dma_start3A_144 = arith.constant 0 : i32
      %dma_start3A_145 = tpu.memref_slice %arg8[%dma_start3A_140, %dma_start3A_144] : memref<2x64xi32, #tpu.memory_space<vmem>> -> memref<1x32xi32, #tpu.memory_space<vmem>>
      %dma_start3A_146 = tpu.memref_squeeze %dma_start3A_145 : memref<1x32xi32, #tpu.memory_space<vmem>> -> memref<32xi32, #tpu.memory_space<vmem>>
      %dma_start3A_147 = arith.constant 0 : i32
      %dma_start3A_148 = arith.constant 0 : i32
      %dma_start3A_149 = tpu.memref_slice %arg2[%dma_start3A_147, %dma_start3A_148] : memref<10048x160xbf16, #tpu.memory_space<hbm>> -> memref<10048x160xbf16, #tpu.memory_space<hbm>>
      tpu.enqueue_indirect_dma source(%dma_start3A_149 : memref<10048x160xbf16, #tpu.memory_space<hbm>>) target(%dma_start3A_143 : memref<32x160xbf16, #tpu.memory_space<vmem>>) offsets(%dma_start3A_146 : memref<32xi32, #tpu.memory_space<vmem>>) semaphore(%arg20 : memref<!tpu.dma_semaphore, #tpu.memory_space<semaphore_mem>>)
      %dma_start3A_150 = arith.constant 0 : i32
      %dma_start3A_151 = arith.constant 32 : i32
      %dma_start3A_152 = arith.constant 0 : i32
      %dma_start3A_153 = tpu.memref_slice %arg12[%dma_start3A_151, %dma_start3A_152] : memref<64x160xbf16, #tpu.memory_space<vmem>> -> memref<32x160xbf16, #tpu.memory_space<vmem>>
      %dma_start3A_154 = arith.constant 32 : i32
      %dma_start3A_155 = tpu.memref_slice %arg8[%dma_start3A_150, %dma_start3A_154] : memref<2x64xi32, #tpu.memory_space<vmem>> -> memref<1x32xi32, #tpu.memory_space<vmem>>
      %dma_start3A_156 = tpu.memref_squeeze %dma_start3A_155 : memref<1x32xi32, #tpu.memory_space<vmem>> -> memref<32xi32, #tpu.memory_space<vmem>>
      %dma_start3A_157 = arith.constant 0 : i32
      %dma_start3A_158 = arith.constant 0 : i32
      %dma_start3A_159 = tpu.memref_slice %arg2[%dma_start3A_157, %dma_start3A_158] : memref<10048x160xbf16, #tpu.memory_space<hbm>> -> memref<10048x160xbf16, #tpu.memory_space<hbm>>
      tpu.enqueue_indirect_dma source(%dma_start3A_159 : memref<10048x160xbf16, #tpu.memory_space<hbm>>) target(%dma_start3A_153 : memref<32x160xbf16, #tpu.memory_space<vmem>>) offsets(%dma_start3A_156 : memref<32xi32, #tpu.memory_space<vmem>>) semaphore(%arg20 : memref<!tpu.dma_semaphore, #tpu.memory_space<semaphore_mem>>)
      %dma_start3A_160 = arith.constant 1 : i32
      %dma_start3A_161 = arith.constant 0 : i32
      %dma_start3A_162 = arith.constant 0 : i32
      %dma_start3A_163 = tpu.memref_slice %arg14[%dma_start3A_161, %dma_start3A_162] : memref<64x128xbf16, #tpu.memory_space<vmem>> -> memref<32x128xbf16, #tpu.memory_space<vmem>>
      %dma_start3A_164 = arith.constant 0 : i32
      %dma_start3A_165 = tpu.memref_slice %arg8[%dma_start3A_160, %dma_start3A_164] : memref<2x64xi32, #tpu.memory_space<vmem>> -> memref<1x32xi32, #tpu.memory_space<vmem>>
      %dma_start3A_166 = tpu.memref_squeeze %dma_start3A_165 : memref<1x32xi32, #tpu.memory_space<vmem>> -> memref<32xi32, #tpu.memory_space<vmem>>
      %dma_start3A_167 = arith.constant 0 : i32
      %dma_start3A_168 = arith.constant 0 : i32
      %dma_start3A_169 = tpu.memref_slice %arg3[%dma_start3A_167, %dma_start3A_168] : memref<10048x128xbf16, #tpu.memory_space<hbm>> -> memref<10048x128xbf16, #tpu.memory_space<hbm>>
      tpu.enqueue_indirect_dma source(%dma_start3A_169 : memref<10048x128xbf16, #tpu.memory_space<hbm>>) target(%dma_start3A_163 : memref<32x128xbf16, #tpu.memory_space<vmem>>) offsets(%dma_start3A_166 : memref<32xi32, #tpu.memory_space<vmem>>) semaphore(%arg22 : memref<!tpu.dma_semaphore, #tpu.memory_space<semaphore_mem>>)
      %dma_start3A_170 = arith.constant 1 : i32
      %dma_start3A_171 = arith.constant 32 : i32
      %dma_start3A_172 = arith.constant 0 : i32
      %dma_start3A_173 = tpu.memref_slice %arg14[%dma_start3A_171, %dma_start3A_172] : memref<64x128xbf16, #tpu.memory_space<vmem>> -> memref<32x128xbf16, #tpu.memory_space<vmem>>
      %dma_start3A_174 = arith.constant 32 : i32
      %dma_start3A_175 = tpu.memref_slice %arg8[%dma_start3A_170, %dma_start3A_174] : memref<2x64xi32, #tpu.memory_space<vmem>> -> memref<1x32xi32, #tpu.memory_space<vmem>>
      %dma_start3A_176 = tpu.memref_squeeze %dma_start3A_175 : memref<1x32xi32, #tpu.memory_space<vmem>> -> memref<32xi32, #tpu.memory_space<vmem>>
      %dma_start3A_177 = arith.constant 0 : i32
      %dma_start3A_178 = arith.constant 0 : i32
      %dma_start3A_179 = tpu.memref_slice %arg3[%dma_start3A_177, %dma_start3A_178] : memref<10048x128xbf16, #tpu.memory_space<hbm>> -> memref<10048x128xbf16, #tpu.memory_space<hbm>>
      tpu.enqueue_indirect_dma source(%dma_start3A_179 : memref<10048x128xbf16, #tpu.memory_space<hbm>>) target(%dma_start3A_173 : memref<32x128xbf16, #tpu.memory_space<vmem>>) offsets(%dma_start3A_176 : memref<32xi32, #tpu.memory_space<vmem>>) semaphore(%arg22 : memref<!tpu.dma_semaphore, #tpu.memory_space<semaphore_mem>>)
      %add3A_180 = arith.constant 2 : i32
      %add3A_181 = arith.addi %add3A_129, %add3A_180 : i32
      %dma_wait3A_182 = arith.constant 0 : i32
      %dma_wait3A_183 = arith.constant 0 : i32
      %dma_wait3A_184 = tpu.memref_slice %arg7[%dma_wait3A_182, %dma_wait3A_183] : memref<2x64xi32, #tpu.memory_space<vmem>> -> memref<1x64xi32, #tpu.memory_space<vmem>>
      %dma_wait3A_185 = tpu.memref_squeeze %dma_wait3A_184 : memref<1x64xi32, #tpu.memory_space<vmem>> -> memref<64xi32, #tpu.memory_space<vmem>>
      %dma_wait3A_186 = arith.constant 0 : i32
      %dma_wait3A_187 = arith.constant 0 : i32
      %dma_wait3A_188 = tpu.memref_slice %arg2[%dma_wait3A_186, %dma_wait3A_187] : memref<10048x160xbf16, #tpu.memory_space<hbm>> -> memref<10048x160xbf16, #tpu.memory_space<hbm>>
      tpu.wait_indirect_dma semaphore(%arg19 : memref<!tpu.dma_semaphore, #tpu.memory_space<semaphore_mem>>) src(%dma_wait3A_188 : memref<10048x160xbf16, #tpu.memory_space<hbm>>) dst(%arg11 : memref<64x160xbf16, #tpu.memory_space<vmem>>)
      %dma_wait3A_189 = arith.constant 1 : i32
      %dma_wait3A_190 = arith.constant 0 : i32
      %dma_wait3A_191 = tpu.memref_slice %arg7[%dma_wait3A_189, %dma_wait3A_190] : memref<2x64xi32, #tpu.memory_space<vmem>> -> memref<1x64xi32, #tpu.memory_space<vmem>>
      %dma_wait3A_192 = tpu.memref_squeeze %dma_wait3A_191 : memref<1x64xi32, #tpu.memory_space<vmem>> -> memref<64xi32, #tpu.memory_space<vmem>>
      %dma_wait3A_193 = arith.constant 0 : i32
      %dma_wait3A_194 = arith.constant 0 : i32
      %dma_wait3A_195 = tpu.memref_slice %arg3[%dma_wait3A_193, %dma_wait3A_194] : memref<10048x128xbf16, #tpu.memory_space<hbm>> -> memref<10048x128xbf16, #tpu.memory_space<hbm>>
      tpu.wait_indirect_dma semaphore(%arg21 : memref<!tpu.dma_semaphore, #tpu.memory_space<semaphore_mem>>) src(%dma_wait3A_195 : memref<10048x128xbf16, #tpu.memory_space<hbm>>) dst(%arg13 : memref<64x128xbf16, #tpu.memory_space<vmem>>)
      %gt3A = arith.constant 0 : i32
      %gt3A_196 = arith.cmpi sgt, %scan3A_126, %gt3A : i32
      %convert_element_type3A = arith.extui %gt3A_196 : i1 to i32
      %cond3A = arith.constant 0 : i32
      %cond3A_197 = arith.cmpi ne, %convert_element_type3A, %cond3A : i32
      scf.if %cond3A_197 {
        %dma_wait3A_343 = arith.constant 0 : i32
        %dma_wait3A_344 = arith.constant 0 : i32
        %dma_wait3A_345 = tpu.memref_slice %arg18[%dma_wait3A_343, %dma_wait3A_344] : memref<10048x144xf32, #tpu.memory_space<vmem_shared>> -> memref<10048x144xf32, #tpu.memory_space<vmem_shared>>
        tpu.wait_indirect_dma semaphore(%arg23 : memref<!tpu.dma_semaphore, #tpu.memory_space<semaphore_mem>>) src(%arg15 : memref<64x144xf32, #tpu.memory_space<vmem>>) dst(%dma_wait3A_345 : memref<10048x144xf32, #tpu.memory_space<vmem_shared>>)
      } else {
      }
      %get3A_198 = arith.constant 1 : i32
      %get3A_199 = arith.index_cast %get3A_198 : i32 to index
      %get3A_200 = arith.constant 0 : index
      %get3A_201 = tpu.vector_load %arg7[%get3A_199, %get3A_200] {strides = array<i32>} : memref<2x64xi32, #tpu.memory_space<vmem>>, vector<16xi32>,
      %swap3A = arith.constant 0 : index
      %swap3A_202 = tpu.vector_load %arg9[%swap3A] {strides = array<i32>} : memref<64xi32, #tpu.memory_space<vmem>>, vector<16xi32>,
      tpu.vector_store %arg9[%swap3A], %get3A_201 {strides = array<i32>} : memref<64xi32, #tpu.memory_space<vmem>>, vector<16xi32>,
      %get3A_203 = arith.constant 1 : i32
      %get3A_204 = arith.index_cast %get3A_203 : i32 to index
      %get3A_205 = arith.constant 16 : index
      %get3A_206 = tpu.vector_load %arg7[%get3A_204, %get3A_205] {strides = array<i32>} : memref<2x64xi32, #tpu.memory_space<vmem>>, vector<16xi32>,
      %swap3A_207 = arith.constant 16 : index
      %swap3A_208 = tpu.vector_load %arg9[%swap3A_207] {strides = array<i32>} : memref<64xi32, #tpu.memory_space<vmem>>, vector<16xi32>,
      tpu.vector_store %arg9[%swap3A_207], %get3A_206 {strides = array<i32>} : memref<64xi32, #tpu.memory_space<vmem>>, vector<16xi32>,
      %get3A_209 = arith.constant 1 : i32
      %get3A_210 = arith.index_cast %get3A_209 : i32 to index
      %get3A_211 = arith.constant 32 : index
      %get3A_212 = tpu.vector_load %arg7[%get3A_210, %get3A_211] {strides = array<i32>} : memref<2x64xi32, #tpu.memory_space<vmem>>, vector<16xi32>,
      %swap3A_213 = arith.constant 32 : index
      %swap3A_214 = tpu.vector_load %arg9[%swap3A_213] {strides = array<i32>} : memref<64xi32, #tpu.memory_space<vmem>>, vector<16xi32>,
      tpu.vector_store %arg9[%swap3A_213], %get3A_212 {strides = array<i32>} : memref<64xi32, #tpu.memory_space<vmem>>, vector<16xi32>,
      %get3A_215 = arith.constant 1 : i32
      %get3A_216 = arith.index_cast %get3A_215 : i32 to index
      %get3A_217 = arith.constant 48 : index
      %get3A_218 = tpu.vector_load %arg7[%get3A_216, %get3A_217] {strides = array<i32>} : memref<2x64xi32, #tpu.memory_space<vmem>>, vector<16xi32>,
      %swap3A_219 = arith.constant 48 : index
      %swap3A_220 = tpu.vector_load %arg9[%swap3A_219] {strides = array<i32>} : memref<64xi32, #tpu.memory_space<vmem>>, vector<16xi32>,
      tpu.vector_store %arg9[%swap3A_219], %get3A_218 {strides = array<i32>} : memref<64xi32, #tpu.memory_space<vmem>>, vector<16xi32>,
      %dma_start3A_221 = arith.constant 0 : i32
      %dma_start3A_222 = arith.constant 0 : i32
      %dma_start3A_223 = tpu.memref_slice %arg4[%add3A_181, %dma_start3A_221, %dma_start3A_222] : memref<5186x2x64xi32, #tpu.memory_space<hbm>> -> memref<1x2x64xi32, #tpu.memory_space<hbm>>
      %dma_start3A_224 = tpu.memref_squeeze %dma_start3A_223 : memref<1x2x64xi32, #tpu.memory_space<hbm>> -> memref<2x64xi32, #tpu.memory_space<hbm>>
      %dma_start3A_225 = arith.constant 0 : i32
      %dma_start3A_226 = arith.constant 0 : i32
      %dma_start3A_227 = tpu.memref_slice %arg4[%add3A_181, %dma_start3A_225, %dma_start3A_226] : memref<5186x2x64xi32, #tpu.memory_space<hbm>> -> memref<1x2x64xi32, #tpu.memory_space<hbm>>
      %dma_start3A_228 = tpu.memref_squeeze %dma_start3A_227 : memref<1x2x64xi32, #tpu.memory_space<hbm>> -> memref<2x64xi32, #tpu.memory_space<hbm>>
      tpu.enqueue_dma source(%dma_start3A_228 : memref<2x64xi32, #tpu.memory_space<hbm>>) target(%arg7 : memref<2x64xi32, #tpu.memory_space<vmem>>) target_semaphore(%arg25 : memref<!tpu.dma_semaphore, #tpu.memory_space<semaphore_mem>>)
      %parallel_loop3A = arith.constant 0 : i32
      %parallel_loop3A_229 = arith.constant 64 : i32
      %parallel_loop3A_230 = arith.constant 1 : i32
      scf.for %parallel_loop3A_343 = %parallel_loop3A to %parallel_loop3A_229 step %parallel_loop3A_230  : i32 {
        %parallel_loop3A_344 = arith.index_cast %parallel_loop3A_343 : i32 to index
        %parallel_loop3A_345 = arith.constant 0 : index
        %parallel_loop3A_346 = tpu.vector_load %arg11[%parallel_loop3A_344, %parallel_loop3A_345] {strides = array<i32>} : memref<64x160xbf16, #tpu.memory_space<vmem>>, vector<32xbf16>,
        %parallel_loop3A_347 = arith.index_cast %parallel_loop3A_343 : i32 to index
        %parallel_loop3A_348 = arith.constant 32 : index
        %parallel_loop3A_349 = tpu.vector_load %arg11[%parallel_loop3A_347, %parallel_loop3A_348] {strides = array<i32>} : memref<64x160xbf16, #tpu.memory_space<vmem>>, vector<32xbf16>,
        %parallel_loop3A_350 = arith.index_cast %parallel_loop3A_343 : i32 to index
        %parallel_loop3A_351 = arith.constant 64 : index
        %parallel_loop3A_352 = tpu.vector_load %arg11[%parallel_loop3A_350, %parallel_loop3A_351] {strides = array<i32>} : memref<64x160xbf16, #tpu.memory_space<vmem>>, vector<32xbf16>,
        %parallel_loop3A_353 = arith.index_cast %parallel_loop3A_343 : i32 to index
        %parallel_loop3A_354 = arith.constant 96 : index
        %parallel_loop3A_355 = tpu.vector_load %arg11[%parallel_loop3A_353, %parallel_loop3A_354] {strides = array<i32>} : memref<64x160xbf16, #tpu.memory_space<vmem>>, vector<32xbf16>,
        %parallel_loop3A_356 = arith.index_cast %parallel_loop3A_343 : i32 to index
        %parallel_loop3A_357 = arith.constant 0 : index
        %parallel_loop3A_358 = tpu.vector_load %arg13[%parallel_loop3A_356, %parallel_loop3A_357] {strides = array<i32>} : memref<64x128xbf16, #tpu.memory_space<vmem>>, vector<32xbf16>,
        %parallel_loop3A_359 = arith.index_cast %parallel_loop3A_343 : i32 to index
        %parallel_loop3A_360 = arith.constant 32 : index
        %parallel_loop3A_361 = tpu.vector_load %arg13[%parallel_loop3A_359, %parallel_loop3A_360] {strides = array<i32>} : memref<64x128xbf16, #tpu.memory_space<vmem>>, vector<32xbf16>,
        %parallel_loop3A_362 = arith.index_cast %parallel_loop3A_343 : i32 to index
        %parallel_loop3A_363 = arith.constant 64 : index
        %parallel_loop3A_364 = tpu.vector_load %arg13[%parallel_loop3A_362, %parallel_loop3A_363] {strides = array<i32>} : memref<64x128xbf16, #tpu.memory_space<vmem>>, vector<32xbf16>,
        %parallel_loop3A_365 = arith.index_cast %parallel_loop3A_343 : i32 to index
        %parallel_loop3A_366 = arith.constant 96 : index
        %parallel_loop3A_367 = tpu.vector_load %arg13[%parallel_loop3A_365, %parallel_loop3A_366] {strides = array<i32>} : memref<64x128xbf16, #tpu.memory_space<vmem>>, vector<32xbf16>,
        %parallel_loop3A_368 = arith.mulf %parallel_loop3A_346, %parallel_loop3A_358 : vector<32xbf16>
        %parallel_loop3A_369 = arith.mulf %parallel_loop3A_349, %parallel_loop3A_361 : vector<32xbf16>
        %parallel_loop3A_370 = arith.addf %parallel_loop3A_368, %parallel_loop3A_369 : vector<32xbf16>
        %parallel_loop3A_371 = arith.mulf %parallel_loop3A_352, %parallel_loop3A_364 : vector<32xbf16>
        %parallel_loop3A_372 = arith.mulf %parallel_loop3A_355, %parallel_loop3A_367 : vector<32xbf16>
        %parallel_loop3A_373 = arith.addf %parallel_loop3A_371, %parallel_loop3A_372 : vector<32xbf16>
        %parallel_loop3A_374 = arith.addf %parallel_loop3A_370, %parallel_loop3A_373 : vector<32xbf16>
        %parallel_loop3A_375 = tpu.unpack_subelements %parallel_loop3A_374, 0 {pack_format = #tpu.pack_format<interleaved>} : vector<32xbf16> -> vector<16xf32>
        %parallel_loop3A_376 = tpu.unpack_subelements %parallel_loop3A_374, 1 {pack_format = #tpu.pack_format<interleaved>} : vector<32xbf16> -> vector<16xf32>
        %parallel_loop3A_377 = arith.index_cast %parallel_loop3A_343 : i32 to index
        %parallel_loop3A_378 = arith.constant 128 : index
        %parallel_loop3A_379 = tpu.vector_load %arg11[%parallel_loop3A_377, %parallel_loop3A_378] {strides = array<i32>} : memref<64x160xbf16, #tpu.memory_space<vmem>>, vector<32xbf16>,
        %parallel_loop3A_380 = tpu.unpack_subelements %parallel_loop3A_379, 0 {pack_format = #tpu.pack_format<interleaved>} : vector<32xbf16> -> vector<16xf32>
        %parallel_loop3A_381 = tpu.unpack_subelements %parallel_loop3A_379, 1 {pack_format = #tpu.pack_format<interleaved>} : vector<32xbf16> -> vector<16xf32>
        %parallel_loop3A_382 = arith.addf %parallel_loop3A_375, %parallel_loop3A_376 : vector<16xf32>
        %parallel_loop3A_383 = arith.constant 0 : i32
        %parallel_loop3A_384 = vector.broadcast %parallel_loop3A_383 : i32 to vector<16xi32>
        %parallel_loop3A_385 = arith.cmpi slt, %xor3A_32, %parallel_loop3A_384 : vector<16xi32>
        %parallel_loop3A_386 = arith.constant 16 : i32
        %parallel_loop3A_387 = vector.broadcast %parallel_loop3A_386 : i32 to vector<16xi32>
        %parallel_loop3A_388 = arith.addi %xor3A_32, %parallel_loop3A_387 : vector<16xi32>
        %parallel_loop3A_389 = arith.select %parallel_loop3A_385, %parallel_loop3A_388, %xor3A_32 : vector<16xi1>, vector<16xi32>
        %parallel_loop3A_390 = vector.shape_cast %parallel_loop3A_389 : vector<16xi32> to vector<16x1xi32>
        %parallel_loop3A_391 = vector.shape_cast %parallel_loop3A_390 : vector<16x1xi32> to vector<16xi32>
        %parallel_loop3A_392 = tpu.dynamic_gather %parallel_loop3A_382[%parallel_loop3A_391] in [0] : vector<16xf32>, vector<16xi32> -> vector<16xf32>
        %parallel_loop3A_393 = arith.addf %parallel_loop3A_382, %parallel_loop3A_392 : vector<16xf32>
        %parallel_loop3A_394 = arith.constant 0 : i32
        %parallel_loop3A_395 = vector.broadcast %parallel_loop3A_394 : i32 to vector<16xi32>
        %parallel_loop3A_396 = arith.cmpi slt, %xor3A_35, %parallel_loop3A_395 : vector<16xi32>
        %parallel_loop3A_397 = arith.constant 16 : i32
        %parallel_loop3A_398 = vector.broadcast %parallel_loop3A_397 : i32 to vector<16xi32>
        %parallel_loop3A_399 = arith.addi %xor3A_35, %parallel_loop3A_398 : vector<16xi32>
        %parallel_loop3A_400 = arith.select %parallel_loop3A_396, %parallel_loop3A_399, %xor3A_35 : vector<16xi1>, vector<16xi32>
        %parallel_loop3A_401 = vector.shape_cast %parallel_loop3A_400 : vector<16xi32> to vector<16x1xi32>
        %parallel_loop3A_402 = vector.shape_cast %parallel_loop3A_401 : vector<16x1xi32> to vector<16xi32>
        %parallel_loop3A_403 = tpu.dynamic_gather %parallel_loop3A_393[%parallel_loop3A_402] in [0] : vector<16xf32>, vector<16xi32> -> vector<16xf32>
        %parallel_loop3A_404 = arith.addf %parallel_loop3A_393, %parallel_loop3A_403 : vector<16xf32>
        %parallel_loop3A_405 = arith.constant 0 : i32
        %parallel_loop3A_406 = vector.broadcast %parallel_loop3A_405 : i32 to vector<16xi32>
        %parallel_loop3A_407 = arith.cmpi slt, %xor3A_38, %parallel_loop3A_406 : vector<16xi32>
        %parallel_loop3A_408 = arith.constant 16 : i32
        %parallel_loop3A_409 = vector.broadcast %parallel_loop3A_408 : i32 to vector<16xi32>
        %parallel_loop3A_410 = arith.addi %xor3A_38, %parallel_loop3A_409 : vector<16xi32>
        %parallel_loop3A_411 = arith.select %parallel_loop3A_407, %parallel_loop3A_410, %xor3A_38 : vector<16xi1>, vector<16xi32>
        %parallel_loop3A_412 = vector.shape_cast %parallel_loop3A_411 : vector<16xi32> to vector<16x1xi32>
        %parallel_loop3A_413 = vector.shape_cast %parallel_loop3A_412 : vector<16x1xi32> to vector<16xi32>
        %parallel_loop3A_414 = tpu.dynamic_gather %parallel_loop3A_404[%parallel_loop3A_413] in [0] : vector<16xf32>, vector<16xi32> -> vector<16xf32>
        %parallel_loop3A_415 = arith.addf %parallel_loop3A_404, %parallel_loop3A_414 : vector<16xf32>
        %parallel_loop3A_416 = arith.constant 0 : i32
        %parallel_loop3A_417 = vector.broadcast %parallel_loop3A_416 : i32 to vector<16xi32>
        %parallel_loop3A_418 = arith.cmpi slt, %xor3A_41, %parallel_loop3A_417 : vector<16xi32>
        %parallel_loop3A_419 = arith.constant 16 : i32
        %parallel_loop3A_420 = vector.broadcast %parallel_loop3A_419 : i32 to vector<16xi32>
        %parallel_loop3A_421 = arith.addi %xor3A_41, %parallel_loop3A_420 : vector<16xi32>
        %parallel_loop3A_422 = arith.select %parallel_loop3A_418, %parallel_loop3A_421, %xor3A_41 : vector<16xi1>, vector<16xi32>
        %parallel_loop3A_423 = vector.shape_cast %parallel_loop3A_422 : vector<16xi32> to vector<16x1xi32>
        %parallel_loop3A_424 = vector.shape_cast %parallel_loop3A_423 : vector<16x1xi32> to vector<16xi32>
        %parallel_loop3A_425 = tpu.dynamic_gather %parallel_loop3A_415[%parallel_loop3A_424] in [0] : vector<16xf32>, vector<16xi32> -> vector<16xf32>
        %parallel_loop3A_426 = arith.addf %parallel_loop3A_415, %parallel_loop3A_425 : vector<16xf32>
        %parallel_loop3A_427 = arith.mulf %parallel_loop3A_426, %parallel_loop3A_380 : vector<16xf32>
        %parallel_loop3A_428 = arith.mulf %get3A_28, %parallel_loop3A_427 : vector<16xf32>
        %parallel_loop3A_429 = arith.subf %parallel_loop3A_428, %abs3A : vector<16xf32>
        %parallel_loop3A_430 = math.exp %parallel_loop3A_429 : vector<16xf32>
        %parallel_loop3A_431 = tpu.unpack_subelements %parallel_loop3A_346, 0 {pack_format = #tpu.pack_format<interleaved>} : vector<32xbf16> -> vector<16xf32>
        %parallel_loop3A_432 = tpu.unpack_subelements %parallel_loop3A_346, 1 {pack_format = #tpu.pack_format<interleaved>} : vector<32xbf16> -> vector<16xf32>
        %parallel_loop3A_433 = arith.mulf %parallel_loop3A_431, %parallel_loop3A_430 : vector<16xf32>
        %parallel_loop3A_434 = arith.index_cast %parallel_loop3A_343 : i32 to index
        %parallel_loop3A_435 = arith.constant 0 : index
        %parallel_loop3A_436 = tpu.vector_load %arg15[%parallel_loop3A_434, %parallel_loop3A_435] {strides = array<i32>} : memref<64x144xf32, #tpu.memory_space<vmem>>, vector<16xf32>,
        tpu.vector_store %arg15[%parallel_loop3A_434, %parallel_loop3A_435], %parallel_loop3A_433 {strides = array<i32>} : memref<64x144xf32, #tpu.memory_space<vmem>>, vector<16xf32>,
        %parallel_loop3A_437 = arith.mulf %parallel_loop3A_432, %parallel_loop3A_430 : vector<16xf32>
        %parallel_loop3A_438 = arith.index_cast %parallel_loop3A_343 : i32 to index
        %parallel_loop3A_439 = arith.constant 16 : index
        %parallel_loop3A_440 = tpu.vector_load %arg15[%parallel_loop3A_438, %parallel_loop3A_439] {strides = array<i32>} : memref<64x144xf32, #tpu.memory_space<vmem>>, vector<16xf32>,
        tpu.vector_store %arg15[%parallel_loop3A_438, %parallel_loop3A_439], %parallel_loop3A_437 {strides = array<i32>} : memref<64x144xf32, #tpu.memory_space<vmem>>, vector<16xf32>,
        %parallel_loop3A_441 = tpu.unpack_subelements %parallel_loop3A_349, 0 {pack_format = #tpu.pack_format<interleaved>} : vector<32xbf16> -> vector<16xf32>
        %parallel_loop3A_442 = tpu.unpack_subelements %parallel_loop3A_349, 1 {pack_format = #tpu.pack_format<interleaved>} : vector<32xbf16> -> vector<16xf32>
        %parallel_loop3A_443 = arith.mulf %parallel_loop3A_441, %parallel_loop3A_430 : vector<16xf32>
        %parallel_loop3A_444 = arith.index_cast %parallel_loop3A_343 : i32 to index
        %parallel_loop3A_445 = arith.constant 32 : index
        %parallel_loop3A_446 = tpu.vector_load %arg15[%parallel_loop3A_444, %parallel_loop3A_445] {strides = array<i32>} : memref<64x144xf32, #tpu.memory_space<vmem>>, vector<16xf32>,
        tpu.vector_store %arg15[%parallel_loop3A_444, %parallel_loop3A_445], %parallel_loop3A_443 {strides = array<i32>} : memref<64x144xf32, #tpu.memory_space<vmem>>, vector<16xf32>,
        %parallel_loop3A_447 = arith.mulf %parallel_loop3A_442, %parallel_loop3A_430 : vector<16xf32>
        %parallel_loop3A_448 = arith.index_cast %parallel_loop3A_343 : i32 to index
        %parallel_loop3A_449 = arith.constant 48 : index
        %parallel_loop3A_450 = tpu.vector_load %arg15[%parallel_loop3A_448, %parallel_loop3A_449] {strides = array<i32>} : memref<64x144xf32, #tpu.memory_space<vmem>>, vector<16xf32>,
        tpu.vector_store %arg15[%parallel_loop3A_448, %parallel_loop3A_449], %parallel_loop3A_447 {strides = array<i32>} : memref<64x144xf32, #tpu.memory_space<vmem>>, vector<16xf32>,
        %parallel_loop3A_451 = tpu.unpack_subelements %parallel_loop3A_352, 0 {pack_format = #tpu.pack_format<interleaved>} : vector<32xbf16> -> vector<16xf32>
        %parallel_loop3A_452 = tpu.unpack_subelements %parallel_loop3A_352, 1 {pack_format = #tpu.pack_format<interleaved>} : vector<32xbf16> -> vector<16xf32>
        %parallel_loop3A_453 = arith.mulf %parallel_loop3A_451, %parallel_loop3A_430 : vector<16xf32>
        %parallel_loop3A_454 = arith.index_cast %parallel_loop3A_343 : i32 to index
        %parallel_loop3A_455 = arith.constant 64 : index
        %parallel_loop3A_456 = tpu.vector_load %arg15[%parallel_loop3A_454, %parallel_loop3A_455] {strides = array<i32>} : memref<64x144xf32, #tpu.memory_space<vmem>>, vector<16xf32>,
        tpu.vector_store %arg15[%parallel_loop3A_454, %parallel_loop3A_455], %parallel_loop3A_453 {strides = array<i32>} : memref<64x144xf32, #tpu.memory_space<vmem>>, vector<16xf32>,
        %parallel_loop3A_457 = arith.mulf %parallel_loop3A_452, %parallel_loop3A_430 : vector<16xf32>
        %parallel_loop3A_458 = arith.index_cast %parallel_loop3A_343 : i32 to index
        %parallel_loop3A_459 = arith.constant 80 : index
        %parallel_loop3A_460 = tpu.vector_load %arg15[%parallel_loop3A_458, %parallel_loop3A_459] {strides = array<i32>} : memref<64x144xf32, #tpu.memory_space<vmem>>, vector<16xf32>,
        tpu.vector_store %arg15[%parallel_loop3A_458, %parallel_loop3A_459], %parallel_loop3A_457 {strides = array<i32>} : memref<64x144xf32, #tpu.memory_space<vmem>>, vector<16xf32>,
        %parallel_loop3A_461 = tpu.unpack_subelements %parallel_loop3A_355, 0 {pack_format = #tpu.pack_format<interleaved>} : vector<32xbf16> -> vector<16xf32>
        %parallel_loop3A_462 = tpu.unpack_subelements %parallel_loop3A_355, 1 {pack_format = #tpu.pack_format<interleaved>} : vector<32xbf16> -> vector<16xf32>
        %parallel_loop3A_463 = arith.mulf %parallel_loop3A_461, %parallel_loop3A_430 : vector<16xf32>
        %parallel_loop3A_464 = arith.index_cast %parallel_loop3A_343 : i32 to index
        %parallel_loop3A_465 = arith.constant 96 : index
        %parallel_loop3A_466 = tpu.vector_load %arg15[%parallel_loop3A_464, %parallel_loop3A_465] {strides = array<i32>} : memref<64x144xf32, #tpu.memory_space<vmem>>, vector<16xf32>,
        tpu.vector_store %arg15[%parallel_loop3A_464, %parallel_loop3A_465], %parallel_loop3A_463 {strides = array<i32>} : memref<64x144xf32, #tpu.memory_space<vmem>>, vector<16xf32>,
        %parallel_loop3A_467 = arith.mulf %parallel_loop3A_462, %parallel_loop3A_430 : vector<16xf32>
        %parallel_loop3A_468 = arith.index_cast %parallel_loop3A_343 : i32 to index
        %parallel_loop3A_469 = arith.constant 112 : index
        %parallel_loop3A_470 = tpu.vector_load %arg15[%parallel_loop3A_468, %parallel_loop3A_469] {strides = array<i32>} : memref<64x144xf32, #tpu.memory_space<vmem>>, vector<16xf32>,
        tpu.vector_store %arg15[%parallel_loop3A_468, %parallel_loop3A_469], %parallel_loop3A_467 {strides = array<i32>} : memref<64x144xf32, #tpu.memory_space<vmem>>, vector<16xf32>,
        %parallel_loop3A_471 = arith.constant 0.000000e+00 : f32
        %parallel_loop3A_472 = vector.broadcast %parallel_loop3A_471 : f32 to vector<16xf32>
        %parallel_loop3A_473 = arith.select %eq3A_30, %parallel_loop3A_430, %parallel_loop3A_472 : vector<16xi1>, vector<16xf32>
        %parallel_loop3A_474 = arith.index_cast %parallel_loop3A_343 : i32 to index
        %parallel_loop3A_475 = arith.constant 128 : index
        %parallel_loop3A_476 = tpu.vector_load %arg15[%parallel_loop3A_474, %parallel_loop3A_475] {strides = array<i32>} : memref<64x144xf32, #tpu.memory_space<vmem>>, vector<16xf32>,
        tpu.vector_store %arg15[%parallel_loop3A_474, %parallel_loop3A_475], %parallel_loop3A_473 {strides = array<i32>} : memref<64x144xf32, #tpu.memory_space<vmem>>, vector<16xf32>,
      } {sc.loop_unroll_factor = 4 : i64, sc.parallel_access}
      %dma_start3A_231 = arith.constant 0 : i32
      %dma_start3A_232 = arith.constant 0 : i32
      %dma_start3A_233 = tpu.memref_slice %arg18[%dma_start3A_231, %dma_start3A_232] : memref<10048x144xf32, #tpu.memory_space<vmem_shared>> -> memref<10048x144xf32, #tpu.memory_space<vmem_shared>>
      tpu.enqueue_indirect_dma source(%arg15 : memref<64x144xf32, #tpu.memory_space<vmem>>) target(%dma_start3A_233 : memref<10048x144xf32, #tpu.memory_space<vmem_shared>>) offsets(%arg9 : memref<64xi32, #tpu.memory_space<vmem>>) semaphore(%arg23 : memref<!tpu.dma_semaphore, #tpu.memory_space<semaphore_mem>>) {add = true}
      %add3A_234 = arith.constant 2 : i32
      %add3A_235 = arith.addi %add3A_129, %add3A_234 : i32
      %dma_wait3A_236 = arith.constant 0 : i32
      %dma_wait3A_237 = arith.constant 0 : i32
      %dma_wait3A_238 = tpu.memref_slice %arg4[%add3A_235, %dma_wait3A_236, %dma_wait3A_237] : memref<5186x2x64xi32, #tpu.memory_space<hbm>> -> memref<1x2x64xi32, #tpu.memory_space<hbm>>
      %dma_wait3A_239 = tpu.memref_squeeze %dma_wait3A_238 : memref<1x2x64xi32, #tpu.memory_space<hbm>> -> memref<2x64xi32, #tpu.memory_space<hbm>>
      %dma_wait3A_240 = arith.constant 0 : i32
      %dma_wait3A_241 = arith.constant 0 : i32
      %dma_wait3A_242 = tpu.memref_slice %arg4[%add3A_235, %dma_wait3A_240, %dma_wait3A_241] : memref<5186x2x64xi32, #tpu.memory_space<hbm>> -> memref<1x2x64xi32, #tpu.memory_space<hbm>>
      %dma_wait3A_243 = tpu.memref_squeeze %dma_wait3A_242 : memref<1x2x64xi32, #tpu.memory_space<hbm>> -> memref<2x64xi32, #tpu.memory_space<hbm>>
      tpu.wait_dma2 semaphore(%arg25 : memref<!tpu.dma_semaphore, #tpu.memory_space<semaphore_mem>>) src(%dma_wait3A_243 : memref<2x64xi32, #tpu.memory_space<hbm>>) dst(%arg7 : memref<2x64xi32, #tpu.memory_space<vmem>>)
      %dma_start3A_244 = arith.constant 0 : i32
      %dma_start3A_245 = arith.constant 0 : i32
      %dma_start3A_246 = arith.constant 0 : i32
      %dma_start3A_247 = tpu.memref_slice %arg11[%dma_start3A_245, %dma_start3A_246] : memref<64x160xbf16, #tpu.memory_space<vmem>> -> memref<32x160xbf16, #tpu.memory_space<vmem>>
      %dma_start3A_248 = arith.constant 0 : i32
      %dma_start3A_249 = tpu.memref_slice %arg7[%dma_start3A_244, %dma_start3A_248] : memref<2x64xi32, #tpu.memory_space<vmem>> -> memref<1x32xi32, #tpu.memory_space<vmem>>
      %dma_start3A_250 = tpu.memref_squeeze %dma_start3A_249 : memref<1x32xi32, #tpu.memory_space<vmem>> -> memref<32xi32, #tpu.memory_space<vmem>>
      %dma_start3A_251 = arith.constant 0 : i32
      %dma_start3A_252 = arith.constant 0 : i32
      %dma_start3A_253 = tpu.memref_slice %arg2[%dma_start3A_251, %dma_start3A_252] : memref<10048x160xbf16, #tpu.memory_space<hbm>> -> memref<10048x160xbf16, #tpu.memory_space<hbm>>
      tpu.enqueue_indirect_dma source(%dma_start3A_253 : memref<10048x160xbf16, #tpu.memory_space<hbm>>) target(%dma_start3A_247 : memref<32x160xbf16, #tpu.memory_space<vmem>>) offsets(%dma_start3A_250 : memref<32xi32, #tpu.memory_space<vmem>>) semaphore(%arg19 : memref<!tpu.dma_semaphore, #tpu.memory_space<semaphore_mem>>)
      %dma_start3A_254 = arith.constant 0 : i32
      %dma_start3A_255 = arith.constant 32 : i32
      %dma_start3A_256 = arith.constant 0 : i32
      %dma_start3A_257 = tpu.memref_slice %arg11[%dma_start3A_255, %dma_start3A_256] : memref<64x160xbf16, #tpu.memory_space<vmem>> -> memref<32x160xbf16, #tpu.memory_space<vmem>>
      %dma_start3A_258 = arith.constant 32 : i32
      %dma_start3A_259 = tpu.memref_slice %arg7[%dma_start3A_254, %dma_start3A_258] : memref<2x64xi32, #tpu.memory_space<vmem>> -> memref<1x32xi32, #tpu.memory_space<vmem>>
      %dma_start3A_260 = tpu.memref_squeeze %dma_start3A_259 : memref<1x32xi32, #tpu.memory_space<vmem>> -> memref<32xi32, #tpu.memory_space<vmem>>
      %dma_start3A_261 = arith.constant 0 : i32
      %dma_start3A_262 = arith.constant 0 : i32
      %dma_start3A_263 = tpu.memref_slice %arg2[%dma_start3A_261, %dma_start3A_262] : memref<10048x160xbf16, #tpu.memory_space<hbm>> -> memref<10048x160xbf16, #tpu.memory_space<hbm>>
      tpu.enqueue_indirect_dma source(%dma_start3A_263 : memref<10048x160xbf16, #tpu.memory_space<hbm>>) target(%dma_start3A_257 : memref<32x160xbf16, #tpu.memory_space<vmem>>) offsets(%dma_start3A_260 : memref<32xi32, #tpu.memory_space<vmem>>) semaphore(%arg19 : memref<!tpu.dma_semaphore, #tpu.memory_space<semaphore_mem>>)
      %dma_start3A_264 = arith.constant 1 : i32
      %dma_start3A_265 = arith.constant 0 : i32
      %dma_start3A_266 = arith.constant 0 : i32
      %dma_start3A_267 = tpu.memref_slice %arg13[%dma_start3A_265, %dma_start3A_266] : memref<64x128xbf16, #tpu.memory_space<vmem>> -> memref<32x128xbf16, #tpu.memory_space<vmem>>
      %dma_start3A_268 = arith.constant 0 : i32
      %dma_start3A_269 = tpu.memref_slice %arg7[%dma_start3A_264, %dma_start3A_268] : memref<2x64xi32, #tpu.memory_space<vmem>> -> memref<1x32xi32, #tpu.memory_space<vmem>>
      %dma_start3A_270 = tpu.memref_squeeze %dma_start3A_269 : memref<1x32xi32, #tpu.memory_space<vmem>> -> memref<32xi32, #tpu.memory_space<vmem>>
      %dma_start3A_271 = arith.constant 0 : i32
      %dma_start3A_272 = arith.constant 0 : i32
      %dma_start3A_273 = tpu.memref_slice %arg3[%dma_start3A_271, %dma_start3A_272] : memref<10048x128xbf16, #tpu.memory_space<hbm>> -> memref<10048x128xbf16, #tpu.memory_space<hbm>>
      tpu.enqueue_indirect_dma source(%dma_start3A_273 : memref<10048x128xbf16, #tpu.memory_space<hbm>>) target(%dma_start3A_267 : memref<32x128xbf16, #tpu.memory_space<vmem>>) offsets(%dma_start3A_270 : memref<32xi32, #tpu.memory_space<vmem>>) semaphore(%arg21 : memref<!tpu.dma_semaphore, #tpu.memory_space<semaphore_mem>>)
      %dma_start3A_274 = arith.constant 1 : i32
      %dma_start3A_275 = arith.constant 32 : i32
      %dma_start3A_276 = arith.constant 0 : i32
      %dma_start3A_277 = tpu.memref_slice %arg13[%dma_start3A_275, %dma_start3A_276] : memref<64x128xbf16, #tpu.memory_space<vmem>> -> memref<32x128xbf16, #tpu.memory_space<vmem>>
      %dma_start3A_278 = arith.constant 32 : i32
      %dma_start3A_279 = tpu.memref_slice %arg7[%dma_start3A_274, %dma_start3A_278] : memref<2x64xi32, #tpu.memory_space<vmem>> -> memref<1x32xi32, #tpu.memory_space<vmem>>
      %dma_start3A_280 = tpu.memref_squeeze %dma_start3A_279 : memref<1x32xi32, #tpu.memory_space<vmem>> -> memref<32xi32, #tpu.memory_space<vmem>>
      %dma_start3A_281 = arith.constant 0 : i32
      %dma_start3A_282 = arith.constant 0 : i32
      %dma_start3A_283 = tpu.memref_slice %arg3[%dma_start3A_281, %dma_start3A_282] : memref<10048x128xbf16, #tpu.memory_space<hbm>> -> memref<10048x128xbf16, #tpu.memory_space<hbm>>
      tpu.enqueue_indirect_dma source(%dma_start3A_283 : memref<10048x128xbf16, #tpu.memory_space<hbm>>) target(%dma_start3A_277 : memref<32x128xbf16, #tpu.memory_space<vmem>>) offsets(%dma_start3A_280 : memref<32xi32, #tpu.memory_space<vmem>>) semaphore(%arg21 : memref<!tpu.dma_semaphore, #tpu.memory_space<semaphore_mem>>)
      %add3A_284 = arith.constant 3 : i32
      %add3A_285 = arith.addi %add3A_129, %add3A_284 : i32
      %dma_wait3A_286 = arith.constant 0 : i32
      %dma_wait3A_287 = arith.constant 0 : i32
      %dma_wait3A_288 = tpu.memref_slice %arg8[%dma_wait3A_286, %dma_wait3A_287] : memref<2x64xi32, #tpu.memory_space<vmem>> -> memref<1x64xi32, #tpu.memory_space<vmem>>
      %dma_wait3A_289 = tpu.memref_squeeze %dma_wait3A_288 : memref<1x64xi32, #tpu.memory_space<vmem>> -> memref<64xi32, #tpu.memory_space<vmem>>
      %dma_wait3A_290 = arith.constant 0 : i32
      %dma_wait3A_291 = arith.constant 0 : i32
      %dma_wait3A_292 = tpu.memref_slice %arg2[%dma_wait3A_290, %dma_wait3A_291] : memref<10048x160xbf16, #tpu.memory_space<hbm>> -> memref<10048x160xbf16, #tpu.memory_space<hbm>>
      tpu.wait_indirect_dma semaphore(%arg20 : memref<!tpu.dma_semaphore, #tpu.memory_space<semaphore_mem>>) src(%dma_wait3A_292 : memref<10048x160xbf16, #tpu.memory_space<hbm>>) dst(%arg12 : memref<64x160xbf16, #tpu.memory_space<vmem>>)
      %dma_wait3A_293 = arith.constant 1 : i32
      %dma_wait3A_294 = arith.constant 0 : i32
      %dma_wait3A_295 = tpu.memref_slice %arg8[%dma_wait3A_293, %dma_wait3A_294] : memref<2x64xi32, #tpu.memory_space<vmem>> -> memref<1x64xi32, #tpu.memory_space<vmem>>
      %dma_wait3A_296 = tpu.memref_squeeze %dma_wait3A_295 : memref<1x64xi32, #tpu.memory_space<vmem>> -> memref<64xi32, #tpu.memory_space<vmem>>
      %dma_wait3A_297 = arith.constant 0 : i32
      %dma_wait3A_298 = arith.constant 0 : i32
      %dma_wait3A_299 = tpu.memref_slice %arg3[%dma_wait3A_297, %dma_wait3A_298] : memref<10048x128xbf16, #tpu.memory_space<hbm>> -> memref<10048x128xbf16, #tpu.memory_space<hbm>>
      tpu.wait_indirect_dma semaphore(%arg22 : memref<!tpu.dma_semaphore, #tpu.memory_space<semaphore_mem>>) src(%dma_wait3A_299 : memref<10048x128xbf16, #tpu.memory_space<hbm>>) dst(%arg14 : memref<64x128xbf16, #tpu.memory_space<vmem>>)
      %gt3A_300 = arith.constant 0 : i32
      %gt3A_301 = arith.cmpi sgt, %scan3A_126, %gt3A_300 : i32
      %convert_element_type3A_302 = arith.extui %gt3A_301 : i1 to i32
      %cond3A_303 = arith.constant 0 : i32
      %cond3A_304 = arith.cmpi ne, %convert_element_type3A_302, %cond3A_303 : i32
      scf.if %cond3A_304 {
        %dma_wait3A_343 = arith.constant 0 : i32
        %dma_wait3A_344 = arith.constant 0 : i32
        %dma_wait3A_345 = tpu.memref_slice %arg18[%dma_wait3A_343, %dma_wait3A_344] : memref<10048x144xf32, #tpu.memory_space<vmem_shared>> -> memref<10048x144xf32, #tpu.memory_space<vmem_shared>>
        tpu.wait_indirect_dma semaphore(%arg24 : memref<!tpu.dma_semaphore, #tpu.memory_space<semaphore_mem>>) src(%arg16 : memref<64x144xf32, #tpu.memory_space<vmem>>) dst(%dma_wait3A_345 : memref<10048x144xf32, #tpu.memory_space<vmem_shared>>)
      } else {
      }
      %get3A_305 = arith.constant 1 : i32
      %get3A_306 = arith.index_cast %get3A_305 : i32 to index
      %get3A_307 = arith.constant 0 : index
      %get3A_308 = tpu.vector_load %arg8[%get3A_306, %get3A_307] {strides = array<i32>} : memref<2x64xi32, #tpu.memory_space<vmem>>, vector<16xi32>,
      %swap3A_309 = arith.constant 0 : index
      %swap3A_310 = tpu.vector_load %arg10[%swap3A_309] {strides = array<i32>} : memref<64xi32, #tpu.memory_space<vmem>>, vector<16xi32>,
      tpu.vector_store %arg10[%swap3A_309], %get3A_308 {strides = array<i32>} : memref<64xi32, #tpu.memory_space<vmem>>, vector<16xi32>,
      %get3A_311 = arith.constant 1 : i32
      %get3A_312 = arith.index_cast %get3A_311 : i32 to index
      %get3A_313 = arith.constant 16 : index
      %get3A_314 = tpu.vector_load %arg8[%get3A_312, %get3A_313] {strides = array<i32>} : memref<2x64xi32, #tpu.memory_space<vmem>>, vector<16xi32>,
      %swap3A_315 = arith.constant 16 : index
      %swap3A_316 = tpu.vector_load %arg10[%swap3A_315] {strides = array<i32>} : memref<64xi32, #tpu.memory_space<vmem>>, vector<16xi32>,
      tpu.vector_store %arg10[%swap3A_315], %get3A_314 {strides = array<i32>} : memref<64xi32, #tpu.memory_space<vmem>>, vector<16xi32>,
      %get3A_317 = arith.constant 1 : i32
      %get3A_318 = arith.index_cast %get3A_317 : i32 to index
      %get3A_319 = arith.constant 32 : index
      %get3A_320 = tpu.vector_load %arg8[%get3A_318, %get3A_319] {strides = array<i32>} : memref<2x64xi32, #tpu.memory_space<vmem>>, vector<16xi32>,
      %swap3A_321 = arith.constant 32 : index
      %swap3A_322 = tpu.vector_load %arg10[%swap3A_321] {strides = array<i32>} : memref<64xi32, #tpu.memory_space<vmem>>, vector<16xi32>,
      tpu.vector_store %arg10[%swap3A_321], %get3A_320 {strides = array<i32>} : memref<64xi32, #tpu.memory_space<vmem>>, vector<16xi32>,
      %get3A_323 = arith.constant 1 : i32
      %get3A_324 = arith.index_cast %get3A_323 : i32 to index
      %get3A_325 = arith.constant 48 : index
      %get3A_326 = tpu.vector_load %arg8[%get3A_324, %get3A_325] {strides = array<i32>} : memref<2x64xi32, #tpu.memory_space<vmem>>, vector<16xi32>,
      %swap3A_327 = arith.constant 48 : index
      %swap3A_328 = tpu.vector_load %arg10[%swap3A_327] {strides = array<i32>} : memref<64xi32, #tpu.memory_space<vmem>>, vector<16xi32>,
      tpu.vector_store %arg10[%swap3A_327], %get3A_326 {strides = array<i32>} : memref<64xi32, #tpu.memory_space<vmem>>, vector<16xi32>,
      %dma_start3A_329 = arith.constant 0 : i32
      %dma_start3A_330 = arith.constant 0 : i32
      %dma_start3A_331 = tpu.memref_slice %arg4[%add3A_285, %dma_start3A_329, %dma_start3A_330] : memref<5186x2x64xi32, #tpu.memory_space<hbm>> -> memref<1x2x64xi32, #tpu.memory_space<hbm>>
      %dma_start3A_332 = tpu.memref_squeeze %dma_start3A_331 : memref<1x2x64xi32, #tpu.memory_space<hbm>> -> memref<2x64xi32, #tpu.memory_space<hbm>>
      %dma_start3A_333 = arith.constant 0 : i32
      %dma_start3A_334 = arith.constant 0 : i32
      %dma_start3A_335 = tpu.memref_slice %arg4[%add3A_285, %dma_start3A_333, %dma_start3A_334] : memref<5186x2x64xi32, #tpu.memory_space<hbm>> -> memref<1x2x64xi32, #tpu.memory_space<hbm>>
      %dma_start3A_336 = tpu.memref_squeeze %dma_start3A_335 : memref<1x2x64xi32, #tpu.memory_space<hbm>> -> memref<2x64xi32, #tpu.memory_space<hbm>>
      tpu.enqueue_dma source(%dma_start3A_336 : memref<2x64xi32, #tpu.memory_space<hbm>>) target(%arg8 : memref<2x64xi32, #tpu.memory_space<vmem>>) target_semaphore(%arg26 : memref<!tpu.dma_semaphore, #tpu.memory_space<semaphore_mem>>)
      %parallel_loop3A_337 = arith.constant 0 : i32
      %parallel_loop3A_338 = arith.constant 64 : i32
      %parallel_loop3A_339 = arith.constant 1 : i32
      scf.for %parallel_loop3A_343 = %parallel_loop3A_337 to %parallel_loop3A_338 step %parallel_loop3A_339  : i32 {
        %parallel_loop3A_344 = arith.index_cast %parallel_loop3A_343 : i32 to index
        %parallel_loop3A_345 = arith.constant 0 : index
        %parallel_loop3A_346 = tpu.vector_load %arg12[%parallel_loop3A_344, %parallel_loop3A_345] {strides = array<i32>} : memref<64x160xbf16, #tpu.memory_space<vmem>>, vector<32xbf16>,
        %parallel_loop3A_347 = arith.index_cast %parallel_loop3A_343 : i32 to index
        %parallel_loop3A_348 = arith.constant 32 : index
        %parallel_loop3A_349 = tpu.vector_load %arg12[%parallel_loop3A_347, %parallel_loop3A_348] {strides = array<i32>} : memref<64x160xbf16, #tpu.memory_space<vmem>>, vector<32xbf16>,
        %parallel_loop3A_350 = arith.index_cast %parallel_loop3A_343 : i32 to index
        %parallel_loop3A_351 = arith.constant 64 : index
        %parallel_loop3A_352 = tpu.vector_load %arg12[%parallel_loop3A_350, %parallel_loop3A_351] {strides = array<i32>} : memref<64x160xbf16, #tpu.memory_space<vmem>>, vector<32xbf16>,
        %parallel_loop3A_353 = arith.index_cast %parallel_loop3A_343 : i32 to index
        %parallel_loop3A_354 = arith.constant 96 : index
        %parallel_loop3A_355 = tpu.vector_load %arg12[%parallel_loop3A_353, %parallel_loop3A_354] {strides = array<i32>} : memref<64x160xbf16, #tpu.memory_space<vmem>>, vector<32xbf16>,
        %parallel_loop3A_356 = arith.index_cast %parallel_loop3A_343 : i32 to index
        %parallel_loop3A_357 = arith.constant 0 : index
        %parallel_loop3A_358 = tpu.vector_load %arg14[%parallel_loop3A_356, %parallel_loop3A_357] {strides = array<i32>} : memref<64x128xbf16, #tpu.memory_space<vmem>>, vector<32xbf16>,
        %parallel_loop3A_359 = arith.index_cast %parallel_loop3A_343 : i32 to index
        %parallel_loop3A_360 = arith.constant 32 : index
        %parallel_loop3A_361 = tpu.vector_load %arg14[%parallel_loop3A_359, %parallel_loop3A_360] {strides = array<i32>} : memref<64x128xbf16, #tpu.memory_space<vmem>>, vector<32xbf16>,
        %parallel_loop3A_362 = arith.index_cast %parallel_loop3A_343 : i32 to index
        %parallel_loop3A_363 = arith.constant 64 : index
        %parallel_loop3A_364 = tpu.vector_load %arg14[%parallel_loop3A_362, %parallel_loop3A_363] {strides = array<i32>} : memref<64x128xbf16, #tpu.memory_space<vmem>>, vector<32xbf16>,
        %parallel_loop3A_365 = arith.index_cast %parallel_loop3A_343 : i32 to index
        %parallel_loop3A_366 = arith.constant 96 : index
        %parallel_loop3A_367 = tpu.vector_load %arg14[%parallel_loop3A_365, %parallel_loop3A_366] {strides = array<i32>} : memref<64x128xbf16, #tpu.memory_space<vmem>>, vector<32xbf16>,
        %parallel_loop3A_368 = arith.mulf %parallel_loop3A_346, %parallel_loop3A_358 : vector<32xbf16>
        %parallel_loop3A_369 = arith.mulf %parallel_loop3A_349, %parallel_loop3A_361 : vector<32xbf16>
        %parallel_loop3A_370 = arith.addf %parallel_loop3A_368, %parallel_loop3A_369 : vector<32xbf16>
        %parallel_loop3A_371 = arith.mulf %parallel_loop3A_352, %parallel_loop3A_364 : vector<32xbf16>
        %parallel_loop3A_372 = arith.mulf %parallel_loop3A_355, %parallel_loop3A_367 : vector<32xbf16>
        %parallel_loop3A_373 = arith.addf %parallel_loop3A_371, %parallel_loop3A_372 : vector<32xbf16>
        %parallel_loop3A_374 = arith.addf %parallel_loop3A_370, %parallel_loop3A_373 : vector<32xbf16>
        %parallel_loop3A_375 = tpu.unpack_subelements %parallel_loop3A_374, 0 {pack_format = #tpu.pack_format<interleaved>} : vector<32xbf16> -> vector<16xf32>
        %parallel_loop3A_376 = tpu.unpack_subelements %parallel_loop3A_374, 1 {pack_format = #tpu.pack_format<interleaved>} : vector<32xbf16> -> vector<16xf32>
        %parallel_loop3A_377 = arith.index_cast %parallel_loop3A_343 : i32 to index
        %parallel_loop3A_378 = arith.constant 128 : index
        %parallel_loop3A_379 = tpu.vector_load %arg12[%parallel_loop3A_377, %parallel_loop3A_378] {strides = array<i32>} : memref<64x160xbf16, #tpu.memory_space<vmem>>, vector<32xbf16>,
        %parallel_loop3A_380 = tpu.unpack_subelements %parallel_loop3A_379, 0 {pack_format = #tpu.pack_format<interleaved>} : vector<32xbf16> -> vector<16xf32>
        %parallel_loop3A_381 = tpu.unpack_subelements %parallel_loop3A_379, 1 {pack_format = #tpu.pack_format<interleaved>} : vector<32xbf16> -> vector<16xf32>
        %parallel_loop3A_382 = arith.addf %parallel_loop3A_375, %parallel_loop3A_376 : vector<16xf32>
        %parallel_loop3A_383 = arith.constant 0 : i32
        %parallel_loop3A_384 = vector.broadcast %parallel_loop3A_383 : i32 to vector<16xi32>
        %parallel_loop3A_385 = arith.cmpi slt, %xor3A_32, %parallel_loop3A_384 : vector<16xi32>
        %parallel_loop3A_386 = arith.constant 16 : i32
        %parallel_loop3A_387 = vector.broadcast %parallel_loop3A_386 : i32 to vector<16xi32>
        %parallel_loop3A_388 = arith.addi %xor3A_32, %parallel_loop3A_387 : vector<16xi32>
        %parallel_loop3A_389 = arith.select %parallel_loop3A_385, %parallel_loop3A_388, %xor3A_32 : vector<16xi1>, vector<16xi32>
        %parallel_loop3A_390 = vector.shape_cast %parallel_loop3A_389 : vector<16xi32> to vector<16x1xi32>
        %parallel_loop3A_391 = vector.shape_cast %parallel_loop3A_390 : vector<16x1xi32> to vector<16xi32>
        %parallel_loop3A_392 = tpu.dynamic_gather %parallel_loop3A_382[%parallel_loop3A_391] in [0] : vector<16xf32>, vector<16xi32> -> vector<16xf32>
        %parallel_loop3A_393 = arith.addf %parallel_loop3A_382, %parallel_loop3A_392 : vector<16xf32>
        %parallel_loop3A_394 = arith.constant 0 : i32
        %parallel_loop3A_395 = vector.broadcast %parallel_loop3A_394 : i32 to vector<16xi32>
        %parallel_loop3A_396 = arith.cmpi slt, %xor3A_35, %parallel_loop3A_395 : vector<16xi32>
        %parallel_loop3A_397 = arith.constant 16 : i32
        %parallel_loop3A_398 = vector.broadcast %parallel_loop3A_397 : i32 to vector<16xi32>
        %parallel_loop3A_399 = arith.addi %xor3A_35, %parallel_loop3A_398 : vector<16xi32>
        %parallel_loop3A_400 = arith.select %parallel_loop3A_396, %parallel_loop3A_399, %xor3A_35 : vector<16xi1>, vector<16xi32>
        %parallel_loop3A_401 = vector.shape_cast %parallel_loop3A_400 : vector<16xi32> to vector<16x1xi32>
        %parallel_loop3A_402 = vector.shape_cast %parallel_loop3A_401 : vector<16x1xi32> to vector<16xi32>
        %parallel_loop3A_403 = tpu.dynamic_gather %parallel_loop3A_393[%parallel_loop3A_402] in [0] : vector<16xf32>, vector<16xi32> -> vector<16xf32>
        %parallel_loop3A_404 = arith.addf %parallel_loop3A_393, %parallel_loop3A_403 : vector<16xf32>
        %parallel_loop3A_405 = arith.constant 0 : i32
        %parallel_loop3A_406 = vector.broadcast %parallel_loop3A_405 : i32 to vector<16xi32>
        %parallel_loop3A_407 = arith.cmpi slt, %xor3A_38, %parallel_loop3A_406 : vector<16xi32>
        %parallel_loop3A_408 = arith.constant 16 : i32
        %parallel_loop3A_409 = vector.broadcast %parallel_loop3A_408 : i32 to vector<16xi32>
        %parallel_loop3A_410 = arith.addi %xor3A_38, %parallel_loop3A_409 : vector<16xi32>
        %parallel_loop3A_411 = arith.select %parallel_loop3A_407, %parallel_loop3A_410, %xor3A_38 : vector<16xi1>, vector<16xi32>
        %parallel_loop3A_412 = vector.shape_cast %parallel_loop3A_411 : vector<16xi32> to vector<16x1xi32>
        %parallel_loop3A_413 = vector.shape_cast %parallel_loop3A_412 : vector<16x1xi32> to vector<16xi32>
        %parallel_loop3A_414 = tpu.dynamic_gather %parallel_loop3A_404[%parallel_loop3A_413] in [0] : vector<16xf32>, vector<16xi32> -> vector<16xf32>
        %parallel_loop3A_415 = arith.addf %parallel_loop3A_404, %parallel_loop3A_414 : vector<16xf32>
        %parallel_loop3A_416 = arith.constant 0 : i32
        %parallel_loop3A_417 = vector.broadcast %parallel_loop3A_416 : i32 to vector<16xi32>
        %parallel_loop3A_418 = arith.cmpi slt, %xor3A_41, %parallel_loop3A_417 : vector<16xi32>
        %parallel_loop3A_419 = arith.constant 16 : i32
        %parallel_loop3A_420 = vector.broadcast %parallel_loop3A_419 : i32 to vector<16xi32>
        %parallel_loop3A_421 = arith.addi %xor3A_41, %parallel_loop3A_420 : vector<16xi32>
        %parallel_loop3A_422 = arith.select %parallel_loop3A_418, %parallel_loop3A_421, %xor3A_41 : vector<16xi1>, vector<16xi32>
        %parallel_loop3A_423 = vector.shape_cast %parallel_loop3A_422 : vector<16xi32> to vector<16x1xi32>
        %parallel_loop3A_424 = vector.shape_cast %parallel_loop3A_423 : vector<16x1xi32> to vector<16xi32>
        %parallel_loop3A_425 = tpu.dynamic_gather %parallel_loop3A_415[%parallel_loop3A_424] in [0] : vector<16xf32>, vector<16xi32> -> vector<16xf32>
        %parallel_loop3A_426 = arith.addf %parallel_loop3A_415, %parallel_loop3A_425 : vector<16xf32>
        %parallel_loop3A_427 = arith.mulf %parallel_loop3A_426, %parallel_loop3A_380 : vector<16xf32>
        %parallel_loop3A_428 = arith.mulf %get3A_28, %parallel_loop3A_427 : vector<16xf32>
        %parallel_loop3A_429 = arith.subf %parallel_loop3A_428, %abs3A : vector<16xf32>
        %parallel_loop3A_430 = math.exp %parallel_loop3A_429 : vector<16xf32>
        %parallel_loop3A_431 = tpu.unpack_subelements %parallel_loop3A_346, 0 {pack_format = #tpu.pack_format<interleaved>} : vector<32xbf16> -> vector<16xf32>
        %parallel_loop3A_432 = tpu.unpack_subelements %parallel_loop3A_346, 1 {pack_format = #tpu.pack_format<interleaved>} : vector<32xbf16> -> vector<16xf32>
        %parallel_loop3A_433 = arith.mulf %parallel_loop3A_431, %parallel_loop3A_430 : vector<16xf32>
        %parallel_loop3A_434 = arith.index_cast %parallel_loop3A_343 : i32 to index
        %parallel_loop3A_435 = arith.constant 0 : index
        %parallel_loop3A_436 = tpu.vector_load %arg16[%parallel_loop3A_434, %parallel_loop3A_435] {strides = array<i32>} : memref<64x144xf32, #tpu.memory_space<vmem>>, vector<16xf32>,
        tpu.vector_store %arg16[%parallel_loop3A_434, %parallel_loop3A_435], %parallel_loop3A_433 {strides = array<i32>} : memref<64x144xf32, #tpu.memory_space<vmem>>, vector<16xf32>,
        %parallel_loop3A_437 = arith.mulf %parallel_loop3A_432, %parallel_loop3A_430 : vector<16xf32>
        %parallel_loop3A_438 = arith.index_cast %parallel_loop3A_343 : i32 to index
        %parallel_loop3A_439 = arith.constant 16 : index
        %parallel_loop3A_440 = tpu.vector_load %arg16[%parallel_loop3A_438, %parallel_loop3A_439] {strides = array<i32>} : memref<64x144xf32, #tpu.memory_space<vmem>>, vector<16xf32>,
        tpu.vector_store %arg16[%parallel_loop3A_438, %parallel_loop3A_439], %parallel_loop3A_437 {strides = array<i32>} : memref<64x144xf32, #tpu.memory_space<vmem>>, vector<16xf32>,
        %parallel_loop3A_441 = tpu.unpack_subelements %parallel_loop3A_349, 0 {pack_format = #tpu.pack_format<interleaved>} : vector<32xbf16> -> vector<16xf32>
        %parallel_loop3A_442 = tpu.unpack_subelements %parallel_loop3A_349, 1 {pack_format = #tpu.pack_format<interleaved>} : vector<32xbf16> -> vector<16xf32>
        %parallel_loop3A_443 = arith.mulf %parallel_loop3A_441, %parallel_loop3A_430 : vector<16xf32>
        %parallel_loop3A_444 = arith.index_cast %parallel_loop3A_343 : i32 to index
        %parallel_loop3A_445 = arith.constant 32 : index
        %parallel_loop3A_446 = tpu.vector_load %arg16[%parallel_loop3A_444, %parallel_loop3A_445] {strides = array<i32>} : memref<64x144xf32, #tpu.memory_space<vmem>>, vector<16xf32>,
        tpu.vector_store %arg16[%parallel_loop3A_444, %parallel_loop3A_445], %parallel_loop3A_443 {strides = array<i32>} : memref<64x144xf32, #tpu.memory_space<vmem>>, vector<16xf32>,
        %parallel_loop3A_447 = arith.mulf %parallel_loop3A_442, %parallel_loop3A_430 : vector<16xf32>
        %parallel_loop3A_448 = arith.index_cast %parallel_loop3A_343 : i32 to index
        %parallel_loop3A_449 = arith.constant 48 : index
        %parallel_loop3A_450 = tpu.vector_load %arg16[%parallel_loop3A_448, %parallel_loop3A_449] {strides = array<i32>} : memref<64x144xf32, #tpu.memory_space<vmem>>, vector<16xf32>,
        tpu.vector_store %arg16[%parallel_loop3A_448, %parallel_loop3A_449], %parallel_loop3A_447 {strides = array<i32>} : memref<64x144xf32, #tpu.memory_space<vmem>>, vector<16xf32>,
        %parallel_loop3A_451 = tpu.unpack_subelements %parallel_loop3A_352, 0 {pack_format = #tpu.pack_format<interleaved>} : vector<32xbf16> -> vector<16xf32>
        %parallel_loop3A_452 = tpu.unpack_subelements %parallel_loop3A_352, 1 {pack_format = #tpu.pack_format<interleaved>} : vector<32xbf16> -> vector<16xf32>
        %parallel_loop3A_453 = arith.mulf %parallel_loop3A_451, %parallel_loop3A_430 : vector<16xf32>
        %parallel_loop3A_454 = arith.index_cast %parallel_loop3A_343 : i32 to index
        %parallel_loop3A_455 = arith.constant 64 : index
        %parallel_loop3A_456 = tpu.vector_load %arg16[%parallel_loop3A_454, %parallel_loop3A_455] {strides = array<i32>} : memref<64x144xf32, #tpu.memory_space<vmem>>, vector<16xf32>,
        tpu.vector_store %arg16[%parallel_loop3A_454, %parallel_loop3A_455], %parallel_loop3A_453 {strides = array<i32>} : memref<64x144xf32, #tpu.memory_space<vmem>>, vector<16xf32>,
        %parallel_loop3A_457 = arith.mulf %parallel_loop3A_452, %parallel_loop3A_430 : vector<16xf32>
        %parallel_loop3A_458 = arith.index_cast %parallel_loop3A_343 : i32 to index
        %parallel_loop3A_459 = arith.constant 80 : index
        %parallel_loop3A_460 = tpu.vector_load %arg16[%parallel_loop3A_458, %parallel_loop3A_459] {strides = array<i32>} : memref<64x144xf32, #tpu.memory_space<vmem>>, vector<16xf32>,
        tpu.vector_store %arg16[%parallel_loop3A_458, %parallel_loop3A_459], %parallel_loop3A_457 {strides = array<i32>} : memref<64x144xf32, #tpu.memory_space<vmem>>, vector<16xf32>,
        %parallel_loop3A_461 = tpu.unpack_subelements %parallel_loop3A_355, 0 {pack_format = #tpu.pack_format<interleaved>} : vector<32xbf16> -> vector<16xf32>
        %parallel_loop3A_462 = tpu.unpack_subelements %parallel_loop3A_355, 1 {pack_format = #tpu.pack_format<interleaved>} : vector<32xbf16> -> vector<16xf32>
        %parallel_loop3A_463 = arith.mulf %parallel_loop3A_461, %parallel_loop3A_430 : vector<16xf32>
        %parallel_loop3A_464 = arith.index_cast %parallel_loop3A_343 : i32 to index
        %parallel_loop3A_465 = arith.constant 96 : index
        %parallel_loop3A_466 = tpu.vector_load %arg16[%parallel_loop3A_464, %parallel_loop3A_465] {strides = array<i32>} : memref<64x144xf32, #tpu.memory_space<vmem>>, vector<16xf32>,
        tpu.vector_store %arg16[%parallel_loop3A_464, %parallel_loop3A_465], %parallel_loop3A_463 {strides = array<i32>} : memref<64x144xf32, #tpu.memory_space<vmem>>, vector<16xf32>,
        %parallel_loop3A_467 = arith.mulf %parallel_loop3A_462, %parallel_loop3A_430 : vector<16xf32>
        %parallel_loop3A_468 = arith.index_cast %parallel_loop3A_343 : i32 to index
        %parallel_loop3A_469 = arith.constant 112 : index
        %parallel_loop3A_470 = tpu.vector_load %arg16[%parallel_loop3A_468, %parallel_loop3A_469] {strides = array<i32>} : memref<64x144xf32, #tpu.memory_space<vmem>>, vector<16xf32>,
        tpu.vector_store %arg16[%parallel_loop3A_468, %parallel_loop3A_469], %parallel_loop3A_467 {strides = array<i32>} : memref<64x144xf32, #tpu.memory_space<vmem>>, vector<16xf32>,
        %parallel_loop3A_471 = arith.constant 0.000000e+00 : f32
        %parallel_loop3A_472 = vector.broadcast %parallel_loop3A_471 : f32 to vector<16xf32>
        %parallel_loop3A_473 = arith.select %eq3A_30, %parallel_loop3A_430, %parallel_loop3A_472 : vector<16xi1>, vector<16xf32>
        %parallel_loop3A_474 = arith.index_cast %parallel_loop3A_343 : i32 to index
        %parallel_loop3A_475 = arith.constant 128 : index
        %parallel_loop3A_476 = tpu.vector_load %arg16[%parallel_loop3A_474, %parallel_loop3A_475] {strides = array<i32>} : memref<64x144xf32, #tpu.memory_space<vmem>>, vector<16xf32>,
        tpu.vector_store %arg16[%parallel_loop3A_474, %parallel_loop3A_475], %parallel_loop3A_473 {strides = array<i32>} : memref<64x144xf32, #tpu.memory_space<vmem>>, vector<16xf32>,
      } {sc.loop_unroll_factor = 4 : i64, sc.parallel_access}
      %dma_start3A_340 = arith.constant 0 : i32
      %dma_start3A_341 = arith.constant 0 : i32
      %dma_start3A_342 = tpu.memref_slice %arg18[%dma_start3A_340, %dma_start3A_341] : memref<10048x144xf32, #tpu.memory_space<vmem_shared>> -> memref<10048x144xf32, #tpu.memory_space<vmem_shared>>
      tpu.enqueue_indirect_dma source(%arg16 : memref<64x144xf32, #tpu.memory_space<vmem>>) target(%dma_start3A_342 : memref<10048x144xf32, #tpu.memory_space<vmem_shared>>) offsets(%arg10 : memref<64xi32, #tpu.memory_space<vmem>>) semaphore(%arg24 : memref<!tpu.dma_semaphore, #tpu.memory_space<semaphore_mem>>) {add = true}
    }
    %scan3A_97 = arith.constant 81 : i32
    %dma_wait3A = arith.constant 0 : i32
    %dma_wait3A_98 = arith.constant 0 : i32
    %dma_wait3A_99 = tpu.memref_slice %arg18[%dma_wait3A, %dma_wait3A_98] : memref<10048x144xf32, #tpu.memory_space<vmem_shared>> -> memref<10048x144xf32, #tpu.memory_space<vmem_shared>>
    tpu.wait_indirect_dma semaphore(%arg23 : memref<!tpu.dma_semaphore, #tpu.memory_space<semaphore_mem>>) src(%arg15 : memref<64x144xf32, #tpu.memory_space<vmem>>) dst(%dma_wait3A_99 : memref<10048x144xf32, #tpu.memory_space<vmem_shared>>)
    %dma_wait3A_100 = arith.constant 0 : i32
    %dma_wait3A_101 = arith.constant 0 : i32
    %dma_wait3A_102 = tpu.memref_slice %arg18[%dma_wait3A_100, %dma_wait3A_101] : memref<10048x144xf32, #tpu.memory_space<vmem_shared>> -> memref<10048x144xf32, #tpu.memory_space<vmem_shared>>
    tpu.wait_indirect_dma semaphore(%arg24 : memref<!tpu.dma_semaphore, #tpu.memory_space<semaphore_mem>>) src(%arg16 : memref<64x144xf32, #tpu.memory_space<vmem>>) dst(%dma_wait3A_102 : memref<10048x144xf32, #tpu.memory_space<vmem_shared>>)
    %dma_wait3A_103 = arith.constant 0 : i32
    %dma_wait3A_104 = arith.constant 0 : i32
    %dma_wait3A_105 = tpu.memref_slice %arg7[%dma_wait3A_103, %dma_wait3A_104] : memref<2x64xi32, #tpu.memory_space<vmem>> -> memref<1x64xi32, #tpu.memory_space<vmem>>
    %dma_wait3A_106 = tpu.memref_squeeze %dma_wait3A_105 : memref<1x64xi32, #tpu.memory_space<vmem>> -> memref<64xi32, #tpu.memory_space<vmem>>
    %dma_wait3A_107 = arith.constant 0 : i32
    %dma_wait3A_108 = arith.constant 0 : i32
    %dma_wait3A_109 = tpu.memref_slice %arg2[%dma_wait3A_107, %dma_wait3A_108] : memref<10048x160xbf16, #tpu.memory_space<hbm>> -> memref<10048x160xbf16, #tpu.memory_space<hbm>>
    tpu.wait_indirect_dma semaphore(%arg19 : memref<!tpu.dma_semaphore, #tpu.memory_space<semaphore_mem>>) src(%dma_wait3A_109 : memref<10048x160xbf16, #tpu.memory_space<hbm>>) dst(%arg11 : memref<64x160xbf16, #tpu.memory_space<vmem>>)
    %dma_wait3A_110 = arith.constant 1 : i32
    %dma_wait3A_111 = arith.constant 0 : i32
    %dma_wait3A_112 = tpu.memref_slice %arg7[%dma_wait3A_110, %dma_wait3A_111] : memref<2x64xi32, #tpu.memory_space<vmem>> -> memref<1x64xi32, #tpu.memory_space<vmem>>
    %dma_wait3A_113 = tpu.memref_squeeze %dma_wait3A_112 : memref<1x64xi32, #tpu.memory_space<vmem>> -> memref<64xi32, #tpu.memory_space<vmem>>
    %dma_wait3A_114 = arith.constant 0 : i32
    %dma_wait3A_115 = arith.constant 0 : i32
    %dma_wait3A_116 = tpu.memref_slice %arg3[%dma_wait3A_114, %dma_wait3A_115] : memref<10048x128xbf16, #tpu.memory_space<hbm>> -> memref<10048x128xbf16, #tpu.memory_space<hbm>>
    tpu.wait_indirect_dma semaphore(%arg21 : memref<!tpu.dma_semaphore, #tpu.memory_space<semaphore_mem>>) src(%dma_wait3A_116 : memref<10048x128xbf16, #tpu.memory_space<hbm>>) dst(%arg13 : memref<64x128xbf16, #tpu.memory_space<vmem>>)
    %dma_wait3A_117 = arith.constant 0 : i32
    %dma_wait3A_118 = arith.constant 0 : i32
    %dma_wait3A_119 = tpu.memref_slice %arg4[%mul3A_43, %dma_wait3A_117, %dma_wait3A_118] : memref<5186x2x64xi32, #tpu.memory_space<hbm>> -> memref<1x2x64xi32, #tpu.memory_space<hbm>>
    %dma_wait3A_120 = tpu.memref_squeeze %dma_wait3A_119 : memref<1x2x64xi32, #tpu.memory_space<hbm>> -> memref<2x64xi32, #tpu.memory_space<hbm>>
    %dma_wait3A_121 = arith.constant 0 : i32
    %dma_wait3A_122 = arith.constant 0 : i32
    %dma_wait3A_123 = tpu.memref_slice %arg4[%mul3A_43, %dma_wait3A_121, %dma_wait3A_122] : memref<5186x2x64xi32, #tpu.memory_space<hbm>> -> memref<1x2x64xi32, #tpu.memory_space<hbm>>
    %dma_wait3A_124 = tpu.memref_squeeze %dma_wait3A_123 : memref<1x2x64xi32, #tpu.memory_space<hbm>> -> memref<2x64xi32, #tpu.memory_space<hbm>>
    tpu.wait_dma2 semaphore(%arg26 : memref<!tpu.dma_semaphore, #tpu.memory_space<semaphore_mem>>) src(%dma_wait3A_124 : memref<2x64xi32, #tpu.memory_space<hbm>>) dst(%arg8 : memref<2x64xi32, #tpu.memory_space<vmem>>)
    %barrier3A_125 = arith.constant 0 : index
    tpu.barrier barrier_id(%barrier3A_125)
    "tpu.region"() ({
      %run_scoped3A = tpu.sem_alloc : memref<!tpu.dma_semaphore, #tpu.memory_space<semaphore_mem>>
      %dma_start3A_126 = arith.constant 0 : i32
      %dma_start3A_127 = tpu.memref_slice %arg6[%arg0, %mul3A_7, %dma_start3A_126] : memref<2x10048x144xf32, #tpu.memory_space<hbm>> -> memref<1x628x144xf32, #tpu.memory_space<hbm>>
      %dma_start3A_128 = tpu.memref_squeeze %dma_start3A_127 : memref<1x628x144xf32, #tpu.memory_space<hbm>> -> memref<628x144xf32, #tpu.memory_space<hbm>>
      %dma_start3A_129 = arith.constant 0 : i32
      %dma_start3A_130 = tpu.memref_slice %arg18[%mul3A_7, %dma_start3A_129] : memref<10048x144xf32, #tpu.memory_space<vmem_shared>> -> memref<628x144xf32, #tpu.memory_space<vmem_shared>>
      tpu.enqueue_dma source(%dma_start3A_130 : memref<628x144xf32, #tpu.memory_space<vmem_shared>>) target(%dma_start3A_128 : memref<628x144xf32, #tpu.memory_space<hbm>>) target_semaphore(%run_scoped3A : memref<!tpu.dma_semaphore, #tpu.memory_space<semaphore_mem>>)
      %dma_wait3A_131 = arith.constant 0 : i32
      %dma_wait3A_132 = tpu.memref_slice %arg6[%arg0, %mul3A_7, %dma_wait3A_131] : memref<2x10048x144xf32, #tpu.memory_space<hbm>> -> memref<1x628x144xf32, #tpu.memory_space<hbm>>
      %dma_wait3A_133 = tpu.memref_squeeze %dma_wait3A_132 : memref<1x628x144xf32, #tpu.memory_space<hbm>> -> memref<628x144xf32, #tpu.memory_space<hbm>>
      %dma_wait3A_134 = arith.constant 0 : i32
      %dma_wait3A_135 = tpu.memref_slice %arg18[%mul3A_7, %dma_wait3A_134] : memref<10048x144xf32, #tpu.memory_space<vmem_shared>> -> memref<628x144xf32, #tpu.memory_space<vmem_shared>>
      tpu.wait_dma2 semaphore(%run_scoped3A : memref<!tpu.dma_semaphore, #tpu.memory_space<semaphore_mem>>) src(%dma_wait3A_135 : memref<628x144xf32, #tpu.memory_space<vmem_shared>>) dst(%dma_wait3A_133 : memref<628x144xf32, #tpu.memory_space<hbm>>)
      tpu.yield
    }) : () -> ()
    return
  }
}

module attributes {stable_mosaic.version = 14 : i64} {
  func.func @_enc_body(%arg0: i32, %arg1: memref<256x128xf32, #tpu.memory_space<vmem>>, %arg2: memref<128x128xf32, #tpu.memory_space<vmem>>, %arg3: memref<1x128xf32, #tpu.memory_space<vmem>>, %arg4: memref<256x160xbf16, #tpu.memory_space<vmem>>, %arg5: memref<256x128xbf16, #tpu.memory_space<vmem>>) attributes {dimension_semantics = [#tpu.dimension_semantics<arbitrary>], iteration_bounds = array<i64: 40>, scalar_prefetch = 0 : i64, scratch_operands = 0 : i64, tpu.core_type = #tpu.core_type<tc>, window_params = [{transform_indices = @transform_0, window_bounds = array<i64: 256, 128>}, {pipeline_mode = #tpu.pipeline_mode<synchronous>, transform_indices = @transform_1, window_bounds = array<i64: 128, 128>}, {pipeline_mode = #tpu.pipeline_mode<synchronous>, transform_indices = @transform_2, window_bounds = array<i64: 1, 128>}, {transform_indices = @transform_3, window_bounds = array<i64: 256, 160>}, {transform_indices = @transform_4, window_bounds = array<i64: 256, 128>}]} {
    %get3A = arith.constant 0 : index
    %get3A_0 = arith.constant 0 : index
    %get3A_1 = vector.load %arg1[%get3A, %get3A_0] : memref<256x128xf32, #tpu.memory_space<vmem>>, vector<256x128xf32>
    %get3A_2 = arith.constant 0 : index
    %get3A_3 = arith.constant 0 : index
    %get3A_4 = vector.load %arg2[%get3A_2, %get3A_3] : memref<128x128xf32, #tpu.memory_space<vmem>>, vector<128x128xf32>
    %dot_general3A = arith.constant dense<0.000000e+00> : vector<256x128xf32>
    %dot_general3A_5 = tpu.matmul %get3A_1, %get3A_4, %dot_general3A {dimension_numbers = #tpu.dot_dimension_numbers<[1], [1], [0], [0], [0, 0, 1, 0], [], []>, transpose_lhs_hint = false} : vector<256x128xf32>, vector<128x128xf32>, vector<256x128xf32> -> vector<256x128xf32>
    %get3A_6 = arith.constant 0 : index
    %get3A_7 = arith.constant 0 : index
    %get3A_8 = vector.load %arg3[%get3A_6, %get3A_7] : memref<1x128xf32, #tpu.memory_space<vmem>>, vector<1x128xf32>
    %add3A = vector.broadcast %get3A_8 : vector<1x128xf32> to vector<256x128xf32>
    %add3A_9 = arith.addf %dot_general3A_5, %add3A : vector<256x128xf32>
    %max3A = arith.constant 0.000000e+00 : f32
    %max3A_10 = vector.broadcast %max3A : f32 to vector<256x128xf32>
    %max3A_11 = arith.maximumf %add3A_9, %max3A_10 : vector<256x128xf32>
    %mul3A = arith.constant 256 : i32
    %mul3A_12 = arith.muli %arg0, %mul3A : i32
    %iota3A = tpu.iota {dimensions = array<i32: 0>} : vector<256x1xi32>
    %add3A_13 = vector.broadcast %mul3A_12 : i32 to vector<256x1xi32>
    %add3A_14 = arith.addi %add3A_13, %iota3A : vector<256x1xi32>
    %lt3A = arith.constant 10000 : i32
    %lt3A_15 = vector.broadcast %lt3A : i32 to vector<256x1xi32>
    %lt3A_16 = arith.cmpi slt, %add3A_14, %lt3A_15 : vector<256x1xi32>
    %jit3A = arith.constant 0.000000e+00 : f32
    %broadcast_in_dim3A = vector.shape_cast %lt3A_16 : vector<256x1xi1> to vector<256x1xi1>
    %broadcast_in_dim3A_17 = vector.broadcast %broadcast_in_dim3A : vector<256x1xi1> to vector<256x128xi1>
    %broadcast_in_dim3A_18 = vector.broadcast %jit3A : f32 to vector<256x128xf32>
    %select_n3A = arith.select %broadcast_in_dim3A_17, %max3A_11, %broadcast_in_dim3A_18 : vector<256x128xi1>, vector<256x128xf32>
    %mul3A_19 = arith.mulf %select_n3A, %select_n3A : vector<256x128xf32>
    %reduce_sum3A = arith.constant dense<0.000000e+00> : vector<256xf32>
    %reduce_sum3A_20 = vector.multi_reduction <add>, %mul3A_19, %reduce_sum3A [1] : vector<256x128xf32> to vector<256xf32>
    %broadcast_in_dim3A_21 = vector.shape_cast %reduce_sum3A_20 : vector<256xf32> to vector<256x1xf32>
    %sqrt3A = math.sqrt %broadcast_in_dim3A_21 : vector<256x1xf32>
    %max3A_22 = arith.constant 9.99999996E-13 : f32
    %max3A_23 = vector.broadcast %max3A_22 : f32 to vector<256x1xf32>
    %max3A_24 = arith.maximumf %sqrt3A, %max3A_23 : vector<256x1xf32>
    %div3A = arith.constant 1.000000e+00 : f32
    %div3A_25 = vector.broadcast %div3A : f32 to vector<256x1xf32>
    %div3A_26 = arith.divf %div3A_25, %max3A_24 : vector<256x1xf32>
    %broadcast_in_dim3A_27 = vector.shape_cast %div3A_26 : vector<256x1xf32> to vector<256x1xf32>
    %broadcast_in_dim3A_28 = vector.broadcast %broadcast_in_dim3A_27 : vector<256x1xf32> to vector<256x32xf32>
    %concatenate3A = tpu.concatenate %select_n3A, %broadcast_in_dim3A_28 in 1 : vector<256x128xf32>, vector<256x32xf32> -> vector<256x160xf32>
    %convert_element_type3A = arith.truncf %concatenate3A : vector<256x160xf32> to vector<256x160xbf16>
    %mul3A_29 = vector.broadcast %div3A_26 : vector<256x1xf32> to vector<256x128xf32>
    %mul3A_30 = arith.mulf %select_n3A, %mul3A_29 : vector<256x128xf32>
    %convert_element_type3A_31 = arith.truncf %mul3A_30 : vector<256x128xf32> to vector<256x128xbf16>
    %swap3A = arith.constant 0 : index
    %swap3A_32 = arith.constant 0 : index
    %swap3A_33 = vector.load %arg4[%swap3A, %swap3A_32] : memref<256x160xbf16, #tpu.memory_space<vmem>>, vector<256x160xbf16>
    tpu.vector_store %arg4[%swap3A, %swap3A_32], %convert_element_type3A {strides = array<i32>} : memref<256x160xbf16, #tpu.memory_space<vmem>>, vector<256x160xbf16>,
    %swap3A_34 = arith.constant 0 : index
    %swap3A_35 = arith.constant 0 : index
    %swap3A_36 = vector.load %arg5[%swap3A_34, %swap3A_35] : memref<256x128xbf16, #tpu.memory_space<vmem>>, vector<256x128xbf16>
    tpu.vector_store %arg5[%swap3A_34, %swap3A_35], %convert_element_type3A_31 {strides = array<i32>} : memref<256x128xbf16, #tpu.memory_space<vmem>>, vector<256x128xbf16>,
    return
  }
  func.func @transform_0(%arg0: i32) -> (i32, i32) {
    %c0_i32 = arith.constant 0 : i32
    %c0_i32_0 = arith.constant 0 : i32
    return %arg0, %c0_i32 : i32, i32
  }
  func.func @transform_1(%arg0: i32) -> (i32, i32) {
    %c0_i32 = arith.constant 0 : i32
    %c0_i32_0 = arith.constant 0 : i32
    %c0_i32_1 = arith.constant 0 : i32
    return %c0_i32, %c0_i32_0 : i32, i32
  }
  func.func @transform_2(%arg0: i32) -> (i32, i32) {
    %c0_i32 = arith.constant 0 : i32
    %c0_i32_0 = arith.constant 0 : i32
    %c0_i32_1 = arith.constant 0 : i32
    return %c0_i32, %c0_i32_0 : i32, i32
  }
  func.func @transform_3(%arg0: i32) -> (i32, i32) {
    %c0_i32 = arith.constant 0 : i32
    %c0_i32_0 = arith.constant 0 : i32
    return %arg0, %c0_i32 : i32, i32
  }
  func.func @transform_4(%arg0: i32) -> (i32, i32) {
    %c0_i32 = arith.constant 0 : i32
    %c0_i32_0 = arith.constant 0 : i32
    return %arg0, %c0_i32 : i32, i32
  }
}

module attributes {stable_mosaic.version = 14 : i64} {
  func.func @_comb_body(%arg0: i32, %arg1: memref<256x144xf32, #tpu.memory_space<vmem>>, %arg2: memref<256x144xf32, #tpu.memory_space<vmem>>, %arg3: memref<256x160xbf16, #tpu.memory_space<vmem>>, %arg4: memref<256x128xbf16, #tpu.memory_space<vmem>>) attributes {dimension_semantics = [#tpu.dimension_semantics<arbitrary>], iteration_bounds = array<i64: 40>, scalar_prefetch = 0 : i64, scratch_operands = 0 : i64, tpu.core_type = #tpu.core_type<tc>, window_params = [{transform_indices = @transform_0, window_bounds = array<i64: 256, 144>}, {transform_indices = @transform_1, window_bounds = array<i64: 256, 144>}, {transform_indices = @transform_2, window_bounds = array<i64: 256, 160>}, {transform_indices = @transform_3, window_bounds = array<i64: 256, 128>}]} {
    %get3A = arith.constant 0 : index
    %get3A_0 = arith.constant 0 : index
    %get3A_1 = vector.load %arg1[%get3A, %get3A_0] : memref<256x144xf32, #tpu.memory_space<vmem>>, vector<256x144xf32>
    %get3A_2 = arith.constant 0 : index
    %get3A_3 = arith.constant 0 : index
    %get3A_4 = vector.load %arg2[%get3A_2, %get3A_3] : memref<256x144xf32, #tpu.memory_space<vmem>>, vector<256x144xf32>
    %add3A = arith.addf %get3A_1, %get3A_4 : vector<256x144xf32>
    %slice3A = vector.extract_strided_slice %add3A {offsets = [0, 0], sizes = [256, 128], strides = [1, 1]} : vector<256x144xf32> to vector<256x128xf32>
    %slice3A_5 = vector.extract_strided_slice %add3A {offsets = [0, 128], sizes = [256, 1], strides = [1, 1]} : vector<256x144xf32> to vector<256x1xf32>
    %add3A_6 = arith.constant 1.000000e-16 : f32
    %add3A_7 = vector.broadcast %add3A_6 : f32 to vector<256x1xf32>
    %add3A_8 = arith.addf %slice3A_5, %add3A_7 : vector<256x1xf32>
    %div3A = vector.broadcast %add3A_8 : vector<256x1xf32> to vector<256x128xf32>
    %div3A_9 = arith.divf %slice3A, %div3A : vector<256x128xf32>
    %mul3A = arith.mulf %div3A_9, %div3A_9 : vector<256x128xf32>
    %reduce_sum3A = arith.constant dense<0.000000e+00> : vector<256xf32>
    %reduce_sum3A_10 = vector.multi_reduction <add>, %mul3A, %reduce_sum3A [1] : vector<256x128xf32> to vector<256xf32>
    %broadcast_in_dim3A = vector.shape_cast %reduce_sum3A_10 : vector<256xf32> to vector<256x1xf32>
    %sqrt3A = math.sqrt %broadcast_in_dim3A : vector<256x1xf32>
    %max3A = arith.constant 9.99999996E-13 : f32
    %max3A_11 = vector.broadcast %max3A : f32 to vector<256x1xf32>
    %max3A_12 = arith.maximumf %sqrt3A, %max3A_11 : vector<256x1xf32>
    %div3A_13 = arith.constant 1.000000e+00 : f32
    %div3A_14 = vector.broadcast %div3A_13 : f32 to vector<256x1xf32>
    %div3A_15 = arith.divf %div3A_14, %max3A_12 : vector<256x1xf32>
    %broadcast_in_dim3A_16 = vector.shape_cast %div3A_15 : vector<256x1xf32> to vector<256x1xf32>
    %broadcast_in_dim3A_17 = vector.broadcast %broadcast_in_dim3A_16 : vector<256x1xf32> to vector<256x32xf32>
    %concatenate3A = tpu.concatenate %div3A_9, %broadcast_in_dim3A_17 in 1 : vector<256x128xf32>, vector<256x32xf32> -> vector<256x160xf32>
    %convert_element_type3A = arith.truncf %concatenate3A : vector<256x160xf32> to vector<256x160xbf16>
    %mul3A_18 = vector.broadcast %div3A_15 : vector<256x1xf32> to vector<256x128xf32>
    %mul3A_19 = arith.mulf %div3A_9, %mul3A_18 : vector<256x128xf32>
    %convert_element_type3A_20 = arith.truncf %mul3A_19 : vector<256x128xf32> to vector<256x128xbf16>
    %swap3A = arith.constant 0 : index
    %swap3A_21 = arith.constant 0 : index
    %swap3A_22 = vector.load %arg3[%swap3A, %swap3A_21] : memref<256x160xbf16, #tpu.memory_space<vmem>>, vector<256x160xbf16>
    tpu.vector_store %arg3[%swap3A, %swap3A_21], %convert_element_type3A {strides = array<i32>} : memref<256x160xbf16, #tpu.memory_space<vmem>>, vector<256x160xbf16>,
    %swap3A_23 = arith.constant 0 : index
    %swap3A_24 = arith.constant 0 : index
    %swap3A_25 = vector.load %arg4[%swap3A_23, %swap3A_24] : memref<256x128xbf16, #tpu.memory_space<vmem>>, vector<256x128xbf16>
    tpu.vector_store %arg4[%swap3A_23, %swap3A_24], %convert_element_type3A_20 {strides = array<i32>} : memref<256x128xbf16, #tpu.memory_space<vmem>>, vector<256x128xbf16>,
    return
  }
  func.func @transform_0(%arg0: i32) -> (i32, i32) {
    %c0_i32 = arith.constant 0 : i32
    %c0_i32_0 = arith.constant 0 : i32
    return %arg0, %c0_i32 : i32, i32
  }
  func.func @transform_1(%arg0: i32) -> (i32, i32) {
    %c0_i32 = arith.constant 0 : i32
    %c0_i32_0 = arith.constant 0 : i32
    return %arg0, %c0_i32 : i32, i32
  }
  func.func @transform_2(%arg0: i32) -> (i32, i32) {
    %c0_i32 = arith.constant 0 : i32
    %c0_i32_0 = arith.constant 0 : i32
    return %arg0, %c0_i32 : i32, i32
  }
  func.func @transform_3(%arg0: i32) -> (i32, i32) {
    %c0_i32 = arith.constant 0 : i32
    %c0_i32_0 = arith.constant 0 : i32
    return %arg0, %c0_i32 : i32, i32
  }
}

module attributes {stable_mosaic.version = 14 : i64} {
  func.func @_head_body(%arg0: i32, %arg1: memref<400x144xf32, #tpu.memory_space<vmem>>, %arg2: memref<400x144xf32, #tpu.memory_space<vmem>>, %arg3: memref<64x128xf32, #tpu.memory_space<vmem>>, %arg4: memref<1x64xf32, #tpu.memory_space<vmem>>, %arg5: memref<400x64xf32, #tpu.memory_space<vmem>>) attributes {dimension_semantics = [#tpu.dimension_semantics<arbitrary>], iteration_bounds = array<i64: 25>, scalar_prefetch = 0 : i64, scratch_operands = 0 : i64, tpu.core_type = #tpu.core_type<tc>, window_params = [{transform_indices = @transform_0, window_bounds = array<i64: 400, 144>}, {transform_indices = @transform_1, window_bounds = array<i64: 400, 144>}, {pipeline_mode = #tpu.pipeline_mode<synchronous>, transform_indices = @transform_2, window_bounds = array<i64: 64, 128>}, {pipeline_mode = #tpu.pipeline_mode<synchronous>, transform_indices = @transform_3, window_bounds = array<i64: 1, 64>}, {transform_indices = @transform_4, window_bounds = array<i64: 400, 64>}]} {
    %get3A = arith.constant 0 : index
    %get3A_0 = arith.constant 0 : index
    %get3A_1 = vector.load %arg1[%get3A, %get3A_0] : memref<400x144xf32, #tpu.memory_space<vmem>>, vector<400x144xf32>
    %get3A_2 = arith.constant 0 : index
    %get3A_3 = arith.constant 0 : index
    %get3A_4 = vector.load %arg2[%get3A_2, %get3A_3] : memref<400x144xf32, #tpu.memory_space<vmem>>, vector<400x144xf32>
    %add3A = arith.addf %get3A_1, %get3A_4 : vector<400x144xf32>
    %slice3A = vector.extract_strided_slice %add3A {offsets = [0, 0], sizes = [400, 128], strides = [1, 1]} : vector<400x144xf32> to vector<400x128xf32>
    %slice3A_5 = vector.extract_strided_slice %add3A {offsets = [0, 128], sizes = [400, 1], strides = [1, 1]} : vector<400x144xf32> to vector<400x1xf32>
    %add3A_6 = arith.constant 1.000000e-16 : f32
    %add3A_7 = vector.broadcast %add3A_6 : f32 to vector<400x1xf32>
    %add3A_8 = arith.addf %slice3A_5, %add3A_7 : vector<400x1xf32>
    %div3A = vector.broadcast %add3A_8 : vector<400x1xf32> to vector<400x128xf32>
    %div3A_9 = arith.divf %slice3A, %div3A : vector<400x128xf32>
    %get3A_10 = arith.constant 0 : index
    %get3A_11 = arith.constant 0 : index
    %get3A_12 = vector.load %arg3[%get3A_10, %get3A_11] : memref<64x128xf32, #tpu.memory_space<vmem>>, vector<64x128xf32>
    %dot_general3A = arith.constant dense<0.000000e+00> : vector<400x64xf32>
    %dot_general3A_13 = tpu.matmul %div3A_9, %get3A_12, %dot_general3A {dimension_numbers = #tpu.dot_dimension_numbers<[1], [1], [0], [0], [0, 0, 1, 0], [], []>, transpose_lhs_hint = false} : vector<400x128xf32>, vector<64x128xf32>, vector<400x64xf32> -> vector<400x64xf32>
    %get3A_14 = arith.constant 0 : index
    %get3A_15 = arith.constant 0 : index
    %get3A_16 = vector.load %arg4[%get3A_14, %get3A_15] : memref<1x64xf32, #tpu.memory_space<vmem>>, vector<1x64xf32>
    %add3A_17 = vector.broadcast %get3A_16 : vector<1x64xf32> to vector<400x64xf32>
    %add3A_18 = arith.addf %dot_general3A_13, %add3A_17 : vector<400x64xf32>
    %reduce_max3A = arith.constant dense<0xFF800000> : vector<400xf32>
    %reduce_max3A_19 = vector.multi_reduction <maximumf>, %add3A_18, %reduce_max3A [1] : vector<400x64xf32> to vector<400xf32>
    %broadcast_in_dim3A = vector.shape_cast %reduce_max3A_19 : vector<400xf32> to vector<400x1xf32>
    %sub3A = vector.broadcast %broadcast_in_dim3A : vector<400x1xf32> to vector<400x64xf32>
    %sub3A_20 = arith.subf %add3A_18, %sub3A : vector<400x64xf32>
    %exp3A = math.exp %sub3A_20 : vector<400x64xf32>
    %reduce_sum3A = arith.constant dense<0.000000e+00> : vector<400xf32>
    %reduce_sum3A_21 = vector.multi_reduction <add>, %exp3A, %reduce_sum3A [1] : vector<400x64xf32> to vector<400xf32>
    %broadcast_in_dim3A_22 = vector.shape_cast %reduce_sum3A_21 : vector<400xf32> to vector<400x1xf32>
    %log3A = math.log %broadcast_in_dim3A_22 : vector<400x1xf32>
    %sub3A_23 = vector.broadcast %log3A : vector<400x1xf32> to vector<400x64xf32>
    %sub3A_24 = arith.subf %sub3A_20, %sub3A_23 : vector<400x64xf32>
    %swap3A = arith.constant 0 : index
    %swap3A_25 = arith.constant 0 : index
    %swap3A_26 = vector.load %arg5[%swap3A, %swap3A_25] : memref<400x64xf32, #tpu.memory_space<vmem>>, vector<400x64xf32>
    tpu.vector_store %arg5[%swap3A, %swap3A_25], %sub3A_24 {strides = array<i32>} : memref<400x64xf32, #tpu.memory_space<vmem>>, vector<400x64xf32>,
    return
  }
  func.func @transform_0(%arg0: i32) -> (i32, i32) {
    %c0_i32 = arith.constant 0 : i32
    %c0_i32_0 = arith.constant 0 : i32
    return %arg0, %c0_i32 : i32, i32
  }
  func.func @transform_1(%arg0: i32) -> (i32, i32) {
    %c0_i32 = arith.constant 0 : i32
    %c0_i32_0 = arith.constant 0 : i32
    return %arg0, %c0_i32 : i32, i32
  }
  func.func @transform_2(%arg0: i32) -> (i32, i32) {
    %c0_i32 = arith.constant 0 : i32
    %c0_i32_0 = arith.constant 0 : i32
    %c0_i32_1 = arith.constant 0 : i32
    return %c0_i32, %c0_i32_0 : i32, i32
  }
  func.func @transform_3(%arg0: i32) -> (i32, i32) {
    %c0_i32 = arith.constant 0 : i32
    %c0_i32_0 = arith.constant 0 : i32
    %c0_i32_1 = arith.constant 0 : i32
    return %c0_i32, %c0_i32_0 : i32, i32
  }
  func.func @transform_4(%arg0: i32) -> (i32, i32) {
    %c0_i32 = arith.constant 0 : i32
    %c0_i32_0 = arith.constant 0 : i32
    return %arg0, %c0_i32 : i32, i32
  }
}

</mosaic_0001>

<sc_bundles>
// kernel: kernel.10.cloned.1.call-start
scs
__scs_entry_jumppad:
0x0: {  	(pc) =	sbr.rel $0x88, $3  }
0x1: {  	(tag) =	ssettag $0x0;
	lr =	simm.s32 $0x1  }
0x2: {  	[smem:$0x3F9A] =	sst lr;
	_ =	strace $0xD0000000  }
0x3: {  	_ = 	snop  }
0x4: {  	_ = 	snop  }
0x5: {  	_ = 	snop  }
0x6: {  	_ = 	snop  }
0x7: {  	_ = 	snop  }
__scs_overlays_trampoline_lowered:
0x8: {  	[smem:$0x3FA9] =	sst s0  }
0x9: {  	[smem:$0x3FAA] =	sst s1  }
0xa: {  	[smem:$0x3FAB] =	sst s2  }
0xb: {  	[smem:$0x3FAC] =	sst s3  }
0xc: {  	[smem:$0x3FAD] =	sst s4  }
0xd: {  	[smem:$0x3FAE] =	sst s5  }
0xe: {  	[smem:$0x3FAF] =	sst s6  }
0xf: {  	[smem:$0x3FB0] =	sst s7  }
0x10: {  	[smem:$0x3FB1] =	sst s8  }
0x11: {  	[smem:$0x3FB2] =	sst s9;
	s0 =	simm.s32 @!p0 $0x0  }
0x12: {  	s1 =	sld [smem:$0x3F98];
	s0 =	simm.s32 @p0 $0x1  }
0x13: {  	[smem:$0x3FB3] =	sst s0;
	s0 =	simm.s32 @!p1 $0x0  }
0x14: {  	s2 =	sld [smem:$0x3F97];
	s0 =	simm.s32 @p1 $0x1  }
0x15: {  	[smem:$0x3FB4] =	sst s0;
	s0 =	simm.s32 @!p2 $0x0  }
0x16: {  	s3 =	sld [smem:$0x3FDB];
	s0 =	simm.s32 @p2 $0x1  }
0x17: {  	s4 =	simm.s32 $0x1BF5;
	[smem:$0x3FB6] =	sst s0  }
0x18: {  	s0 =	sld [smem:$0x3F99];
	_ =	swait.ge [sflag:s4], $0x0  }
0x19: {  	s7 =	sld [smem:$0x3F9A]  }
0x1a: {  	s8 =	sadd.s32 $0xFFFFE003, lr  }
0x1b: {  	s9 =	sadd.s32 $0xFFFFFEF7, lr;
	s5 =	simm.s32 $0xFFFFFFFF;
	p2 =	slt.u32 s8, $0xFFFFF086  }
0x1c: {  	p1 =	slt.u32 s9, $0xF7A;
	s5 =	simm.s32 @!p2 $0x0  }
0x1d: {  	s5 =	simm.s32 @p1 $0x1;
	p0 =	seq.s32 s7, s2  }
0x1e: {  	s7 =	smul.u32 @!p0 $0xF7A, s2;
	p2 =	seq.s32 @!p0 s5, $0x0  }
0x1f: {  	s9 =	smul.u32 $0xF7A, s1;
	s8 =	simm.s32 @!p0 $0x1BF5;
	p2 =	por !p2, p0  }
0x20: {  	[sflag:s8] =	ssyncset.s32 @!p0 $0xFFFFF086;
	s6 =	sadd.s32 @!p0 s3, s7;
	s7 =	simm.s32 @!p0 $0x108  }
0x21: {  	s3 =	sadd.s32 s3, s9;
	s6 =	sadd.s32 @!p0 $0x88, s6;
	s7 =	simm.s32 @p2 $0x1082  }
0x22: {  	[simem:s7], [sflag:s8] =	dma.local @!p0 [hbm:s6], $0xF7A  }
0x23: {  	s9 =	sor.u32 $0xD0000000, s2;
	s6 =	simm.s32 $0x108;
	_ =	swait.ge @!p0 [sflag:s8], $0x0  }
0x24: {  	s3 =	sadd.s32 $0x88, s3;
	s6 =	simm.s32 @!p1 $0x1082;
	[sflag:s4] =	ssyncset.s32 $0xFFFFF086  }
0x25: {  	[simem:s6], [sflag:s4] =	dma.local [hbm:s3], $0xF7A  }
0x26: {  	[smem:$0x3F9A] =	sst s1;
	(tag) =	ssettag s2;
	_ =	strace s9  }
0x27: {  	s1 =	sld [smem:$0x3FAA]  }
0x28: {  	s2 =	sld [smem:$0x3FAB]  }
0x29: {  	s4 =	sld [smem:$0x3FAD]  }
0x2a: {  	p0 =	seq.s32 s5, $0x0;
	s5 =	sld [smem:$0x3FAE]  }
0x2b: {  	s6 =	sld [smem:$0x3FAF]  }
0x2c: {  	s7 =	sld [smem:$0x3FB0]  }
0x2d: {  	s3 =	simm.s32 $0x108;
	s8 =	sld [smem:$0x3FB1]  }
0x2e: {  	s3 =	simm.s32 @!p0 $0x1082;
	s9 =	sld [smem:$0x3FB2]  }
0x2f: {  	lr =	sadd.s32 s0, s3;
	s0 =	sld [smem:$0x3FA9]  }
0x30: {  	s3 =	sld [smem:$0x3FAC]  }
0x31: {  	[smem:$0x3FB5] =	sst s10  }
0x32: {  	s10 =	sld [smem:$0x3FB3];
	_ =	sdelay $0x3  }
0x33: {  	p0 =	seq.s32 s10, $0x1;
	s10 =	sld [smem:$0x3FB5];
	_ =	sdelay $0x3  }
0x34: {  	[smem:$0x3FB5] =	sst s10  }
0x35: {  	s10 =	sld [smem:$0x3FB4];
	_ =	sdelay $0x3  }
0x36: {  	p1 =	seq.s32 s10, $0x1;
	s10 =	sld [smem:$0x3FB5];
	_ =	sdelay $0x3  }
0x37: {  	[smem:$0x3FB5] =	sst s10  }
0x38: {  	s10 =	sld [smem:$0x3FB6]  }
0x39: {  	_ = 	snop;
	(pc) =	sbr.ind lr, $3  }
0x3a: {  	_ = 	snop  }
0x3b: {  	_ = 	snop  }
0x3c: {  	p2 =	seq.s32 s10, $0x1;
	s10 =	sld [smem:$0x3FB5]  }
0x3d: {  	_ =	shalt  }
0x3e: {  	_ =	shalt  }
0x3f: {  	_ =	shalt  }
0x40: {  	_ =	shalt  }
0x41: {  	_ =	shalt  }
0x42: {  	_ =	shalt  }
0x43: {  	_ =	shalt  }
0x44: {  	_ =	shalt  }
0x45: {  	_ =	shalt  }
0x46: {  	_ =	shalt  }
0x47: {  	_ =	shalt  }
0x48: {  	_ =	shalt  }
0x49: {  	_ =	shalt  }
0x4a: {  	_ =	shalt  }
0x4b: {  	_ =	shalt  }
0x4c: {  	_ =	shalt  }
0x4d: {  	_ =	shalt  }
0x4e: {  	_ =	shalt  }
0x4f: {  	_ =	shalt  }
0x50: {  	_ =	shalt  }
0x51: {  	_ =	shalt  }
0x52: {  	_ =	shalt  }
0x53: {  	_ =	shalt  }
0x54: {  	_ =	shalt  }
0x55: {  	_ =	shalt  }
0x56: {  	_ =	shalt  }
0x57: {  	_ =	shalt  }
0x58: {  	_ =	shalt  }
0x59: {  	_ =	shalt  }
0x5a: {  	_ =	shalt  }
0x5b: {  	_ =	shalt  }
0x5c: {  	_ =	shalt  }
0x5d: {  	_ =	shalt  }
0x5e: {  	_ =	shalt  }
0x5f: {  	_ =	shalt  }
0x60: {  	_ =	shalt  }
0x61: {  	_ =	shalt  }
0x62: {  	_ =	shalt  }
0x63: {  	_ =	shalt  }
0x64: {  	_ =	shalt  }
0x65: {  	_ =	shalt  }
0x66: {  	_ =	shalt  }
0x67: {  	_ =	shalt  }
0x68: {  	_ =	shalt  }
0x69: {  	_ =	shalt  }
0x6a: {  	_ =	shalt  }
0x6b: {  	_ =	shalt  }
0x6c: {  	_ =	shalt  }
0x6d: {  	_ =	shalt  }
0x6e: {  	_ =	shalt  }
0x6f: {  	_ =	shalt  }
0x70: {  	_ =	shalt  }
0x71: {  	_ =	shalt  }
0x72: {  	_ =	shalt  }
0x73: {  	_ =	shalt  }
0x74: {  	_ =	shalt  }
0x75: {  	_ =	shalt  }
0x76: {  	_ =	shalt  }
0x77: {  	_ =	shalt  }
0x78: {  	_ =	shalt  }
0x79: {  	_ =	shalt  }
0x7a: {  	_ =	shalt  }
0x7b: {  	_ =	shalt  }
0x7c: {  	_ =	shalt  }
0x7d: {  	_ =	shalt  }
0x7e: {  	_ =	shalt  }
0x7f: {  	_ =	shalt  }
0x80: {  	_ =	shalt  }
0x81: {  	_ =	shalt  }
0x82: {  	_ =	shalt  }
0x83: {  	_ =	shalt  }
0x84: {  	_ =	shalt  }
0x85: {  	_ =	shalt  }
0x86: {  	_ =	shalt  }
0x87: {  	_ =	shalt  }
.Lfunc_end0:
.L_simem_size_0:
called_computation.1_lowered:
.L_overlay_start_0:
0x88: {  	s2 =	sld [smem:$0x3FD9]  }
0x89: {  	s3 =	sld [smem:$0x3FFE];
	_ =	sdelay $0x1  }
0x8a: {  	s1 =	srdreg.scid  }
0x8b: {  	s0 =	sand.u32 $0x1, s1  }
0x8c: {  	s17 =	sshll.u32 s0, $0xA;
	s2 =	sadd.s32 s3, s2  }
0x8d: {  	s2 =	sadd.s32 s2, s17  }
0x8e: {  	[smem:$0x3FC1] =	sst s2  }
0x8f: {  	_ = 	snop  }
0x90: {  	s2 =	sld [smem:$0x3FD0];
	(tm) =	ssettm $0x1  }
0x91: {  	s18 =	sld [smem:$0x3FFB];
	_ =	sdelay $0x3  }
0x92: {  	_ =	strace s18  }
0x93: {  	s3 =	sld [smem:$0x3FFC];
	_ =	sdelay $0x3  }
0x94: {  	_ =	strace s3  }
0x95: {  	s3 =	sld [smem:$0x3FFD];
	_ =	sdelay $0x3  }
0x96: {  	_ =	strace s3  }
0x97: {  	_ =	strace $0x8FFFFFFF  }
0x98: {  	s19 =	sld [smem:$0x3FDB];
	_ =	sdelay $0x1  }
0x99: {  	s4 =	simm.s32 $_scs_section_size  }
0x9a: {  	s5 =	simm.s32 $_size__tile_overlayer_lowered;
	s6 =	simm.s32 $_tile_overlayer_lowered  }
0x9b: {  	s22 =	simm.s32 $0x1BFF;
	s21 =	sshll.u32 s6, $0x1;
	s3 =	sadd.s32 s4, s19  }
0x9c: {  	s7 =	simm.s32 $0x0;
	s20 =	sshll.u32 s5, $0x1;
	s5 =	sadd.s32 s21, s3  }
0x9d: {  	[timem:s7], [sflag:s22] =	dma.local [hbm:s5], s20  }
0x9e: {  	_ =	swait.ge [sflag:s22], s20  }
0x9f: {  	s4 =	ssub.s32 $0x0, s20;
	[sflag:s22] =	ssyncset.done $0x0  }
0xa0: {  	[sflag:s22] =	ssyncadd.s32 s4;
	_ =	sdelay $0x1  }
0xa1: {  	s23 =	simm.s32 $0x1B8B  }
0xa2: {  	_ =	swait.ge [sflag:s23], $0x1  }
0xa3: {  	[sflag:s23] =	ssyncset.done $0x0  }
0xa4: {  	s25 =	simm.s32 $0x1B8E;
	s24 =	sld [smem:$0x3FFE];
	[sflag:s23] =	ssyncadd.s32 $0xFFFFFFFF  }
0xa5: {  	s26 =	simm.s32 $execute0_lowered;
	[smem:$0x3FD2] =	sst s25  }
0xa6: {  	s5 =	sshll.u32 s26, $0x1;
	_ =	strace $0x80000049;
	[dreg:$0x1] =	wrdreg $0xFFFFFFFF  }
0xa7: {  	s28 =	simm.s32 $_size_execute0_lowered;
	s3 =	sadd.s32 s3, s5;
	[dreg:$0x0] =	wrdreg $0x0  }
0xa8: {  	s5 =	sshll.u32 s28, $0x1;
	[dreg:$0x2] =	wrdreg s3  }
0xa9: {  	[dreg:$0x3] =	wrdreg s5  }
0xaa: {  	[dreg:$0x4] =	wrdreg $0xC0  }
0xab: {  	_ =	task [dreg:s7], $0x5FFFF  }
0xac: {  	[dreg:$0x1] =	wrdreg $0xFFFFFFFF  }
0xad: {  	[dreg:$0x0] =	wrdreg $0x60  }
0xae: {  	[dreg:$0x2] =	wrdreg s24  }
0xaf: {  	[dreg:$0x3] =	wrdreg s2  }
0xb0: {  	[dreg:$0x4] =	wrdreg $0x91900  }
0xb1: {  	[dreg:$0x5] =	wrdreg $0x9  }
0xb2: {  	_ =	task.clear_ibuf [dreg:s7], $0x6FFFF;
	_ =	strace $0x90000049  }
0xb3: {  	s29 =	simm.s32 $0x9;
	_ =	strace $0x8000004B  }
0xb4: {  	_ =	swait.ge [sflag:s29], $0x1  }
0xb5: {  	[sflag:s29] =	ssyncadd.s32 $0xFFFFFFFF  }
0xb6: {  	_ =	strace $0x9000004B  }
0xb7: {  	_ =	sfence  }
0xb8: {  	s30 =	sld [smem:$0x0];
	_ =	sdelay $0x2  }
0xb9: {  	s31 =	sshll.u32 s1, $0xD;
	s1 =	sshrl.u32 s1, $0x2  }
0xba: {  	s3 =	sand.u32 $0x4000, s31;
	s1 =	sadd.s32 s1, s30  }
0xbb: {  	s0 =	sor.u32 s3, s0;
	s1 =	sshll.u32 s1, $0x11  }
0xbc: {  	s0 =	sor.u32 s1, s0  }
0xbd: {  	s0 =	sadd.s32 $0x8F2B, s0  }
0xbe: {  	[sflag:s0] =	ssyncadd.remote.s32 $0x1  }
0xbf: {  	_ =	sfence.sel $0xFFFF  }
0xc0: {  	[dreg:$0x0] =	wrdreg $0xFFFFFFFF;
	(pc) =	sbr.abs _section_cstart, $3  }
0xc1: {  	[dreg:$0x1] =	wrdreg $0xFFFFFFFF  }
0xc2: {  	_ =	task.clear_ibuf [dreg:s7], $0x2FFFF;
	_ =	strace $0x9FFFFFFF  }
0xc3: {  	(tm) =	ssettm $0x7FFFFFFF  }
tec
execute0_lowered:
.L_overlay_start_1:
0x0: {  	(tag) =	ssettag $0x1  }
0x1: {  	s0 =	srdreg.scid  }
0x2: {  	s10 =	stileid.u32;
	s1 =	rddreg [dreg:$0x0]  }
0x3: {  	s2 =	rddreg [dreg:$0x1];
	s5 =	simm.s32 $0x0;
	s28 =	simm.s32 $0x80  }
0x4: {  	s29 =	simm.s32 $0x20;
	s30 =	simm.s32 $0x180;
	s31 =	simm.s32 $0xB80  }
0x5: {  	s12 =	simm.s32 $0x0;
	s0 =	sand.u32 $0x1, s0;
	s7 =	smul.u32 $0x16140, s10  }
0x6: {  	s3 =	sshll.u32 s10, $0x1;
	[smem:$0x7FF] =	sst s5;
	s10 =	smul.u32 $0x58500, s10  }
0x7: {  	s6 =	sadd.s32 $0x16000, s1;
	s11 =	sadd.s32 $0x2EA00, s1;
	s4 =	sor.u32 s0, s3  }
0x8: {  	s3 =	rddreg [dreg:$0x2];
	_ =	strace $0x8000004A;
	s10 =	sshrl.u32 s10, $0x2  }
0x9: {  	[dreg:$0x4] =	wrdreg s11;
	s13 =	sadd.s32 s7, s3;
	s16 =	sadd.s32 s10, s3  }
0xa: {  	s8 =	smul.u32 $0x161400, s0;
	[dreg:$0x5] =	wrdreg s13;
	s10 =	sadd.s32 $0x2400, s16  }
0xb: {  	v0 =	vimm.s32 $0xFEDCBA98;
	v1 =	vimm.s32 $0x76543210;
	s0 =	ssub.s32 $0x2, s0;
	s17 =	sadd.s32 $0x4800, s16;
	[dreg:$0x6] =	wrdreg s10  }
0xc: {  	v2 =	vimm.s32 $0xBA98FEDC;
	v3 =	vimm.s32 $0x32107654;
	s11 =	simm.s32 $0x6D80;
	s18 =	sadd.s32 $0x6C00, s16;
	[dreg:$0x7] =	wrdreg s17  }
0xd: {  	v4 =	vimm.s32 $0xDCFE98BA;
	v5 =	vimm.s32 $0x54761032;
	s4 =	smul.u32 $0xA20, s4;
	s19 =	sadd.s32 $0x9000, s16;
	[dreg:$0x8] =	wrdreg s18  }
0xe: {  	v6 =	vimm.s32 $0xEFCDAB89;
	v7 =	vimm.s32 $0x67452301;
	v0 =	vunpack.c.l.s4.s8 v0;
	s15 =	sshrl.u32 s0, $0x1;
	s20 =	sadd.s32 $0xB400, s16;
	[dreg:$0x9] =	wrdreg s19  }
0xf: {  	v1 =	vunpack.c.l.s4.s8 v1;
	v2 =	vunpack.c.l.s4.s8 v2;
	v3 =	vunpack.c.l.s4.s8 v3;
	s8 =	sadd.s32 s7, s8;
	s21 =	sadd.s32 $0xD800, s16;
	[dreg:$0xa] =	wrdreg s20  }
0x10: {  	v4 =	vunpack.c.l.s4.s8 v4;
	v5 =	vunpack.c.l.s4.s8 v5;
	v6 =	vunpack.c.l.s4.s8 v6;
	s0 =	ssub.s32 s0, s15;
	s22 =	sadd.s32 $0xFC00, s16;
	[dreg:$0xb] =	wrdreg s21  }
0x11: {  	v7 =	vunpack.c.l.s4.s8 v7;
	v0 =	vunpack.c.0.s8.s32 v0;
	v2 =	vunpack.c.0.s8.s32 v2;
	s9 =	sadd.s32 s4, s1;
	s23 =	sadd.s32 $0x12000, s16;
	[dreg:$0xc] =	wrdreg s22  }
0x12: {  	v3 =	vunpack.c.0.s8.s32 v3;
	v4 =	vunpack.c.0.s8.s32 v4;
	v5 =	vunpack.c.0.s8.s32 v5;
	s8 =	sshrl.u32 s8, $0x3;
	s7 =	sadd.s32 $0x14400, s16;
	[dreg:$0xd] =	wrdreg s23  }
0x13: {  	v6 =	vunpack.c.0.s8.s32 v6;
	v7 =	vunpack.c.0.s8.s32 v7;
	v1 =	vunpack.c.0.s8.s32 v1;
	s0 =	smax.u32 s0, $0x1;
	s8 =	sadd.s32 s8, s1;
	[dreg:$0xe] =	wrdreg s7  }
0x14: {  	v2 =	vcombine.low v3, v2;
	v3 =	vcombine.low v5, v4;
	v4 =	vand.u32 $0xF, v0;
	s24 =	sadd.s32 $0x1A00, s9;
	s25 =	sadd.s32 $0x1A10, s9;
	s20 =	sadd.s32 $0x1A20, s1  }
0x15: {  	v5 =	vcombine.low v7, v6;
	s21 =	sadd.s32 $0x1A30, s1;
	[dreg:$0x12] =	wrdreg s0;
	s1 =	simm.s32 $0x40;
	v63 =	vcombine.low v4, v1  }
0x16: {  	s0 =	simm.s32 $0x60;
	s7 =	simm.s32 $0x3180;
	s9 =	simm.s32 $0x8  }
0x17: {  	s17 =	simm.s32 $0x1;
	s18 =	simm.s32 $0x3;
	[dreg:$0xf] =	wrdreg s24;
	v1 =	vand.u32 $0xF, v2;
	v2 =	vand.u32 $0xF, v3;
	v3 =	vand.u32 $0xF, v5;
	[tilespmem:$0x1FFC0] =	vst v63  }
0x18: {  	s22 =	simm.s32 $0x7;
	s23 =	simm.s32 $0x2;
	[dreg:$0x10] =	wrdreg s25;
	[tilespmem:$0x1FFD0] =	vst v3  }
0x19: {  	s26 =	sadd.s32 $0x2EC00, s8;
	s24 =	simm.s32 $0x4980;
	s25 =	simm.s32 $0x9;
	[tilespmem:$0x1FFE0] =	vst v1  }
0x1a: {  	vm0 =	vmmov $0x1;
	v0 =	vimm.f32 $0.0e+00;
	s8 =	simm.s32 $0x4;
	[dreg:$0x11] =	wrdreg s26;
	s26 =	simm.s32 $0x2980;
	[tilespmem:$0x1FFF0] =	vst v2  }
.LBB2_1:
0x1b: {  	[dreg:$0x13] =	wrdreg s12;
	s10 =	simm.s32 $0x0;
	s12 =	simm.s32 $0x240  }
.LBB2_2:
0x1c: {  	p0 =	sne.s32 s12, $0x8DC0;
	[tilespmem:s10+$0x4A00] =	vst v0  }
0x1d: {  	[tilespmem:s10+$0x4980] =	vst v0  }
0x1e: {  	[tilespmem:s10+$0x4990] =	vst v0  }
0x1f: {  	[tilespmem:s10+$0x49A0] =	vst v0  }
.Ltmp0:
0x20: {  	[tilespmem:s10+$0x49B0] =	vst v0;
	(pc) =	sbr.rel @p0 .LBB2_2-.Ltmp0, $4  }
0x21: {  	[tilespmem:s10+$0x49C0] =	vst v0  }
0x22: {  	[tilespmem:s10+$0x49D0] =	vst v0  }
0x23: {  	[tilespmem:s10+$0x49E0] =	vst v0  }
0x24: {  	[tilespmem:s10+$0x49F0] =	vst v0;
	s10 =	sshra.s32 s12, $0x2;
	s12 =	sadd.s32 $0x240, s12  }
0x25: {  	[tilespmem:s10+$0x4A00] =	vst v0  }
0x26: {  	[tilespmem:s10+$0x4980] =	vst v0  }
0x27: {  	[tilespmem:s10+$0x4990] =	vst v0  }
0x28: {  	[tilespmem:s10+$0x49A0] =	vst v0  }
0x29: {  	[tilespmem:s10+$0x49B0] =	vst v0  }
0x2a: {  	[tilespmem:s10+$0x49C0] =	vst v0  }
0x2b: {  	[tilespmem:s10+$0x49D0] =	vst v0  }
0x2c: {  	[tilespmem:s10+$0x49E0] =	vst v0  }
0x2d: {  	[tilespmem:s10+$0x49F0] =	vst v0  }
0x2e: {  	[spmem:s13] =	stream.linear.scatter [tilespmem:s24], [sflag:$0x9], $0x2400, $0x38;
	[tilespmem:$0x1F2D0] =	vst v63  }
0x2f: {  	_ =	swait.ge [sflag:s25], $0x2400  }
0x30: {  	[sflag:s25] =	ssyncset.done $0x0  }
0x31: {  	s19 =	rddreg [dreg:$0x6];
	[sflag:s25] =	ssyncadd.s32 $0xFFFFDC00  }
0x32: {  	[spmem:s19] =	stream.linear.scatter [tilespmem:s24], [sflag:$0x9], $0x2400, $0x38;
	[tilespmem:$0x1F2D0] =	vst v63  }
0x33: {  	_ =	swait.ge [sflag:s25], $0x2400  }
0x34: {  	[sflag:s25] =	ssyncset.done $0x0  }
0x35: {  	s12 =	rddreg [dreg:$0x7];
	[sflag:s25] =	ssyncadd.s32 $0xFFFFDC00  }
0x36: {  	[spmem:s12] =	stream.linear.scatter [tilespmem:s24], [sflag:$0x9], $0x2400, $0x38;
	[tilespmem:$0x1F2D0] =	vst v63  }
0x37: {  	_ =	swait.ge [sflag:s25], $0x2400  }
0x38: {  	[sflag:s25] =	ssyncset.done $0x0  }
0x39: {  	s13 =	rddreg [dreg:$0x8];
	[sflag:s25] =	ssyncadd.s32 $0xFFFFDC00  }
0x3a: {  	[spmem:s13] =	stream.linear.scatter [tilespmem:s24], [sflag:$0x9], $0x2400, $0x38;
	[tilespmem:$0x1F2D0] =	vst v63  }
0x3b: {  	_ =	swait.ge [sflag:s25], $0x2400  }
0x3c: {  	[sflag:s25] =	ssyncset.done $0x0  }
0x3d: {  	s14 =	rddreg [dreg:$0x9];
	[sflag:s25] =	ssyncadd.s32 $0xFFFFDC00  }
0x3e: {  	[spmem:s14] =	stream.linear.scatter [tilespmem:s24], [sflag:$0x9], $0x2400, $0x38;
	[tilespmem:$0x1F2D0] =	vst v63  }
0x3f: {  	_ =	swait.ge [sflag:s25], $0x2400  }
0x40: {  	[sflag:s25] =	ssyncset.done $0x0  }
0x41: {  	s15 =	rddreg [dreg:$0xa];
	[sflag:s25] =	ssyncadd.s32 $0xFFFFDC00  }
0x42: {  	[spmem:s15] =	stream.linear.scatter [tilespmem:s24], [sflag:$0x9], $0x2400, $0x38;
	[tilespmem:$0x1F2D0] =	vst v63  }
0x43: {  	_ =	swait.ge [sflag:s25], $0x2400  }
0x44: {  	[sflag:s25] =	ssyncset.done $0x0  }
0x45: {  	s16 =	rddreg [dreg:$0xb];
	[sflag:s25] =	ssyncadd.s32 $0xFFFFDC00  }
0x46: {  	[spmem:s16] =	stream.linear.scatter [tilespmem:s24], [sflag:$0x9], $0x2400, $0x38;
	[tilespmem:$0x1F2D0] =	vst v63  }
0x47: {  	_ =	swait.ge [sflag:s25], $0x2400  }
0x48: {  	[sflag:s25] =	ssyncset.done $0x0  }
0x49: {  	s19 =	rddreg [dreg:$0xc];
	[sflag:s25] =	ssyncadd.s32 $0xFFFFDC00  }
0x4a: {  	[spmem:s19] =	stream.linear.scatter [tilespmem:s24], [sflag:$0x9], $0x2400, $0x38;
	[tilespmem:$0x1F2D0] =	vst v63  }
0x4b: {  	_ =	swait.ge [sflag:s25], $0x2400  }
0x4c: {  	[sflag:s25] =	ssyncset.done $0x0  }
0x4d: {  	s12 =	rddreg [dreg:$0xd];
	[sflag:s25] =	ssyncadd.s32 $0xFFFFDC00  }
0x4e: {  	[spmem:s12] =	stream.linear.scatter [tilespmem:s24], [sflag:$0x9], $0x2400, $0x38;
	[tilespmem:$0x1F2D0] =	vst v63  }
0x4f: {  	_ =	swait.ge [sflag:s25], $0x2400  }
0x50: {  	[sflag:s25] =	ssyncset.done $0x0  }
0x51: {  	s13 =	rddreg [dreg:$0xe];
	[sflag:s25] =	ssyncadd.s32 $0xFFFFDC00  }
0x52: {  	[spmem:s13] =	stream.linear.scatter [tilespmem:s24], [sflag:$0x9], $0x1D40, $0x38;
	[tilespmem:$0x1F2D0] =	vst v63  }
0x53: {  	_ =	swait.ge [sflag:s25], $0x1D40  }
0x54: {  	s15 =	simm.s32 $0x9180;
	[sflag:s25] =	ssyncset.done $0x0  }
0x55: {  	s12 =	simm.s32 $0x0;
	s14 =	rddreg [dreg:$0x4];
	[sflag:s25] =	ssyncadd.s32 $0xFFFFE2C0  }
0x56: {  	[tilespmem:s15], [sflag:$0x9] =	stream.linear.gather [hbm4b:s14+s12], $0x10, $0x38;
	[tilespmem:$0x1F2D0] =	vst v63  }
0x57: {  	_ =	swait.ge [sflag:s25], $0x10  }
0x58: {  	[sflag:s25] =	ssyncset.done $0x0  }
0x59: {  	[sflag:s25] =	ssyncadd.s32 $0xFFFFFFF0  }
0x5a: {  	[bflag:$0x0] =	sbarrier.arrive $0xFFFF  }
0x5b: {  	s16 =	rddreg [dreg:$0xf]  }
0x5c: {  	v0 =	vld [tilespmem:$0x9180];
	[tilespmem:s12], [sflag:$0x9] =	stream.linear.gather [hbm4b:s16+s12], $0x80, $0x38  }
0x5d: {  	_ =	swait.ge [sflag:s25], $0x80  }
0x5e: {  	[sflag:s25] =	ssyncset.done $0x0  }
0x5f: {  	s19 =	rddreg [dreg:$0x10];
	[sflag:s25] =	ssyncadd.s32 $0xFFFFFF80  }
0x60: {  	[tilespmem:s28], [sflag:$0x8] =	stream.linear.gather [hbm4b:s19+s12], $0x80, $0x38;
	[tilespmem:$0x1F2D0] =	vst v63  }
0x61: {  	_ = 	snop  }
0x62: {  	[tilespmem:s30], [sflag:$0x1] =	stream.indirect.gather [hbm4b:s6+s29], $0x50, s12, s29, $0xb8;
	[tilespmem:$0x1F2D0] =	vst v63  }
0x63: {  	_ = 	snop  }
0x64: {  	[tilespmem:s31], [sflag:$0x1] =	stream.indirect.gather [hbm4b:s6+s29], $0x50, s29, s29, $0xb8;
	[tilespmem:$0x1F2D0] =	vst v63  }
0x65: {  	[tilespmem:$0x1FFA0] =	vst v0  }
0x66: {  	v0 =	vand.u32 $0x7FFFFFFF, v0;
	[tilespmem:s26], [sflag:$0x3] =	stream.indirect.gather [hbm4b:s2+s29], $0x40, s1, s29, $0xb8;
	[tilespmem:$0x1F2D0] =	vst v63  }
0x67: {  	[tilespmem:$0x1FFB0] =	vst v0  }
0x68: {  	[tilespmem:s7], [sflag:$0x3] =	stream.indirect.gather [hbm4b:s2+s29], $0x40, s0, s29, $0xb8;
	[tilespmem:$0x1F2D0] =	vst v63  }
.LBB2_4:
0x69: {  	_ =	swait.ge [sflag:s9], $0x80  }
0x6a: {  	[sflag:s9] =	ssyncset.done $0x0  }
0x6b: {  	s10 =	simm.s32 $0x1580;
	[sflag:s9] =	ssyncadd.s32 $0xFFFFFF80  }
0x6c: {  	[tilespmem:s10], [sflag:$0x2] =	stream.indirect.gather [hbm4b:s6+s29], $0x50, s28, s29, $0xb8;
	[tilespmem:$0x1F2D0] =	vst v63  }
0x6d: {  	s15 =	simm.s32 $0xA0;
	s13 =	simm.s32 $0x1F80  }
0x6e: {  	[tilespmem:s13], [sflag:$0x2] =	stream.indirect.gather [hbm4b:s6+s29], $0x50, s15, s29, $0xb8;
	[tilespmem:$0x1F2D0] =	vst v63  }
0x6f: {  	s16 =	simm.s32 $0xC0;
	s19 =	simm.s32 $0x3980  }
0x70: {  	[tilespmem:s19], [sflag:$0x4] =	stream.indirect.gather [hbm4b:s2+s29], $0x40, s16, s29, $0xb8;
	[tilespmem:$0x1F2D0] =	vst v63  }
0x71: {  	s14 =	simm.s32 $0x4180;
	s13 =	simm.s32 $0xE0  }
0x72: {  	[tilespmem:s14], [sflag:$0x4] =	stream.indirect.gather [hbm4b:s2+s29], $0x40, s13, s29, $0xb8;
	[tilespmem:$0x1F2D0] =	vst v63  }
0x73: {  	_ =	swait.ge [sflag:s17], $0x1400  }
0x74: {  	[sflag:s17] =	ssyncset.done $0x0  }
0x75: {  	[sflag:s17] =	ssyncadd.s32 $0xFFFFEC00  }
0x76: {  	_ =	swait.ge [sflag:s18], $0x1000  }
0x77: {  	p0 =	seq.s32 s12, $0x0;
	[sflag:s18] =	ssyncset.done $0x0  }
0x78: {  	s10 =	simm.s32 @!p0 $0x5;
	[sflag:s18] =	ssyncadd.s32 $0xFFFFF000  }
0x79: {  	_ =	swait.ge @!p0 [sflag:s10], $0x2400  }
0x7a: {  	[sflag:s10] =	ssyncset.done @!p0 $0x0  }
0x7b: {  	[sflag:s10] =	ssyncadd.s32 @!p0 $0xFFFFDC00  }
0x7c: {  	v7 =	vld [tilespmem:$0x40]  }
0x7d: {  	v8 =	vld [tilespmem:$0x50]  }
0x7e: {  	v9 =	vld [tilespmem:$0x60]  }
0x7f: {  	v10 =	vld [tilespmem:$0x70];
	_ =	sdelay $0x1  }
0x80: {  	[tilespmem:$0x100] =	vst v7  }
0x81: {  	s15 =	sshll.u32 s12, $0x5;
	[tilespmem:$0x110] =	vst v8  }
0x82: {  	s13 =	sadd.s32 s4, s15;
	[tilespmem:$0x120] =	vst v9  }
0x83: {  	s15 =	simm.s32 $0x220;
	s10 =	sadd.s32 s13, s20;
	[tilespmem:$0x130] =	vst v10  }
0x84: {  	[tilespmem:s5], [sflag:$0x7] =	stream.linear.gather [hbm4b:s10+s5], $0x80, $0x38;
	[tilespmem:$0x1F2D0] =	vst v63  }
0x85: {  	v7 =	vld [tilespmem:s15+$0x50]  }
0x86: {  	v8 =	vld [tilespmem:s15+$0x60]  }
0x87: {  	v9 =	vld [tilespmem:s15+$0x70]  }
0x88: {  	s16 =	simm.s32 $0x2A00;
	v11 =	vld [tilespmem:s15+$0x80]  }
0x89: {  	v10 =	vld [tilespmem:s16+$0x40]  }
0x8a: {  	v12 =	vld [tilespmem:s16+$0x50]  }
0x8b: {  	v13 =	vld [tilespmem:s16+$0x60]  }
0x8c: {  	v14 =	vld [tilespmem:s16+$0x70]  }
0x8d: {  	v17 =	vld [tilespmem:s15+$0xFFFFFF70]  }
0x8e: {  	v15 =	vld [tilespmem:s15+$0xFFFFFF80]  }
0x8f: {  	v19 =	vld [tilespmem:s15+$0xFFFFFF90]  }
0x90: {  	v25 =	vld [tilespmem:s16+$0xFFFFFF80]  }
0x91: {  	v24 =	vld [tilespmem:s16+$0xFFFFFF90]  }
0x92: {  	v20 =	vld [tilespmem:s16+$0xFFFFFFA0]  }
0x93: {  	v26 =	vld [tilespmem:s16+$0xFFFFFFB0]  }
0x94: {  	v27 =	vld [tilespmem:s15+$0xFFFFFFB0];
	v10 =	vmul.bf16 v10, v7;
	v12 =	vmul.bf16 v12, v8  }
0x95: {  	v28 =	vld [tilespmem:s15+$0xFFFFFFC0];
	v13 =	vmul.bf16 v13, v9;
	v14 =	vmul.bf16 v14, v11  }
0x96: {  	v30 =	vld [tilespmem:s15+$0xFFFFFFD0]  }
0x97: {  	v33 =	vld [tilespmem:s15+$0xFFFFFFE0];
	v10 =	vadd.bf16 v12, v10;
	v12 =	vadd.bf16 v14, v13  }
0x98: {  	v21 =	vld [tilespmem:s16+$0xFFFFFFD0]  }
0x99: {  	v22 =	vld [tilespmem:s16+$0xFFFFFFE0];
	v10 =	vadd.bf16 v12, v10  }
0x9a: {  	v13 =	vld [tilespmem:s16+$0xFFFFFFC0]  }
0x9b: {  	v29 =	vld [tilespmem:s16+$0xFFFFFFF0];
	v12 =	vunpack.i.u.bf16.f32 v10;
	v10 =	vunpack.i.l.bf16.f32 v10  }
0x9c: {  	v34 =	vld [tilespmem:s15+$0x0];
	v18 =	vadd.f32 v10, v12  }
0x9d: {  	v36 =	vld [tilespmem:s15+$0x10];
	v16 =	vunpack.i.l.bf16.f32 v7  }
0x9e: {  	v38 =	vld [tilespmem:s15+$0x20];
	v0 =	vunpack.i.u.bf16.f32 v17;
	v35 =	vmul.bf16 v21, v28;
	v23 =	vperm.xlane v18, v63  }
0x9f: {  	v59 =	vunpack.i.l.bf16.f32 v17;
	v40 =	vmul.bf16 v22, v30;
	v32 =	vmul.bf16 v13, v27;
	v13 =	vld [tilespmem:s15+$0x30];
	[tilespmem:$0x1FF50] =	vst v0  }
0xa0: {  	v29 =	vmul.bf16 v29, v33;
	v60 =	vunpack.i.u.bf16.f32 v15;
	v39 =	vld [tilespmem:s16+$0x0];
	[tilespmem:$0x1FF40] =	vst v59;
	v31 =	vadd.f32 v23, v18  }
0xa1: {  	v6 =	vunpack.i.u.bf16.f32 v9;
	v9 =	vunpack.i.l.bf16.f32 v9;
	v61 =	vunpack.i.l.bf16.f32 v15;
	v41 =	vld [tilespmem:s16+$0x10];
	[tilespmem:$0x1FF70] =	vst v60  }
0xa2: {  	v29 =	vadd.bf16 v29, v40;
	[tilespmem:$0x1FF60] =	vst v61;
	v32 =	vadd.bf16 v35, v32;
	v37 =	vperm.xlane v31, v1  }
0xa3: {  	v42 =	vmul.bf16 v20, v15;
	v44 =	vunpack.i.u.bf16.f32 v19;
	v45 =	vmul.bf16 v26, v19;
	v15 =	vld [tilespmem:s15+$0xFFFFFF60]  }
0xa4: {  	v47 =	vunpack.i.l.bf16.f32 v19;
	v62 =	vld [tilespmem:s16+$0x20];
	v19 =	vadd.bf16 v29, v32;
	v31 =	vadd.f32 v37, v31  }
0xa5: {  	v17 =	vmul.bf16 v24, v17;
	v26 =	vunpack.i.u.bf16.f32 v27;
	v14 =	vunpack.i.u.bf16.f32 v7;
	[tilespmem:$0x1FF90] =	vst v44  }
0xa6: {  	v43 =	vld [tilespmem:s16+$0x30];
	v50 =	vunpack.i.u.bf16.f32 v19;
	v19 =	vunpack.i.l.bf16.f32 v19;
	v46 =	vperm.xlane v31, v2  }
0xa7: {  	v48 =	vadd.bf16 v45, v42;
	[tilespmem:$0x1FF80] =	vst v47;
	v29 =	vmul.bf16 v39, v34;
	v19 =	vadd.f32 v19, v50  }
0xa8: {  	v49 =	vld [tilespmem:s15+$0x90];
	v51 =	vmul.bf16 v41, v36;
	v25 =	vmul.bf16 v25, v15;
	v31 =	vadd.f32 v46, v31  }
0xa9: {  	v32 =	vunpack.i.l.bf16.f32 v28;
	v37 =	vmul.bf16 v62, v38;
	v54 =	vperm.xlane v19, v63  }
0xaa: {  	v40 =	vadd.bf16 v51, v29;
	v17 =	vadd.bf16 v17, v25;
	v52 =	vperm.xlane v31, v3  }
0xab: {  	v4 =	vld [tilespmem:$0x1FFA0];
	v53 =	vmul.bf16 v43, v13;
	v29 =	vunpack.i.l.bf16.f32 v27;
	v55 =	vadd.f32 v54, v19  }
0xac: {  	v25 =	vunpack.i.u.bf16.f32 v28;
	v17 =	vadd.bf16 v48, v17;
	v27 =	vadd.f32 v52, v31  }
0xad: {  	s19 =	simm.s32 $0x360;
	v5 =	vld [tilespmem:$0x1FFB0];
	v35 =	vunpack.i.l.bf16.f32 v49;
	v57 =	vperm.xlane v55, v1;
	v31 =	vadd.bf16 v53, v37  }
0xae: {  	s14 =	simm.s32 $0x2B00;
	v42 =	vld [tilespmem:s19+$0x50];
	v19 =	vunpack.i.u.bf16.f32 v17;
	v17 =	vunpack.i.l.bf16.f32 v17;
	v28 =	vmul.f32 v27, v35  }
0xaf: {  	v10 =	vunpack.i.u.bf16.f32 v8;
	v47 =	vld [tilespmem:s14+$0x50];
	v56 =	vadd.f32 v17, v19;
	v31 =	vadd.bf16 v31, v40  }
0xb0: {  	v12 =	vunpack.i.l.bf16.f32 v8;
	v41 =	vld [tilespmem:s15+$0xFFFFFFF0];
	v45 =	vadd.f32 v57, v55;
	v28 =	vmul.f32 v28, v4  }
0xb1: {  	v50 =	vld [tilespmem:s14+$0x70];
	v44 =	vperm.xlane v56, v63;
	v17 =	vunpack.i.u.bf16.f32 v31;
	v31 =	vunpack.i.l.bf16.f32 v31  }
0xb2: {  	v49 =	vld [tilespmem:s14+$0x60];
	v62 =	vperm.xlane v45, v2;
	v59 =	vadd.f32 v31, v17;
	v58 =	vsub.f32 v28, v5  }
0xb3: {  	v23 =	vunpack.i.l.bf16.f32 v11;
	v11 =	vunpack.i.u.bf16.f32 v11;
	v46 =	vld [tilespmem:s14+$0x40];
	v44 =	vadd.f32 v44, v56  }
0xb4: {  	v19 =	vld [tilespmem:s19+$0x60];
	v45 =	vadd.f32 v62, v45;
	v61 =	vperm.xlane v59, v63;
	v60 =	vmul.f32 $1.442695020e+00, v58  }
0xb5: {  	v27 =	vunpack.i.u.bf16.f32 v30;
	v17 =	vld [tilespmem:s19+$0x70];
	v31 =	vunpack.i.l.bf16.f32 v30;
	v48 =	vperm.xlane v44, v1  }
0xb6: {  	v30 =	vld [tilespmem:s19+$0x80];
	v53 =	vperm.xlane v45, v3;
	v43 =	vadd.f32 v61, v59;
	(erf) = vpow2.f32 v60  }
0xb7: {  	v39 =	vunpack.i.l.bf16.f32 v34;
	v41 =	vunpack.i.l.bf16.f32 v41;
	v44 =	vadd.f32 v48, v44  }
0xb8: {  	v51 =	vld [tilespmem:s15+$0xFFFFFFA0];
	v46 =	vmul.bf16 v46, v42;
	v45 =	vadd.f32 v53, v45;
	v52 =	vperm.xlane v43, v1  }
0xb9: {  	v55 =	vld [tilespmem:s19+$0xFFFFFF90];
	v40 =	vunpack.i.l.bf16.f32 v33;
	v47 =	vmul.bf16 v47, v19;
	v0 =	vperm.xlane v44, v2  }
0xba: {  	v57 =	vld [tilespmem:s14+$0xFFFFFFA0];
	v28 =	vunpack.i.u.bf16.f32 v33;
	v41 =	vmul.f32 v45, v41;
	v43 =	vadd.f32 v52, v43  }
0xbb: {  	v48 =	vld [tilespmem:s15+$0x40];
	v49 =	vmul.bf16 v49, v17;
	v50 =	vmul.bf16 v50, v30;
	v44 =	vadd.f32 v0, v44  }
0xbc: {  	v33 =	vunpack.i.u.bf16.f32 v34;
	v53 =	vld [tilespmem:s19+$0xFFFFFF80];
	v41 =	vmul.f32 v41, v4;
	v56 =	vperm.xlane v43, v2  }
0xbd: {  	v60 =	vadd.bf16 v47, v46;
	v46 =	vld [tilespmem:s19+$0x20];
	v61 =	vadd.bf16 v50, v49;
	v62 =	vperm.xlane v44, v3  }
0xbe: {  	v50 =	vunpack.i.l.bf16.f32 v51;
	v51 =	vld [tilespmem:s19+$0xFFFFFFB0];
	v41 =	vsub.f32 v41, v5;
	v43 =	vadd.f32 v56, v43  }
0xbf: {  	v34 =	vunpack.i.u.bf16.f32 v13;
	v49 =	vld [tilespmem:s19+$0xFFFFFFC0];
	v45 =	vadd.bf16 v61, v60;
	v47 =	vadd.f32 v62, v44;
	v58 =	vpop (erf)  }
0xc0: {  	v44 =	vld [tilespmem:s19+$0xFFFFFFD0];
	v62 =	vunpack.i.l.bf16.f32 v48;
	v0 =	vperm.xlane v43, v3;
	v21 =	vmul.f32 v11, v58  }
0xc1: {  	v48 =	vld [tilespmem:s14+$0xFFFFFFD0];
	v60 =	vunpack.i.l.bf16.f32 v45;
	v61 =	vmul.f32 v58, v14;
	v14 =	vmul.f32 v47, v50  }
0xc2: {  	v59 =	vmul.f32 v58, v16;
	v16 =	vunpack.i.u.bf16.f32 v45;
	v45 =	vld [tilespmem:s19+$0xFFFFFFE0];
	v43 =	vadd.f32 v0, v43  }
0xc3: {  	v16 =	vadd.f32 v60, v16;
	v0 =	vmul.f32 $1.442695020e+00, v41;
	v60 =	vld [tilespmem:s14+$0xFFFFFFC0];
	v14 =	vmul.f32 v14, v4  }
0xc4: {  	v41 =	vunpack.i.l.bf16.f32 v13;
	v13 =	vmul.f32 v43, v62;
	v62 =	vmul.f32 v58, v10;
	v10 =	vld [tilespmem:s14+$0xFFFFFFE0]  }
0xc5: {  	v20 =	vmul.f32 v58, v12;
	(erf) = vpow2.f32 v0;
	v0 =	vld [tilespmem:s14+$0xFFFFFFF0];
	v14 =	vsub.f32 v14, v5  }
0xc6: {  	v56 =	vld [tilespmem:s14+$0xFFFFFFB0];
	v12 =	vmul.f32 v9, v58;
	v18 =	vmul.f32 v6, v58  }
0xc7: {  	v47 =	vld [tilespmem:s19+$0x10];
	v50 =	vperm.xlane v16, v63;
	v9 =	vmul.f32 $1.442695020e+00, v14  }
0xc8: {  	v11 =	vnsel vm0, $0x0, v58;
	v23 =	vmul.f32 v23, v58;
	v48 =	vmul.bf16 v48, v49;
	v58 =	vld [tilespmem:s14+$0x0]  }
0xc9: {  	v43 =	vld [tilespmem:s19+$0x30];
	v16 =	vadd.f32 v50, v16;
	(erf) = vpow2.f32 v9;
	v9 =	vmul.bf16 v60, v51  }
0xca: {  	v50 =	vld [tilespmem:s19+$0x0];
	v10 =	vmul.bf16 v10, v44;
	v0 =	vmul.bf16 v0, v45  }
0xcb: {  	v14 =	vperm.xlane v16, v1;
	v9 =	vadd.bf16 v48, v9;
	v48 =	vld [tilespmem:s14+$0x20]  }
0xcc: {  	v10 =	vadd.bf16 v0, v10;
	v0 =	vld [tilespmem:s14+$0x30]  }
0xcd: {  	v14 =	vadd.f32 v14, v16;
	v16 =	vld [tilespmem:s14+$0x10]  }
0xce: {  	v54 =	vld [tilespmem:s19+$0xFFFFFF70];
	v57 =	vmul.bf16 v57, v53;
	v56 =	vmul.bf16 v56, v55  }
0xcf: {  	s15 =	simm.s32 $0x4AA0;
	v52 =	vld [tilespmem:s14+$0xFFFFFF80]  }
0xd0: {  	[tilespmem:s15+$0x110] =	vst v11;
	v57 =	vadd.bf16 v56, v57;
	v56 =	vld [tilespmem:s19+$0xFFFFFF60];
	v63 =	vperm.xlane v14, v2;
	v9 =	vadd.bf16 v10, v9  }
0xd1: {  	[tilespmem:s15+$0x100] =	vst v21;
	v10 =	vld [tilespmem:s19+$0x90];
	v21 =	vmul.bf16 v48, v46;
	v48 =	vmul.bf16 v0, v43;
	v0 =	vunpack.i.l.bf16.f32 v17  }
0xd2: {  	v58 =	vmul.bf16 v58, v50;
	v14 =	vadd.f32 v63, v14;
	v63 =	vld [tilespmem:s14+$0xFFFFFF90];
	v7 =	vmul.bf16 v16, v47;
	[tilespmem:$0x1FF20] =	vst v0  }
0xd3: {  	v13 =	vmul.f32 v13, v4;
	[tilespmem:s15+$0x90] =	vst v59  }
0xd4: {  	v58 =	vadd.bf16 v7, v58;
	v7 =	vunpack.i.u.bf16.f32 v9;
	v9 =	vunpack.i.l.bf16.f32 v9;
	[tilespmem:s15+$0xA0] =	vst v61  }
0xd5: {  	v13 =	vsub.f32 v13, v5;
	v60 =	vadd.f32 v9, v7;
	v7 =	vunpack.i.u.bf16.f32 v53;
	v0 =	vld [tilespmem:$0x1FFC0];
	[tilespmem:s15+$0xB0] =	vst v20  }
0xd6: {  	[tilespmem:$0x1FF30] =	vst v7  }
0xd7: {  	v13 =	vmul.f32 $1.442695020e+00, v13;
	[tilespmem:s15+$0xC0] =	vst v62  }
0xd8: {  	v61 =	vmul.bf16 v52, v56;
	v52 =	vpop (erf);
	[tilespmem:s15+$0xD0] =	vst v12  }
0xd9: {  	(erf) = vpow2.f32 v13;
	v29 =	vmul.f32 v52, v29;
	[tilespmem:s15+$0xE0] =	vst v18  }
0xda: {  	v13 =	vperm.xlane v14, v3;
	v26 =	vmul.f32 v52, v26;
	[tilespmem:s15+$0xF0] =	vst v23  }
0xdb: {  	v18 =	vmul.f32 v52, v32;
	[tilespmem:s15+$0xFFFFFF70] =	vst v29  }
0xdc: {  	v8 =	vadd.f32 v13, v14;
	v59 =	vmul.f32 v52, v25;
	[tilespmem:s15+$0xFFFFFF80] =	vst v26  }
0xdd: {  	v11 =	vunpack.i.l.bf16.f32 v10;
	v9 =	vmul.bf16 v63, v54;
	[tilespmem:s15+$0xFFFFFF90] =	vst v18  }
0xde: {  	v20 =	vmul.f32 v8, v11;
	v8 =	vld [tilespmem:$0x1FF40];
	[tilespmem:s15+$0xFFFFFFA0] =	vst v59  }
0xdf: {  	v21 =	vadd.bf16 v48, v21;
	v48 =	vadd.bf16 v9, v61;
	v9 =	vld [tilespmem:$0x1FF50]  }
0xe0: {  	v22 =	vunpack.i.l.bf16.f32 v15;
	v6 =	vunpack.i.u.bf16.f32 v54;
	v13 =	vunpack.i.l.bf16.f32 v54;
	v54 =	vpop (erf)  }
0xe1: {  	v22 =	vmul.f32 v54, v22;
	_ =	sdelay $0x1  }
0xe2: {  	[tilespmem:s15+$0xFFFFFEE0] =	vst v22  }
0xe3: {  	v7 =	vunpack.i.l.bf16.f32 v53;
	v53 =	vmul.f32 v54, v9;
	v9 =	vld [tilespmem:$0x1FF60];
	_ =	sdelay $0x1  }
0xe4: {  	v24 =	vunpack.i.u.bf16.f32 v15;
	v15 =	vunpack.i.u.bf16.f32 v42;
	v37 =	vunpack.i.l.bf16.f32 v36  }
0xe5: {  	v42 =	vunpack.i.l.bf16.f32 v42;
	v35 =	vunpack.i.u.bf16.f32 v36;
	v36 =	vunpack.i.u.bf16.f32 v38  }
0xe6: {  	v38 =	vunpack.i.l.bf16.f32 v38;
	v16 =	vunpack.i.u.bf16.f32 v19;
	v19 =	vunpack.i.l.bf16.f32 v19  }
0xe7: {  	v61 =	vunpack.i.u.bf16.f32 v55;
	v62 =	vunpack.i.l.bf16.f32 v55;
	v55 =	vmul.f32 v9, v54;
	v9 =	vld [tilespmem:$0x1FF70]  }
0xe8: {  	v14 =	vunpack.i.u.bf16.f32 v17;
	v17 =	vunpack.i.l.bf16.f32 v30;
	v31 =	vmul.f32 v31, v52  }
0xe9: {  	v27 =	vmul.f32 v27, v52;
	v40 =	vmul.f32 v40, v52;
	v23 =	vnsel vm0, $0x0, v52  }
0xea: {  	v63 =	vadd.bf16 v57, v48;
	v57 =	vperm.xlane v60, v0;
	v22 =	vnsel vm0, $0x0, v54;
	[tilespmem:s15+$0xFFFFFFF0] =	vst v23  }
0xeb: {  	v21 =	vadd.bf16 v21, v58;
	v11 =	vunpack.i.u.bf16.f32 v51;
	v32 =	vunpack.i.l.bf16.f32 v49;
	[tilespmem:s15+$0xFFFFFF60] =	vst v22  }
0xec: {  	v58 =	vpop (erf);
	v20 =	vmul.f32 v20, v4;
	v48 =	vadd.f32 v57, v60;
	v57 =	vmul.f32 v9, v54;
	v9 =	vld [tilespmem:$0x1FF80]  }
0xed: {  	v39 =	vmul.f32 v58, v39;
	v25 =	vunpack.i.u.bf16.f32 v63;
	v29 =	vunpack.i.l.bf16.f32 v63  }
0xee: {  	v18 =	vmul.f32 v54, v24;
	v20 =	vsub.f32 v20, v5;
	v26 =	vadd.f32 v29, v25  }
0xef: {  	v29 =	vunpack.i.l.bf16.f32 v51;
	v51 =	vmul.f32 v54, v8;
	v8 =	vunpack.i.u.bf16.f32 v49;
	v49 =	vld [tilespmem:s19+$0xFFFFFFF0]  }
0xf0: {  	v35 =	vmul.f32 v58, v35;
	v20 =	vmul.f32 $1.442695020e+00, v20;
	[tilespmem:s15+$0xFFFFFEF0] =	vst v18;
	v18 =	vnsel vm0, $0x0, v58  }
0xf1: {  	v23 =	vunpack.i.u.bf16.f32 v21;
	v21 =	vunpack.i.l.bf16.f32 v21;
	v59 =	vmul.f32 v9, v54;
	v9 =	vld [tilespmem:$0x1FF90];
	[tilespmem:s15+$0x80] =	vst v18  }
0xf2: {  	v36 =	vmul.f32 v36, v58;
	v34 =	vmul.f32 v34, v58;
	v60 =	vadd.f32 v21, v23;
	[tilespmem:s15+$0xFFFFFF00] =	vst v51  }
0xf3: {  	v24 =	vunpack.i.u.bf16.f32 v45;
	(erf) = vpow2.f32 v20;
	v21 =	vperm.xlane v48, v1;
	[tilespmem:s15+$0xFFFFFF10] =	vst v53  }
0xf4: {  	v49 =	vunpack.i.l.bf16.f32 v49;
	v22 =	vperm.xlane v26, v0;
	v20 =	vperm.xlane v60, v0;
	[tilespmem:s15+$0xFFFFFF20] =	vst v55  }
0xf5: {  	v23 =	vunpack.i.l.bf16.f32 v45;
	v48 =	vadd.f32 v21, v48;
	v21 =	vunpack.i.l.bf16.f32 v44;
	[tilespmem:s15+$0xFFFFFF30] =	vst v57  }
0xf6: {  	v63 =	vadd.f32 v20, v60;
	v20 =	vunpack.i.l.bf16.f32 v50;
	v18 =	vunpack.i.u.bf16.f32 v44;
	[tilespmem:s15+$0xFFFFFFB0] =	vst v31  }
0xf7: {  	v44 =	vadd.f32 v22, v26;
	v26 =	vperm.xlane v48, v2;
	v22 =	vunpack.i.u.bf16.f32 v50;
	[tilespmem:s15+$0xFFFFFFC0] =	vst v27  }
0xf8: {  	v50 =	vmul.f32 v28, v52;
	v57 =	vperm.xlane v63, v1;
	v28 =	vunpack.i.u.bf16.f32 v47;
	[tilespmem:s15+$0xFFFFFFD0] =	vst v40  }
0xf9: {  	v31 =	vunpack.i.l.bf16.f32 v47;
	[tilespmem:s15+$0x0] =	vst v39;
	v55 =	vmul.f32 v38, v58;
	v48 =	vadd.f32 v26, v48  }
0xfa: {  	[tilespmem:s15+$0x30] =	vst v35;
	v35 =	vunpack.i.u.bf16.f32 v56;
	v39 =	vunpack.i.l.bf16.f32 v56;
	v0 =	vperm.xlane v44, v1  }
0xfb: {  	v60 =	vld [tilespmem:s19+$0xFFFFFFA0];
	[tilespmem:s15+$0xFFFFFF40] =	vst v59;
	v45 =	vadd.f32 v57, v63;
	v63 =	vmul.f32 v58, v33;
	v59 =	vperm.xlane v48, v3  }
0xfc: {  	[tilespmem:s15+$0x50] =	vst v36;
	v1 =	vmul.f32 v58, v37;
	v33 =	vunpack.i.l.bf16.f32 v46;
	v44 =	vadd.f32 v0, v44  }
0xfd: {  	[tilespmem:s15+$0xFFFFFFE0] =	vst v50;
	v37 =	vunpack.i.u.bf16.f32 v43;
	v0 =	vld [tilespmem:s19+$0x40];
	v54 =	vmul.f32 v9, v54;
	v48 =	vadd.f32 v59, v48  }
0xfe: {  	v57 =	vunpack.i.u.bf16.f32 v30;
	v30 =	vunpack.i.l.bf16.f32 v43;
	[tilespmem:s15+$0x40] =	vst v55;
	v53 =	vperm.xlane v44, v2  }
0xff: {  	v9 =	vunpack.i.u.bf16.f32 v46;
	v46 =	vpop (erf);
	[tilespmem:s15+$0xFFFFFF50] =	vst v54;
	v54 =	vperm.xlane v45, v2;
	v48 =	vmul.f32 v48, v49  }
0x100: {  	v43 =	vunpack.i.l.bf16.f32 v60;
	[tilespmem:s15+$0x10] =	vst v63;
	v63 =	vmul.f32 v41, v58;
	v59 =	vmul.f32 v57, v46  }
0x101: {  	[tilespmem:s15+$0x20] =	vst v1;
	v50 =	vadd.f32 v53, v44;
	v38 =	vadd.f32 v54, v45;
	v60 =	vmul.f32 v48, v4  }
0x102: {  	s16 =	simm.s32 $0x4CE0;
	v41 =	vnsel vm0, $0x0, v46;
	[tilespmem:s15+$0x60] =	vst v63;
	v36 =	vmul.f32 v46, v42;
	v45 =	vunpack.i.l.bf16.f32 v0  }
0x103: {  	s10 =	simm.s32 $0x4A0;
	s19 =	simm.s32 $0x4;
	[tilespmem:s16+$0x100] =	vst v59;
	v48 =	vperm.xlane v50, v3;
	v47 =	vperm.xlane v38, v3;
	v44 =	vsub.f32 v60, v5  }
.LBB2_5:
0x104: {  	v40 =	vld [tilespmem:s10+$0x50]  }
0x105: {  	[tilespmem:$0x1FEF0] =	vst v9;
	v9 =	vld [tilespmem:$0x1FFA0]  }
0x106: {  	v59 =	vld [tilespmem:$0x1FF20]  }
0x107: {  	v10 =	vld [tilespmem:$0x1FFB0]  }
0x108: {  	v53 =	vld [tilespmem:s10+$0xFFFFFF80]  }
0x109: {  	v56 =	vld [tilespmem:s10+$0xFFFFFFC0]  }
0x10a: {  	[tilespmem:s16+$0x110] =	vst v41;
	v12 =	vld [tilespmem:$0x1FFE0]  }
0x10b: {  	v41 =	vld [tilespmem:s10+$0x60]  }
0x10c: {  	v0 =	vmov v37;
	v37 =	vld [tilespmem:s10+$0x70]  }
0x10d: {  	v15 =	vmul.f32 v46, v15;
	v42 =	vadd.f32 v48, v50;
	v38 =	vadd.f32 v47, v38;
	v47 =	vld [tilespmem:s10+$0xFFFFFF70]  }
0x10e: {  	v19 =	vmul.f32 v46, v19;
	s14 =	sadd.s32 $0x100, s14;
	v44 =	vmul.f32 $1.442695020e+00, v44;
	[tilespmem:$0x1FF10] =	vst v0;
	v50 =	vld [tilespmem:s10+$0xFFFFFF90]  }
0x10f: {  	[tilespmem:s16+$0x90] =	vst v36;
	v0 =	vld [tilespmem:s14+$0xFFFFFFA0];
	v42 =	vmul.f32 v42, v43;
	v57 =	vmul.f32 v38, v45  }
0x110: {  	v38 =	vld [tilespmem:s10+$0x80];
	[tilespmem:s16+$0xA0] =	vst v15;
	(erf) = vpow2.f32 v44;
	v16 =	vmul.f32 v46, v16  }
0x111: {  	v44 =	vld [tilespmem:s14+$0x40];
	[tilespmem:s16+$0xB0] =	vst v19;
	v42 =	vmul.f32 v42, v9  }
0x112: {  	v45 =	vld [tilespmem:s14+$0x50];
	[tilespmem:s16+$0xC0] =	vst v16  }
0x113: {  	v43 =	vmul.f32 v57, v9;
	v60 =	vmul.f32 v59, v46;
	v48 =	vld [tilespmem:s14+$0x60];
	v42 =	vsub.f32 v42, v10  }
0x114: {  	[tilespmem:s15+$0x70] =	vst v34;
	v54 =	vmul.f32 v14, v46;
	v58 =	vunpack.i.l.bf16.f32 v40;
	v49 =	vld [tilespmem:s14+$0x70]  }
0x115: {  	v1 =	vunpack.i.l.bf16.f32 v37;
	v43 =	vsub.f32 v43, v10;
	[tilespmem:s16+$0xD0] =	vst v60;
	v60 =	vld [tilespmem:s14+$0xFFFFFF90];
	v42 =	vmul.f32 $1.442695020e+00, v42  }
0x116: {  	v57 =	vmul.f32 v17, v46;
	v63 =	vunpack.i.u.bf16.f32 v41;
	v2 =	vmul.bf16 v0, v53;
	[tilespmem:$0x1FF20] =	vst v1;
	v1 =	vld [tilespmem:s14+$0xFFFFFFB0]  }
0x117: {  	v34 =	vmovc v23;
	v23 =	vmovc v21;
	[tilespmem:$0x1FF00] =	vst v58;
	v36 =	vunpack.i.u.bf16.f32 v37;
	v52 =	vmul.f32 $1.442695020e+00, v43;
	v43 =	vld [tilespmem:s14+$0xFFFFFF80];
	(erf) = vpow2.f32 v42  }
0x118: {  	v21 =	vunpack.i.u.bf16.f32 v40;
	[tilespmem:$0x1FED0] =	vst v63;
	v58 =	vmovc v36;
	v40 =	vmul.bf16 v44, v40;
	v44 =	vld [tilespmem:s10+$0xFFFFFFD0];
	v59 =	vmul.bf16 v45, v41  }
0x119: {  	v19 =	vunpack.i.l.bf16.f32 v41;
	[tilespmem:$0x1FEE0] =	vst v58;
	v58 =	vld [tilespmem:s10+$0xFFFFFFE0];
	v37 =	vmul.bf16 v48, v37;
	v63 =	vmul.bf16 v49, v38;
	v41 =	vpop (erf)  }
0x11a: {  	[tilespmem:s16+$0xE0] =	vst v54;
	v54 =	vunpack.i.u.bf16.f32 v53;
	(erf) = vpow2.f32 v52;
	v52 =	vld [tilespmem:s10+$0xFFFFFFB0];
	v29 =	vmul.f32 v41, v29  }
0x11b: {  	[tilespmem:s16+$0xF0] =	vst v57;
	v40 =	vadd.bf16 v59, v40;
	v25 =	vmul.f32 v41, v11;
	v11 =	vld [tilespmem:$0x1FFD0];
	v37 =	vadd.bf16 v63, v37  }
0x11c: {  	v51 =	vunpack.i.l.bf16.f32 v38;
	v45 =	vunpack.i.l.bf16.f32 v53;
	v32 =	vmul.f32 v41, v32;
	v63 =	vld [tilespmem:$0x1FFC0];
	[tilespmem:s16+$0xFFFFFF70] =	vst v29  }
0x11d: {  	v27 =	vmovc v20;
	v48 =	vunpack.i.u.bf16.f32 v47;
	v53 =	vmul.f32 v41, v8;
	v37 =	vadd.bf16 v37, v40;
	v59 =	vld [tilespmem:s14+$0xFFFFFFC0];
	[tilespmem:s16+$0xFFFFFF80] =	vst v25  }
0x11e: {  	v36 =	vmovc v51;
	v49 =	vunpack.i.l.bf16.f32 v47;
	v57 =	vmul.bf16 v60, v47;
	v51 =	vmul.bf16 v1, v50;
	v60 =	vld [tilespmem:s14+$0xFFFFFFD0];
	[tilespmem:s16+$0xFFFFFF90] =	vst v32  }
0x11f: {  	v20 =	vmovc v18;
	v18 =	vmovc v62;
	v47 =	vnsel vm0, $0x0, v41;
	v3 =	vunpack.i.u.bf16.f32 v37;
	v37 =	vunpack.i.l.bf16.f32 v37;
	v62 =	vld [tilespmem:s14+$0xFFFFFFE0];
	[tilespmem:s16+$0xFFFFFFA0] =	vst v53  }
0x120: {  	v55 =	vunpack.i.l.bf16.f32 v50;
	v42 =	vunpack.i.u.bf16.f32 v50;
	v37 =	vadd.f32 v37, v3;
	v0 =	vld [tilespmem:s14+$0xFFFFFFF0];
	[tilespmem:s16+$0xFFFFFFF0] =	vst v47;
	v50 =	vpop (erf)  }
0x121: {  	v15 =	vmov v61;
	v61 =	vadd.bf16 v51, v2;
	v8 =	vld [tilespmem:s10+$0xFFFFFFF0];
	v39 =	vmul.f32 v50, v39  }
0x122: {  	v51 =	vunpack.i.u.bf16.f32 v44;
	v63 =	vperm.xlane v37, v63;
	v2 =	vmul.bf16 v59, v52;
	v59 =	vld [tilespmem:s10+$0x10]  }
0x123: {  	v25 =	vunpack.i.u.bf16.f32 v56;
	v32 =	vunpack.i.l.bf16.f32 v56;
	v56 =	vmul.bf16 v60, v56;
	v60 =	vld [tilespmem:s10+$0x20]  }
0x124: {  	v1 =	vunpack.i.l.bf16.f32 v44;
	v35 =	vmul.f32 v50, v35;
	[tilespmem:s16+$0xFFFFFEE0] =	vst v39;
	v39 =	vld [tilespmem:s10+$0x0];
	v37 =	vadd.f32 v63, v37  }
0x125: {  	v26 =	vunpack.i.u.bf16.f32 v52;
	v29 =	vunpack.i.l.bf16.f32 v52;
	v40 =	vpop (erf);
	v44 =	vmul.bf16 v62, v44;
	v62 =	vld [tilespmem:s10+$0x30]  }
0x126: {  	v52 =	vnsel vm0, $0x0, v40;
	[tilespmem:s16+$0xFFFFFEF0] =	vst v35;
	v35 =	vmul.f32 v50, v13;
	v13 =	vld [tilespmem:$0x1FFF0];
	v63 =	vperm.xlane v37, v12  }
0x127: {  	v16 =	vmovc v49;
	v46 =	vunpack.i.u.bf16.f32 v58;
	v53 =	vunpack.i.l.bf16.f32 v58;
	v49 =	vadd.bf16 v56, v2;
	v56 =	vld [tilespmem:s14+$0x0];
	[tilespmem:s16+$0x80] =	vst v52  }
0x128: {  	v3 =	vnsel vm0, $0x0, v50;
	v0 =	vmul.bf16 v0, v58;
	v58 =	vadd.f32 v63, v37;
	v63 =	vld [tilespmem:s14+$0x10]  }
0x129: {  	[tilespmem:s16+$0xFFFFFF60] =	vst v3;
	v4 =	vld [tilespmem:s14+$0x20];
	v37 =	vmul.f32 v50, v6  }
0x12a: {  	[tilespmem:s16+$0xFFFFFF00] =	vst v35;
	v35 =	vld [tilespmem:s10+$0x90];
	v8 =	vunpack.i.l.bf16.f32 v8;
	v0 =	vadd.bf16 v0, v44;
	v52 =	vunpack.i.u.bf16.f32 v59  }
0x12b: {  	v14 =	vmovc v48;
	v47 =	vunpack.i.l.bf16.f32 v59;
	v6 =	vld [tilespmem:s14+$0x30];
	v48 =	vunpack.i.u.bf16.f32 v60;
	v5 =	vperm.xlane v58, v13;
	[tilespmem:s16+$0xFFFFFF10] =	vst v37  }
0x12c: {  	v17 =	vmovc v45;
	v44 =	vunpack.i.l.bf16.f32 v60;
	v2 =	vunpack.i.u.bf16.f32 v39;
	v3 =	vunpack.i.l.bf16.f32 v39;
	v45 =	vld [tilespmem:s10+$0xFFFFFFA0]  }
0x12d: {  	v39 =	vmul.bf16 v56, v39;
	v5 =	vadd.f32 v5, v58;
	v58 =	vld [tilespmem:s10+$0xFFFFFF60];
	v59 =	vmul.bf16 v63, v59  }
0x12e: {  	v0 =	vadd.bf16 v0, v49;
	v49 =	vunpack.i.l.bf16.f32 v62;
	v4 =	vmul.bf16 v4, v60;
	v60 =	vld [tilespmem:$0x1FF30]  }
0x12f: {  	v37 =	vunpack.i.u.bf16.f32 v62;
	v63 =	vperm.xlane v5, v11;
	v39 =	vadd.bf16 v59, v39;
	v59 =	vld [tilespmem:$0x1FFC0]  }
0x130: {  	v56 =	vmul.f32 v7, v50;
	v7 =	vunpack.i.u.bf16.f32 v0;
	v0 =	vunpack.i.l.bf16.f32 v0  }
0x131: {  	v0 =	vadd.f32 v0, v7;
	v6 =	vmul.bf16 v6, v62;
	v5 =	vadd.f32 v63, v5  }
0x132: {  	v7 =	vunpack.i.l.bf16.f32 v35;
	v62 =	vmovc v55;
	v55 =	vmul.f32 v40, v28;
	v63 =	vmul.bf16 v43, v58  }
0x133: {  	[tilespmem:s16+$0xFFFFFF20] =	vst v56;
	v4 =	vadd.bf16 v6, v4;
	v56 =	vmul.f32 v60, v50;
	v5 =	vmul.f32 v5, v7  }
0x134: {  	v43 =	vunpack.i.l.bf16.f32 v45;
	v7 =	vadd.bf16 v57, v63;
	v6 =	vperm.xlane v0, v59  }
0x135: {  	v60 =	vmovc v54;
	v54 =	vld [tilespmem:s10+$0x40];
	v35 =	vunpack.i.u.bf16.f32 v58;
	v4 =	vadd.bf16 v4, v39;
	v5 =	vmul.f32 v5, v9  }
0x136: {  	v39 =	vunpack.i.l.bf16.f32 v58;
	v0 =	vadd.f32 v6, v0;
	v6 =	vadd.bf16 v61, v7  }
0x137: {  	v7 =	vunpack.i.u.bf16.f32 v4;
	v5 =	vsub.f32 v5, v10;
	v4 =	vunpack.i.l.bf16.f32 v4  }
0x138: {  	[tilespmem:s16+$0xFFFFFF30] =	vst v56;
	v56 =	vmul.f32 v18, v50;
	v4 =	vadd.f32 v4, v7;
	v58 =	vperm.xlane v0, v12  }
0x139: {  	[tilespmem:s16+$0x30] =	vst v55;
	v61 =	vunpack.i.u.bf16.f32 v6;
	v6 =	vunpack.i.l.bf16.f32 v6;
	v5 =	vmul.f32 $1.442695020e+00, v5  }
0x13a: {  	v28 =	vmovc v52;
	[tilespmem:$0x1FF30] =	vst v60;
	v45 =	vunpack.i.l.bf16.f32 v54;
	v7 =	vmul.f32 v15, v50;
	v6 =	vadd.f32 v6, v61  }
0x13b: {  	v18 =	vmovc v51;
	[tilespmem:s16+$0xFFFFFF40] =	vst v56;
	v50 =	vperm.xlane v4, v59;
	v0 =	vadd.f32 v58, v0;
	(erf) = vpow2.f32 v5  }
0x13c: {  	v15 =	vmovc v21;
	v21 =	vmov v1;
	[tilespmem:s16+$0xFFFFFF50] =	vst v7;
	v5 =	vmul.f32 v23, v41;
	v63 =	vperm.xlane v6, v59  }
0x13d: {  	v23 =	vmovc v53;
	v58 =	vmul.f32 v30, v40;
	v4 =	vadd.f32 v50, v4;
	v7 =	vperm.xlane v0, v13  }
0x13e: {  	s15 =	smov.u32 s16;
	v30 =	vmovc v49;
	v61 =	vmov v42;
	[tilespmem:s16+$0xFFFFFFB0] =	vst v5;
	v5 =	vmul.f32 v20, v41;
	v1 =	vadd.f32 v63, v6  }
0x13f: {  	[tilespmem:s15+$0x60] =	vst v58;
	v6 =	vmul.f32 v34, v41;
	v42 =	vperm.xlane v4, v12;
	v0 =	vadd.f32 v7, v0  }
0x140: {  	v20 =	vmovc v3;
	[tilespmem:s16+$0xFFFFFFC0] =	vst v5;
	v5 =	vmul.f32 v24, v41;
	v7 =	vmul.f32 v40, v27;
	v24 =	vmov v46  }
0x141: {  	v63 =	vld [tilespmem:$0x1FF10];
	v51 =	vperm.xlane v1, v12;
	[tilespmem:s16+$0xFFFFFFD0] =	vst v6;
	v54 =	vadd.f32 v42, v4;
	v53 =	vperm.xlane v0, v11  }
0x142: {  	v57 =	vld [tilespmem:$0x1FEF0];
	v4 =	vmul.f32 v40, v31;
	v12 =	vunpack.i.u.bf16.f32 v38;
	v31 =	vmovc v47;
	[tilespmem:s16+$0xFFFFFFE0] =	vst v5;
	v5 =	vmul.f32 v40, v22  }
0x143: {  	s19 =	sadd.s32 $0x4, s19;
	v60 =	vld [tilespmem:$0x1FF00];
	[tilespmem:s16+$0x0] =	vst v7;
	v1 =	vadd.f32 v51, v1;
	v56 =	vperm.xlane v54, v13;
	v0 =	vadd.f32 v53, v0  }
0x144: {  	p1 =	slt.u32 s19, $0x3C;
	v22 =	vmovc v2;
	v6 =	vmovc v14;
	[tilespmem:s16+$0x10] =	vst v5;
	v5 =	vmul.f32 v33, v40;
	v7 =	vmov v17;
	v17 =	vmov v36  }
.Ltmp1:
0x145: {  	[tilespmem:s16+$0x20] =	vst v4;
	v33 =	vmov v44;
	v27 =	vperm.xlane v1, v13;
	v46 =	vpop (erf);
	v0 =	vmul.f32 v0, v8;
	(pc) =	sbr.rel @p1 .LBB2_5-.Ltmp1, $4  }
0x146: {  	v34 =	vmul.f32 v63, v40;
	v13 =	vmovc v16;
	v38 =	vadd.f32 v56, v54;
	v4 =	vmul.f32 v12, v46  }
0x147: {  	s16 =	sadd.s32 $0x240, s16;
	[tilespmem:s15+$0x40] =	vst v5;
	v50 =	vadd.f32 v27, v1;
	v1 =	vmul.f32 v57, v40;
	v0 =	vmul.f32 v0, v9  }
0x148: {  	v14 =	vld [tilespmem:$0x1FEE0];
	v8 =	vmovc v25;
	v41 =	vnsel vm0, $0x0, v46;
	v36 =	vmul.f32 v46, v60;
	v47 =	vperm.xlane v38, v11;
	[tilespmem:s16+$0x100] =	vst v4  }
0x149: {  	s10 =	sadd.s32 $0x140, s10;
	v16 =	vld [tilespmem:$0x1FED0];
	v9 =	vmovc v48;
	v48 =	vperm.xlane v50, v11;
	v11 =	vmov v26;
	[tilespmem:s15+$0x50] =	vst v1;
	v44 =	vsub.f32 v0, v10  }
0x14a: {  	v49 =	vld [tilespmem:$0x1FFA0]  }
0x14b: {  	v0 =	vadd.f32 v48, v50  }
0x14c: {  	v2 =	vadd.f32 v47, v38;
	v47 =	vld [tilespmem:$0x1FFB0]  }
0x14d: {  	v1 =	vmul.f32 $1.442695020e+00, v44;
	v0 =	vmul.f32 v0, v43;
	_ =	sdelay $0x1  }
0x14e: {  	(erf) = vpow2.f32 v1;
	v0 =	vmul.f32 v0, v49  }
0x14f: {  	v42 =	vmul.f32 v2, v45  }
0x150: {  	v0 =	vsub.f32 v0, v47  }
0x151: {  	[tilespmem:s16+$0x110] =	vst v41;
	v1 =	vmul.f32 v42, v49  }
0x152: {  	[tilespmem:s15+$0x70] =	vst v34;
	v44 =	vmul.f32 v46, v19;
	v0 =	vmul.f32 $1.442695020e+00, v0  }
0x153: {  	[tilespmem:s16+$0x90] =	vst v36;
	v43 =	vmul.f32 v46, v15;
	v1 =	vsub.f32 v1, v47  }
0x154: {  	[tilespmem:s16+$0xB0] =	vst v44;
	v45 =	vmul.f32 v46, v16;
	(erf) = vpow2.f32 v0  }
0x155: {  	v48 =	vmul.f32 v14, v46;
	[tilespmem:s16+$0xA0] =	vst v43;
	v1 =	vmul.f32 $1.442695020e+00, v1  }
0x156: {  	v50 =	vmul.f32 v17, v46;
	v0 =	vld [tilespmem:$0x1FF20];
	[tilespmem:s16+$0xC0] =	vst v45  }
0x157: {  	[tilespmem:s16+$0xE0] =	vst v48;
	v3 =	vpop (erf);
	(erf) = vpow2.f32 v1  }
0x158: {  	[tilespmem:s16+$0xF0] =	vst v50;
	v51 =	vmul.f32 v3, v29;
	v56 =	vnsel vm0, $0x0, v3  }
0x159: {  	v52 =	vmul.f32 v3, v11;
	[tilespmem:s16+$0xFFFFFFF0] =	vst v56  }
0x15a: {  	v53 =	vmul.f32 v3, v32;
	[tilespmem:s16+$0xFFFFFF70] =	vst v51  }
0x15b: {  	v54 =	vmul.f32 v3, v8;
	[tilespmem:s16+$0xFFFFFF80] =	vst v52  }
0x15c: {  	[tilespmem:s16+$0xFFFFFF90] =	vst v53;
	v0 =	vmul.f32 v0, v46  }
0x15d: {  	[tilespmem:s16+$0xFFFFFFA0] =	vst v54;
	v55 =	vpop (erf)  }
0x15e: {  	[tilespmem:s16+$0xD0] =	vst v0;
	v4 =	vmul.f32 v55, v39;
	v58 =	vnsel vm0, $0x0, v55  }
0x15f: {  	v57 =	vmul.f32 v55, v35;
	[tilespmem:s16+$0xFFFFFF60] =	vst v58  }
0x160: {  	v60 =	vpop (erf);
	[tilespmem:s16+$0xFFFFFEE0] =	vst v4  }
0x161: {  	v5 =	vmul.f32 v55, v13;
	v63 =	vnsel vm0, $0x0, v60;
	[tilespmem:s16+$0xFFFFFEF0] =	vst v57  }
0x162: {  	v32 =	vmul.f32 v55, v6;
	[tilespmem:s16+$0x80] =	vst v63  }
0x163: {  	v34 =	vmul.f32 v7, v55;
	[tilespmem:s16+$0xFFFFFF00] =	vst v5  }
0x164: {  	v35 =	vmul.f32 v62, v55;
	[tilespmem:s16+$0xFFFFFF10] =	vst v32  }
0x165: {  	v1 =	vmul.f32 v61, v55;
	v2 =	vld [tilespmem:$0x1FF30];
	[tilespmem:s16+$0xFFFFFF20] =	vst v34  }
0x166: {  	v36 =	vmul.f32 v21, v3;
	[tilespmem:s16+$0xFFFFFF40] =	vst v35  }
0x167: {  	v38 =	vmul.f32 v18, v3;
	[tilespmem:s16+$0xFFFFFF50] =	vst v1  }
0x168: {  	v39 =	vmul.f32 v23, v3;
	[tilespmem:s16+$0xFFFFFFB0] =	vst v36  }
0x169: {  	v40 =	vmul.f32 v24, v3;
	[tilespmem:s16+$0xFFFFFFC0] =	vst v38  }
0x16a: {  	v41 =	vmul.f32 v60, v20;
	[tilespmem:s16+$0xFFFFFFD0] =	vst v39  }
0x16b: {  	v42 =	vmul.f32 v60, v22;
	[tilespmem:s16+$0xFFFFFFE0] =	vst v40  }
0x16c: {  	v43 =	vmul.f32 v60, v31;
	[tilespmem:s16+$0x0] =	vst v41  }
0x16d: {  	v44 =	vmul.f32 v60, v28;
	[tilespmem:s16+$0x10] =	vst v42  }
0x16e: {  	v45 =	vmul.f32 v33, v60;
	[tilespmem:s16+$0x20] =	vst v43  }
0x16f: {  	v46 =	vmul.f32 v9, v60;
	[tilespmem:s16+$0x30] =	vst v44  }
0x170: {  	v48 =	vmul.f32 v30, v60;
	[tilespmem:s16+$0x40] =	vst v45  }
0x171: {  	v50 =	vmul.f32 v37, v60;
	[tilespmem:s16+$0x50] =	vst v46  }
0x172: {  	[tilespmem:s16+$0x60] =	vst v48;
	v2 =	vmul.f32 v2, v55  }
0x173: {  	[tilespmem:s16+$0x70] =	vst v50  }
0x174: {  	s10 =	simm.s32 $0x100;
	[tilespmem:s16+$0xFFFFFF30] =	vst v2  }
0x175: {  	[spmem:s3] =	stream.indirect.scatter.add.f32 [tilespmem:s24], [sflag:$0x5], $0x90, s10, s1, $0xb8;
	[tilespmem:$0x1F2D0] =	vst v63  }
0x176: {  	_ =	swait.ge [sflag:s22], $0x80  }
0x177: {  	[sflag:s22] =	ssyncset.done $0x0  }
0x178: {  	[sflag:s22] =	ssyncadd.s32 $0xFFFFFF80  }
0x179: {  	[tilespmem:s30], [sflag:$0x1] =	stream.indirect.gather [hbm4b:s6+s29], $0x50, s5, s29, $0xb8;
	[tilespmem:$0x1F2D0] =	vst v63  }
0x17a: {  	_ = 	snop  }
0x17b: {  	[tilespmem:s31], [sflag:$0x1] =	stream.indirect.gather [hbm4b:s6+s29], $0x50, s29, s29, $0xb8;
	[tilespmem:$0x1F2D0] =	vst v63  }
0x17c: {  	_ = 	snop  }
0x17d: {  	[tilespmem:s26], [sflag:$0x3] =	stream.indirect.gather [hbm4b:s2+s29], $0x40, s1, s29, $0xb8;
	[tilespmem:$0x1F2D0] =	vst v63  }
0x17e: {  	_ = 	snop  }
0x17f: {  	[tilespmem:s7], [sflag:$0x3] =	stream.indirect.gather [hbm4b:s2+s29], $0x40, s0, s29, $0xb8;
	[tilespmem:$0x1F2D0] =	vst v63  }
0x180: {  	_ =	swait.ge [sflag:s23], $0x1400  }
0x181: {  	[sflag:s23] =	ssyncset.done $0x0  }
0x182: {  	[sflag:s23] =	ssyncadd.s32 $0xFFFFEC00  }
0x183: {  	_ =	swait.ge [sflag:s8], $0x1000  }
0x184: {  	[sflag:s8] =	ssyncset.done $0x0  }
0x185: {  	s10 =	simm.s32 @!p0 $0x6;
	[sflag:s8] =	ssyncadd.s32 $0xFFFFF000  }
0x186: {  	_ =	swait.ge @!p0 [sflag:s10], $0x2400  }
0x187: {  	[sflag:s10] =	ssyncset.done @!p0 $0x0  }
0x188: {  	[sflag:s10] =	ssyncadd.s32 @!p0 $0xFFFFDC00  }
0x189: {  	v51 =	vld [tilespmem:$0xC0]  }
0x18a: {  	v52 =	vld [tilespmem:$0xD0]  }
0x18b: {  	v53 =	vld [tilespmem:$0xE0]  }
0x18c: {  	v54 =	vld [tilespmem:$0xF0];
	_ =	sdelay $0x1  }
0x18d: {  	[tilespmem:$0x140] =	vst v51  }
0x18e: {  	[tilespmem:$0x150] =	vst v52  }
0x18f: {  	[tilespmem:$0x160] =	vst v53  }
0x190: {  	s15 =	sadd.s32 s13, s21;
	s14 =	simm.s32 $0x1620;
	v37 =	vld [tilespmem:$0x1FFE0];
	[tilespmem:$0x170] =	vst v54  }
0x191: {  	v38 =	vld [tilespmem:$0x1FFF0];
	[tilespmem:s28], [sflag:$0x8] =	stream.linear.gather [hbm4b:s15+s5], $0x80, $0x38  }
0x192: {  	v0 =	vld [tilespmem:s14+$0x50]  }
0x193: {  	v1 =	vld [tilespmem:s14+$0x60]  }
0x194: {  	v2 =	vld [tilespmem:s14+$0x70]  }
0x195: {  	s16 =	simm.s32 $0x3A00;
	v11 =	vld [tilespmem:s14+$0x80]  }
0x196: {  	v3 =	vld [tilespmem:s16+$0x40]  }
0x197: {  	v55 =	vld [tilespmem:s16+$0x50]  }
0x198: {  	v5 =	vld [tilespmem:s16+$0x60]  }
0x199: {  	v6 =	vld [tilespmem:s16+$0x70]  }
0x19a: {  	v17 =	vld [tilespmem:s14+$0xFFFFFF70]  }
0x19b: {  	v15 =	vld [tilespmem:s14+$0xFFFFFF80]  }
0x19c: {  	v19 =	vld [tilespmem:s14+$0xFFFFFF90]  }
0x19d: {  	v25 =	vld [tilespmem:s16+$0xFFFFFF80]  }
0x19e: {  	v24 =	vld [tilespmem:s16+$0xFFFFFF90]  }
0x19f: {  	v20 =	vld [tilespmem:s16+$0xFFFFFFA0]  }
0x1a0: {  	v26 =	vld [tilespmem:s16+$0xFFFFFFB0]  }
0x1a1: {  	v27 =	vld [tilespmem:s14+$0xFFFFFFB0];
	v3 =	vmul.bf16 v3, v0;
	v4 =	vmul.bf16 v55, v1  }
0x1a2: {  	v57 =	vld [tilespmem:s14+$0xFFFFFFC0];
	v5 =	vmul.bf16 v5, v2;
	v6 =	vmul.bf16 v6, v11  }
0x1a3: {  	v58 =	vld [tilespmem:s14+$0xFFFFFFE0]  }
0x1a4: {  	v13 =	vld [tilespmem:s16+$0xFFFFFFC0];
	v3 =	vadd.bf16 v4, v3;
	v56 =	vadd.bf16 v6, v5  }
0x1a5: {  	v21 =	vld [tilespmem:s16+$0xFFFFFFD0]  }
0x1a6: {  	v22 =	vld [tilespmem:s16+$0xFFFFFFE0];
	v3 =	vadd.bf16 v56, v3  }
0x1a7: {  	v28 =	vld [tilespmem:s16+$0xFFFFFFF0]  }
0x1a8: {  	v34 =	vld [tilespmem:s14+$0x0];
	v7 =	vunpack.i.u.bf16.f32 v3;
	v3 =	vunpack.i.l.bf16.f32 v3  }
0x1a9: {  	v14 =	vunpack.i.u.bf16.f32 v0;
	v6 =	vld [tilespmem:s14+$0xFFFFFFD0];
	v3 =	vadd.f32 v3, v7  }
0x1aa: {  	v31 =	vld [tilespmem:s16+$0x0];
	v16 =	vunpack.i.l.bf16.f32 v0;
	v10 =	vunpack.i.u.bf16.f32 v1;
	v12 =	vunpack.i.l.bf16.f32 v1  }
0x1ab: {  	v42 =	vld [tilespmem:s16+$0x10];
	v9 =	vunpack.i.l.bf16.f32 v2;
	v40 =	vmul.bf16 v13, v27;
	v8 =	vperm.xlane v3, v59  }
0x1ac: {  	v45 =	vld [tilespmem:s16+$0x30];
	v18 =	vunpack.i.u.bf16.f32 v17;
	v29 =	vmul.bf16 v21, v57;
	v23 =	vunpack.i.l.bf16.f32 v17  }
0x1ad: {  	v0 =	vld [tilespmem:s14+$0x10];
	v28 =	vmul.bf16 v28, v58;
	v21 =	vunpack.i.u.bf16.f32 v15;
	v63 =	vadd.f32 v8, v3  }
0x1ae: {  	v43 =	vmul.bf16 v20, v15;
	v41 =	vmul.bf16 v22, v6;
	v22 =	vunpack.i.l.bf16.f32 v15;
	v15 =	vld [tilespmem:s14+$0xFFFFFF60]  }
0x1af: {  	v13 =	vld [tilespmem:s14+$0x30];
	v20 =	vunpack.i.u.bf16.f32 v19;
	v17 =	vmul.bf16 v24, v17;
	v30 =	vperm.xlane v63, v37  }
0x1b0: {  	v7 =	vunpack.i.u.bf16.f32 v2;
	v2 =	vadd.bf16 v29, v40;
	v29 =	vmul.bf16 v26, v19;
	v3 =	vld [tilespmem:s14+$0x20]  }
0x1b1: {  	v24 =	vunpack.i.u.bf16.f32 v27;
	v28 =	vadd.bf16 v28, v41;
	v1 =	vadd.f32 v30, v63;
	v30 =	vld [tilespmem:s16+$0x20]  }
0x1b2: {  	v46 =	vmul.bf16 v42, v0;
	v26 =	vunpack.i.l.bf16.f32 v19;
	v19 =	vadd.bf16 v29, v43  }
0x1b3: {  	v42 =	vld [tilespmem:$0x1FFD0];
	v29 =	vmul.bf16 v31, v34;
	v2 =	vadd.bf16 v28, v2;
	v25 =	vmul.bf16 v25, v15  }
0x1b4: {  	v32 =	vunpack.i.l.bf16.f32 v57;
	v51 =	vmul.bf16 v45, v13;
	v44 =	vperm.xlane v1, v38  }
0x1b5: {  	v50 =	vadd.bf16 v46, v29;
	v31 =	vunpack.i.u.bf16.f32 v2;
	v17 =	vadd.bf16 v17, v25  }
0x1b6: {  	v28 =	vld [tilespmem:s14+$0x90];
	v2 =	vunpack.i.l.bf16.f32 v2;
	v1 =	vadd.f32 v44, v1;
	v30 =	vmul.bf16 v30, v3  }
0x1b7: {  	v35 =	vunpack.i.u.bf16.f32 v34;
	v2 =	vadd.f32 v2, v31;
	v17 =	vadd.bf16 v19, v17  }
0x1b8: {  	v29 =	vunpack.i.l.bf16.f32 v27;
	v48 =	vperm.xlane v1, v42;
	v27 =	vadd.bf16 v51, v30  }
0x1b9: {  	v39 =	vunpack.i.l.bf16.f32 v34;
	v19 =	vunpack.i.u.bf16.f32 v17;
	v30 =	vperm.xlane v2, v59  }
0x1ba: {  	s13 =	simm.s32 $0x3B00;
	v41 =	vld [tilespmem:s14+$0xFFFFFFF0];
	v17 =	vunpack.i.l.bf16.f32 v17;
	v1 =	vadd.f32 v48, v1;
	v52 =	vadd.bf16 v27, v50  }
0x1bb: {  	s19 =	simm.s32 $0x1760;
	v43 =	vld [tilespmem:s13+$0x40];
	v28 =	vunpack.i.l.bf16.f32 v28;
	v53 =	vadd.f32 v17, v19;
	v2 =	vadd.f32 v30, v2  }
0x1bc: {  	v63 =	vld [tilespmem:s19+$0x50];
	v1 =	vmul.f32 v1, v28;
	v17 =	vunpack.i.u.bf16.f32 v52;
	v5 =	vunpack.i.l.bf16.f32 v52  }
0x1bd: {  	v60 =	vunpack.i.u.bf16.f32 v0;
	v19 =	vld [tilespmem:s19+$0x60];
	v30 =	vperm.xlane v2, v37;
	v5 =	vadd.f32 v5, v17  }
0x1be: {  	v31 =	vunpack.i.l.bf16.f32 v6;
	v44 =	vld [tilespmem:s13+$0x50];
	v54 =	vperm.xlane v53, v59;
	v1 =	vmul.f32 v1, v49  }
0x1bf: {  	v27 =	vunpack.i.u.bf16.f32 v6;
	v17 =	vld [tilespmem:s19+$0x70];
	v2 =	vadd.f32 v30, v2;
	v6 =	vperm.xlane v5, v59  }
0x1c0: {  	v40 =	vunpack.i.l.bf16.f32 v58;
	v25 =	vunpack.i.u.bf16.f32 v57;
	v30 =	vld [tilespmem:s19+$0x80];
	v1 =	vsub.f32 v1, v47  }
0x1c1: {  	v55 =	vadd.f32 v54, v53;
	v56 =	vperm.xlane v2, v38;
	v57 =	vadd.f32 v6, v5;
	v6 =	vld [tilespmem:s13+$0x60];
	[tilespmem:$0x1FE90] =	vst v60  }
0x1c2: {  	v54 =	vunpack.i.u.bf16.f32 v3;
	v3 =	vunpack.i.l.bf16.f32 v3;
	v1 =	vmul.f32 $1.442695020e+00, v1;
	v61 =	vld [tilespmem:s13+$0x70]  }
0x1c3: {  	v28 =	vunpack.i.u.bf16.f32 v58;
	v58 =	vperm.xlane v55, v37;
	v2 =	vadd.f32 v56, v2;
	v62 =	vld [tilespmem:s14+$0xFFFFFFA0];
	[tilespmem:$0x1FEB0] =	vst v54  }
0x1c4: {  	v33 =	vunpack.i.l.bf16.f32 v0;
	[tilespmem:$0x1FEA0] =	vst v3;
	v56 =	vunpack.i.u.bf16.f32 v13;
	(erf) = vpow2.f32 v1  }
0x1c5: {  	v5 =	vadd.f32 v58, v55;
	v53 =	vperm.xlane v57, v37;
	v3 =	vld [tilespmem:s14+$0x40];
	[tilespmem:$0x1FEC0] =	vst v56;
	v55 =	vperm.xlane v2, v42  }
0x1c6: {  	v8 =	vunpack.i.l.bf16.f32 v11;
	v43 =	vmul.bf16 v43, v63;
	v44 =	vmul.bf16 v44, v19;
	v51 =	vld [tilespmem:s19+$0xFFFFFF70]  }
0x1c7: {  	v52 =	vld [tilespmem:s19+$0xFFFFFF80];
	v1 =	vadd.f32 v53, v57;
	v57 =	vperm.xlane v5, v38;
	v2 =	vadd.f32 v55, v2  }
0x1c8: {  	v41 =	vunpack.i.l.bf16.f32 v41;
	v54 =	vld [tilespmem:s13+$0xFFFFFF80];
	v6 =	vmul.bf16 v6, v17;
	v4 =	vmul.bf16 v61, v30  }
0x1c9: {  	v48 =	vld [tilespmem:s13+$0xFFFFFFA0];
	v58 =	vperm.xlane v1, v38;
	v5 =	vadd.f32 v57, v5;
	v2 =	vmul.f32 v2, v41  }
0x1ca: {  	v11 =	vunpack.i.u.bf16.f32 v11;
	v60 =	vadd.bf16 v44, v43;
	v56 =	vld [tilespmem:s19+$0xFFFFFFB0];
	v4 =	vadd.bf16 v4, v6  }
0x1cb: {  	v44 =	vld [tilespmem:s19+$0xFFFFFFD0];
	v1 =	vadd.f32 v58, v1;
	v61 =	vperm.xlane v5, v42;
	v2 =	vmul.f32 v2, v49  }
0x1cc: {  	v45 =	vld [tilespmem:s19+$0xFFFFFFE0];
	v0 =	vunpack.i.l.bf16.f32 v62;
	v3 =	vunpack.i.l.bf16.f32 v3;
	v4 =	vadd.bf16 v4, v60  }
0x1cd: {  	v50 =	vld [tilespmem:s19+$0x0];
	v62 =	vperm.xlane v1, v42;
	v5 =	vadd.f32 v61, v5;
	v6 =	vpop (erf);
	v2 =	vsub.f32 v2, v47  }
0x1ce: {  	v46 =	vld [tilespmem:s19+$0x20];
	v11 =	vmul.f32 v11, v6;
	v57 =	vmul.f32 v6, v16;
	v16 =	vunpack.i.u.bf16.f32 v4  }
0x1cf: {  	v53 =	vld [tilespmem:s19+$0xFFFFFF90];
	v4 =	vunpack.i.l.bf16.f32 v4;
	v0 =	vmul.f32 v5, v0;
	v1 =	vadd.f32 v62, v1  }
0x1d0: {  	v34 =	vmovc v49;
	v49 =	vld [tilespmem:s19+$0xFFFFFFC0];
	v5 =	vmul.f32 v6, v12;
	v4 =	vadd.f32 v4, v16;
	v2 =	vmul.f32 $1.442695020e+00, v2  }
0x1d1: {  	v12 =	vld [tilespmem:s13+$0xFFFFFFC0];
	v0 =	vmul.f32 v0, v34;
	v1 =	vmul.f32 v1, v3  }
0x1d2: {  	v41 =	vunpack.i.l.bf16.f32 v13;
	v3 =	vmul.f32 v6, v10;
	v10 =	vld [tilespmem:s13+$0xFFFFFFE0];
	v16 =	vperm.xlane v4, v59  }
0x1d3: {  	v58 =	vmul.f32 v6, v14;
	(erf) = vpow2.f32 v2;
	v2 =	vld [tilespmem:s13+$0xFFFFFFF0];
	v0 =	vsub.f32 v0, v47  }
0x1d4: {  	v14 =	vld [tilespmem:s13+$0xFFFFFFD0];
	v60 =	vmul.f32 v9, v6;
	v62 =	vmul.f32 v7, v6;
	v4 =	vadd.f32 v16, v4  }
0x1d5: {  	v55 =	vld [tilespmem:s13+$0xFFFFFFB0];
	v13 =	vnsel vm0, $0x0, v6;
	v6 =	vmul.f32 v8, v6;
	v0 =	vmul.f32 $1.442695020e+00, v0  }
0x1d6: {  	v7 =	vld [tilespmem:s13+$0x0];
	v1 =	vmul.f32 v1, v34;
	v9 =	vperm.xlane v4, v37  }
0x1d7: {  	v8 =	vld [tilespmem:s13+$0x10];
	(erf) = vpow2.f32 v0;
	v0 =	vmul.bf16 v12, v56;
	v12 =	vunpack.i.u.bf16.f32 v63  }
0x1d8: {  	v36 =	vmov v47;
	v47 =	vld [tilespmem:s19+$0x10];
	v10 =	vmul.bf16 v10, v44;
	v2 =	vmul.bf16 v2, v45;
	[tilespmem:$0x1FE60] =	vst v12  }
0x1d9: {  	v4 =	vadd.f32 v9, v4;
	v9 =	vmul.bf16 v14, v49;
	v43 =	vld [tilespmem:s19+$0x30]  }
0x1da: {  	v1 =	vsub.f32 v1, v36;
	v2 =	vadd.bf16 v2, v10;
	v10 =	vld [tilespmem:s13+$0x30]  }
0x1db: {  	v12 =	vperm.xlane v4, v38;
	v0 =	vadd.bf16 v9, v0;
	v9 =	vld [tilespmem:s13+$0x20]  }
0x1dc: {  	s14 =	simm.s32 $0x6EA0;
	v61 =	vunpack.i.l.bf16.f32 v15;
	v59 =	vunpack.i.u.bf16.f32 v15;
	v1 =	vmul.f32 $1.442695020e+00, v1  }
0x1dd: {  	v7 =	vmul.bf16 v7, v50;
	v14 =	vmul.bf16 v48, v52;
	[tilespmem:s14+$0x100] =	vst v11;
	v4 =	vadd.f32 v12, v4  }
0x1de: {  	v15 =	vunpack.i.l.bf16.f32 v63;
	v8 =	vmul.bf16 v8, v47;
	(erf) = vpow2.f32 v1;
	[tilespmem:s14+$0x110] =	vst v13;
	v12 =	vld [tilespmem:s13+$0xFFFFFF90]  }
0x1df: {  	[tilespmem:s14+$0xB0] =	vst v5;
	v5 =	vunpack.i.u.bf16.f32 v52;
	v0 =	vadd.bf16 v2, v0;
	v2 =	vperm.xlane v4, v42  }
0x1e0: {  	v1 =	vld [tilespmem:s19+$0x90];
	[tilespmem:s14+$0x90] =	vst v57;
	v63 =	vadd.bf16 v8, v7;
	v8 =	vmul.bf16 v10, v43;
	v7 =	vmul.bf16 v9, v46  }
0x1e1: {  	[tilespmem:s14+$0xA0] =	vst v58;
	v2 =	vadd.f32 v2, v4;
	v4 =	vunpack.i.u.bf16.f32 v0;
	v0 =	vunpack.i.l.bf16.f32 v0  }
0x1e2: {  	v48 =	vld [tilespmem:s19+$0xFFFFFF60];
	v11 =	vunpack.i.l.bf16.f32 v51;
	[tilespmem:$0x1FE70] =	vst v5;
	v0 =	vadd.f32 v0, v4;
	v4 =	vadd.bf16 v8, v7  }
0x1e3: {  	[tilespmem:s14+$0xC0] =	vst v3;
	v8 =	vunpack.i.u.bf16.f32 v51;
	v9 =	vmul.bf16 v12, v51;
	v51 =	vunpack.i.l.bf16.f32 v52  }
0x1e4: {  	[tilespmem:$0x1FE80] =	vst v51  }
0x1e5: {  	v1 =	vunpack.i.l.bf16.f32 v1;
	[tilespmem:s14+$0xD0] =	vst v60  }
0x1e6: {  	v1 =	vmul.f32 v2, v1;
	[tilespmem:s14+$0xE0] =	vst v62;
	v2 =	vpop (erf)  }
0x1e7: {  	v12 =	vmul.bf16 v54, v48;
	v7 =	vld [tilespmem:$0x1FFC0];
	[tilespmem:s14+$0xF0] =	vst v6;
	v54 =	vmul.f32 v2, v29;
	v6 =	vnsel vm0, $0x0, v2  }
0x1e8: {  	v4 =	vadd.bf16 v4, v63;
	v24 =	vmul.f32 v2, v24;
	v63 =	vld [tilespmem:$0x1FFC0];
	[tilespmem:s14+$0xFFFFFFF0] =	vst v6  }
0x1e9: {  	v29 =	vmul.f32 v2, v32;
	[tilespmem:s14+$0xFFFFFF70] =	vst v54  }
0x1ea: {  	v62 =	vmul.f32 v2, v25;
	[tilespmem:s14+$0xFFFFFF80] =	vst v24  }
0x1eb: {  	v16 =	vmul.bf16 v55, v53;
	v27 =	vmul.f32 v27, v2;
	[tilespmem:s14+$0xFFFFFF90] =	vst v29  }
0x1ec: {  	v5 =	vpop (erf);
	v40 =	vmul.f32 v40, v2;
	[tilespmem:s14+$0xFFFFFFA0] =	vst v62  }
0x1ed: {  	v55 =	vadd.bf16 v16, v14;
	v52 =	vadd.bf16 v9, v12;
	v60 =	vmul.f32 v5, v59;
	[tilespmem:s14+$0xFFFFFFC0] =	vst v27  }
0x1ee: {  	v23 =	vmul.f32 v5, v23;
	[tilespmem:s14+$0xFFFFFFD0] =	vst v40  }
0x1ef: {  	v3 =	vadd.bf16 v55, v52;
	v22 =	vmul.f32 v22, v5;
	[tilespmem:s14+$0xFFFFFEF0] =	vst v60  }
0x1f0: {  	v6 =	vunpack.i.u.bf16.f32 v4;
	v26 =	vmul.f32 v26, v5;
	[tilespmem:s14+$0xFFFFFF00] =	vst v23;
	v58 =	vperm.xlane v0, v7  }
0x1f1: {  	v4 =	vunpack.i.l.bf16.f32 v4;
	v25 =	vunpack.i.u.bf16.f32 v3;
	v62 =	vmul.f32 v21, v5;
	[tilespmem:s14+$0xFFFFFF20] =	vst v22;
	v54 =	vpop (erf)  }
0x1f2: {  	v3 =	vunpack.i.l.bf16.f32 v3;
	[tilespmem:s14+$0xFFFFFF40] =	vst v26;
	v52 =	vmul.f32 v54, v35;
	v0 =	vadd.f32 v58, v0  }
0x1f3: {  	[tilespmem:s14+$0xFFFFFF30] =	vst v62;
	v58 =	vmul.f32 v5, v61;
	v61 =	vmul.f32 v5, v18;
	v18 =	vnsel vm0, $0x0, v5  }
0x1f4: {  	v4 =	vadd.f32 v4, v6;
	v3 =	vadd.f32 v3, v25;
	[tilespmem:s14+$0xFFFFFF60] =	vst v18;
	v6 =	vperm.xlane v0, v37  }
0x1f5: {  	[tilespmem:s14+$0x10] =	vst v52  }
0x1f6: {  	v18 =	vnsel vm0, $0x0, v54;
	[tilespmem:s14+$0xFFFFFEE0] =	vst v58;
	v0 =	vadd.f32 v6, v0;
	v6 =	vperm.xlane v3, v63  }
0x1f7: {  	v1 =	vmul.f32 v1, v34;
	v5 =	vmul.f32 v20, v5;
	[tilespmem:s14+$0x80] =	vst v18  }
0x1f8: {  	v29 =	vunpack.i.l.bf16.f32 v56;
	[tilespmem:s14+$0xFFFFFF10] =	vst v61;
	v3 =	vadd.f32 v6, v3;
	v6 =	vmul.f32 v31, v2  }
0x1f9: {  	v25 =	vunpack.i.u.bf16.f32 v56;
	[tilespmem:s14+$0xFFFFFF50] =	vst v5;
	v56 =	vperm.xlane v0, v38;
	v2 =	vmul.f32 v28, v2  }
0x1fa: {  	v1 =	vsub.f32 v1, v36;
	[tilespmem:s14+$0xFFFFFFB0] =	vst v6;
	v6 =	vmul.f32 v54, v39  }
0x1fb: {  	v58 =	vld [tilespmem:s19+$0xFFFFFFF0];
	v0 =	vadd.f32 v56, v0;
	v59 =	vperm.xlane v3, v37;
	[tilespmem:s14+$0xFFFFFFE0] =	vst v2;
	v56 =	vmul.f32 v54, v33  }
0x1fc: {  	[tilespmem:s14+$0x0] =	vst v6  }
0x1fd: {  	v1 =	vmul.f32 $1.442695020e+00, v1;
	v3 =	vadd.f32 v59, v3;
	v59 =	vld [tilespmem:$0x1FE90];
	[tilespmem:s14+$0x20] =	vst v56  }
0x1fe: {  	v55 =	vperm.xlane v4, v63;
	v2 =	vld [tilespmem:$0x1FEA0]  }
0x1ff: {  	(erf) = vpow2.f32 v1  }
0x200: {  	v1 =	vadd.f32 v55, v4;
	v55 =	vunpack.i.l.bf16.f32 v58;
	v58 =	vperm.xlane v3, v38  }
0x201: {  	v26 =	vunpack.i.l.bf16.f32 v50  }
0x202: {  	v20 =	vunpack.i.u.bf16.f32 v50;
	v50 =	vadd.f32 v58, v3;
	v3 =	vmul.f32 v54, v59  }
0x203: {  	v2 =	vmul.f32 v2, v54  }
0x204: {  	[tilespmem:s14+$0x30] =	vst v3  }
0x205: {  	[tilespmem:s14+$0x40] =	vst v2  }
0x206: {  	v13 =	vunpack.i.u.bf16.f32 v17;
	v57 =	vunpack.i.u.bf16.f32 v53;
	v2 =	vld [tilespmem:$0x1FEB0]  }
0x207: {  	v16 =	vunpack.i.u.bf16.f32 v19;
	v10 =	vunpack.i.l.bf16.f32 v17;
	v60 =	vperm.xlane v1, v37  }
0x208: {  	v17 =	vunpack.i.l.bf16.f32 v53;
	v53 =	vld [tilespmem:s19+$0x40];
	v27 =	vunpack.i.u.bf16.f32 v46;
	v61 =	vperm.xlane v0, v42  }
0x209: {  	v1 =	vadd.f32 v60, v1;
	v60 =	vunpack.i.u.bf16.f32 v30;
	v33 =	vunpack.i.l.bf16.f32 v46;
	v46 =	vpop (erf)  }
0x20a: {  	v19 =	vunpack.i.l.bf16.f32 v19;
	v0 =	vadd.f32 v61, v0;
	v61 =	vmul.f32 v60, v46  }
0x20b: {  	s15 =	simm.s32 $0x70E0;
	v14 =	vunpack.i.l.bf16.f32 v30;
	v32 =	vunpack.i.l.bf16.f32 v49;
	v62 =	vld [tilespmem:s19+$0xFFFFFFA0];
	v2 =	vmul.f32 v2, v54  }
0x20c: {  	v24 =	vunpack.i.u.bf16.f32 v49;
	v21 =	vunpack.i.l.bf16.f32 v44;
	v23 =	vunpack.i.u.bf16.f32 v45;
	[tilespmem:s15+$0x100] =	vst v61  }
0x20d: {  	v22 =	vunpack.i.l.bf16.f32 v45;
	v45 =	vunpack.i.l.bf16.f32 v53;
	v35 =	vunpack.i.u.bf16.f32 v48;
	[tilespmem:s14+$0x50] =	vst v2  }
0x20e: {  	v18 =	vunpack.i.u.bf16.f32 v44;
	v30 =	vunpack.i.l.bf16.f32 v43;
	v6 =	vperm.xlane v1, v38;
	v2 =	vld [tilespmem:$0x1FEC0]  }
0x20f: {  	v28 =	vunpack.i.u.bf16.f32 v47;
	v31 =	vunpack.i.l.bf16.f32 v47;
	v0 =	vmul.f32 v0, v55  }
0x210: {  	v37 =	vunpack.i.u.bf16.f32 v43;
	v43 =	vunpack.i.l.bf16.f32 v62;
	v38 =	vadd.f32 v6, v1  }
0x211: {  	v39 =	vunpack.i.l.bf16.f32 v48;
	v62 =	vmul.f32 v41, v54;
	v0 =	vmul.f32 v0, v34  }
0x212: {  	v41 =	vnsel vm0, $0x0, v46;
	v47 =	vperm.xlane v38, v42;
	v48 =	vperm.xlane v50, v42  }
0x213: {  	s10 =	simm.s32 $0x18A0;
	s16 =	simm.s32 $0x4;
	v44 =	vsub.f32 v0, v36;
	v36 =	vmul.f32 v46, v15;
	[tilespmem:s14+$0x60] =	vst v62;
	v34 =	vmul.f32 v2, v54  }
.LBB2_7:
0x214: {  	v0 =	vld [tilespmem:s10+$0x50]  }
0x215: {  	v3 =	vld [tilespmem:$0x1FE60]  }
0x216: {  	v9 =	vld [tilespmem:$0x1FFA0]  }
0x217: {  	v49 =	vld [tilespmem:s10+$0xFFFFFFB0]  }
0x218: {  	v12 =	vld [tilespmem:$0x1FFE0]  }
0x219: {  	[tilespmem:s15+$0x110] =	vst v41;
	v56 =	vmul.f32 v13, v46;
	v13 =	vld [tilespmem:$0x1FFF0]  }
0x21a: {  	v4 =	vld [tilespmem:s10+$0x60]  }
0x21b: {  	v51 =	vld [tilespmem:s10+$0x70]  }
0x21c: {  	v5 =	vmul.f32 $1.442695020e+00, v44;
	v44 =	vld [tilespmem:s10+$0xFFFFFF80]  }
0x21d: {  	v1 =	vadd.f32 v48, v50;
	v2 =	vadd.f32 v47, v38;
	v47 =	vld [tilespmem:s10+$0xFFFFFF90]  }
0x21e: {  	s13 =	sadd.s32 $0x100, s13;
	v54 =	vmul.f32 v10, v46;
	v10 =	vld [tilespmem:$0x1FFB0];
	v3 =	vmul.f32 v46, v3  }
0x21f: {  	v6 =	vmul.f32 v46, v19;
	[tilespmem:s15+$0x90] =	vst v36;
	v61 =	vld [tilespmem:s13+$0xFFFFFFA0];
	v1 =	vmul.f32 v1, v43  }
0x220: {  	v38 =	vld [tilespmem:s10+$0x80];
	(erf) = vpow2.f32 v5;
	[tilespmem:s15+$0xA0] =	vst v3  }
0x221: {  	v52 =	vmul.f32 v46, v16;
	v1 =	vmul.f32 v1, v9;
	v53 =	vld [tilespmem:s13+$0x40];
	[tilespmem:s15+$0xB0] =	vst v6  }
0x222: {  	v2 =	vmul.f32 v2, v45;
	v6 =	vld [tilespmem:s13+$0x50]  }
0x223: {  	v7 =	vmov v37;
	v3 =	vld [tilespmem:s10+$0xFFFFFF70];
	[tilespmem:s15+$0xC0] =	vst v52;
	v1 =	vsub.f32 v1, v10  }
0x224: {  	v58 =	vmul.f32 v14, v46;
	[tilespmem:$0x1FE50] =	vst v7;
	v2 =	vmul.f32 v2, v9;
	v7 =	vunpack.i.u.bf16.f32 v0;
	v40 =	vld [tilespmem:s13+$0x60]  }
0x225: {  	[tilespmem:$0x1FE60] =	vst v7;
	v7 =	vunpack.i.l.bf16.f32 v0;
	v19 =	vunpack.i.l.bf16.f32 v4;
	v41 =	vld [tilespmem:s13+$0x70];
	v1 =	vmul.f32 $1.442695020e+00, v1  }
0x226: {  	[tilespmem:s14+$0x70] =	vst v34;
	v62 =	vld [tilespmem:s13+$0xFFFFFFB0];
	v42 =	vunpack.i.u.bf16.f32 v51;
	v5 =	vunpack.i.l.bf16.f32 v44;
	v2 =	vsub.f32 v2, v10  }
0x227: {  	[tilespmem:$0x1FE40] =	vst v7;
	v7 =	vunpack.i.u.bf16.f32 v4;
	(erf) = vpow2.f32 v1;
	v59 =	vmul.bf16 v6, v4;
	v4 =	vld [tilespmem:s13+$0xFFFFFF90]  }
0x228: {  	v15 =	vmovc v57;
	v57 =	vld [tilespmem:s13+$0x0];
	v37 =	vmul.bf16 v61, v44;
	[tilespmem:$0x1FE20] =	vst v7;
	v7 =	vunpack.i.l.bf16.f32 v51;
	v2 =	vmul.f32 $1.442695020e+00, v2  }
0x229: {  	v43 =	vld [tilespmem:s13+$0xFFFFFF80];
	[tilespmem:s15+$0xD0] =	vst v54;
	v54 =	vunpack.i.u.bf16.f32 v44;
	v0 =	vmul.bf16 v53, v0;
	v60 =	vmul.bf16 v40, v51  }
0x22a: {  	v44 =	vld [tilespmem:s10+$0xFFFFFFE0];
	v45 =	vunpack.i.u.bf16.f32 v3;
	v6 =	vmul.bf16 v41, v38;
	v41 =	vpop (erf);
	(erf) = vpow2.f32 v2  }
0x22b: {  	[tilespmem:$0x1FE30] =	vst v7;
	v52 =	vld [tilespmem:s10+$0xFFFFFFC0];
	v48 =	vunpack.i.l.bf16.f32 v3;
	v0 =	vadd.bf16 v59, v0;
	v59 =	vmul.f32 v41, v29  }
0x22c: {  	[tilespmem:s15+$0xF0] =	vst v58;
	v25 =	vmul.f32 v41, v25;
	v58 =	vadd.bf16 v6, v60;
	v3 =	vmul.bf16 v4, v3;
	v4 =	vld [tilespmem:s10+$0xFFFFFFD0]  }
0x22d: {  	v55 =	vunpack.i.l.bf16.f32 v38;
	v34 =	vmovc v42;
	v42 =	vunpack.i.u.bf16.f32 v47;
	v32 =	vmul.f32 v41, v32;
	[tilespmem:s15+$0xFFFFFF70] =	vst v59;
	v59 =	vld [tilespmem:s10+$0x30]  }
0x22e: {  	v7 =	vmul.f32 v41, v24;
	v60 =	vmul.bf16 v62, v47;
	v0 =	vadd.bf16 v58, v0;
	v61 =	vld [tilespmem:s13+$0xFFFFFFC0];
	[tilespmem:s15+$0xFFFFFF80] =	vst v25  }
0x22f: {  	v36 =	vmovc v55;
	v46 =	vunpack.i.u.bf16.f32 v44;
	v53 =	vunpack.i.l.bf16.f32 v44;
	v55 =	vnsel vm0, $0x0, v41;
	v62 =	vld [tilespmem:s13+$0xFFFFFFD0];
	[tilespmem:s15+$0xFFFFFF90] =	vst v32  }
0x230: {  	v1 =	vadd.bf16 v60, v37;
	v29 =	vunpack.i.u.bf16.f32 v0;
	v0 =	vunpack.i.l.bf16.f32 v0;
	v50 =	vpop (erf);
	v37 =	vld [tilespmem:s13+$0xFFFFFFE0];
	[tilespmem:s15+$0xFFFFFFA0] =	vst v7  }
0x231: {  	[tilespmem:s15+$0xE0] =	vst v56;
	v24 =	vunpack.i.u.bf16.f32 v52;
	v0 =	vadd.f32 v0, v29;
	v39 =	vmul.f32 v50, v39;
	v60 =	vld [tilespmem:s13+$0xFFFFFFF0]  }
0x232: {  	v6 =	vunpack.i.l.bf16.f32 v47;
	v25 =	vunpack.i.u.bf16.f32 v49;
	[tilespmem:s15+$0xFFFFFFF0] =	vst v55;
	v55 =	vld [tilespmem:s10+$0x10];
	v35 =	vmul.f32 v50, v35  }
0x233: {  	v32 =	vunpack.i.l.bf16.f32 v52;
	v29 =	vunpack.i.l.bf16.f32 v49;
	v56 =	vperm.xlane v0, v63;
	v40 =	vpop (erf);
	[tilespmem:s15+$0xFFFFFEE0] =	vst v39;
	v39 =	vld [tilespmem:s10+$0x0]  }
0x234: {  	v51 =	vunpack.i.u.bf16.f32 v4;
	v63 =	vnsel vm0, $0x0, v40;
	[tilespmem:s15+$0xFFFFFEF0] =	vst v35;
	v35 =	vmul.f32 v50, v11;
	v11 =	vld [tilespmem:$0x1FFD0]  }
0x235: {  	v58 =	vunpack.i.l.bf16.f32 v4;
	v2 =	vmul.bf16 v61, v49;
	v0 =	vadd.f32 v56, v0;
	v56 =	vld [tilespmem:s10+$0x20];
	[tilespmem:s15+$0x80] =	vst v63  }
0x236: {  	v14 =	vmovc v45;
	v61 =	vnsel vm0, $0x0, v50;
	v47 =	vmul.bf16 v62, v52;
	v4 =	vmul.bf16 v37, v4;
	v45 =	vld [tilespmem:s13+$0x20]  }
0x237: {  	[tilespmem:s15+$0xFFFFFF00] =	vst v35;
	v35 =	vmul.f32 v50, v8;
	v37 =	vunpack.i.u.bf16.f32 v59;
	v8 =	vld [tilespmem:$0x1FE80];
	v62 =	vperm.xlane v0, v12  }
0x238: {  	v16 =	vmovc v48;
	[tilespmem:s15+$0xFFFFFF60] =	vst v61;
	v63 =	vld [tilespmem:s13+$0x30];
	v2 =	vadd.bf16 v47, v2;
	v48 =	vmul.bf16 v60, v44;
	v52 =	vunpack.i.u.bf16.f32 v55  }
0x239: {  	v60 =	vld [tilespmem:s13+$0x10];
	v47 =	vunpack.i.l.bf16.f32 v55;
	[tilespmem:s15+$0xFFFFFF10] =	vst v35;
	v0 =	vadd.f32 v62, v0;
	v61 =	vunpack.i.u.bf16.f32 v39  }
0x23a: {  	v62 =	vunpack.i.l.bf16.f32 v39;
	v4 =	vadd.bf16 v48, v4;
	v7 =	vld [tilespmem:s10+$0xFFFFFF60];
	v48 =	vunpack.i.u.bf16.f32 v56  }
0x23b: {  	v44 =	vunpack.i.l.bf16.f32 v56;
	v49 =	vperm.xlane v0, v13;
	v45 =	vmul.bf16 v45, v56;
	v56 =	vld [tilespmem:$0x1FE70]  }
0x23c: {  	v35 =	vmul.bf16 v57, v39;
	v2 =	vadd.bf16 v4, v2;
	v4 =	vld [tilespmem:s10+$0x90];
	v39 =	vmul.f32 v8, v50  }
0x23d: {  	v0 =	vadd.f32 v49, v0;
	v49 =	vunpack.i.l.bf16.f32 v59;
	v59 =	vmul.bf16 v63, v59;
	v63 =	vld [tilespmem:$0x1FFC0]  }
0x23e: {  	v8 =	vmovc v5;
	v5 =	vld [tilespmem:s10+$0xFFFFFFA0];
	v55 =	vmul.bf16 v60, v55;
	v57 =	vunpack.i.u.bf16.f32 v2;
	v2 =	vunpack.i.l.bf16.f32 v2  }
0x23f: {  	[tilespmem:s15+$0xFFFFFF20] =	vst v39;
	v2 =	vadd.f32 v2, v57;
	v60 =	vperm.xlane v0, v11  }
0x240: {  	v45 =	vadd.bf16 v59, v45;
	v39 =	vmul.f32 v56, v50;
	v56 =	vmovc v54;
	v54 =	vadd.bf16 v55, v35  }
0x241: {  	v4 =	vunpack.i.l.bf16.f32 v4;
	v35 =	vunpack.i.u.bf16.f32 v7;
	[tilespmem:$0x1FE70] =	vst v56;
	v56 =	vmul.f32 v17, v50  }
0x242: {  	v0 =	vadd.f32 v60, v0;
	v17 =	vmovc v6;
	v6 =	vmul.bf16 v43, v7;
	v57 =	vperm.xlane v2, v63  }
0x243: {  	v43 =	vunpack.i.l.bf16.f32 v5;
	v59 =	vadd.bf16 v45, v54;
	v54 =	vmul.f32 v15, v50  }
0x244: {  	[tilespmem:$0x1FE80] =	vst v8;
	v55 =	vld [tilespmem:s10+$0x40];
	v0 =	vmul.f32 v0, v4;
	v3 =	vadd.bf16 v3, v6;
	v2 =	vadd.f32 v57, v2  }
0x245: {  	[tilespmem:s15+$0xFFFFFF30] =	vst v39;
	v60 =	vunpack.i.u.bf16.f32 v59;
	v5 =	vunpack.i.l.bf16.f32 v59;
	v59 =	vmul.f32 v18, v41  }
0x246: {  	v18 =	vmovc v51;
	v51 =	vmul.f32 v40, v20;
	v0 =	vmul.f32 v0, v9;
	v1 =	vadd.bf16 v1, v3  }
0x247: {  	v8 =	vld [tilespmem:s10+$0xFFFFFFF0];
	v39 =	vunpack.i.l.bf16.f32 v7;
	[tilespmem:s15+$0xFFFFFF50] =	vst v54;
	v54 =	vmul.f32 v40, v28;
	v4 =	vperm.xlane v2, v12  }
0x248: {  	v0 =	vsub.f32 v0, v10;
	v7 =	vunpack.i.u.bf16.f32 v1;
	v1 =	vunpack.i.l.bf16.f32 v1  }
0x249: {  	v45 =	vunpack.i.l.bf16.f32 v55;
	v3 =	vadd.f32 v5, v60;
	v1 =	vadd.f32 v1, v7  }
0x24a: {  	v55 =	vmul.f32 v21, v41;
	v2 =	vadd.f32 v4, v2;
	v0 =	vmul.f32 $1.442695020e+00, v0  }
0x24b: {  	[tilespmem:s15+$0xFFFFFF40] =	vst v56;
	v7 =	vperm.xlane v3, v63;
	v56 =	vperm.xlane v1, v63  }
0x24c: {  	v6 =	vunpack.i.l.bf16.f32 v8;
	v21 =	vmovc v58;
	v58 =	vperm.xlane v2, v13;
	(erf) = vpow2.f32 v0  }
0x24d: {  	v20 =	vmovc v61;
	v28 =	vmov v52;
	[tilespmem:s15+$0xFFFFFFC0] =	vst v59;
	v3 =	vadd.f32 v7, v3;
	v1 =	vadd.f32 v56, v1  }
0x24e: {  	v60 =	vmul.f32 v22, v41;
	v41 =	vmul.f32 v23, v41;
	[tilespmem:s15+$0x10] =	vst v51;
	v2 =	vadd.f32 v58, v2  }
0x24f: {  	v22 =	vmovc v53;
	v23 =	vmov v46;
	[tilespmem:s15+$0x30] =	vst v54;
	v8 =	vperm.xlane v3, v12;
	v7 =	vperm.xlane v1, v12  }
0x250: {  	v57 =	vmovc v42;
	v42 =	vmul.f32 v40, v26;
	v26 =	vmov v62;
	v62 =	vld [tilespmem:$0x1FE50];
	[tilespmem:s15+$0xFFFFFFB0] =	vst v55;
	v50 =	vperm.xlane v2, v11  }
0x251: {  	v53 =	vmul.f32 v40, v31;
	[tilespmem:s15+$0xFFFFFFD0] =	vst v60;
	v3 =	vadd.f32 v8, v3;
	v1 =	vadd.f32 v7, v1  }
0x252: {  	s16 =	sadd.s32 $0x4, s16;
	[tilespmem:s15+$0xFFFFFFE0] =	vst v41;
	v55 =	vmul.f32 v33, v40;
	v60 =	vmul.f32 v30, v40;
	v2 =	vadd.f32 v50, v2  }
0x253: {  	p0 =	slt.u32 s16, $0x3C;
	v61 =	vld [tilespmem:$0x1FE40];
	v31 =	vmovc v47;
	[tilespmem:s15+$0x20] =	vst v53;
	v33 =	vmov v44;
	v15 =	vperm.xlane v3, v13;
	v7 =	vperm.xlane v1, v13  }
.Ltmp2:
0x254: {  	s14 =	smov.u32 s15;
	[tilespmem:s15+$0x0] =	vst v42;
	v58 =	vmul.f32 v27, v40;
	v12 =	vunpack.i.u.bf16.f32 v38;
	v13 =	vmovc v34;
	v2 =	vmul.f32 v2, v6;
	(pc) =	sbr.rel @p0 .LBB2_7-.Ltmp2, $4  }
0x255: {  	[tilespmem:s14+$0x40] =	vst v55;
	v38 =	vadd.f32 v15, v3;
	v34 =	vmul.f32 v62, v40;
	v46 =	vpop (erf);
	v50 =	vadd.f32 v7, v1  }
0x256: {  	v30 =	vmovc v49;
	[tilespmem:s14+$0x60] =	vst v60;
	v27 =	vmov v48;
	v59 =	vmul.f32 v2, v9;
	v56 =	vmul.f32 v12, v46  }
0x257: {  	s15 =	sadd.s32 $0x240, s15;
	[tilespmem:s14+$0x50] =	vst v58;
	v8 =	vmovc v14;
	v47 =	vperm.xlane v38, v11;
	v48 =	vperm.xlane v50, v11;
	v11 =	vmov v16;
	v16 =	vld [tilespmem:$0x1FE20]  }
0x258: {  	s10 =	sadd.s32 $0x140, s10;
	v14 =	vmovc v36;
	v41 =	vnsel vm0, $0x0, v46;
	v36 =	vmul.f32 v46, v61;
	v44 =	vsub.f32 v59, v10;
	v10 =	vld [tilespmem:$0x1FE30];
	[tilespmem:s15+$0x100] =	vst v56  }
0x259: {  	v3 =	vld [tilespmem:$0x1FFA0]  }
0x25a: {  	v0 =	vadd.f32 v48, v50  }
0x25b: {  	v4 =	vld [tilespmem:$0x1FFB0]  }
0x25c: {  	v0 =	vmul.f32 v0, v43  }
0x25d: {  	v2 =	vadd.f32 v47, v38;
	v1 =	vmul.f32 $1.442695020e+00, v44  }
0x25e: {  	[tilespmem:s15+$0x110] =	vst v41;
	v0 =	vmul.f32 v0, v3  }
0x25f: {  	(erf) = vpow2.f32 v1;
	v1 =	vmul.f32 v2, v45;
	v2 =	vld [tilespmem:$0x1FE60]  }
0x260: {  	v0 =	vsub.f32 v0, v4;
	_ =	sdelay $0x1  }
0x261: {  	v1 =	vmul.f32 v1, v3;
	v0 =	vmul.f32 $1.442695020e+00, v0;
	_ =	sdelay $0x1  }
0x262: {  	[tilespmem:s14+$0x70] =	vst v34;
	v1 =	vsub.f32 v1, v4;
	v2 =	vmul.f32 v46, v2;
	(erf) = vpow2.f32 v0  }
0x263: {  	[tilespmem:s15+$0x90] =	vst v36;
	v0 =	vmul.f32 v46, v19  }
0x264: {  	v1 =	vmul.f32 $1.442695020e+00, v1;
	[tilespmem:s15+$0xA0] =	vst v2;
	v2 =	vmul.f32 v46, v16  }
0x265: {  	[tilespmem:s15+$0xB0] =	vst v0;
	v0 =	vmul.f32 v10, v46  }
0x266: {  	[tilespmem:s15+$0xC0] =	vst v2;
	v2 =	vmul.f32 v13, v46;
	v3 =	vpop (erf);
	(erf) = vpow2.f32 v1  }
0x267: {  	v1 =	vmul.f32 v3, v29;
	[tilespmem:s15+$0xD0] =	vst v0;
	v0 =	vmul.f32 v14, v46  }
0x268: {  	[tilespmem:s15+$0xE0] =	vst v2  }
0x269: {  	[tilespmem:s15+$0xF0] =	vst v0;
	v0 =	vmul.f32 v3, v25  }
0x26a: {  	v2 =	vmul.f32 v3, v32;
	[tilespmem:s15+$0xFFFFFF70] =	vst v1  }
0x26b: {  	[tilespmem:s15+$0xFFFFFF80] =	vst v0;
	v0 =	vmul.f32 v3, v24;
	v1 =	vpop (erf)  }
0x26c: {  	[tilespmem:s15+$0xFFFFFF90] =	vst v2;
	v4 =	vmul.f32 v1, v39  }
0x26d: {  	[tilespmem:s15+$0xFFFFFFA0] =	vst v0;
	v0 =	vnsel vm0, $0x0, v3  }
0x26e: {  	v2 =	vnsel vm0, $0x0, v1;
	[tilespmem:s15+$0xFFFFFFF0] =	vst v0  }
0x26f: {  	v0 =	vmul.f32 v1, v35;
	[tilespmem:s15+$0xFFFFFF60] =	vst v2  }
0x270: {  	[tilespmem:s15+$0xFFFFFEE0] =	vst v4;
	v4 =	vpop (erf)  }
0x271: {  	[tilespmem:s15+$0xFFFFFEF0] =	vst v0;
	v0 =	vmul.f32 v1, v11;
	v2 =	vnsel vm0, $0x0, v4  }
0x272: {  	[tilespmem:s15+$0x80] =	vst v2;
	v2 =	vmul.f32 v1, v8  }
0x273: {  	[tilespmem:s15+$0xFFFFFF00] =	vst v0  }
0x274: {  	v0 =	vld [tilespmem:$0x1FE80];
	[tilespmem:s15+$0xFFFFFF10] =	vst v2  }
0x275: {  	v2 =	vld [tilespmem:$0x1FE70];
	_ =	sdelay $0x3  }
0x276: {  	v0 =	vmul.f32 v0, v1  }
0x277: {  	v2 =	vmul.f32 v2, v1  }
0x278: {  	[tilespmem:s15+$0xFFFFFF20] =	vst v0;
	v0 =	vmul.f32 v17, v1  }
0x279: {  	v1 =	vmul.f32 v57, v1;
	[tilespmem:s15+$0xFFFFFF30] =	vst v2  }
0x27a: {  	[tilespmem:s15+$0xFFFFFF40] =	vst v0;
	v0 =	vmul.f32 v21, v3  }
0x27b: {  	[tilespmem:s15+$0xFFFFFF50] =	vst v1;
	v1 =	vmul.f32 v18, v3  }
0x27c: {  	v2 =	vmul.f32 v4, v26;
	[tilespmem:s15+$0xFFFFFFB0] =	vst v0  }
0x27d: {  	v0 =	vmul.f32 v22, v3;
	[tilespmem:s15+$0xFFFFFFC0] =	vst v1  }
0x27e: {  	v1 =	vmul.f32 v23, v3;
	[tilespmem:s15+$0x0] =	vst v2  }
0x27f: {  	[tilespmem:s15+$0xFFFFFFD0] =	vst v0;
	v0 =	vmul.f32 v4, v20  }
0x280: {  	v2 =	vmul.f32 v33, v4;
	[tilespmem:s15+$0xFFFFFFE0] =	vst v1  }
0x281: {  	[tilespmem:s15+$0x10] =	vst v0;
	v0 =	vmul.f32 v4, v28  }
0x282: {  	v1 =	vmul.f32 v4, v31;
	[tilespmem:s15+$0x40] =	vst v2  }
0x283: {  	[tilespmem:s15+$0x30] =	vst v0;
	v0 =	vmul.f32 v27, v4  }
0x284: {  	s12 =	sadd.s32 $0x1, s12;
	[tilespmem:s15+$0x20] =	vst v1;
	v1 =	vmul.f32 v30, v4  }
0x285: {  	p0 =	sne.s32 s12, $0x51;
	[tilespmem:s15+$0x50] =	vst v0;
	v0 =	vmul.f32 v37, v4  }
.Ltmp3:
0x286: {  	[tilespmem:s15+$0x60] =	vst v1;
	(pc) =	sbr.rel @p0 .LBB2_4-.Ltmp3, $4  }
0x287: {  	[tilespmem:s15+$0x70] =	vst v0  }
0x288: {  	v1 =	vld [tilespmem:$0x1FFE0]  }
0x289: {  	s10 =	simm.s32 $0x140;
	v2 =	vld [tilespmem:$0x1FFF0]  }
0x28a: {  	[spmem:s3] =	stream.indirect.scatter.add.f32 [tilespmem:s11], [sflag:$0x6], $0x90, s10, s1, $0xb8;
	v3 =	vld [tilespmem:$0x1FFD0]  }
0x28b: {  	s10 =	simm.s32 $0x5  }
0x28c: {  	_ =	swait.ge [sflag:s10], $0x2400  }
0x28d: {  	[sflag:s10] =	ssyncset.done $0x0  }
0x28e: {  	s14 =	simm.s32 $0x6;
	[sflag:s10] =	ssyncadd.s32 $0xFFFFDC00  }
0x28f: {  	_ =	swait.ge [sflag:s14], $0x2400  }
0x290: {  	[sflag:s14] =	ssyncset.done $0x0  }
0x291: {  	[sflag:s14] =	ssyncadd.s32 $0xFFFFDC00  }
0x292: {  	_ =	swait.ge [sflag:s17], $0x1400  }
0x293: {  	[sflag:s17] =	ssyncset.done $0x0  }
0x294: {  	[sflag:s17] =	ssyncadd.s32 $0xFFFFEC00  }
0x295: {  	_ =	swait.ge [sflag:s18], $0x1000  }
0x296: {  	[sflag:s18] =	ssyncset.done $0x0  }
0x297: {  	[sflag:s18] =	ssyncadd.s32 $0xFFFFF000  }
0x298: {  	_ =	swait.ge [sflag:s9], $0x80  }
0x299: {  	[sflag:s9] =	ssyncset.done $0x0  }
0x29a: {  	[sflag:s9] =	ssyncadd.s32 $0xFFFFFF80  }
0x29b: {  	s15 =	stileid.u32;
	[bflag:$0x0] =	sbarrier.arrive $0xFFFF  }
0x29c: {  	s10 =	sshll.u32 s15, $0x6;
	s13 =	rddreg [dreg:$0x5]  }
0x29d: {  	s10 =	sor.u32 $0x1C09, s10;
	s14 =	rddreg [dreg:$0x11];
	s12 =	sshrl.u32 s13, $0x3  }
0x29e: {  	[hbm:s14], [sflag:s10] =	dma.local [spmem:s12], $0x2C28  }
0x29f: {  	_ =	swait.ge [sflag:s25], $0x2C28  }
0x2a0: {  	s16 =	rddreg [dreg:$0x13]  }
0x2a1: {  	s19 =	rddreg [dreg:$0x12];
	s12 =	sadd.s32 $0x1, s16  }
0x2a2: {  	p0 =	sne.s32 s12, s19  }
.Ltmp4:
0x2a3: {  	_ = 	snop;
	(pc) =	sbr.rel @p0 .LBB2_1-.Ltmp4, $3  }
0x2a4: {  	_ =	sdelay $0x1  }
0x2a5: {  	[sflag:s25] =	ssyncset.done $0x0  }
0x2a6: {  	v0 =	vimm.f32 $0.0e+00;
	[sflag:s25] =	ssyncadd.s32 $0xFFFFD3D8  }
0x2a7: {  	_ =	sfence.sel $0x180000  }
0x2a8: {  	[bflag:$0x0] =	sbarrier.arrive $0xFFFF  }
0x2a9: {  	_ =	strace $0x9000004A  }
0x2aa: {  	s0 =	stileid.u32;
	[bflag:$0x2] =	sbarrier.arrive $0xFFFF  }
0x2ab: {  	p0 =	sne.s32 s0, $0x0;
	s0 =	rddreg [dreg:$0x3]  }
0x2ac: {  	s0 =	sadd.s32 @!p0 $0x100000, s0  }
0x2ad: {  	[sflag:s0] =	ssyncadd.tile.s32 @!p0 $0x1;
	_ =	shalt  }
.Lfunc_end2:
_tile_overlayer_lowered:
.L_overlay_start_2:
0x2ae: {  	(tag) =	ssettag $0x2  }
0x2af: {  	s0 =	rddreg [dreg:$0x0];
	s2 =	stileid.u32  }
0x2b0: {  	s1 =	rddreg [dreg:$0x1];
	p0 =	sne.s32 s2, $0x0  }
0x2b1: {  	s3 =	rddreg [dreg:$0x2];
	[bflag:$0x3] =	sbarrier.arrive $0xFFFF;
	s2 =	simm.s32 @!p0 $0x1C09  }
0x2b2: {  	[timem:s3], [sflag:s2] =	dma.local @!p0 [hbm:s0], s1  }
0x2b3: {  	s0 =	simm.s32 @!p0 $0x9  }
0x2b4: {  	_ =	swait.ge @!p0 [sflag:s0], s1  }
0x2b5: {  	s1 =	ssub.s32 @!p0 $0x0, s1;
	[sflag:s0] =	ssyncset.done @!p0 $0x0  }
0x2b6: {  	[sflag:s0] =	ssyncadd.s32 @!p0 s1  }
0x2b7: {  	[bflag:$0x3] =	sbarrier.arrive $0xFFFF  }
0x2b8: {  	_ =	shalt  }

// kernel: kernel.7.cloned.1.call-start
scs
__scs_entry_jumppad:
0x0: {  	(pc) =	sbr.rel $0x88, $3  }
0x1: {  	(tag) =	ssettag $0x0;
	lr =	simm.s32 $0x1  }
0x2: {  	[smem:$0x3F9A] =	sst lr;
	_ =	strace $0xD0000000  }
0x3: {  	_ = 	snop  }
0x4: {  	_ = 	snop  }
0x5: {  	_ = 	snop  }
0x6: {  	_ = 	snop  }
0x7: {  	_ = 	snop  }
__scs_overlays_trampoline_lowered:
0x8: {  	[smem:$0x3FA9] =	sst s0  }
0x9: {  	[smem:$0x3FAA] =	sst s1  }
0xa: {  	[smem:$0x3FAB] =	sst s2  }
0xb: {  	[smem:$0x3FAC] =	sst s3  }
0xc: {  	[smem:$0x3FAD] =	sst s4  }
0xd: {  	[smem:$0x3FAE] =	sst s5  }
0xe: {  	[smem:$0x3FAF] =	sst s6  }
0xf: {  	[smem:$0x3FB0] =	sst s7  }
0x10: {  	[smem:$0x3FB1] =	sst s8  }
0x11: {  	[smem:$0x3FB2] =	sst s9;
	s0 =	simm.s32 @!p0 $0x0  }
0x12: {  	s1 =	sld [smem:$0x3F98];
	s0 =	simm.s32 @p0 $0x1  }
0x13: {  	[smem:$0x3FB3] =	sst s0;
	s0 =	simm.s32 @!p1 $0x0  }
0x14: {  	s2 =	sld [smem:$0x3F97];
	s0 =	simm.s32 @p1 $0x1  }
0x15: {  	[smem:$0x3FB4] =	sst s0;
	s0 =	simm.s32 @!p2 $0x0  }
0x16: {  	s3 =	sld [smem:$0x3FDB];
	s0 =	simm.s32 @p2 $0x1  }
0x17: {  	s4 =	simm.s32 $0x1BF5;
	[smem:$0x3FB6] =	sst s0  }
0x18: {  	s0 =	sld [smem:$0x3F99];
	_ =	swait.ge [sflag:s4], $0x0  }
0x19: {  	s7 =	sld [smem:$0x3F9A]  }
0x1a: {  	s8 =	sadd.s32 $0xFFFFE003, lr  }
0x1b: {  	s9 =	sadd.s32 $0xFFFFFEF7, lr;
	s5 =	simm.s32 $0xFFFFFFFF;
	p2 =	slt.u32 s8, $0xFFFFF086  }
0x1c: {  	p1 =	slt.u32 s9, $0xF7A;
	s5 =	simm.s32 @!p2 $0x0  }
0x1d: {  	s5 =	simm.s32 @p1 $0x1;
	p0 =	seq.s32 s7, s2  }
0x1e: {  	s7 =	smul.u32 @!p0 $0xF7A, s2;
	p2 =	seq.s32 @!p0 s5, $0x0  }
0x1f: {  	s9 =	smul.u32 $0xF7A, s1;
	s8 =	simm.s32 @!p0 $0x1BF5;
	p2 =	por !p2, p0  }
0x20: {  	[sflag:s8] =	ssyncset.s32 @!p0 $0xFFFFF086;
	s6 =	sadd.s32 @!p0 s3, s7;
	s7 =	simm.s32 @!p0 $0x108  }
0x21: {  	s3 =	sadd.s32 s3, s9;
	s6 =	sadd.s32 @!p0 $0x88, s6;
	s7 =	simm.s32 @p2 $0x1082  }
0x22: {  	[simem:s7], [sflag:s8] =	dma.local @!p0 [hbm:s6], $0xF7A  }
0x23: {  	s9 =	sor.u32 $0xD0000000, s2;
	s6 =	simm.s32 $0x108;
	_ =	swait.ge @!p0 [sflag:s8], $0x0  }
0x24: {  	s3 =	sadd.s32 $0x88, s3;
	s6 =	simm.s32 @!p1 $0x1082;
	[sflag:s4] =	ssyncset.s32 $0xFFFFF086  }
0x25: {  	[simem:s6], [sflag:s4] =	dma.local [hbm:s3], $0xF7A  }
0x26: {  	[smem:$0x3F9A] =	sst s1;
	(tag) =	ssettag s2;
	_ =	strace s9  }
0x27: {  	s1 =	sld [smem:$0x3FAA]  }
0x28: {  	s2 =	sld [smem:$0x3FAB]  }
0x29: {  	s4 =	sld [smem:$0x3FAD]  }
0x2a: {  	p0 =	seq.s32 s5, $0x0;
	s5 =	sld [smem:$0x3FAE]  }
0x2b: {  	s6 =	sld [smem:$0x3FAF]  }
0x2c: {  	s7 =	sld [smem:$0x3FB0]  }
0x2d: {  	s3 =	simm.s32 $0x108;
	s8 =	sld [smem:$0x3FB1]  }
0x2e: {  	s3 =	simm.s32 @!p0 $0x1082;
	s9 =	sld [smem:$0x3FB2]  }
0x2f: {  	lr =	sadd.s32 s0, s3;
	s0 =	sld [smem:$0x3FA9]  }
0x30: {  	s3 =	sld [smem:$0x3FAC]  }
0x31: {  	[smem:$0x3FB5] =	sst s10  }
0x32: {  	s10 =	sld [smem:$0x3FB3];
	_ =	sdelay $0x3  }
0x33: {  	p0 =	seq.s32 s10, $0x1;
	s10 =	sld [smem:$0x3FB5];
	_ =	sdelay $0x3  }
0x34: {  	[smem:$0x3FB5] =	sst s10  }
0x35: {  	s10 =	sld [smem:$0x3FB4];
	_ =	sdelay $0x3  }
0x36: {  	p1 =	seq.s32 s10, $0x1;
	s10 =	sld [smem:$0x3FB5];
	_ =	sdelay $0x3  }
0x37: {  	[smem:$0x3FB5] =	sst s10  }
0x38: {  	s10 =	sld [smem:$0x3FB6]  }
0x39: {  	_ = 	snop;
	(pc) =	sbr.ind lr, $3  }
0x3a: {  	_ = 	snop  }
0x3b: {  	_ = 	snop  }
0x3c: {  	p2 =	seq.s32 s10, $0x1;
	s10 =	sld [smem:$0x3FB5]  }
0x3d: {  	_ =	shalt  }
0x3e: {  	_ =	shalt  }
0x3f: {  	_ =	shalt  }
0x40: {  	_ =	shalt  }
0x41: {  	_ =	shalt  }
0x42: {  	_ =	shalt  }
0x43: {  	_ =	shalt  }
0x44: {  	_ =	shalt  }
0x45: {  	_ =	shalt  }
0x46: {  	_ =	shalt  }
0x47: {  	_ =	shalt  }
0x48: {  	_ =	shalt  }
0x49: {  	_ =	shalt  }
0x4a: {  	_ =	shalt  }
0x4b: {  	_ =	shalt  }
0x4c: {  	_ =	shalt  }
0x4d: {  	_ =	shalt  }
0x4e: {  	_ =	shalt  }
0x4f: {  	_ =	shalt  }
0x50: {  	_ =	shalt  }
0x51: {  	_ =	shalt  }
0x52: {  	_ =	shalt  }
0x53: {  	_ =	shalt  }
0x54: {  	_ =	shalt  }
0x55: {  	_ =	shalt  }
0x56: {  	_ =	shalt  }
0x57: {  	_ =	shalt  }
0x58: {  	_ =	shalt  }
0x59: {  	_ =	shalt  }
0x5a: {  	_ =	shalt  }
0x5b: {  	_ =	shalt  }
0x5c: {  	_ =	shalt  }
0x5d: {  	_ =	shalt  }
0x5e: {  	_ =	shalt  }
0x5f: {  	_ =	shalt  }
0x60: {  	_ =	shalt  }
0x61: {  	_ =	shalt  }
0x62: {  	_ =	shalt  }
0x63: {  	_ =	shalt  }
0x64: {  	_ =	shalt  }
0x65: {  	_ =	shalt  }
0x66: {  	_ =	shalt  }
0x67: {  	_ =	shalt  }
0x68: {  	_ =	shalt  }
0x69: {  	_ =	shalt  }
0x6a: {  	_ =	shalt  }
0x6b: {  	_ =	shalt  }
0x6c: {  	_ =	shalt  }
0x6d: {  	_ =	shalt  }
0x6e: {  	_ =	shalt  }
0x6f: {  	_ =	shalt  }
0x70: {  	_ =	shalt  }
0x71: {  	_ =	shalt  }
0x72: {  	_ =	shalt  }
0x73: {  	_ =	shalt  }
0x74: {  	_ =	shalt  }
0x75: {  	_ =	shalt  }
0x76: {  	_ =	shalt  }
0x77: {  	_ =	shalt  }
0x78: {  	_ =	shalt  }
0x79: {  	_ =	shalt  }
0x7a: {  	_ =	shalt  }
0x7b: {  	_ =	shalt  }
0x7c: {  	_ =	shalt  }
0x7d: {  	_ =	shalt  }
0x7e: {  	_ =	shalt  }
0x7f: {  	_ =	shalt  }
0x80: {  	_ =	shalt  }
0x81: {  	_ =	shalt  }
0x82: {  	_ =	shalt  }
0x83: {  	_ =	shalt  }
0x84: {  	_ =	shalt  }
0x85: {  	_ =	shalt  }
0x86: {  	_ =	shalt  }
0x87: {  	_ =	shalt  }
.Lfunc_end0:
.L_simem_size_0:
called_computation_lowered:
.L_overlay_start_0:
0x88: {  	s2 =	sld [smem:$0x3FD9]  }
0x89: {  	s3 =	sld [smem:$0x3FFE];
	_ =	sdelay $0x1  }
0x8a: {  	s1 =	srdreg.scid  }
0x8b: {  	s0 =	sand.u32 $0x1, s1  }
0x8c: {  	s17 =	sshll.u32 s0, $0xA;
	s2 =	sadd.s32 s3, s2  }
0x8d: {  	s2 =	sadd.s32 s2, s17  }
0x8e: {  	[smem:$0x3FC1] =	sst s2  }
0x8f: {  	_ = 	snop  }
0x90: {  	s2 =	sld [smem:$0x3FD0];
	(tm) =	ssettm $0x1  }
0x91: {  	s18 =	sld [smem:$0x3FFB];
	_ =	sdelay $0x3  }
0x92: {  	_ =	strace s18  }
0x93: {  	s3 =	sld [smem:$0x3FFC];
	_ =	sdelay $0x3  }
0x94: {  	_ =	strace s3  }
0x95: {  	s3 =	sld [smem:$0x3FFD];
	_ =	sdelay $0x3  }
0x96: {  	_ =	strace s3  }
0x97: {  	_ =	strace $0x8FFFFFFF  }
0x98: {  	s19 =	sld [smem:$0x3FDB];
	_ =	sdelay $0x1  }
0x99: {  	s4 =	simm.s32 $_scs_section_size  }
0x9a: {  	s5 =	simm.s32 $_size__tile_overlayer_lowered;
	s6 =	simm.s32 $_tile_overlayer_lowered  }
0x9b: {  	s22 =	simm.s32 $0x1BFF;
	s21 =	sshll.u32 s6, $0x1;
	s3 =	sadd.s32 s4, s19  }
0x9c: {  	s7 =	simm.s32 $0x0;
	s20 =	sshll.u32 s5, $0x1;
	s5 =	sadd.s32 s21, s3  }
0x9d: {  	[timem:s7], [sflag:s22] =	dma.local [hbm:s5], s20  }
0x9e: {  	_ =	swait.ge [sflag:s22], s20  }
0x9f: {  	s4 =	ssub.s32 $0x0, s20;
	[sflag:s22] =	ssyncset.done $0x0  }
0xa0: {  	[sflag:s22] =	ssyncadd.s32 s4;
	_ =	sdelay $0x1  }
0xa1: {  	s23 =	simm.s32 $0x1B8B  }
0xa2: {  	_ =	swait.ge [sflag:s23], $0x1  }
0xa3: {  	[sflag:s23] =	ssyncset.done $0x0  }
0xa4: {  	s25 =	simm.s32 $0x1B8E;
	s24 =	sld [smem:$0x3FFE];
	[sflag:s23] =	ssyncadd.s32 $0xFFFFFFFF  }
0xa5: {  	s26 =	simm.s32 $execute0_lowered;
	[smem:$0x3FD2] =	sst s25  }
0xa6: {  	s5 =	sshll.u32 s26, $0x1;
	_ =	strace $0x80000046;
	[dreg:$0x1] =	wrdreg $0xFFFFFFFF  }
0xa7: {  	s28 =	simm.s32 $_size_execute0_lowered;
	s3 =	sadd.s32 s3, s5;
	[dreg:$0x0] =	wrdreg $0x0  }
0xa8: {  	s5 =	sshll.u32 s28, $0x1;
	[dreg:$0x2] =	wrdreg s3  }
0xa9: {  	[dreg:$0x3] =	wrdreg s5  }
0xaa: {  	[dreg:$0x4] =	wrdreg $0xC0  }
0xab: {  	_ =	task [dreg:s7], $0x5FFFF  }
0xac: {  	[dreg:$0x1] =	wrdreg $0xFFFFFFFF  }
0xad: {  	[dreg:$0x0] =	wrdreg $0x60  }
0xae: {  	[dreg:$0x2] =	wrdreg s24  }
0xaf: {  	[dreg:$0x3] =	wrdreg s2  }
0xb0: {  	[dreg:$0x4] =	wrdreg $0x91900  }
0xb1: {  	[dreg:$0x5] =	wrdreg $0x9  }
0xb2: {  	_ =	task.clear_ibuf [dreg:s7], $0x6FFFF;
	_ =	strace $0x90000046  }
0xb3: {  	s29 =	simm.s32 $0x9;
	_ =	strace $0x80000048  }
0xb4: {  	_ =	swait.ge [sflag:s29], $0x1  }
0xb5: {  	[sflag:s29] =	ssyncadd.s32 $0xFFFFFFFF  }
0xb6: {  	_ =	strace $0x90000048  }
0xb7: {  	_ =	sfence  }
0xb8: {  	s30 =	sld [smem:$0x0];
	_ =	sdelay $0x2  }
0xb9: {  	s31 =	sshll.u32 s1, $0xD;
	s1 =	sshrl.u32 s1, $0x2  }
0xba: {  	s3 =	sand.u32 $0x4000, s31;
	s1 =	sadd.s32 s1, s30  }
0xbb: {  	s0 =	sor.u32 s3, s0;
	s1 =	sshll.u32 s1, $0x11  }
0xbc: {  	s0 =	sor.u32 s1, s0  }
0xbd: {  	s0 =	sadd.s32 $0x8F2B, s0  }
0xbe: {  	[sflag:s0] =	ssyncadd.remote.s32 $0x1  }
0xbf: {  	_ =	sfence.sel $0xFFFF  }
0xc0: {  	[dreg:$0x0] =	wrdreg $0xFFFFFFFF;
	(pc) =	sbr.abs _section_cstart, $3  }
0xc1: {  	[dreg:$0x1] =	wrdreg $0xFFFFFFFF  }
0xc2: {  	_ =	task.clear_ibuf [dreg:s7], $0x2FFFF;
	_ =	strace $0x9FFFFFFF  }
0xc3: {  	(tm) =	ssettm $0x7FFFFFFF  }
tec
execute0_lowered:
.L_overlay_start_1:
0x0: {  	(tag) =	ssettag $0x1  }
0x1: {  	s0 =	srdreg.scid  }
0x2: {  	s10 =	stileid.u32;
	s1 =	rddreg [dreg:$0x0]  }
0x3: {  	s2 =	rddreg [dreg:$0x1];
	s5 =	simm.s32 $0x0;
	s28 =	simm.s32 $0x80  }
0x4: {  	s29 =	simm.s32 $0x20;
	s30 =	simm.s32 $0x180;
	s31 =	simm.s32 $0xB80  }
0x5: {  	s12 =	simm.s32 $0x0;
	s0 =	sand.u32 $0x1, s0;
	s7 =	smul.u32 $0x16140, s10  }
0x6: {  	s3 =	sshll.u32 s10, $0x1;
	[smem:$0x7FF] =	sst s5;
	s10 =	smul.u32 $0x58500, s10  }
0x7: {  	s6 =	sadd.s32 $0x16000, s1;
	s11 =	sadd.s32 $0x2EA00, s1;
	s4 =	sor.u32 s0, s3  }
0x8: {  	s3 =	rddreg [dreg:$0x2];
	_ =	strace $0x80000047;
	s10 =	sshrl.u32 s10, $0x2  }
0x9: {  	[dreg:$0x4] =	wrdreg s11;
	s13 =	sadd.s32 s7, s3;
	s16 =	sadd.s32 s10, s3  }
0xa: {  	s8 =	smul.u32 $0x161400, s0;
	[dreg:$0x5] =	wrdreg s13;
	s10 =	sadd.s32 $0x2400, s16  }
0xb: {  	v0 =	vimm.s32 $0xFEDCBA98;
	v1 =	vimm.s32 $0x76543210;
	s0 =	ssub.s32 $0x2, s0;
	s17 =	sadd.s32 $0x4800, s16;
	[dreg:$0x6] =	wrdreg s10  }
0xc: {  	v2 =	vimm.s32 $0xBA98FEDC;
	v3 =	vimm.s32 $0x32107654;
	s11 =	simm.s32 $0x6D80;
	s18 =	sadd.s32 $0x6C00, s16;
	[dreg:$0x7] =	wrdreg s17  }
0xd: {  	v4 =	vimm.s32 $0xDCFE98BA;
	v5 =	vimm.s32 $0x54761032;
	s4 =	smul.u32 $0xA20, s4;
	s19 =	sadd.s32 $0x9000, s16;
	[dreg:$0x8] =	wrdreg s18  }
0xe: {  	v6 =	vimm.s32 $0xEFCDAB89;
	v7 =	vimm.s32 $0x67452301;
	v0 =	vunpack.c.l.s4.s8 v0;
	s15 =	sshrl.u32 s0, $0x1;
	s20 =	sadd.s32 $0xB400, s16;
	[dreg:$0x9] =	wrdreg s19  }
0xf: {  	v1 =	vunpack.c.l.s4.s8 v1;
	v2 =	vunpack.c.l.s4.s8 v2;
	v3 =	vunpack.c.l.s4.s8 v3;
	s8 =	sadd.s32 s7, s8;
	s21 =	sadd.s32 $0xD800, s16;
	[dreg:$0xa] =	wrdreg s20  }
0x10: {  	v4 =	vunpack.c.l.s4.s8 v4;
	v5 =	vunpack.c.l.s4.s8 v5;
	v6 =	vunpack.c.l.s4.s8 v6;
	s0 =	ssub.s32 s0, s15;
	s22 =	sadd.s32 $0xFC00, s16;
	[dreg:$0xb] =	wrdreg s21  }
0x11: {  	v7 =	vunpack.c.l.s4.s8 v7;
	v0 =	vunpack.c.0.s8.s32 v0;
	v2 =	vunpack.c.0.s8.s32 v2;
	s9 =	sadd.s32 s4, s1;
	s23 =	sadd.s32 $0x12000, s16;
	[dreg:$0xc] =	wrdreg s22  }
0x12: {  	v3 =	vunpack.c.0.s8.s32 v3;
	v4 =	vunpack.c.0.s8.s32 v4;
	v5 =	vunpack.c.0.s8.s32 v5;
	s8 =	sshrl.u32 s8, $0x3;
	s7 =	sadd.s32 $0x14400, s16;
	[dreg:$0xd] =	wrdreg s23  }
0x13: {  	v6 =	vunpack.c.0.s8.s32 v6;
	v7 =	vunpack.c.0.s8.s32 v7;
	v1 =	vunpack.c.0.s8.s32 v1;
	s0 =	smax.u32 s0, $0x1;
	s8 =	sadd.s32 s8, s1;
	[dreg:$0xe] =	wrdreg s7  }
0x14: {  	v2 =	vcombine.low v3, v2;
	v3 =	vcombine.low v5, v4;
	v4 =	vand.u32 $0xF, v0;
	s24 =	sadd.s32 $0x1A00, s9;
	s25 =	sadd.s32 $0x1A10, s9;
	s20 =	sadd.s32 $0x1A20, s1  }
0x15: {  	v5 =	vcombine.low v7, v6;
	s21 =	sadd.s32 $0x1A30, s1;
	[dreg:$0x12] =	wrdreg s0;
	s1 =	simm.s32 $0x40;
	v63 =	vcombine.low v4, v1  }
0x16: {  	s0 =	simm.s32 $0x60;
	s7 =	simm.s32 $0x3180;
	s9 =	simm.s32 $0x8  }
0x17: {  	s17 =	simm.s32 $0x1;
	s18 =	simm.s32 $0x3;
	[dreg:$0xf] =	wrdreg s24;
	v1 =	vand.u32 $0xF, v2;
	v2 =	vand.u32 $0xF, v3;
	v3 =	vand.u32 $0xF, v5;
	[tilespmem:$0x1FFC0] =	vst v63  }
0x18: {  	s22 =	simm.s32 $0x7;
	s23 =	simm.s32 $0x2;
	[dreg:$0x10] =	wrdreg s25;
	[tilespmem:$0x1FFD0] =	vst v3  }
0x19: {  	s26 =	sadd.s32 $0x2EC00, s8;
	s24 =	simm.s32 $0x4980;
	s25 =	simm.s32 $0x9;
	[tilespmem:$0x1FFE0] =	vst v1  }
0x1a: {  	vm0 =	vmmov $0x1;
	v0 =	vimm.f32 $0.0e+00;
	s8 =	simm.s32 $0x4;
	[dreg:$0x11] =	wrdreg s26;
	s26 =	simm.s32 $0x2980;
	[tilespmem:$0x1FFF0] =	vst v2  }
.LBB2_1:
0x1b: {  	[dreg:$0x13] =	wrdreg s12;
	s10 =	simm.s32 $0x0;
	s12 =	simm.s32 $0x240  }
.LBB2_2:
0x1c: {  	p0 =	sne.s32 s12, $0x8DC0;
	[tilespmem:s10+$0x4A00] =	vst v0  }
0x1d: {  	[tilespmem:s10+$0x4980] =	vst v0  }
0x1e: {  	[tilespmem:s10+$0x4990] =	vst v0  }
0x1f: {  	[tilespmem:s10+$0x49A0] =	vst v0  }
.Ltmp0:
0x20: {  	[tilespmem:s10+$0x49B0] =	vst v0;
	(pc) =	sbr.rel @p0 .LBB2_2-.Ltmp0, $4  }
0x21: {  	[tilespmem:s10+$0x49C0] =	vst v0  }
0x22: {  	[tilespmem:s10+$0x49D0] =	vst v0  }
0x23: {  	[tilespmem:s10+$0x49E0] =	vst v0  }
0x24: {  	[tilespmem:s10+$0x49F0] =	vst v0;
	s10 =	sshra.s32 s12, $0x2;
	s12 =	sadd.s32 $0x240, s12  }
0x25: {  	[tilespmem:s10+$0x4A00] =	vst v0  }
0x26: {  	[tilespmem:s10+$0x4980] =	vst v0  }
0x27: {  	[tilespmem:s10+$0x4990] =	vst v0  }
0x28: {  	[tilespmem:s10+$0x49A0] =	vst v0  }
0x29: {  	[tilespmem:s10+$0x49B0] =	vst v0  }
0x2a: {  	[tilespmem:s10+$0x49C0] =	vst v0  }
0x2b: {  	[tilespmem:s10+$0x49D0] =	vst v0  }
0x2c: {  	[tilespmem:s10+$0x49E0] =	vst v0  }
0x2d: {  	[tilespmem:s10+$0x49F0] =	vst v0  }
0x2e: {  	[spmem:s13] =	stream.linear.scatter [tilespmem:s24], [sflag:$0x9], $0x2400, $0x38;
	[tilespmem:$0x1F2D0] =	vst v63  }
0x2f: {  	_ =	swait.ge [sflag:s25], $0x2400  }
0x30: {  	[sflag:s25] =	ssyncset.done $0x0  }
0x31: {  	s19 =	rddreg [dreg:$0x6];
	[sflag:s25] =	ssyncadd.s32 $0xFFFFDC00  }
0x32: {  	[spmem:s19] =	stream.linear.scatter [tilespmem:s24], [sflag:$0x9], $0x2400, $0x38;
	[tilespmem:$0x1F2D0] =	vst v63  }
0x33: {  	_ =	swait.ge [sflag:s25], $0x2400  }
0x34: {  	[sflag:s25] =	ssyncset.done $0x0  }
0x35: {  	s12 =	rddreg [dreg:$0x7];
	[sflag:s25] =	ssyncadd.s32 $0xFFFFDC00  }
0x36: {  	[spmem:s12] =	stream.linear.scatter [tilespmem:s24], [sflag:$0x9], $0x2400, $0x38;
	[tilespmem:$0x1F2D0] =	vst v63  }
0x37: {  	_ =	swait.ge [sflag:s25], $0x2400  }
0x38: {  	[sflag:s25] =	ssyncset.done $0x0  }
0x39: {  	s13 =	rddreg [dreg:$0x8];
	[sflag:s25] =	ssyncadd.s32 $0xFFFFDC00  }
0x3a: {  	[spmem:s13] =	stream.linear.scatter [tilespmem:s24], [sflag:$0x9], $0x2400, $0x38;
	[tilespmem:$0x1F2D0] =	vst v63  }
0x3b: {  	_ =	swait.ge [sflag:s25], $0x2400  }
0x3c: {  	[sflag:s25] =	ssyncset.done $0x0  }
0x3d: {  	s14 =	rddreg [dreg:$0x9];
	[sflag:s25] =	ssyncadd.s32 $0xFFFFDC00  }
0x3e: {  	[spmem:s14] =	stream.linear.scatter [tilespmem:s24], [sflag:$0x9], $0x2400, $0x38;
	[tilespmem:$0x1F2D0] =	vst v63  }
0x3f: {  	_ =	swait.ge [sflag:s25], $0x2400  }
0x40: {  	[sflag:s25] =	ssyncset.done $0x0  }
0x41: {  	s15 =	rddreg [dreg:$0xa];
	[sflag:s25] =	ssyncadd.s32 $0xFFFFDC00  }
0x42: {  	[spmem:s15] =	stream.linear.scatter [tilespmem:s24], [sflag:$0x9], $0x2400, $0x38;
	[tilespmem:$0x1F2D0] =	vst v63  }
0x43: {  	_ =	swait.ge [sflag:s25], $0x2400  }
0x44: {  	[sflag:s25] =	ssyncset.done $0x0  }
0x45: {  	s16 =	rddreg [dreg:$0xb];
	[sflag:s25] =	ssyncadd.s32 $0xFFFFDC00  }
0x46: {  	[spmem:s16] =	stream.linear.scatter [tilespmem:s24], [sflag:$0x9], $0x2400, $0x38;
	[tilespmem:$0x1F2D0] =	vst v63  }
0x47: {  	_ =	swait.ge [sflag:s25], $0x2400  }
0x48: {  	[sflag:s25] =	ssyncset.done $0x0  }
0x49: {  	s19 =	rddreg [dreg:$0xc];
	[sflag:s25] =	ssyncadd.s32 $0xFFFFDC00  }
0x4a: {  	[spmem:s19] =	stream.linear.scatter [tilespmem:s24], [sflag:$0x9], $0x2400, $0x38;
	[tilespmem:$0x1F2D0] =	vst v63  }
0x4b: {  	_ =	swait.ge [sflag:s25], $0x2400  }
0x4c: {  	[sflag:s25] =	ssyncset.done $0x0  }
0x4d: {  	s12 =	rddreg [dreg:$0xd];
	[sflag:s25] =	ssyncadd.s32 $0xFFFFDC00  }
0x4e: {  	[spmem:s12] =	stream.linear.scatter [tilespmem:s24], [sflag:$0x9], $0x2400, $0x38;
	[tilespmem:$0x1F2D0] =	vst v63  }
0x4f: {  	_ =	swait.ge [sflag:s25], $0x2400  }
0x50: {  	[sflag:s25] =	ssyncset.done $0x0  }
0x51: {  	s13 =	rddreg [dreg:$0xe];
	[sflag:s25] =	ssyncadd.s32 $0xFFFFDC00  }
0x52: {  	[spmem:s13] =	stream.linear.scatter [tilespmem:s24], [sflag:$0x9], $0x1D40, $0x38;
	[tilespmem:$0x1F2D0] =	vst v63  }
0x53: {  	_ =	swait.ge [sflag:s25], $0x1D40  }
0x54: {  	s15 =	simm.s32 $0x9180;
	[sflag:s25] =	ssyncset.done $0x0  }
0x55: {  	s12 =	simm.s32 $0x0;
	s14 =	rddreg [dreg:$0x4];
	[sflag:s25] =	ssyncadd.s32 $0xFFFFE2C0  }
0x56: {  	[tilespmem:s15], [sflag:$0x9] =	stream.linear.gather [hbm4b:s14+s12], $0x10, $0x38;
	[tilespmem:$0x1F2D0] =	vst v63  }
0x57: {  	_ =	swait.ge [sflag:s25], $0x10  }
0x58: {  	[sflag:s25] =	ssyncset.done $0x0  }
0x59: {  	[sflag:s25] =	ssyncadd.s32 $0xFFFFFFF0  }
0x5a: {  	[bflag:$0x0] =	sbarrier.arrive $0xFFFF  }
0x5b: {  	s16 =	rddreg [dreg:$0xf]  }
0x5c: {  	v0 =	vld [tilespmem:$0x9180];
	[tilespmem:s12], [sflag:$0x9] =	stream.linear.gather [hbm4b:s16+s12], $0x80, $0x38  }
0x5d: {  	_ =	swait.ge [sflag:s25], $0x80  }
0x5e: {  	[sflag:s25] =	ssyncset.done $0x0  }
0x5f: {  	s19 =	rddreg [dreg:$0x10];
	[sflag:s25] =	ssyncadd.s32 $0xFFFFFF80  }
0x60: {  	[tilespmem:s28], [sflag:$0x8] =	stream.linear.gather [hbm4b:s19+s12], $0x80, $0x38;
	[tilespmem:$0x1F2D0] =	vst v63  }
0x61: {  	_ = 	snop  }
0x62: {  	[tilespmem:s30], [sflag:$0x1] =	stream.indirect.gather [hbm4b:s6+s29], $0x50, s12, s29, $0xb8;
	[tilespmem:$0x1F2D0] =	vst v63  }
0x63: {  	_ = 	snop  }
0x64: {  	[tilespmem:s31], [sflag:$0x1] =	stream.indirect.gather [hbm4b:s6+s29], $0x50, s29, s29, $0xb8;
	[tilespmem:$0x1F2D0] =	vst v63  }
0x65: {  	[tilespmem:$0x1FFA0] =	vst v0  }
0x66: {  	v0 =	vand.u32 $0x7FFFFFFF, v0;
	[tilespmem:s26], [sflag:$0x3] =	stream.indirect.gather [hbm4b:s2+s29], $0x40, s1, s29, $0xb8;
	[tilespmem:$0x1F2D0] =	vst v63  }
0x67: {  	[tilespmem:$0x1FFB0] =	vst v0  }
0x68: {  	[tilespmem:s7], [sflag:$0x3] =	stream.indirect.gather [hbm4b:s2+s29], $0x40, s0, s29, $0xb8;
	[tilespmem:$0x1F2D0] =	vst v63  }
.LBB2_4:
0x69: {  	_ =	swait.ge [sflag:s9], $0x80  }
0x6a: {  	[sflag:s9] =	ssyncset.done $0x0  }
0x6b: {  	s10 =	simm.s32 $0x1580;
	[sflag:s9] =	ssyncadd.s32 $0xFFFFFF80  }
0x6c: {  	[tilespmem:s10], [sflag:$0x2] =	stream.indirect.gather [hbm4b:s6+s29], $0x50, s28, s29, $0xb8;
	[tilespmem:$0x1F2D0] =	vst v63  }
0x6d: {  	s15 =	simm.s32 $0xA0;
	s13 =	simm.s32 $0x1F80  }
0x6e: {  	[tilespmem:s13], [sflag:$0x2] =	stream.indirect.gather [hbm4b:s6+s29], $0x50, s15, s29, $0xb8;
	[tilespmem:$0x1F2D0] =	vst v63  }
0x6f: {  	s16 =	simm.s32 $0xC0;
	s19 =	simm.s32 $0x3980  }
0x70: {  	[tilespmem:s19], [sflag:$0x4] =	stream.indirect.gather [hbm4b:s2+s29], $0x40, s16, s29, $0xb8;
	[tilespmem:$0x1F2D0] =	vst v63  }
0x71: {  	s14 =	simm.s32 $0x4180;
	s13 =	simm.s32 $0xE0  }
0x72: {  	[tilespmem:s14], [sflag:$0x4] =	stream.indirect.gather [hbm4b:s2+s29], $0x40, s13, s29, $0xb8;
	[tilespmem:$0x1F2D0] =	vst v63  }
0x73: {  	_ =	swait.ge [sflag:s17], $0x1400  }
0x74: {  	[sflag:s17] =	ssyncset.done $0x0  }
0x75: {  	[sflag:s17] =	ssyncadd.s32 $0xFFFFEC00  }
0x76: {  	_ =	swait.ge [sflag:s18], $0x1000  }
0x77: {  	p0 =	seq.s32 s12, $0x0;
	[sflag:s18] =	ssyncset.done $0x0  }
0x78: {  	s10 =	simm.s32 @!p0 $0x5;
	[sflag:s18] =	ssyncadd.s32 $0xFFFFF000  }
0x79: {  	_ =	swait.ge @!p0 [sflag:s10], $0x2400  }
0x7a: {  	[sflag:s10] =	ssyncset.done @!p0 $0x0  }
0x7b: {  	[sflag:s10] =	ssyncadd.s32 @!p0 $0xFFFFDC00  }
0x7c: {  	v7 =	vld [tilespmem:$0x40]  }
0x7d: {  	v8 =	vld [tilespmem:$0x50]  }
0x7e: {  	v9 =	vld [tilespmem:$0x60]  }
0x7f: {  	v10 =	vld [tilespmem:$0x70];
	_ =	sdelay $0x1  }
0x80: {  	[tilespmem:$0x100] =	vst v7  }
0x81: {  	s15 =	sshll.u32 s12, $0x5;
	[tilespmem:$0x110] =	vst v8  }
0x82: {  	s13 =	sadd.s32 s4, s15;
	[tilespmem:$0x120] =	vst v9  }
0x83: {  	s15 =	simm.s32 $0x220;
	s10 =	sadd.s32 s13, s20;
	[tilespmem:$0x130] =	vst v10  }
0x84: {  	[tilespmem:s5], [sflag:$0x7] =	stream.linear.gather [hbm4b:s10+s5], $0x80, $0x38;
	[tilespmem:$0x1F2D0] =	vst v63  }
0x85: {  	v7 =	vld [tilespmem:s15+$0x50]  }
0x86: {  	v8 =	vld [tilespmem:s15+$0x60]  }
0x87: {  	v9 =	vld [tilespmem:s15+$0x70]  }
0x88: {  	s16 =	simm.s32 $0x2A00;
	v11 =	vld [tilespmem:s15+$0x80]  }
0x89: {  	v10 =	vld [tilespmem:s16+$0x40]  }
0x8a: {  	v12 =	vld [tilespmem:s16+$0x50]  }
0x8b: {  	v13 =	vld [tilespmem:s16+$0x60]  }
0x8c: {  	v14 =	vld [tilespmem:s16+$0x70]  }
0x8d: {  	v17 =	vld [tilespmem:s15+$0xFFFFFF70]  }
0x8e: {  	v15 =	vld [tilespmem:s15+$0xFFFFFF80]  }
0x8f: {  	v19 =	vld [tilespmem:s15+$0xFFFFFF90]  }
0x90: {  	v25 =	vld [tilespmem:s16+$0xFFFFFF80]  }
0x91: {  	v24 =	vld [tilespmem:s16+$0xFFFFFF90]  }
0x92: {  	v20 =	vld [tilespmem:s16+$0xFFFFFFA0]  }
0x93: {  	v26 =	vld [tilespmem:s16+$0xFFFFFFB0]  }
0x94: {  	v27 =	vld [tilespmem:s15+$0xFFFFFFB0];
	v10 =	vmul.bf16 v10, v7;
	v12 =	vmul.bf16 v12, v8  }
0x95: {  	v28 =	vld [tilespmem:s15+$0xFFFFFFC0];
	v13 =	vmul.bf16 v13, v9;
	v14 =	vmul.bf16 v14, v11  }
0x96: {  	v30 =	vld [tilespmem:s15+$0xFFFFFFD0]  }
0x97: {  	v33 =	vld [tilespmem:s15+$0xFFFFFFE0];
	v10 =	vadd.bf16 v12, v10;
	v12 =	vadd.bf16 v14, v13  }
0x98: {  	v21 =	vld [tilespmem:s16+$0xFFFFFFD0]  }
0x99: {  	v22 =	vld [tilespmem:s16+$0xFFFFFFE0];
	v10 =	vadd.bf16 v12, v10  }
0x9a: {  	v13 =	vld [tilespmem:s16+$0xFFFFFFC0]  }
0x9b: {  	v29 =	vld [tilespmem:s16+$0xFFFFFFF0];
	v12 =	vunpack.i.u.bf16.f32 v10;
	v10 =	vunpack.i.l.bf16.f32 v10  }
0x9c: {  	v34 =	vld [tilespmem:s15+$0x0];
	v18 =	vadd.f32 v10, v12  }
0x9d: {  	v36 =	vld [tilespmem:s15+$0x10];
	v16 =	vunpack.i.l.bf16.f32 v7  }
0x9e: {  	v38 =	vld [tilespmem:s15+$0x20];
	v0 =	vunpack.i.u.bf16.f32 v17;
	v35 =	vmul.bf16 v21, v28;
	v23 =	vperm.xlane v18, v63  }
0x9f: {  	v59 =	vunpack.i.l.bf16.f32 v17;
	v40 =	vmul.bf16 v22, v30;
	v32 =	vmul.bf16 v13, v27;
	v13 =	vld [tilespmem:s15+$0x30];
	[tilespmem:$0x1FF50] =	vst v0  }
0xa0: {  	v29 =	vmul.bf16 v29, v33;
	v60 =	vunpack.i.u.bf16.f32 v15;
	v39 =	vld [tilespmem:s16+$0x0];
	[tilespmem:$0x1FF40] =	vst v59;
	v31 =	vadd.f32 v23, v18  }
0xa1: {  	v6 =	vunpack.i.u.bf16.f32 v9;
	v9 =	vunpack.i.l.bf16.f32 v9;
	v61 =	vunpack.i.l.bf16.f32 v15;
	v41 =	vld [tilespmem:s16+$0x10];
	[tilespmem:$0x1FF70] =	vst v60  }
0xa2: {  	v29 =	vadd.bf16 v29, v40;
	[tilespmem:$0x1FF60] =	vst v61;
	v32 =	vadd.bf16 v35, v32;
	v37 =	vperm.xlane v31, v1  }
0xa3: {  	v42 =	vmul.bf16 v20, v15;
	v44 =	vunpack.i.u.bf16.f32 v19;
	v45 =	vmul.bf16 v26, v19;
	v15 =	vld [tilespmem:s15+$0xFFFFFF60]  }
0xa4: {  	v47 =	vunpack.i.l.bf16.f32 v19;
	v62 =	vld [tilespmem:s16+$0x20];
	v19 =	vadd.bf16 v29, v32;
	v31 =	vadd.f32 v37, v31  }
0xa5: {  	v17 =	vmul.bf16 v24, v17;
	v26 =	vunpack.i.u.bf16.f32 v27;
	v14 =	vunpack.i.u.bf16.f32 v7;
	[tilespmem:$0x1FF90] =	vst v44  }
0xa6: {  	v43 =	vld [tilespmem:s16+$0x30];
	v50 =	vunpack.i.u.bf16.f32 v19;
	v19 =	vunpack.i.l.bf16.f32 v19;
	v46 =	vperm.xlane v31, v2  }
0xa7: {  	v48 =	vadd.bf16 v45, v42;
	[tilespmem:$0x1FF80] =	vst v47;
	v29 =	vmul.bf16 v39, v34;
	v19 =	vadd.f32 v19, v50  }
0xa8: {  	v49 =	vld [tilespmem:s15+$0x90];
	v51 =	vmul.bf16 v41, v36;
	v25 =	vmul.bf16 v25, v15;
	v31 =	vadd.f32 v46, v31  }
0xa9: {  	v32 =	vunpack.i.l.bf16.f32 v28;
	v37 =	vmul.bf16 v62, v38;
	v54 =	vperm.xlane v19, v63  }
0xaa: {  	v40 =	vadd.bf16 v51, v29;
	v17 =	vadd.bf16 v17, v25;
	v52 =	vperm.xlane v31, v3  }
0xab: {  	v4 =	vld [tilespmem:$0x1FFA0];
	v53 =	vmul.bf16 v43, v13;
	v29 =	vunpack.i.l.bf16.f32 v27;
	v55 =	vadd.f32 v54, v19  }
0xac: {  	v25 =	vunpack.i.u.bf16.f32 v28;
	v17 =	vadd.bf16 v48, v17;
	v27 =	vadd.f32 v52, v31  }
0xad: {  	s19 =	simm.s32 $0x360;
	v5 =	vld [tilespmem:$0x1FFB0];
	v35 =	vunpack.i.l.bf16.f32 v49;
	v57 =	vperm.xlane v55, v1;
	v31 =	vadd.bf16 v53, v37  }
0xae: {  	s14 =	simm.s32 $0x2B00;
	v42 =	vld [tilespmem:s19+$0x50];
	v19 =	vunpack.i.u.bf16.f32 v17;
	v17 =	vunpack.i.l.bf16.f32 v17;
	v28 =	vmul.f32 v27, v35  }
0xaf: {  	v10 =	vunpack.i.u.bf16.f32 v8;
	v47 =	vld [tilespmem:s14+$0x50];
	v56 =	vadd.f32 v17, v19;
	v31 =	vadd.bf16 v31, v40  }
0xb0: {  	v12 =	vunpack.i.l.bf16.f32 v8;
	v41 =	vld [tilespmem:s15+$0xFFFFFFF0];
	v45 =	vadd.f32 v57, v55;
	v28 =	vmul.f32 v28, v4  }
0xb1: {  	v50 =	vld [tilespmem:s14+$0x70];
	v44 =	vperm.xlane v56, v63;
	v17 =	vunpack.i.u.bf16.f32 v31;
	v31 =	vunpack.i.l.bf16.f32 v31  }
0xb2: {  	v49 =	vld [tilespmem:s14+$0x60];
	v62 =	vperm.xlane v45, v2;
	v59 =	vadd.f32 v31, v17;
	v58 =	vsub.f32 v28, v5  }
0xb3: {  	v23 =	vunpack.i.l.bf16.f32 v11;
	v11 =	vunpack.i.u.bf16.f32 v11;
	v46 =	vld [tilespmem:s14+$0x40];
	v44 =	vadd.f32 v44, v56  }
0xb4: {  	v19 =	vld [tilespmem:s19+$0x60];
	v45 =	vadd.f32 v62, v45;
	v61 =	vperm.xlane v59, v63;
	v60 =	vmul.f32 $1.442695020e+00, v58  }
0xb5: {  	v27 =	vunpack.i.u.bf16.f32 v30;
	v17 =	vld [tilespmem:s19+$0x70];
	v31 =	vunpack.i.l.bf16.f32 v30;
	v48 =	vperm.xlane v44, v1  }
0xb6: {  	v30 =	vld [tilespmem:s19+$0x80];
	v53 =	vperm.xlane v45, v3;
	v43 =	vadd.f32 v61, v59;
	(erf) = vpow2.f32 v60  }
0xb7: {  	v39 =	vunpack.i.l.bf16.f32 v34;
	v41 =	vunpack.i.l.bf16.f32 v41;
	v44 =	vadd.f32 v48, v44  }
0xb8: {  	v51 =	vld [tilespmem:s15+$0xFFFFFFA0];
	v46 =	vmul.bf16 v46, v42;
	v45 =	vadd.f32 v53, v45;
	v52 =	vperm.xlane v43, v1  }
0xb9: {  	v55 =	vld [tilespmem:s19+$0xFFFFFF90];
	v40 =	vunpack.i.l.bf16.f32 v33;
	v47 =	vmul.bf16 v47, v19;
	v0 =	vperm.xlane v44, v2  }
0xba: {  	v57 =	vld [tilespmem:s14+$0xFFFFFFA0];
	v28 =	vunpack.i.u.bf16.f32 v33;
	v41 =	vmul.f32 v45, v41;
	v43 =	vadd.f32 v52, v43  }
0xbb: {  	v48 =	vld [tilespmem:s15+$0x40];
	v49 =	vmul.bf16 v49, v17;
	v50 =	vmul.bf16 v50, v30;
	v44 =	vadd.f32 v0, v44  }
0xbc: {  	v33 =	vunpack.i.u.bf16.f32 v34;
	v53 =	vld [tilespmem:s19+$0xFFFFFF80];
	v41 =	vmul.f32 v41, v4;
	v56 =	vperm.xlane v43, v2  }
0xbd: {  	v60 =	vadd.bf16 v47, v46;
	v46 =	vld [tilespmem:s19+$0x20];
	v61 =	vadd.bf16 v50, v49;
	v62 =	vperm.xlane v44, v3  }
0xbe: {  	v50 =	vunpack.i.l.bf16.f32 v51;
	v51 =	vld [tilespmem:s19+$0xFFFFFFB0];
	v41 =	vsub.f32 v41, v5;
	v43 =	vadd.f32 v56, v43  }
0xbf: {  	v34 =	vunpack.i.u.bf16.f32 v13;
	v49 =	vld [tilespmem:s19+$0xFFFFFFC0];
	v45 =	vadd.bf16 v61, v60;
	v47 =	vadd.f32 v62, v44;
	v58 =	vpop (erf)  }
0xc0: {  	v44 =	vld [tilespmem:s19+$0xFFFFFFD0];
	v62 =	vunpack.i.l.bf16.f32 v48;
	v0 =	vperm.xlane v43, v3;
	v21 =	vmul.f32 v11, v58  }
0xc1: {  	v48 =	vld [tilespmem:s14+$0xFFFFFFD0];
	v60 =	vunpack.i.l.bf16.f32 v45;
	v61 =	vmul.f32 v58, v14;
	v14 =	vmul.f32 v47, v50  }
0xc2: {  	v59 =	vmul.f32 v58, v16;
	v16 =	vunpack.i.u.bf16.f32 v45;
	v45 =	vld [tilespmem:s19+$0xFFFFFFE0];
	v43 =	vadd.f32 v0, v43  }
0xc3: {  	v16 =	vadd.f32 v60, v16;
	v0 =	vmul.f32 $1.442695020e+00, v41;
	v60 =	vld [tilespmem:s14+$0xFFFFFFC0];
	v14 =	vmul.f32 v14, v4  }
0xc4: {  	v41 =	vunpack.i.l.bf16.f32 v13;
	v13 =	vmul.f32 v43, v62;
	v62 =	vmul.f32 v58, v10;
	v10 =	vld [tilespmem:s14+$0xFFFFFFE0]  }
0xc5: {  	v20 =	vmul.f32 v58, v12;
	(erf) = vpow2.f32 v0;
	v0 =	vld [tilespmem:s14+$0xFFFFFFF0];
	v14 =	vsub.f32 v14, v5  }
0xc6: {  	v56 =	vld [tilespmem:s14+$0xFFFFFFB0];
	v12 =	vmul.f32 v9, v58;
	v18 =	vmul.f32 v6, v58  }
0xc7: {  	v47 =	vld [tilespmem:s19+$0x10];
	v50 =	vperm.xlane v16, v63;
	v9 =	vmul.f32 $1.442695020e+00, v14  }
0xc8: {  	v11 =	vnsel vm0, $0x0, v58;
	v23 =	vmul.f32 v23, v58;
	v48 =	vmul.bf16 v48, v49;
	v58 =	vld [tilespmem:s14+$0x0]  }
0xc9: {  	v43 =	vld [tilespmem:s19+$0x30];
	v16 =	vadd.f32 v50, v16;
	(erf) = vpow2.f32 v9;
	v9 =	vmul.bf16 v60, v51  }
0xca: {  	v50 =	vld [tilespmem:s19+$0x0];
	v10 =	vmul.bf16 v10, v44;
	v0 =	vmul.bf16 v0, v45  }
0xcb: {  	v14 =	vperm.xlane v16, v1;
	v9 =	vadd.bf16 v48, v9;
	v48 =	vld [tilespmem:s14+$0x20]  }
0xcc: {  	v10 =	vadd.bf16 v0, v10;
	v0 =	vld [tilespmem:s14+$0x30]  }
0xcd: {  	v14 =	vadd.f32 v14, v16;
	v16 =	vld [tilespmem:s14+$0x10]  }
0xce: {  	v54 =	vld [tilespmem:s19+$0xFFFFFF70];
	v57 =	vmul.bf16 v57, v53;
	v56 =	vmul.bf16 v56, v55  }
0xcf: {  	s15 =	simm.s32 $0x4AA0;
	v52 =	vld [tilespmem:s14+$0xFFFFFF80]  }
0xd0: {  	[tilespmem:s15+$0x110] =	vst v11;
	v57 =	vadd.bf16 v56, v57;
	v56 =	vld [tilespmem:s19+$0xFFFFFF60];
	v63 =	vperm.xlane v14, v2;
	v9 =	vadd.bf16 v10, v9  }
0xd1: {  	[tilespmem:s15+$0x100] =	vst v21;
	v10 =	vld [tilespmem:s19+$0x90];
	v21 =	vmul.bf16 v48, v46;
	v48 =	vmul.bf16 v0, v43;
	v0 =	vunpack.i.l.bf16.f32 v17  }
0xd2: {  	v58 =	vmul.bf16 v58, v50;
	v14 =	vadd.f32 v63, v14;
	v63 =	vld [tilespmem:s14+$0xFFFFFF90];
	v7 =	vmul.bf16 v16, v47;
	[tilespmem:$0x1FF20] =	vst v0  }
0xd3: {  	v13 =	vmul.f32 v13, v4;
	[tilespmem:s15+$0x90] =	vst v59  }
0xd4: {  	v58 =	vadd.bf16 v7, v58;
	v7 =	vunpack.i.u.bf16.f32 v9;
	v9 =	vunpack.i.l.bf16.f32 v9;
	[tilespmem:s15+$0xA0] =	vst v61  }
0xd5: {  	v13 =	vsub.f32 v13, v5;
	v60 =	vadd.f32 v9, v7;
	v7 =	vunpack.i.u.bf16.f32 v53;
	v0 =	vld [tilespmem:$0x1FFC0];
	[tilespmem:s15+$0xB0] =	vst v20  }
0xd6: {  	[tilespmem:$0x1FF30] =	vst v7  }
0xd7: {  	v13 =	vmul.f32 $1.442695020e+00, v13;
	[tilespmem:s15+$0xC0] =	vst v62  }
0xd8: {  	v61 =	vmul.bf16 v52, v56;
	v52 =	vpop (erf);
	[tilespmem:s15+$0xD0] =	vst v12  }
0xd9: {  	(erf) = vpow2.f32 v13;
	v29 =	vmul.f32 v52, v29;
	[tilespmem:s15+$0xE0] =	vst v18  }
0xda: {  	v13 =	vperm.xlane v14, v3;
	v26 =	vmul.f32 v52, v26;
	[tilespmem:s15+$0xF0] =	vst v23  }
0xdb: {  	v18 =	vmul.f32 v52, v32;
	[tilespmem:s15+$0xFFFFFF70] =	vst v29  }
0xdc: {  	v8 =	vadd.f32 v13, v14;
	v59 =	vmul.f32 v52, v25;
	[tilespmem:s15+$0xFFFFFF80] =	vst v26  }
0xdd: {  	v11 =	vunpack.i.l.bf16.f32 v10;
	v9 =	vmul.bf16 v63, v54;
	[tilespmem:s15+$0xFFFFFF90] =	vst v18  }
0xde: {  	v20 =	vmul.f32 v8, v11;
	v8 =	vld [tilespmem:$0x1FF40];
	[tilespmem:s15+$0xFFFFFFA0] =	vst v59  }
0xdf: {  	v21 =	vadd.bf16 v48, v21;
	v48 =	vadd.bf16 v9, v61;
	v9 =	vld [tilespmem:$0x1FF50]  }
0xe0: {  	v22 =	vunpack.i.l.bf16.f32 v15;
	v6 =	vunpack.i.u.bf16.f32 v54;
	v13 =	vunpack.i.l.bf16.f32 v54;
	v54 =	vpop (erf)  }
0xe1: {  	v22 =	vmul.f32 v54, v22;
	_ =	sdelay $0x1  }
0xe2: {  	[tilespmem:s15+$0xFFFFFEE0] =	vst v22  }
0xe3: {  	v7 =	vunpack.i.l.bf16.f32 v53;
	v53 =	vmul.f32 v54, v9;
	v9 =	vld [tilespmem:$0x1FF60];
	_ =	sdelay $0x1  }
0xe4: {  	v24 =	vunpack.i.u.bf16.f32 v15;
	v15 =	vunpack.i.u.bf16.f32 v42;
	v37 =	vunpack.i.l.bf16.f32 v36  }
0xe5: {  	v42 =	vunpack.i.l.bf16.f32 v42;
	v35 =	vunpack.i.u.bf16.f32 v36;
	v36 =	vunpack.i.u.bf16.f32 v38  }
0xe6: {  	v38 =	vunpack.i.l.bf16.f32 v38;
	v16 =	vunpack.i.u.bf16.f32 v19;
	v19 =	vunpack.i.l.bf16.f32 v19  }
0xe7: {  	v61 =	vunpack.i.u.bf16.f32 v55;
	v62 =	vunpack.i.l.bf16.f32 v55;
	v55 =	vmul.f32 v9, v54;
	v9 =	vld [tilespmem:$0x1FF70]  }
0xe8: {  	v14 =	vunpack.i.u.bf16.f32 v17;
	v17 =	vunpack.i.l.bf16.f32 v30;
	v31 =	vmul.f32 v31, v52  }
0xe9: {  	v27 =	vmul.f32 v27, v52;
	v40 =	vmul.f32 v40, v52;
	v23 =	vnsel vm0, $0x0, v52  }
0xea: {  	v63 =	vadd.bf16 v57, v48;
	v57 =	vperm.xlane v60, v0;
	v22 =	vnsel vm0, $0x0, v54;
	[tilespmem:s15+$0xFFFFFFF0] =	vst v23  }
0xeb: {  	v21 =	vadd.bf16 v21, v58;
	v11 =	vunpack.i.u.bf16.f32 v51;
	v32 =	vunpack.i.l.bf16.f32 v49;
	[tilespmem:s15+$0xFFFFFF60] =	vst v22  }
0xec: {  	v58 =	vpop (erf);
	v20 =	vmul.f32 v20, v4;
	v48 =	vadd.f32 v57, v60;
	v57 =	vmul.f32 v9, v54;
	v9 =	vld [tilespmem:$0x1FF80]  }
0xed: {  	v39 =	vmul.f32 v58, v39;
	v25 =	vunpack.i.u.bf16.f32 v63;
	v29 =	vunpack.i.l.bf16.f32 v63  }
0xee: {  	v18 =	vmul.f32 v54, v24;
	v20 =	vsub.f32 v20, v5;
	v26 =	vadd.f32 v29, v25  }
0xef: {  	v29 =	vunpack.i.l.bf16.f32 v51;
	v51 =	vmul.f32 v54, v8;
	v8 =	vunpack.i.u.bf16.f32 v49;
	v49 =	vld [tilespmem:s19+$0xFFFFFFF0]  }
0xf0: {  	v35 =	vmul.f32 v58, v35;
	v20 =	vmul.f32 $1.442695020e+00, v20;
	[tilespmem:s15+$0xFFFFFEF0] =	vst v18;
	v18 =	vnsel vm0, $0x0, v58  }
0xf1: {  	v23 =	vunpack.i.u.bf16.f32 v21;
	v21 =	vunpack.i.l.bf16.f32 v21;
	v59 =	vmul.f32 v9, v54;
	v9 =	vld [tilespmem:$0x1FF90];
	[tilespmem:s15+$0x80] =	vst v18  }
0xf2: {  	v36 =	vmul.f32 v36, v58;
	v34 =	vmul.f32 v34, v58;
	v60 =	vadd.f32 v21, v23;
	[tilespmem:s15+$0xFFFFFF00] =	vst v51  }
0xf3: {  	v24 =	vunpack.i.u.bf16.f32 v45;
	(erf) = vpow2.f32 v20;
	v21 =	vperm.xlane v48, v1;
	[tilespmem:s15+$0xFFFFFF10] =	vst v53  }
0xf4: {  	v49 =	vunpack.i.l.bf16.f32 v49;
	v22 =	vperm.xlane v26, v0;
	v20 =	vperm.xlane v60, v0;
	[tilespmem:s15+$0xFFFFFF20] =	vst v55  }
0xf5: {  	v23 =	vunpack.i.l.bf16.f32 v45;
	v48 =	vadd.f32 v21, v48;
	v21 =	vunpack.i.l.bf16.f32 v44;
	[tilespmem:s15+$0xFFFFFF30] =	vst v57  }
0xf6: {  	v63 =	vadd.f32 v20, v60;
	v20 =	vunpack.i.l.bf16.f32 v50;
	v18 =	vunpack.i.u.bf16.f32 v44;
	[tilespmem:s15+$0xFFFFFFB0] =	vst v31  }
0xf7: {  	v44 =	vadd.f32 v22, v26;
	v26 =	vperm.xlane v48, v2;
	v22 =	vunpack.i.u.bf16.f32 v50;
	[tilespmem:s15+$0xFFFFFFC0] =	vst v27  }
0xf8: {  	v50 =	vmul.f32 v28, v52;
	v57 =	vperm.xlane v63, v1;
	v28 =	vunpack.i.u.bf16.f32 v47;
	[tilespmem:s15+$0xFFFFFFD0] =	vst v40  }
0xf9: {  	v31 =	vunpack.i.l.bf16.f32 v47;
	[tilespmem:s15+$0x0] =	vst v39;
	v55 =	vmul.f32 v38, v58;
	v48 =	vadd.f32 v26, v48  }
0xfa: {  	[tilespmem:s15+$0x30] =	vst v35;
	v35 =	vunpack.i.u.bf16.f32 v56;
	v39 =	vunpack.i.l.bf16.f32 v56;
	v0 =	vperm.xlane v44, v1  }
0xfb: {  	v60 =	vld [tilespmem:s19+$0xFFFFFFA0];
	[tilespmem:s15+$0xFFFFFF40] =	vst v59;
	v45 =	vadd.f32 v57, v63;
	v63 =	vmul.f32 v58, v33;
	v59 =	vperm.xlane v48, v3  }
0xfc: {  	[tilespmem:s15+$0x50] =	vst v36;
	v1 =	vmul.f32 v58, v37;
	v33 =	vunpack.i.l.bf16.f32 v46;
	v44 =	vadd.f32 v0, v44  }
0xfd: {  	[tilespmem:s15+$0xFFFFFFE0] =	vst v50;
	v37 =	vunpack.i.u.bf16.f32 v43;
	v0 =	vld [tilespmem:s19+$0x40];
	v54 =	vmul.f32 v9, v54;
	v48 =	vadd.f32 v59, v48  }
0xfe: {  	v57 =	vunpack.i.u.bf16.f32 v30;
	v30 =	vunpack.i.l.bf16.f32 v43;
	[tilespmem:s15+$0x40] =	vst v55;
	v53 =	vperm.xlane v44, v2  }
0xff: {  	v9 =	vunpack.i.u.bf16.f32 v46;
	v46 =	vpop (erf);
	[tilespmem:s15+$0xFFFFFF50] =	vst v54;
	v54 =	vperm.xlane v45, v2;
	v48 =	vmul.f32 v48, v49  }
0x100: {  	v43 =	vunpack.i.l.bf16.f32 v60;
	[tilespmem:s15+$0x10] =	vst v63;
	v63 =	vmul.f32 v41, v58;
	v59 =	vmul.f32 v57, v46  }
0x101: {  	[tilespmem:s15+$0x20] =	vst v1;
	v50 =	vadd.f32 v53, v44;
	v38 =	vadd.f32 v54, v45;
	v60 =	vmul.f32 v48, v4  }
0x102: {  	s16 =	simm.s32 $0x4CE0;
	v41 =	vnsel vm0, $0x0, v46;
	[tilespmem:s15+$0x60] =	vst v63;
	v36 =	vmul.f32 v46, v42;
	v45 =	vunpack.i.l.bf16.f32 v0  }
0x103: {  	s10 =	simm.s32 $0x4A0;
	s19 =	simm.s32 $0x4;
	[tilespmem:s16+$0x100] =	vst v59;
	v48 =	vperm.xlane v50, v3;
	v47 =	vperm.xlane v38, v3;
	v44 =	vsub.f32 v60, v5  }
.LBB2_5:
0x104: {  	v40 =	vld [tilespmem:s10+$0x50]  }
0x105: {  	[tilespmem:$0x1FEF0] =	vst v9;
	v9 =	vld [tilespmem:$0x1FFA0]  }
0x106: {  	v59 =	vld [tilespmem:$0x1FF20]  }
0x107: {  	v10 =	vld [tilespmem:$0x1FFB0]  }
0x108: {  	v53 =	vld [tilespmem:s10+$0xFFFFFF80]  }
0x109: {  	v56 =	vld [tilespmem:s10+$0xFFFFFFC0]  }
0x10a: {  	[tilespmem:s16+$0x110] =	vst v41;
	v12 =	vld [tilespmem:$0x1FFE0]  }
0x10b: {  	v41 =	vld [tilespmem:s10+$0x60]  }
0x10c: {  	v0 =	vmov v37;
	v37 =	vld [tilespmem:s10+$0x70]  }
0x10d: {  	v15 =	vmul.f32 v46, v15;
	v42 =	vadd.f32 v48, v50;
	v38 =	vadd.f32 v47, v38;
	v47 =	vld [tilespmem:s10+$0xFFFFFF70]  }
0x10e: {  	v19 =	vmul.f32 v46, v19;
	s14 =	sadd.s32 $0x100, s14;
	v44 =	vmul.f32 $1.442695020e+00, v44;
	[tilespmem:$0x1FF10] =	vst v0;
	v50 =	vld [tilespmem:s10+$0xFFFFFF90]  }
0x10f: {  	[tilespmem:s16+$0x90] =	vst v36;
	v0 =	vld [tilespmem:s14+$0xFFFFFFA0];
	v42 =	vmul.f32 v42, v43;
	v57 =	vmul.f32 v38, v45  }
0x110: {  	v38 =	vld [tilespmem:s10+$0x80];
	[tilespmem:s16+$0xA0] =	vst v15;
	(erf) = vpow2.f32 v44;
	v16 =	vmul.f32 v46, v16  }
0x111: {  	v44 =	vld [tilespmem:s14+$0x40];
	[tilespmem:s16+$0xB0] =	vst v19;
	v42 =	vmul.f32 v42, v9  }
0x112: {  	v45 =	vld [tilespmem:s14+$0x50];
	[tilespmem:s16+$0xC0] =	vst v16  }
0x113: {  	v43 =	vmul.f32 v57, v9;
	v60 =	vmul.f32 v59, v46;
	v48 =	vld [tilespmem:s14+$0x60];
	v42 =	vsub.f32 v42, v10  }
0x114: {  	[tilespmem:s15+$0x70] =	vst v34;
	v54 =	vmul.f32 v14, v46;
	v58 =	vunpack.i.l.bf16.f32 v40;
	v49 =	vld [tilespmem:s14+$0x70]  }
0x115: {  	v1 =	vunpack.i.l.bf16.f32 v37;
	v43 =	vsub.f32 v43, v10;
	[tilespmem:s16+$0xD0] =	vst v60;
	v60 =	vld [tilespmem:s14+$0xFFFFFF90];
	v42 =	vmul.f32 $1.442695020e+00, v42  }
0x116: {  	v57 =	vmul.f32 v17, v46;
	v63 =	vunpack.i.u.bf16.f32 v41;
	v2 =	vmul.bf16 v0, v53;
	[tilespmem:$0x1FF20] =	vst v1;
	v1 =	vld [tilespmem:s14+$0xFFFFFFB0]  }
0x117: {  	v34 =	vmovc v23;
	v23 =	vmovc v21;
	[tilespmem:$0x1FF00] =	vst v58;
	v36 =	vunpack.i.u.bf16.f32 v37;
	v52 =	vmul.f32 $1.442695020e+00, v43;
	v43 =	vld [tilespmem:s14+$0xFFFFFF80];
	(erf) = vpow2.f32 v42  }
0x118: {  	v21 =	vunpack.i.u.bf16.f32 v40;
	[tilespmem:$0x1FED0] =	vst v63;
	v58 =	vmovc v36;
	v40 =	vmul.bf16 v44, v40;
	v44 =	vld [tilespmem:s10+$0xFFFFFFD0];
	v59 =	vmul.bf16 v45, v41  }
0x119: {  	v19 =	vunpack.i.l.bf16.f32 v41;
	[tilespmem:$0x1FEE0] =	vst v58;
	v58 =	vld [tilespmem:s10+$0xFFFFFFE0];
	v37 =	vmul.bf16 v48, v37;
	v63 =	vmul.bf16 v49, v38;
	v41 =	vpop (erf)  }
0x11a: {  	[tilespmem:s16+$0xE0] =	vst v54;
	v54 =	vunpack.i.u.bf16.f32 v53;
	(erf) = vpow2.f32 v52;
	v52 =	vld [tilespmem:s10+$0xFFFFFFB0];
	v29 =	vmul.f32 v41, v29  }
0x11b: {  	[tilespmem:s16+$0xF0] =	vst v57;
	v40 =	vadd.bf16 v59, v40;
	v25 =	vmul.f32 v41, v11;
	v11 =	vld [tilespmem:$0x1FFD0];
	v37 =	vadd.bf16 v63, v37  }
0x11c: {  	v51 =	vunpack.i.l.bf16.f32 v38;
	v45 =	vunpack.i.l.bf16.f32 v53;
	v32 =	vmul.f32 v41, v32;
	v63 =	vld [tilespmem:$0x1FFC0];
	[tilespmem:s16+$0xFFFFFF70] =	vst v29  }
0x11d: {  	v27 =	vmovc v20;
	v48 =	vunpack.i.u.bf16.f32 v47;
	v53 =	vmul.f32 v41, v8;
	v37 =	vadd.bf16 v37, v40;
	v59 =	vld [tilespmem:s14+$0xFFFFFFC0];
	[tilespmem:s16+$0xFFFFFF80] =	vst v25  }
0x11e: {  	v36 =	vmovc v51;
	v49 =	vunpack.i.l.bf16.f32 v47;
	v57 =	vmul.bf16 v60, v47;
	v51 =	vmul.bf16 v1, v50;
	v60 =	vld [tilespmem:s14+$0xFFFFFFD0];
	[tilespmem:s16+$0xFFFFFF90] =	vst v32  }
0x11f: {  	v20 =	vmovc v18;
	v18 =	vmovc v62;
	v47 =	vnsel vm0, $0x0, v41;
	v3 =	vunpack.i.u.bf16.f32 v37;
	v37 =	vunpack.i.l.bf16.f32 v37;
	v62 =	vld [tilespmem:s14+$0xFFFFFFE0];
	[tilespmem:s16+$0xFFFFFFA0] =	vst v53  }
0x120: {  	v55 =	vunpack.i.l.bf16.f32 v50;
	v42 =	vunpack.i.u.bf16.f32 v50;
	v37 =	vadd.f32 v37, v3;
	v0 =	vld [tilespmem:s14+$0xFFFFFFF0];
	[tilespmem:s16+$0xFFFFFFF0] =	vst v47;
	v50 =	vpop (erf)  }
0x121: {  	v15 =	vmov v61;
	v61 =	vadd.bf16 v51, v2;
	v8 =	vld [tilespmem:s10+$0xFFFFFFF0];
	v39 =	vmul.f32 v50, v39  }
0x122: {  	v51 =	vunpack.i.u.bf16.f32 v44;
	v63 =	vperm.xlane v37, v63;
	v2 =	vmul.bf16 v59, v52;
	v59 =	vld [tilespmem:s10+$0x10]  }
0x123: {  	v25 =	vunpack.i.u.bf16.f32 v56;
	v32 =	vunpack.i.l.bf16.f32 v56;
	v56 =	vmul.bf16 v60, v56;
	v60 =	vld [tilespmem:s10+$0x20]  }
0x124: {  	v1 =	vunpack.i.l.bf16.f32 v44;
	v35 =	vmul.f32 v50, v35;
	[tilespmem:s16+$0xFFFFFEE0] =	vst v39;
	v39 =	vld [tilespmem:s10+$0x0];
	v37 =	vadd.f32 v63, v37  }
0x125: {  	v26 =	vunpack.i.u.bf16.f32 v52;
	v29 =	vunpack.i.l.bf16.f32 v52;
	v40 =	vpop (erf);
	v44 =	vmul.bf16 v62, v44;
	v62 =	vld [tilespmem:s10+$0x30]  }
0x126: {  	v52 =	vnsel vm0, $0x0, v40;
	[tilespmem:s16+$0xFFFFFEF0] =	vst v35;
	v35 =	vmul.f32 v50, v13;
	v13 =	vld [tilespmem:$0x1FFF0];
	v63 =	vperm.xlane v37, v12  }
0x127: {  	v16 =	vmovc v49;
	v46 =	vunpack.i.u.bf16.f32 v58;
	v53 =	vunpack.i.l.bf16.f32 v58;
	v49 =	vadd.bf16 v56, v2;
	v56 =	vld [tilespmem:s14+$0x0];
	[tilespmem:s16+$0x80] =	vst v52  }
0x128: {  	v3 =	vnsel vm0, $0x0, v50;
	v0 =	vmul.bf16 v0, v58;
	v58 =	vadd.f32 v63, v37;
	v63 =	vld [tilespmem:s14+$0x10]  }
0x129: {  	[tilespmem:s16+$0xFFFFFF60] =	vst v3;
	v4 =	vld [tilespmem:s14+$0x20];
	v37 =	vmul.f32 v50, v6  }
0x12a: {  	[tilespmem:s16+$0xFFFFFF00] =	vst v35;
	v35 =	vld [tilespmem:s10+$0x90];
	v8 =	vunpack.i.l.bf16.f32 v8;
	v0 =	vadd.bf16 v0, v44;
	v52 =	vunpack.i.u.bf16.f32 v59  }
0x12b: {  	v14 =	vmovc v48;
	v47 =	vunpack.i.l.bf16.f32 v59;
	v6 =	vld [tilespmem:s14+$0x30];
	v48 =	vunpack.i.u.bf16.f32 v60;
	v5 =	vperm.xlane v58, v13;
	[tilespmem:s16+$0xFFFFFF10] =	vst v37  }
0x12c: {  	v17 =	vmovc v45;
	v44 =	vunpack.i.l.bf16.f32 v60;
	v2 =	vunpack.i.u.bf16.f32 v39;
	v3 =	vunpack.i.l.bf16.f32 v39;
	v45 =	vld [tilespmem:s10+$0xFFFFFFA0]  }
0x12d: {  	v39 =	vmul.bf16 v56, v39;
	v5 =	vadd.f32 v5, v58;
	v58 =	vld [tilespmem:s10+$0xFFFFFF60];
	v59 =	vmul.bf16 v63, v59  }
0x12e: {  	v0 =	vadd.bf16 v0, v49;
	v49 =	vunpack.i.l.bf16.f32 v62;
	v4 =	vmul.bf16 v4, v60;
	v60 =	vld [tilespmem:$0x1FF30]  }
0x12f: {  	v37 =	vunpack.i.u.bf16.f32 v62;
	v63 =	vperm.xlane v5, v11;
	v39 =	vadd.bf16 v59, v39;
	v59 =	vld [tilespmem:$0x1FFC0]  }
0x130: {  	v56 =	vmul.f32 v7, v50;
	v7 =	vunpack.i.u.bf16.f32 v0;
	v0 =	vunpack.i.l.bf16.f32 v0  }
0x131: {  	v0 =	vadd.f32 v0, v7;
	v6 =	vmul.bf16 v6, v62;
	v5 =	vadd.f32 v63, v5  }
0x132: {  	v7 =	vunpack.i.l.bf16.f32 v35;
	v62 =	vmovc v55;
	v55 =	vmul.f32 v40, v28;
	v63 =	vmul.bf16 v43, v58  }
0x133: {  	[tilespmem:s16+$0xFFFFFF20] =	vst v56;
	v4 =	vadd.bf16 v6, v4;
	v56 =	vmul.f32 v60, v50;
	v5 =	vmul.f32 v5, v7  }
0x134: {  	v43 =	vunpack.i.l.bf16.f32 v45;
	v7 =	vadd.bf16 v57, v63;
	v6 =	vperm.xlane v0, v59  }
0x135: {  	v60 =	vmovc v54;
	v54 =	vld [tilespmem:s10+$0x40];
	v35 =	vunpack.i.u.bf16.f32 v58;
	v4 =	vadd.bf16 v4, v39;
	v5 =	vmul.f32 v5, v9  }
0x136: {  	v39 =	vunpack.i.l.bf16.f32 v58;
	v0 =	vadd.f32 v6, v0;
	v6 =	vadd.bf16 v61, v7  }
0x137: {  	v7 =	vunpack.i.u.bf16.f32 v4;
	v5 =	vsub.f32 v5, v10;
	v4 =	vunpack.i.l.bf16.f32 v4  }
0x138: {  	[tilespmem:s16+$0xFFFFFF30] =	vst v56;
	v56 =	vmul.f32 v18, v50;
	v4 =	vadd.f32 v4, v7;
	v58 =	vperm.xlane v0, v12  }
0x139: {  	[tilespmem:s16+$0x30] =	vst v55;
	v61 =	vunpack.i.u.bf16.f32 v6;
	v6 =	vunpack.i.l.bf16.f32 v6;
	v5 =	vmul.f32 $1.442695020e+00, v5  }
0x13a: {  	v28 =	vmovc v52;
	[tilespmem:$0x1FF30] =	vst v60;
	v45 =	vunpack.i.l.bf16.f32 v54;
	v7 =	vmul.f32 v15, v50;
	v6 =	vadd.f32 v6, v61  }
0x13b: {  	v18 =	vmovc v51;
	[tilespmem:s16+$0xFFFFFF40] =	vst v56;
	v50 =	vperm.xlane v4, v59;
	v0 =	vadd.f32 v58, v0;
	(erf) = vpow2.f32 v5  }
0x13c: {  	v15 =	vmovc v21;
	v21 =	vmov v1;
	[tilespmem:s16+$0xFFFFFF50] =	vst v7;
	v5 =	vmul.f32 v23, v41;
	v63 =	vperm.xlane v6, v59  }
0x13d: {  	v23 =	vmovc v53;
	v58 =	vmul.f32 v30, v40;
	v4 =	vadd.f32 v50, v4;
	v7 =	vperm.xlane v0, v13  }
0x13e: {  	s15 =	smov.u32 s16;
	v30 =	vmovc v49;
	v61 =	vmov v42;
	[tilespmem:s16+$0xFFFFFFB0] =	vst v5;
	v5 =	vmul.f32 v20, v41;
	v1 =	vadd.f32 v63, v6  }
0x13f: {  	[tilespmem:s15+$0x60] =	vst v58;
	v6 =	vmul.f32 v34, v41;
	v42 =	vperm.xlane v4, v12;
	v0 =	vadd.f32 v7, v0  }
0x140: {  	v20 =	vmovc v3;
	[tilespmem:s16+$0xFFFFFFC0] =	vst v5;
	v5 =	vmul.f32 v24, v41;
	v7 =	vmul.f32 v40, v27;
	v24 =	vmov v46  }
0x141: {  	v63 =	vld [tilespmem:$0x1FF10];
	v51 =	vperm.xlane v1, v12;
	[tilespmem:s16+$0xFFFFFFD0] =	vst v6;
	v54 =	vadd.f32 v42, v4;
	v53 =	vperm.xlane v0, v11  }
0x142: {  	v57 =	vld [tilespmem:$0x1FEF0];
	v4 =	vmul.f32 v40, v31;
	v12 =	vunpack.i.u.bf16.f32 v38;
	v31 =	vmovc v47;
	[tilespmem:s16+$0xFFFFFFE0] =	vst v5;
	v5 =	vmul.f32 v40, v22  }
0x143: {  	s19 =	sadd.s32 $0x4, s19;
	v60 =	vld [tilespmem:$0x1FF00];
	[tilespmem:s16+$0x0] =	vst v7;
	v1 =	vadd.f32 v51, v1;
	v56 =	vperm.xlane v54, v13;
	v0 =	vadd.f32 v53, v0  }
0x144: {  	p1 =	slt.u32 s19, $0x3C;
	v22 =	vmovc v2;
	v6 =	vmovc v14;
	[tilespmem:s16+$0x10] =	vst v5;
	v5 =	vmul.f32 v33, v40;
	v7 =	vmov v17;
	v17 =	vmov v36  }
.Ltmp1:
0x145: {  	[tilespmem:s16+$0x20] =	vst v4;
	v33 =	vmov v44;
	v27 =	vperm.xlane v1, v13;
	v46 =	vpop (erf);
	v0 =	vmul.f32 v0, v8;
	(pc) =	sbr.rel @p1 .LBB2_5-.Ltmp1, $4  }
0x146: {  	v34 =	vmul.f32 v63, v40;
	v13 =	vmovc v16;
	v38 =	vadd.f32 v56, v54;
	v4 =	vmul.f32 v12, v46  }
0x147: {  	s16 =	sadd.s32 $0x240, s16;
	[tilespmem:s15+$0x40] =	vst v5;
	v50 =	vadd.f32 v27, v1;
	v1 =	vmul.f32 v57, v40;
	v0 =	vmul.f32 v0, v9  }
0x148: {  	v14 =	vld [tilespmem:$0x1FEE0];
	v8 =	vmovc v25;
	v41 =	vnsel vm0, $0x0, v46;
	v36 =	vmul.f32 v46, v60;
	v47 =	vperm.xlane v38, v11;
	[tilespmem:s16+$0x100] =	vst v4  }
0x149: {  	s10 =	sadd.s32 $0x140, s10;
	v16 =	vld [tilespmem:$0x1FED0];
	v9 =	vmovc v48;
	v48 =	vperm.xlane v50, v11;
	v11 =	vmov v26;
	[tilespmem:s15+$0x50] =	vst v1;
	v44 =	vsub.f32 v0, v10  }
0x14a: {  	v49 =	vld [tilespmem:$0x1FFA0]  }
0x14b: {  	v0 =	vadd.f32 v48, v50  }
0x14c: {  	v2 =	vadd.f32 v47, v38;
	v47 =	vld [tilespmem:$0x1FFB0]  }
0x14d: {  	v1 =	vmul.f32 $1.442695020e+00, v44;
	v0 =	vmul.f32 v0, v43;
	_ =	sdelay $0x1  }
0x14e: {  	(erf) = vpow2.f32 v1;
	v0 =	vmul.f32 v0, v49  }
0x14f: {  	v42 =	vmul.f32 v2, v45  }
0x150: {  	v0 =	vsub.f32 v0, v47  }
0x151: {  	[tilespmem:s16+$0x110] =	vst v41;
	v1 =	vmul.f32 v42, v49  }
0x152: {  	[tilespmem:s15+$0x70] =	vst v34;
	v44 =	vmul.f32 v46, v19;
	v0 =	vmul.f32 $1.442695020e+00, v0  }
0x153: {  	[tilespmem:s16+$0x90] =	vst v36;
	v43 =	vmul.f32 v46, v15;
	v1 =	vsub.f32 v1, v47  }
0x154: {  	[tilespmem:s16+$0xB0] =	vst v44;
	v45 =	vmul.f32 v46, v16;
	(erf) = vpow2.f32 v0  }
0x155: {  	v48 =	vmul.f32 v14, v46;
	[tilespmem:s16+$0xA0] =	vst v43;
	v1 =	vmul.f32 $1.442695020e+00, v1  }
0x156: {  	v50 =	vmul.f32 v17, v46;
	v0 =	vld [tilespmem:$0x1FF20];
	[tilespmem:s16+$0xC0] =	vst v45  }
0x157: {  	[tilespmem:s16+$0xE0] =	vst v48;
	v3 =	vpop (erf);
	(erf) = vpow2.f32 v1  }
0x158: {  	[tilespmem:s16+$0xF0] =	vst v50;
	v51 =	vmul.f32 v3, v29;
	v56 =	vnsel vm0, $0x0, v3  }
0x159: {  	v52 =	vmul.f32 v3, v11;
	[tilespmem:s16+$0xFFFFFFF0] =	vst v56  }
0x15a: {  	v53 =	vmul.f32 v3, v32;
	[tilespmem:s16+$0xFFFFFF70] =	vst v51  }
0x15b: {  	v54 =	vmul.f32 v3, v8;
	[tilespmem:s16+$0xFFFFFF80] =	vst v52  }
0x15c: {  	[tilespmem:s16+$0xFFFFFF90] =	vst v53;
	v0 =	vmul.f32 v0, v46  }
0x15d: {  	[tilespmem:s16+$0xFFFFFFA0] =	vst v54;
	v55 =	vpop (erf)  }
0x15e: {  	[tilespmem:s16+$0xD0] =	vst v0;
	v4 =	vmul.f32 v55, v39;
	v58 =	vnsel vm0, $0x0, v55  }
0x15f: {  	v57 =	vmul.f32 v55, v35;
	[tilespmem:s16+$0xFFFFFF60] =	vst v58  }
0x160: {  	v60 =	vpop (erf);
	[tilespmem:s16+$0xFFFFFEE0] =	vst v4  }
0x161: {  	v5 =	vmul.f32 v55, v13;
	v63 =	vnsel vm0, $0x0, v60;
	[tilespmem:s16+$0xFFFFFEF0] =	vst v57  }
0x162: {  	v32 =	vmul.f32 v55, v6;
	[tilespmem:s16+$0x80] =	vst v63  }
0x163: {  	v34 =	vmul.f32 v7, v55;
	[tilespmem:s16+$0xFFFFFF00] =	vst v5  }
0x164: {  	v35 =	vmul.f32 v62, v55;
	[tilespmem:s16+$0xFFFFFF10] =	vst v32  }
0x165: {  	v1 =	vmul.f32 v61, v55;
	v2 =	vld [tilespmem:$0x1FF30];
	[tilespmem:s16+$0xFFFFFF20] =	vst v34  }
0x166: {  	v36 =	vmul.f32 v21, v3;
	[tilespmem:s16+$0xFFFFFF40] =	vst v35  }
0x167: {  	v38 =	vmul.f32 v18, v3;
	[tilespmem:s16+$0xFFFFFF50] =	vst v1  }
0x168: {  	v39 =	vmul.f32 v23, v3;
	[tilespmem:s16+$0xFFFFFFB0] =	vst v36  }
0x169: {  	v40 =	vmul.f32 v24, v3;
	[tilespmem:s16+$0xFFFFFFC0] =	vst v38  }
0x16a: {  	v41 =	vmul.f32 v60, v20;
	[tilespmem:s16+$0xFFFFFFD0] =	vst v39  }
0x16b: {  	v42 =	vmul.f32 v60, v22;
	[tilespmem:s16+$0xFFFFFFE0] =	vst v40  }
0x16c: {  	v43 =	vmul.f32 v60, v31;
	[tilespmem:s16+$0x0] =	vst v41  }
0x16d: {  	v44 =	vmul.f32 v60, v28;
	[tilespmem:s16+$0x10] =	vst v42  }
0x16e: {  	v45 =	vmul.f32 v33, v60;
	[tilespmem:s16+$0x20] =	vst v43  }
0x16f: {  	v46 =	vmul.f32 v9, v60;
	[tilespmem:s16+$0x30] =	vst v44  }
0x170: {  	v48 =	vmul.f32 v30, v60;
	[tilespmem:s16+$0x40] =	vst v45  }
0x171: {  	v50 =	vmul.f32 v37, v60;
	[tilespmem:s16+$0x50] =	vst v46  }
0x172: {  	[tilespmem:s16+$0x60] =	vst v48;
	v2 =	vmul.f32 v2, v55  }
0x173: {  	[tilespmem:s16+$0x70] =	vst v50  }
0x174: {  	s10 =	simm.s32 $0x100;
	[tilespmem:s16+$0xFFFFFF30] =	vst v2  }
0x175: {  	[spmem:s3] =	stream.indirect.scatter.add.f32 [tilespmem:s24], [sflag:$0x5], $0x90, s10, s1, $0xb8;
	[tilespmem:$0x1F2D0] =	vst v63  }
0x176: {  	_ =	swait.ge [sflag:s22], $0x80  }
0x177: {  	[sflag:s22] =	ssyncset.done $0x0  }
0x178: {  	[sflag:s22] =	ssyncadd.s32 $0xFFFFFF80  }
0x179: {  	[tilespmem:s30], [sflag:$0x1] =	stream.indirect.gather [hbm4b:s6+s29], $0x50, s5, s29, $0xb8;
	[tilespmem:$0x1F2D0] =	vst v63  }
0x17a: {  	_ = 	snop  }
0x17b: {  	[tilespmem:s31], [sflag:$0x1] =	stream.indirect.gather [hbm4b:s6+s29], $0x50, s29, s29, $0xb8;
	[tilespmem:$0x1F2D0] =	vst v63  }
0x17c: {  	_ = 	snop  }
0x17d: {  	[tilespmem:s26], [sflag:$0x3] =	stream.indirect.gather [hbm4b:s2+s29], $0x40, s1, s29, $0xb8;
	[tilespmem:$0x1F2D0] =	vst v63  }
0x17e: {  	_ = 	snop  }
0x17f: {  	[tilespmem:s7], [sflag:$0x3] =	stream.indirect.gather [hbm4b:s2+s29], $0x40, s0, s29, $0xb8;
	[tilespmem:$0x1F2D0] =	vst v63  }
0x180: {  	_ =	swait.ge [sflag:s23], $0x1400  }
0x181: {  	[sflag:s23] =	ssyncset.done $0x0  }
0x182: {  	[sflag:s23] =	ssyncadd.s32 $0xFFFFEC00  }
0x183: {  	_ =	swait.ge [sflag:s8], $0x1000  }
0x184: {  	[sflag:s8] =	ssyncset.done $0x0  }
0x185: {  	s10 =	simm.s32 @!p0 $0x6;
	[sflag:s8] =	ssyncadd.s32 $0xFFFFF000  }
0x186: {  	_ =	swait.ge @!p0 [sflag:s10], $0x2400  }
0x187: {  	[sflag:s10] =	ssyncset.done @!p0 $0x0  }
0x188: {  	[sflag:s10] =	ssyncadd.s32 @!p0 $0xFFFFDC00  }
0x189: {  	v51 =	vld [tilespmem:$0xC0]  }
0x18a: {  	v52 =	vld [tilespmem:$0xD0]  }
0x18b: {  	v53 =	vld [tilespmem:$0xE0]  }
0x18c: {  	v54 =	vld [tilespmem:$0xF0];
	_ =	sdelay $0x1  }
0x18d: {  	[tilespmem:$0x140] =	vst v51  }
0x18e: {  	[tilespmem:$0x150] =	vst v52  }
0x18f: {  	[tilespmem:$0x160] =	vst v53  }
0x190: {  	s15 =	sadd.s32 s13, s21;
	s14 =	simm.s32 $0x1620;
	v37 =	vld [tilespmem:$0x1FFE0];
	[tilespmem:$0x170] =	vst v54  }
0x191: {  	v38 =	vld [tilespmem:$0x1FFF0];
	[tilespmem:s28], [sflag:$0x8] =	stream.linear.gather [hbm4b:s15+s5], $0x80, $0x38  }
0x192: {  	v0 =	vld [tilespmem:s14+$0x50]  }
0x193: {  	v1 =	vld [tilespmem:s14+$0x60]  }
0x194: {  	v2 =	vld [tilespmem:s14+$0x70]  }
0x195: {  	s16 =	simm.s32 $0x3A00;
	v11 =	vld [tilespmem:s14+$0x80]  }
0x196: {  	v3 =	vld [tilespmem:s16+$0x40]  }
0x197: {  	v55 =	vld [tilespmem:s16+$0x50]  }
0x198: {  	v5 =	vld [tilespmem:s16+$0x60]  }
0x199: {  	v6 =	vld [tilespmem:s16+$0x70]  }
0x19a: {  	v17 =	vld [tilespmem:s14+$0xFFFFFF70]  }
0x19b: {  	v15 =	vld [tilespmem:s14+$0xFFFFFF80]  }
0x19c: {  	v19 =	vld [tilespmem:s14+$0xFFFFFF90]  }
0x19d: {  	v25 =	vld [tilespmem:s16+$0xFFFFFF80]  }
0x19e: {  	v24 =	vld [tilespmem:s16+$0xFFFFFF90]  }
0x19f: {  	v20 =	vld [tilespmem:s16+$0xFFFFFFA0]  }
0x1a0: {  	v26 =	vld [tilespmem:s16+$0xFFFFFFB0]  }
0x1a1: {  	v27 =	vld [tilespmem:s14+$0xFFFFFFB0];
	v3 =	vmul.bf16 v3, v0;
	v4 =	vmul.bf16 v55, v1  }
0x1a2: {  	v57 =	vld [tilespmem:s14+$0xFFFFFFC0];
	v5 =	vmul.bf16 v5, v2;
	v6 =	vmul.bf16 v6, v11  }
0x1a3: {  	v58 =	vld [tilespmem:s14+$0xFFFFFFE0]  }
0x1a4: {  	v13 =	vld [tilespmem:s16+$0xFFFFFFC0];
	v3 =	vadd.bf16 v4, v3;
	v56 =	vadd.bf16 v6, v5  }
0x1a5: {  	v21 =	vld [tilespmem:s16+$0xFFFFFFD0]  }
0x1a6: {  	v22 =	vld [tilespmem:s16+$0xFFFFFFE0];
	v3 =	vadd.bf16 v56, v3  }
0x1a7: {  	v28 =	vld [tilespmem:s16+$0xFFFFFFF0]  }
0x1a8: {  	v34 =	vld [tilespmem:s14+$0x0];
	v7 =	vunpack.i.u.bf16.f32 v3;
	v3 =	vunpack.i.l.bf16.f32 v3  }
0x1a9: {  	v14 =	vunpack.i.u.bf16.f32 v0;
	v6 =	vld [tilespmem:s14+$0xFFFFFFD0];
	v3 =	vadd.f32 v3, v7  }
0x1aa: {  	v31 =	vld [tilespmem:s16+$0x0];
	v16 =	vunpack.i.l.bf16.f32 v0;
	v10 =	vunpack.i.u.bf16.f32 v1;
	v12 =	vunpack.i.l.bf16.f32 v1  }
0x1ab: {  	v42 =	vld [tilespmem:s16+$0x10];
	v9 =	vunpack.i.l.bf16.f32 v2;
	v40 =	vmul.bf16 v13, v27;
	v8 =	vperm.xlane v3, v59  }
0x1ac: {  	v45 =	vld [tilespmem:s16+$0x30];
	v18 =	vunpack.i.u.bf16.f32 v17;
	v29 =	vmul.bf16 v21, v57;
	v23 =	vunpack.i.l.bf16.f32 v17  }
0x1ad: {  	v0 =	vld [tilespmem:s14+$0x10];
	v28 =	vmul.bf16 v28, v58;
	v21 =	vunpack.i.u.bf16.f32 v15;
	v63 =	vadd.f32 v8, v3  }
0x1ae: {  	v43 =	vmul.bf16 v20, v15;
	v41 =	vmul.bf16 v22, v6;
	v22 =	vunpack.i.l.bf16.f32 v15;
	v15 =	vld [tilespmem:s14+$0xFFFFFF60]  }
0x1af: {  	v13 =	vld [tilespmem:s14+$0x30];
	v20 =	vunpack.i.u.bf16.f32 v19;
	v17 =	vmul.bf16 v24, v17;
	v30 =	vperm.xlane v63, v37  }
0x1b0: {  	v7 =	vunpack.i.u.bf16.f32 v2;
	v2 =	vadd.bf16 v29, v40;
	v29 =	vmul.bf16 v26, v19;
	v3 =	vld [tilespmem:s14+$0x20]  }
0x1b1: {  	v24 =	vunpack.i.u.bf16.f32 v27;
	v28 =	vadd.bf16 v28, v41;
	v1 =	vadd.f32 v30, v63;
	v30 =	vld [tilespmem:s16+$0x20]  }
0x1b2: {  	v46 =	vmul.bf16 v42, v0;
	v26 =	vunpack.i.l.bf16.f32 v19;
	v19 =	vadd.bf16 v29, v43  }
0x1b3: {  	v42 =	vld [tilespmem:$0x1FFD0];
	v29 =	vmul.bf16 v31, v34;
	v2 =	vadd.bf16 v28, v2;
	v25 =	vmul.bf16 v25, v15  }
0x1b4: {  	v32 =	vunpack.i.l.bf16.f32 v57;
	v51 =	vmul.bf16 v45, v13;
	v44 =	vperm.xlane v1, v38  }
0x1b5: {  	v50 =	vadd.bf16 v46, v29;
	v31 =	vunpack.i.u.bf16.f32 v2;
	v17 =	vadd.bf16 v17, v25  }
0x1b6: {  	v28 =	vld [tilespmem:s14+$0x90];
	v2 =	vunpack.i.l.bf16.f32 v2;
	v1 =	vadd.f32 v44, v1;
	v30 =	vmul.bf16 v30, v3  }
0x1b7: {  	v35 =	vunpack.i.u.bf16.f32 v34;
	v2 =	vadd.f32 v2, v31;
	v17 =	vadd.bf16 v19, v17  }
0x1b8: {  	v29 =	vunpack.i.l.bf16.f32 v27;
	v48 =	vperm.xlane v1, v42;
	v27 =	vadd.bf16 v51, v30  }
0x1b9: {  	v39 =	vunpack.i.l.bf16.f32 v34;
	v19 =	vunpack.i.u.bf16.f32 v17;
	v30 =	vperm.xlane v2, v59  }
0x1ba: {  	s13 =	simm.s32 $0x3B00;
	v41 =	vld [tilespmem:s14+$0xFFFFFFF0];
	v17 =	vunpack.i.l.bf16.f32 v17;
	v1 =	vadd.f32 v48, v1;
	v52 =	vadd.bf16 v27, v50  }
0x1bb: {  	s19 =	simm.s32 $0x1760;
	v43 =	vld [tilespmem:s13+$0x40];
	v28 =	vunpack.i.l.bf16.f32 v28;
	v53 =	vadd.f32 v17, v19;
	v2 =	vadd.f32 v30, v2  }
0x1bc: {  	v63 =	vld [tilespmem:s19+$0x50];
	v1 =	vmul.f32 v1, v28;
	v17 =	vunpack.i.u.bf16.f32 v52;
	v5 =	vunpack.i.l.bf16.f32 v52  }
0x1bd: {  	v60 =	vunpack.i.u.bf16.f32 v0;
	v19 =	vld [tilespmem:s19+$0x60];
	v30 =	vperm.xlane v2, v37;
	v5 =	vadd.f32 v5, v17  }
0x1be: {  	v31 =	vunpack.i.l.bf16.f32 v6;
	v44 =	vld [tilespmem:s13+$0x50];
	v54 =	vperm.xlane v53, v59;
	v1 =	vmul.f32 v1, v49  }
0x1bf: {  	v27 =	vunpack.i.u.bf16.f32 v6;
	v17 =	vld [tilespmem:s19+$0x70];
	v2 =	vadd.f32 v30, v2;
	v6 =	vperm.xlane v5, v59  }
0x1c0: {  	v40 =	vunpack.i.l.bf16.f32 v58;
	v25 =	vunpack.i.u.bf16.f32 v57;
	v30 =	vld [tilespmem:s19+$0x80];
	v1 =	vsub.f32 v1, v47  }
0x1c1: {  	v55 =	vadd.f32 v54, v53;
	v56 =	vperm.xlane v2, v38;
	v57 =	vadd.f32 v6, v5;
	v6 =	vld [tilespmem:s13+$0x60];
	[tilespmem:$0x1FE90] =	vst v60  }
0x1c2: {  	v54 =	vunpack.i.u.bf16.f32 v3;
	v3 =	vunpack.i.l.bf16.f32 v3;
	v1 =	vmul.f32 $1.442695020e+00, v1;
	v61 =	vld [tilespmem:s13+$0x70]  }
0x1c3: {  	v28 =	vunpack.i.u.bf16.f32 v58;
	v58 =	vperm.xlane v55, v37;
	v2 =	vadd.f32 v56, v2;
	v62 =	vld [tilespmem:s14+$0xFFFFFFA0];
	[tilespmem:$0x1FEB0] =	vst v54  }
0x1c4: {  	v33 =	vunpack.i.l.bf16.f32 v0;
	[tilespmem:$0x1FEA0] =	vst v3;
	v56 =	vunpack.i.u.bf16.f32 v13;
	(erf) = vpow2.f32 v1  }
0x1c5: {  	v5 =	vadd.f32 v58, v55;
	v53 =	vperm.xlane v57, v37;
	v3 =	vld [tilespmem:s14+$0x40];
	[tilespmem:$0x1FEC0] =	vst v56;
	v55 =	vperm.xlane v2, v42  }
0x1c6: {  	v8 =	vunpack.i.l.bf16.f32 v11;
	v43 =	vmul.bf16 v43, v63;
	v44 =	vmul.bf16 v44, v19;
	v51 =	vld [tilespmem:s19+$0xFFFFFF70]  }
0x1c7: {  	v52 =	vld [tilespmem:s19+$0xFFFFFF80];
	v1 =	vadd.f32 v53, v57;
	v57 =	vperm.xlane v5, v38;
	v2 =	vadd.f32 v55, v2  }
0x1c8: {  	v41 =	vunpack.i.l.bf16.f32 v41;
	v54 =	vld [tilespmem:s13+$0xFFFFFF80];
	v6 =	vmul.bf16 v6, v17;
	v4 =	vmul.bf16 v61, v30  }
0x1c9: {  	v48 =	vld [tilespmem:s13+$0xFFFFFFA0];
	v58 =	vperm.xlane v1, v38;
	v5 =	vadd.f32 v57, v5;
	v2 =	vmul.f32 v2, v41  }
0x1ca: {  	v11 =	vunpack.i.u.bf16.f32 v11;
	v60 =	vadd.bf16 v44, v43;
	v56 =	vld [tilespmem:s19+$0xFFFFFFB0];
	v4 =	vadd.bf16 v4, v6  }
0x1cb: {  	v44 =	vld [tilespmem:s19+$0xFFFFFFD0];
	v1 =	vadd.f32 v58, v1;
	v61 =	vperm.xlane v5, v42;
	v2 =	vmul.f32 v2, v49  }
0x1cc: {  	v45 =	vld [tilespmem:s19+$0xFFFFFFE0];
	v0 =	vunpack.i.l.bf16.f32 v62;
	v3 =	vunpack.i.l.bf16.f32 v3;
	v4 =	vadd.bf16 v4, v60  }
0x1cd: {  	v50 =	vld [tilespmem:s19+$0x0];
	v62 =	vperm.xlane v1, v42;
	v5 =	vadd.f32 v61, v5;
	v6 =	vpop (erf);
	v2 =	vsub.f32 v2, v47  }
0x1ce: {  	v46 =	vld [tilespmem:s19+$0x20];
	v11 =	vmul.f32 v11, v6;
	v57 =	vmul.f32 v6, v16;
	v16 =	vunpack.i.u.bf16.f32 v4  }
0x1cf: {  	v53 =	vld [tilespmem:s19+$0xFFFFFF90];
	v4 =	vunpack.i.l.bf16.f32 v4;
	v0 =	vmul.f32 v5, v0;
	v1 =	vadd.f32 v62, v1  }
0x1d0: {  	v34 =	vmovc v49;
	v49 =	vld [tilespmem:s19+$0xFFFFFFC0];
	v5 =	vmul.f32 v6, v12;
	v4 =	vadd.f32 v4, v16;
	v2 =	vmul.f32 $1.442695020e+00, v2  }
0x1d1: {  	v12 =	vld [tilespmem:s13+$0xFFFFFFC0];
	v0 =	vmul.f32 v0, v34;
	v1 =	vmul.f32 v1, v3  }
0x1d2: {  	v41 =	vunpack.i.l.bf16.f32 v13;
	v3 =	vmul.f32 v6, v10;
	v10 =	vld [tilespmem:s13+$0xFFFFFFE0];
	v16 =	vperm.xlane v4, v59  }
0x1d3: {  	v58 =	vmul.f32 v6, v14;
	(erf) = vpow2.f32 v2;
	v2 =	vld [tilespmem:s13+$0xFFFFFFF0];
	v0 =	vsub.f32 v0, v47  }
0x1d4: {  	v14 =	vld [tilespmem:s13+$0xFFFFFFD0];
	v60 =	vmul.f32 v9, v6;
	v62 =	vmul.f32 v7, v6;
	v4 =	vadd.f32 v16, v4  }
0x1d5: {  	v55 =	vld [tilespmem:s13+$0xFFFFFFB0];
	v13 =	vnsel vm0, $0x0, v6;
	v6 =	vmul.f32 v8, v6;
	v0 =	vmul.f32 $1.442695020e+00, v0  }
0x1d6: {  	v7 =	vld [tilespmem:s13+$0x0];
	v1 =	vmul.f32 v1, v34;
	v9 =	vperm.xlane v4, v37  }
0x1d7: {  	v8 =	vld [tilespmem:s13+$0x10];
	(erf) = vpow2.f32 v0;
	v0 =	vmul.bf16 v12, v56;
	v12 =	vunpack.i.u.bf16.f32 v63  }
0x1d8: {  	v36 =	vmov v47;
	v47 =	vld [tilespmem:s19+$0x10];
	v10 =	vmul.bf16 v10, v44;
	v2 =	vmul.bf16 v2, v45;
	[tilespmem:$0x1FE60] =	vst v12  }
0x1d9: {  	v4 =	vadd.f32 v9, v4;
	v9 =	vmul.bf16 v14, v49;
	v43 =	vld [tilespmem:s19+$0x30]  }
0x1da: {  	v1 =	vsub.f32 v1, v36;
	v2 =	vadd.bf16 v2, v10;
	v10 =	vld [tilespmem:s13+$0x30]  }
0x1db: {  	v12 =	vperm.xlane v4, v38;
	v0 =	vadd.bf16 v9, v0;
	v9 =	vld [tilespmem:s13+$0x20]  }
0x1dc: {  	s14 =	simm.s32 $0x6EA0;
	v61 =	vunpack.i.l.bf16.f32 v15;
	v59 =	vunpack.i.u.bf16.f32 v15;
	v1 =	vmul.f32 $1.442695020e+00, v1  }
0x1dd: {  	v7 =	vmul.bf16 v7, v50;
	v14 =	vmul.bf16 v48, v52;
	[tilespmem:s14+$0x100] =	vst v11;
	v4 =	vadd.f32 v12, v4  }
0x1de: {  	v15 =	vunpack.i.l.bf16.f32 v63;
	v8 =	vmul.bf16 v8, v47;
	(erf) = vpow2.f32 v1;
	[tilespmem:s14+$0x110] =	vst v13;
	v12 =	vld [tilespmem:s13+$0xFFFFFF90]  }
0x1df: {  	[tilespmem:s14+$0xB0] =	vst v5;
	v5 =	vunpack.i.u.bf16.f32 v52;
	v0 =	vadd.bf16 v2, v0;
	v2 =	vperm.xlane v4, v42  }
0x1e0: {  	v1 =	vld [tilespmem:s19+$0x90];
	[tilespmem:s14+$0x90] =	vst v57;
	v63 =	vadd.bf16 v8, v7;
	v8 =	vmul.bf16 v10, v43;
	v7 =	vmul.bf16 v9, v46  }
0x1e1: {  	[tilespmem:s14+$0xA0] =	vst v58;
	v2 =	vadd.f32 v2, v4;
	v4 =	vunpack.i.u.bf16.f32 v0;
	v0 =	vunpack.i.l.bf16.f32 v0  }
0x1e2: {  	v48 =	vld [tilespmem:s19+$0xFFFFFF60];
	v11 =	vunpack.i.l.bf16.f32 v51;
	[tilespmem:$0x1FE70] =	vst v5;
	v0 =	vadd.f32 v0, v4;
	v4 =	vadd.bf16 v8, v7  }
0x1e3: {  	[tilespmem:s14+$0xC0] =	vst v3;
	v8 =	vunpack.i.u.bf16.f32 v51;
	v9 =	vmul.bf16 v12, v51;
	v51 =	vunpack.i.l.bf16.f32 v52  }
0x1e4: {  	[tilespmem:$0x1FE80] =	vst v51  }
0x1e5: {  	v1 =	vunpack.i.l.bf16.f32 v1;
	[tilespmem:s14+$0xD0] =	vst v60  }
0x1e6: {  	v1 =	vmul.f32 v2, v1;
	[tilespmem:s14+$0xE0] =	vst v62;
	v2 =	vpop (erf)  }
0x1e7: {  	v12 =	vmul.bf16 v54, v48;
	v7 =	vld [tilespmem:$0x1FFC0];
	[tilespmem:s14+$0xF0] =	vst v6;
	v54 =	vmul.f32 v2, v29;
	v6 =	vnsel vm0, $0x0, v2  }
0x1e8: {  	v4 =	vadd.bf16 v4, v63;
	v24 =	vmul.f32 v2, v24;
	v63 =	vld [tilespmem:$0x1FFC0];
	[tilespmem:s14+$0xFFFFFFF0] =	vst v6  }
0x1e9: {  	v29 =	vmul.f32 v2, v32;
	[tilespmem:s14+$0xFFFFFF70] =	vst v54  }
0x1ea: {  	v62 =	vmul.f32 v2, v25;
	[tilespmem:s14+$0xFFFFFF80] =	vst v24  }
0x1eb: {  	v16 =	vmul.bf16 v55, v53;
	v27 =	vmul.f32 v27, v2;
	[tilespmem:s14+$0xFFFFFF90] =	vst v29  }
0x1ec: {  	v5 =	vpop (erf);
	v40 =	vmul.f32 v40, v2;
	[tilespmem:s14+$0xFFFFFFA0] =	vst v62  }
0x1ed: {  	v55 =	vadd.bf16 v16, v14;
	v52 =	vadd.bf16 v9, v12;
	v60 =	vmul.f32 v5, v59;
	[tilespmem:s14+$0xFFFFFFC0] =	vst v27  }
0x1ee: {  	v23 =	vmul.f32 v5, v23;
	[tilespmem:s14+$0xFFFFFFD0] =	vst v40  }
0x1ef: {  	v3 =	vadd.bf16 v55, v52;
	v22 =	vmul.f32 v22, v5;
	[tilespmem:s14+$0xFFFFFEF0] =	vst v60  }
0x1f0: {  	v6 =	vunpack.i.u.bf16.f32 v4;
	v26 =	vmul.f32 v26, v5;
	[tilespmem:s14+$0xFFFFFF00] =	vst v23;
	v58 =	vperm.xlane v0, v7  }
0x1f1: {  	v4 =	vunpack.i.l.bf16.f32 v4;
	v25 =	vunpack.i.u.bf16.f32 v3;
	v62 =	vmul.f32 v21, v5;
	[tilespmem:s14+$0xFFFFFF20] =	vst v22;
	v54 =	vpop (erf)  }
0x1f2: {  	v3 =	vunpack.i.l.bf16.f32 v3;
	[tilespmem:s14+$0xFFFFFF40] =	vst v26;
	v52 =	vmul.f32 v54, v35;
	v0 =	vadd.f32 v58, v0  }
0x1f3: {  	[tilespmem:s14+$0xFFFFFF30] =	vst v62;
	v58 =	vmul.f32 v5, v61;
	v61 =	vmul.f32 v5, v18;
	v18 =	vnsel vm0, $0x0, v5  }
0x1f4: {  	v4 =	vadd.f32 v4, v6;
	v3 =	vadd.f32 v3, v25;
	[tilespmem:s14+$0xFFFFFF60] =	vst v18;
	v6 =	vperm.xlane v0, v37  }
0x1f5: {  	[tilespmem:s14+$0x10] =	vst v52  }
0x1f6: {  	v18 =	vnsel vm0, $0x0, v54;
	[tilespmem:s14+$0xFFFFFEE0] =	vst v58;
	v0 =	vadd.f32 v6, v0;
	v6 =	vperm.xlane v3, v63  }
0x1f7: {  	v1 =	vmul.f32 v1, v34;
	v5 =	vmul.f32 v20, v5;
	[tilespmem:s14+$0x80] =	vst v18  }
0x1f8: {  	v29 =	vunpack.i.l.bf16.f32 v56;
	[tilespmem:s14+$0xFFFFFF10] =	vst v61;
	v3 =	vadd.f32 v6, v3;
	v6 =	vmul.f32 v31, v2  }
0x1f9: {  	v25 =	vunpack.i.u.bf16.f32 v56;
	[tilespmem:s14+$0xFFFFFF50] =	vst v5;
	v56 =	vperm.xlane v0, v38;
	v2 =	vmul.f32 v28, v2  }
0x1fa: {  	v1 =	vsub.f32 v1, v36;
	[tilespmem:s14+$0xFFFFFFB0] =	vst v6;
	v6 =	vmul.f32 v54, v39  }
0x1fb: {  	v58 =	vld [tilespmem:s19+$0xFFFFFFF0];
	v0 =	vadd.f32 v56, v0;
	v59 =	vperm.xlane v3, v37;
	[tilespmem:s14+$0xFFFFFFE0] =	vst v2;
	v56 =	vmul.f32 v54, v33  }
0x1fc: {  	[tilespmem:s14+$0x0] =	vst v6  }
0x1fd: {  	v1 =	vmul.f32 $1.442695020e+00, v1;
	v3 =	vadd.f32 v59, v3;
	v59 =	vld [tilespmem:$0x1FE90];
	[tilespmem:s14+$0x20] =	vst v56  }
0x1fe: {  	v55 =	vperm.xlane v4, v63;
	v2 =	vld [tilespmem:$0x1FEA0]  }
0x1ff: {  	(erf) = vpow2.f32 v1  }
0x200: {  	v1 =	vadd.f32 v55, v4;
	v55 =	vunpack.i.l.bf16.f32 v58;
	v58 =	vperm.xlane v3, v38  }
0x201: {  	v26 =	vunpack.i.l.bf16.f32 v50  }
0x202: {  	v20 =	vunpack.i.u.bf16.f32 v50;
	v50 =	vadd.f32 v58, v3;
	v3 =	vmul.f32 v54, v59  }
0x203: {  	v2 =	vmul.f32 v2, v54  }
0x204: {  	[tilespmem:s14+$0x30] =	vst v3  }
0x205: {  	[tilespmem:s14+$0x40] =	vst v2  }
0x206: {  	v13 =	vunpack.i.u.bf16.f32 v17;
	v57 =	vunpack.i.u.bf16.f32 v53;
	v2 =	vld [tilespmem:$0x1FEB0]  }
0x207: {  	v16 =	vunpack.i.u.bf16.f32 v19;
	v10 =	vunpack.i.l.bf16.f32 v17;
	v60 =	vperm.xlane v1, v37  }
0x208: {  	v17 =	vunpack.i.l.bf16.f32 v53;
	v53 =	vld [tilespmem:s19+$0x40];
	v27 =	vunpack.i.u.bf16.f32 v46;
	v61 =	vperm.xlane v0, v42  }
0x209: {  	v1 =	vadd.f32 v60, v1;
	v60 =	vunpack.i.u.bf16.f32 v30;
	v33 =	vunpack.i.l.bf16.f32 v46;
	v46 =	vpop (erf)  }
0x20a: {  	v19 =	vunpack.i.l.bf16.f32 v19;
	v0 =	vadd.f32 v61, v0;
	v61 =	vmul.f32 v60, v46  }
0x20b: {  	s15 =	simm.s32 $0x70E0;
	v14 =	vunpack.i.l.bf16.f32 v30;
	v32 =	vunpack.i.l.bf16.f32 v49;
	v62 =	vld [tilespmem:s19+$0xFFFFFFA0];
	v2 =	vmul.f32 v2, v54  }
0x20c: {  	v24 =	vunpack.i.u.bf16.f32 v49;
	v21 =	vunpack.i.l.bf16.f32 v44;
	v23 =	vunpack.i.u.bf16.f32 v45;
	[tilespmem:s15+$0x100] =	vst v61  }
0x20d: {  	v22 =	vunpack.i.l.bf16.f32 v45;
	v45 =	vunpack.i.l.bf16.f32 v53;
	v35 =	vunpack.i.u.bf16.f32 v48;
	[tilespmem:s14+$0x50] =	vst v2  }
0x20e: {  	v18 =	vunpack.i.u.bf16.f32 v44;
	v30 =	vunpack.i.l.bf16.f32 v43;
	v6 =	vperm.xlane v1, v38;
	v2 =	vld [tilespmem:$0x1FEC0]  }
0x20f: {  	v28 =	vunpack.i.u.bf16.f32 v47;
	v31 =	vunpack.i.l.bf16.f32 v47;
	v0 =	vmul.f32 v0, v55  }
0x210: {  	v37 =	vunpack.i.u.bf16.f32 v43;
	v43 =	vunpack.i.l.bf16.f32 v62;
	v38 =	vadd.f32 v6, v1  }
0x211: {  	v39 =	vunpack.i.l.bf16.f32 v48;
	v62 =	vmul.f32 v41, v54;
	v0 =	vmul.f32 v0, v34  }
0x212: {  	v41 =	vnsel vm0, $0x0, v46;
	v47 =	vperm.xlane v38, v42;
	v48 =	vperm.xlane v50, v42  }
0x213: {  	s10 =	simm.s32 $0x18A0;
	s16 =	simm.s32 $0x4;
	v44 =	vsub.f32 v0, v36;
	v36 =	vmul.f32 v46, v15;
	[tilespmem:s14+$0x60] =	vst v62;
	v34 =	vmul.f32 v2, v54  }
.LBB2_7:
0x214: {  	v0 =	vld [tilespmem:s10+$0x50]  }
0x215: {  	v3 =	vld [tilespmem:$0x1FE60]  }
0x216: {  	v9 =	vld [tilespmem:$0x1FFA0]  }
0x217: {  	v49 =	vld [tilespmem:s10+$0xFFFFFFB0]  }
0x218: {  	v12 =	vld [tilespmem:$0x1FFE0]  }
0x219: {  	[tilespmem:s15+$0x110] =	vst v41;
	v56 =	vmul.f32 v13, v46;
	v13 =	vld [tilespmem:$0x1FFF0]  }
0x21a: {  	v4 =	vld [tilespmem:s10+$0x60]  }
0x21b: {  	v51 =	vld [tilespmem:s10+$0x70]  }
0x21c: {  	v5 =	vmul.f32 $1.442695020e+00, v44;
	v44 =	vld [tilespmem:s10+$0xFFFFFF80]  }
0x21d: {  	v1 =	vadd.f32 v48, v50;
	v2 =	vadd.f32 v47, v38;
	v47 =	vld [tilespmem:s10+$0xFFFFFF90]  }
0x21e: {  	s13 =	sadd.s32 $0x100, s13;
	v54 =	vmul.f32 v10, v46;
	v10 =	vld [tilespmem:$0x1FFB0];
	v3 =	vmul.f32 v46, v3  }
0x21f: {  	v6 =	vmul.f32 v46, v19;
	[tilespmem:s15+$0x90] =	vst v36;
	v61 =	vld [tilespmem:s13+$0xFFFFFFA0];
	v1 =	vmul.f32 v1, v43  }
0x220: {  	v38 =	vld [tilespmem:s10+$0x80];
	(erf) = vpow2.f32 v5;
	[tilespmem:s15+$0xA0] =	vst v3  }
0x221: {  	v52 =	vmul.f32 v46, v16;
	v1 =	vmul.f32 v1, v9;
	v53 =	vld [tilespmem:s13+$0x40];
	[tilespmem:s15+$0xB0] =	vst v6  }
0x222: {  	v2 =	vmul.f32 v2, v45;
	v6 =	vld [tilespmem:s13+$0x50]  }
0x223: {  	v7 =	vmov v37;
	v3 =	vld [tilespmem:s10+$0xFFFFFF70];
	[tilespmem:s15+$0xC0] =	vst v52;
	v1 =	vsub.f32 v1, v10  }
0x224: {  	v58 =	vmul.f32 v14, v46;
	[tilespmem:$0x1FE50] =	vst v7;
	v2 =	vmul.f32 v2, v9;
	v7 =	vunpack.i.u.bf16.f32 v0;
	v40 =	vld [tilespmem:s13+$0x60]  }
0x225: {  	[tilespmem:$0x1FE60] =	vst v7;
	v7 =	vunpack.i.l.bf16.f32 v0;
	v19 =	vunpack.i.l.bf16.f32 v4;
	v41 =	vld [tilespmem:s13+$0x70];
	v1 =	vmul.f32 $1.442695020e+00, v1  }
0x226: {  	[tilespmem:s14+$0x70] =	vst v34;
	v62 =	vld [tilespmem:s13+$0xFFFFFFB0];
	v42 =	vunpack.i.u.bf16.f32 v51;
	v5 =	vunpack.i.l.bf16.f32 v44;
	v2 =	vsub.f32 v2, v10  }
0x227: {  	[tilespmem:$0x1FE40] =	vst v7;
	v7 =	vunpack.i.u.bf16.f32 v4;
	(erf) = vpow2.f32 v1;
	v59 =	vmul.bf16 v6, v4;
	v4 =	vld [tilespmem:s13+$0xFFFFFF90]  }
0x228: {  	v15 =	vmovc v57;
	v57 =	vld [tilespmem:s13+$0x0];
	v37 =	vmul.bf16 v61, v44;
	[tilespmem:$0x1FE20] =	vst v7;
	v7 =	vunpack.i.l.bf16.f32 v51;
	v2 =	vmul.f32 $1.442695020e+00, v2  }
0x229: {  	v43 =	vld [tilespmem:s13+$0xFFFFFF80];
	[tilespmem:s15+$0xD0] =	vst v54;
	v54 =	vunpack.i.u.bf16.f32 v44;
	v0 =	vmul.bf16 v53, v0;
	v60 =	vmul.bf16 v40, v51  }
0x22a: {  	v44 =	vld [tilespmem:s10+$0xFFFFFFE0];
	v45 =	vunpack.i.u.bf16.f32 v3;
	v6 =	vmul.bf16 v41, v38;
	v41 =	vpop (erf);
	(erf) = vpow2.f32 v2  }
0x22b: {  	[tilespmem:$0x1FE30] =	vst v7;
	v52 =	vld [tilespmem:s10+$0xFFFFFFC0];
	v48 =	vunpack.i.l.bf16.f32 v3;
	v0 =	vadd.bf16 v59, v0;
	v59 =	vmul.f32 v41, v29  }
0x22c: {  	[tilespmem:s15+$0xF0] =	vst v58;
	v25 =	vmul.f32 v41, v25;
	v58 =	vadd.bf16 v6, v60;
	v3 =	vmul.bf16 v4, v3;
	v4 =	vld [tilespmem:s10+$0xFFFFFFD0]  }
0x22d: {  	v55 =	vunpack.i.l.bf16.f32 v38;
	v34 =	vmovc v42;
	v42 =	vunpack.i.u.bf16.f32 v47;
	v32 =	vmul.f32 v41, v32;
	[tilespmem:s15+$0xFFFFFF70] =	vst v59;
	v59 =	vld [tilespmem:s10+$0x30]  }
0x22e: {  	v7 =	vmul.f32 v41, v24;
	v60 =	vmul.bf16 v62, v47;
	v0 =	vadd.bf16 v58, v0;
	v61 =	vld [tilespmem:s13+$0xFFFFFFC0];
	[tilespmem:s15+$0xFFFFFF80] =	vst v25  }
0x22f: {  	v36 =	vmovc v55;
	v46 =	vunpack.i.u.bf16.f32 v44;
	v53 =	vunpack.i.l.bf16.f32 v44;
	v55 =	vnsel vm0, $0x0, v41;
	v62 =	vld [tilespmem:s13+$0xFFFFFFD0];
	[tilespmem:s15+$0xFFFFFF90] =	vst v32  }
0x230: {  	v1 =	vadd.bf16 v60, v37;
	v29 =	vunpack.i.u.bf16.f32 v0;
	v0 =	vunpack.i.l.bf16.f32 v0;
	v50 =	vpop (erf);
	v37 =	vld [tilespmem:s13+$0xFFFFFFE0];
	[tilespmem:s15+$0xFFFFFFA0] =	vst v7  }
0x231: {  	[tilespmem:s15+$0xE0] =	vst v56;
	v24 =	vunpack.i.u.bf16.f32 v52;
	v0 =	vadd.f32 v0, v29;
	v39 =	vmul.f32 v50, v39;
	v60 =	vld [tilespmem:s13+$0xFFFFFFF0]  }
0x232: {  	v6 =	vunpack.i.l.bf16.f32 v47;
	v25 =	vunpack.i.u.bf16.f32 v49;
	[tilespmem:s15+$0xFFFFFFF0] =	vst v55;
	v55 =	vld [tilespmem:s10+$0x10];
	v35 =	vmul.f32 v50, v35  }
0x233: {  	v32 =	vunpack.i.l.bf16.f32 v52;
	v29 =	vunpack.i.l.bf16.f32 v49;
	v56 =	vperm.xlane v0, v63;
	v40 =	vpop (erf);
	[tilespmem:s15+$0xFFFFFEE0] =	vst v39;
	v39 =	vld [tilespmem:s10+$0x0]  }
0x234: {  	v51 =	vunpack.i.u.bf16.f32 v4;
	v63 =	vnsel vm0, $0x0, v40;
	[tilespmem:s15+$0xFFFFFEF0] =	vst v35;
	v35 =	vmul.f32 v50, v11;
	v11 =	vld [tilespmem:$0x1FFD0]  }
0x235: {  	v58 =	vunpack.i.l.bf16.f32 v4;
	v2 =	vmul.bf16 v61, v49;
	v0 =	vadd.f32 v56, v0;
	v56 =	vld [tilespmem:s10+$0x20];
	[tilespmem:s15+$0x80] =	vst v63  }
0x236: {  	v14 =	vmovc v45;
	v61 =	vnsel vm0, $0x0, v50;
	v47 =	vmul.bf16 v62, v52;
	v4 =	vmul.bf16 v37, v4;
	v45 =	vld [tilespmem:s13+$0x20]  }
0x237: {  	[tilespmem:s15+$0xFFFFFF00] =	vst v35;
	v35 =	vmul.f32 v50, v8;
	v37 =	vunpack.i.u.bf16.f32 v59;
	v8 =	vld [tilespmem:$0x1FE80];
	v62 =	vperm.xlane v0, v12  }
0x238: {  	v16 =	vmovc v48;
	[tilespmem:s15+$0xFFFFFF60] =	vst v61;
	v63 =	vld [tilespmem:s13+$0x30];
	v2 =	vadd.bf16 v47, v2;
	v48 =	vmul.bf16 v60, v44;
	v52 =	vunpack.i.u.bf16.f32 v55  }
0x239: {  	v60 =	vld [tilespmem:s13+$0x10];
	v47 =	vunpack.i.l.bf16.f32 v55;
	[tilespmem:s15+$0xFFFFFF10] =	vst v35;
	v0 =	vadd.f32 v62, v0;
	v61 =	vunpack.i.u.bf16.f32 v39  }
0x23a: {  	v62 =	vunpack.i.l.bf16.f32 v39;
	v4 =	vadd.bf16 v48, v4;
	v7 =	vld [tilespmem:s10+$0xFFFFFF60];
	v48 =	vunpack.i.u.bf16.f32 v56  }
0x23b: {  	v44 =	vunpack.i.l.bf16.f32 v56;
	v49 =	vperm.xlane v0, v13;
	v45 =	vmul.bf16 v45, v56;
	v56 =	vld [tilespmem:$0x1FE70]  }
0x23c: {  	v35 =	vmul.bf16 v57, v39;
	v2 =	vadd.bf16 v4, v2;
	v4 =	vld [tilespmem:s10+$0x90];
	v39 =	vmul.f32 v8, v50  }
0x23d: {  	v0 =	vadd.f32 v49, v0;
	v49 =	vunpack.i.l.bf16.f32 v59;
	v59 =	vmul.bf16 v63, v59;
	v63 =	vld [tilespmem:$0x1FFC0]  }
0x23e: {  	v8 =	vmovc v5;
	v5 =	vld [tilespmem:s10+$0xFFFFFFA0];
	v55 =	vmul.bf16 v60, v55;
	v57 =	vunpack.i.u.bf16.f32 v2;
	v2 =	vunpack.i.l.bf16.f32 v2  }
0x23f: {  	[tilespmem:s15+$0xFFFFFF20] =	vst v39;
	v2 =	vadd.f32 v2, v57;
	v60 =	vperm.xlane v0, v11  }
0x240: {  	v45 =	vadd.bf16 v59, v45;
	v39 =	vmul.f32 v56, v50;
	v56 =	vmovc v54;
	v54 =	vadd.bf16 v55, v35  }
0x241: {  	v4 =	vunpack.i.l.bf16.f32 v4;
	v35 =	vunpack.i.u.bf16.f32 v7;
	[tilespmem:$0x1FE70] =	vst v56;
	v56 =	vmul.f32 v17, v50  }
0x242: {  	v0 =	vadd.f32 v60, v0;
	v17 =	vmovc v6;
	v6 =	vmul.bf16 v43, v7;
	v57 =	vperm.xlane v2, v63  }
0x243: {  	v43 =	vunpack.i.l.bf16.f32 v5;
	v59 =	vadd.bf16 v45, v54;
	v54 =	vmul.f32 v15, v50  }
0x244: {  	[tilespmem:$0x1FE80] =	vst v8;
	v55 =	vld [tilespmem:s10+$0x40];
	v0 =	vmul.f32 v0, v4;
	v3 =	vadd.bf16 v3, v6;
	v2 =	vadd.f32 v57, v2  }
0x245: {  	[tilespmem:s15+$0xFFFFFF30] =	vst v39;
	v60 =	vunpack.i.u.bf16.f32 v59;
	v5 =	vunpack.i.l.bf16.f32 v59;
	v59 =	vmul.f32 v18, v41  }
0x246: {  	v18 =	vmovc v51;
	v51 =	vmul.f32 v40, v20;
	v0 =	vmul.f32 v0, v9;
	v1 =	vadd.bf16 v1, v3  }
0x247: {  	v8 =	vld [tilespmem:s10+$0xFFFFFFF0];
	v39 =	vunpack.i.l.bf16.f32 v7;
	[tilespmem:s15+$0xFFFFFF50] =	vst v54;
	v54 =	vmul.f32 v40, v28;
	v4 =	vperm.xlane v2, v12  }
0x248: {  	v0 =	vsub.f32 v0, v10;
	v7 =	vunpack.i.u.bf16.f32 v1;
	v1 =	vunpack.i.l.bf16.f32 v1  }
0x249: {  	v45 =	vunpack.i.l.bf16.f32 v55;
	v3 =	vadd.f32 v5, v60;
	v1 =	vadd.f32 v1, v7  }
0x24a: {  	v55 =	vmul.f32 v21, v41;
	v2 =	vadd.f32 v4, v2;
	v0 =	vmul.f32 $1.442695020e+00, v0  }
0x24b: {  	[tilespmem:s15+$0xFFFFFF40] =	vst v56;
	v7 =	vperm.xlane v3, v63;
	v56 =	vperm.xlane v1, v63  }
0x24c: {  	v6 =	vunpack.i.l.bf16.f32 v8;
	v21 =	vmovc v58;
	v58 =	vperm.xlane v2, v13;
	(erf) = vpow2.f32 v0  }
0x24d: {  	v20 =	vmovc v61;
	v28 =	vmov v52;
	[tilespmem:s15+$0xFFFFFFC0] =	vst v59;
	v3 =	vadd.f32 v7, v3;
	v1 =	vadd.f32 v56, v1  }
0x24e: {  	v60 =	vmul.f32 v22, v41;
	v41 =	vmul.f32 v23, v41;
	[tilespmem:s15+$0x10] =	vst v51;
	v2 =	vadd.f32 v58, v2  }
0x24f: {  	v22 =	vmovc v53;
	v23 =	vmov v46;
	[tilespmem:s15+$0x30] =	vst v54;
	v8 =	vperm.xlane v3, v12;
	v7 =	vperm.xlane v1, v12  }
0x250: {  	v57 =	vmovc v42;
	v42 =	vmul.f32 v40, v26;
	v26 =	vmov v62;
	v62 =	vld [tilespmem:$0x1FE50];
	[tilespmem:s15+$0xFFFFFFB0] =	vst v55;
	v50 =	vperm.xlane v2, v11  }
0x251: {  	v53 =	vmul.f32 v40, v31;
	[tilespmem:s15+$0xFFFFFFD0] =	vst v60;
	v3 =	vadd.f32 v8, v3;
	v1 =	vadd.f32 v7, v1  }
0x252: {  	s16 =	sadd.s32 $0x4, s16;
	[tilespmem:s15+$0xFFFFFFE0] =	vst v41;
	v55 =	vmul.f32 v33, v40;
	v60 =	vmul.f32 v30, v40;
	v2 =	vadd.f32 v50, v2  }
0x253: {  	p0 =	slt.u32 s16, $0x3C;
	v61 =	vld [tilespmem:$0x1FE40];
	v31 =	vmovc v47;
	[tilespmem:s15+$0x20] =	vst v53;
	v33 =	vmov v44;
	v15 =	vperm.xlane v3, v13;
	v7 =	vperm.xlane v1, v13  }
.Ltmp2:
0x254: {  	s14 =	smov.u32 s15;
	[tilespmem:s15+$0x0] =	vst v42;
	v58 =	vmul.f32 v27, v40;
	v12 =	vunpack.i.u.bf16.f32 v38;
	v13 =	vmovc v34;
	v2 =	vmul.f32 v2, v6;
	(pc) =	sbr.rel @p0 .LBB2_7-.Ltmp2, $4  }
0x255: {  	[tilespmem:s14+$0x40] =	vst v55;
	v38 =	vadd.f32 v15, v3;
	v34 =	vmul.f32 v62, v40;
	v46 =	vpop (erf);
	v50 =	vadd.f32 v7, v1  }
0x256: {  	v30 =	vmovc v49;
	[tilespmem:s14+$0x60] =	vst v60;
	v27 =	vmov v48;
	v59 =	vmul.f32 v2, v9;
	v56 =	vmul.f32 v12, v46  }
0x257: {  	s15 =	sadd.s32 $0x240, s15;
	[tilespmem:s14+$0x50] =	vst v58;
	v8 =	vmovc v14;
	v47 =	vperm.xlane v38, v11;
	v48 =	vperm.xlane v50, v11;
	v11 =	vmov v16;
	v16 =	vld [tilespmem:$0x1FE20]  }
0x258: {  	s10 =	sadd.s32 $0x140, s10;
	v14 =	vmovc v36;
	v41 =	vnsel vm0, $0x0, v46;
	v36 =	vmul.f32 v46, v61;
	v44 =	vsub.f32 v59, v10;
	v10 =	vld [tilespmem:$0x1FE30];
	[tilespmem:s15+$0x100] =	vst v56  }
0x259: {  	v3 =	vld [tilespmem:$0x1FFA0]  }
0x25a: {  	v0 =	vadd.f32 v48, v50  }
0x25b: {  	v4 =	vld [tilespmem:$0x1FFB0]  }
0x25c: {  	v0 =	vmul.f32 v0, v43  }
0x25d: {  	v2 =	vadd.f32 v47, v38;
	v1 =	vmul.f32 $1.442695020e+00, v44  }
0x25e: {  	[tilespmem:s15+$0x110] =	vst v41;
	v0 =	vmul.f32 v0, v3  }
0x25f: {  	(erf) = vpow2.f32 v1;
	v1 =	vmul.f32 v2, v45;
	v2 =	vld [tilespmem:$0x1FE60]  }
0x260: {  	v0 =	vsub.f32 v0, v4;
	_ =	sdelay $0x1  }
0x261: {  	v1 =	vmul.f32 v1, v3;
	v0 =	vmul.f32 $1.442695020e+00, v0;
	_ =	sdelay $0x1  }
0x262: {  	[tilespmem:s14+$0x70] =	vst v34;
	v1 =	vsub.f32 v1, v4;
	v2 =	vmul.f32 v46, v2;
	(erf) = vpow2.f32 v0  }
0x263: {  	[tilespmem:s15+$0x90] =	vst v36;
	v0 =	vmul.f32 v46, v19  }
0x264: {  	v1 =	vmul.f32 $1.442695020e+00, v1;
	[tilespmem:s15+$0xA0] =	vst v2;
	v2 =	vmul.f32 v46, v16  }
0x265: {  	[tilespmem:s15+$0xB0] =	vst v0;
	v0 =	vmul.f32 v10, v46  }
0x266: {  	[tilespmem:s15+$0xC0] =	vst v2;
	v2 =	vmul.f32 v13, v46;
	v3 =	vpop (erf);
	(erf) = vpow2.f32 v1  }
0x267: {  	v1 =	vmul.f32 v3, v29;
	[tilespmem:s15+$0xD0] =	vst v0;
	v0 =	vmul.f32 v14, v46  }
0x268: {  	[tilespmem:s15+$0xE0] =	vst v2  }
0x269: {  	[tilespmem:s15+$0xF0] =	vst v0;
	v0 =	vmul.f32 v3, v25  }
0x26a: {  	v2 =	vmul.f32 v3, v32;
	[tilespmem:s15+$0xFFFFFF70] =	vst v1  }
0x26b: {  	[tilespmem:s15+$0xFFFFFF80] =	vst v0;
	v0 =	vmul.f32 v3, v24;
	v1 =	vpop (erf)  }
0x26c: {  	[tilespmem:s15+$0xFFFFFF90] =	vst v2;
	v4 =	vmul.f32 v1, v39  }
0x26d: {  	[tilespmem:s15+$0xFFFFFFA0] =	vst v0;
	v0 =	vnsel vm0, $0x0, v3  }
0x26e: {  	v2 =	vnsel vm0, $0x0, v1;
	[tilespmem:s15+$0xFFFFFFF0] =	vst v0  }
0x26f: {  	v0 =	vmul.f32 v1, v35;
	[tilespmem:s15+$0xFFFFFF60] =	vst v2  }
0x270: {  	[tilespmem:s15+$0xFFFFFEE0] =	vst v4;
	v4 =	vpop (erf)  }
0x271: {  	[tilespmem:s15+$0xFFFFFEF0] =	vst v0;
	v0 =	vmul.f32 v1, v11;
	v2 =	vnsel vm0, $0x0, v4  }
0x272: {  	[tilespmem:s15+$0x80] =	vst v2;
	v2 =	vmul.f32 v1, v8  }
0x273: {  	[tilespmem:s15+$0xFFFFFF00] =	vst v0  }
0x274: {  	v0 =	vld [tilespmem:$0x1FE80];
	[tilespmem:s15+$0xFFFFFF10] =	vst v2  }
0x275: {  	v2 =	vld [tilespmem:$0x1FE70];
	_ =	sdelay $0x3  }
0x276: {  	v0 =	vmul.f32 v0, v1  }
0x277: {  	v2 =	vmul.f32 v2, v1  }
0x278: {  	[tilespmem:s15+$0xFFFFFF20] =	vst v0;
	v0 =	vmul.f32 v17, v1  }
0x279: {  	v1 =	vmul.f32 v57, v1;
	[tilespmem:s15+$0xFFFFFF30] =	vst v2  }
0x27a: {  	[tilespmem:s15+$0xFFFFFF40] =	vst v0;
	v0 =	vmul.f32 v21, v3  }
0x27b: {  	[tilespmem:s15+$0xFFFFFF50] =	vst v1;
	v1 =	vmul.f32 v18, v3  }
0x27c: {  	v2 =	vmul.f32 v4, v26;
	[tilespmem:s15+$0xFFFFFFB0] =	vst v0  }
0x27d: {  	v0 =	vmul.f32 v22, v3;
	[tilespmem:s15+$0xFFFFFFC0] =	vst v1  }
0x27e: {  	v1 =	vmul.f32 v23, v3;
	[tilespmem:s15+$0x0] =	vst v2  }
0x27f: {  	[tilespmem:s15+$0xFFFFFFD0] =	vst v0;
	v0 =	vmul.f32 v4, v20  }
0x280: {  	v2 =	vmul.f32 v33, v4;
	[tilespmem:s15+$0xFFFFFFE0] =	vst v1  }
0x281: {  	[tilespmem:s15+$0x10] =	vst v0;
	v0 =	vmul.f32 v4, v28  }
0x282: {  	v1 =	vmul.f32 v4, v31;
	[tilespmem:s15+$0x40] =	vst v2  }
0x283: {  	[tilespmem:s15+$0x30] =	vst v0;
	v0 =	vmul.f32 v27, v4  }
0x284: {  	s12 =	sadd.s32 $0x1, s12;
	[tilespmem:s15+$0x20] =	vst v1;
	v1 =	vmul.f32 v30, v4  }
0x285: {  	p0 =	sne.s32 s12, $0x51;
	[tilespmem:s15+$0x50] =	vst v0;
	v0 =	vmul.f32 v37, v4  }
.Ltmp3:
0x286: {  	[tilespmem:s15+$0x60] =	vst v1;
	(pc) =	sbr.rel @p0 .LBB2_4-.Ltmp3, $4  }
0x287: {  	[tilespmem:s15+$0x70] =	vst v0  }
0x288: {  	v1 =	vld [tilespmem:$0x1FFE0]  }
0x289: {  	s10 =	simm.s32 $0x140;
	v2 =	vld [tilespmem:$0x1FFF0]  }
0x28a: {  	[spmem:s3] =	stream.indirect.scatter.add.f32 [tilespmem:s11], [sflag:$0x6], $0x90, s10, s1, $0xb8;
	v3 =	vld [tilespmem:$0x1FFD0]  }
0x28b: {  	s10 =	simm.s32 $0x5  }
0x28c: {  	_ =	swait.ge [sflag:s10], $0x2400  }
0x28d: {  	[sflag:s10] =	ssyncset.done $0x0  }
0x28e: {  	s14 =	simm.s32 $0x6;
	[sflag:s10] =	ssyncadd.s32 $0xFFFFDC00  }
0x28f: {  	_ =	swait.ge [sflag:s14], $0x2400  }
0x290: {  	[sflag:s14] =	ssyncset.done $0x0  }
0x291: {  	[sflag:s14] =	ssyncadd.s32 $0xFFFFDC00  }
0x292: {  	_ =	swait.ge [sflag:s17], $0x1400  }
0x293: {  	[sflag:s17] =	ssyncset.done $0x0  }
0x294: {  	[sflag:s17] =	ssyncadd.s32 $0xFFFFEC00  }
0x295: {  	_ =	swait.ge [sflag:s18], $0x1000  }
0x296: {  	[sflag:s18] =	ssyncset.done $0x0  }
0x297: {  	[sflag:s18] =	ssyncadd.s32 $0xFFFFF000  }
0x298: {  	_ =	swait.ge [sflag:s9], $0x80  }
0x299: {  	[sflag:s9] =	ssyncset.done $0x0  }
0x29a: {  	[sflag:s9] =	ssyncadd.s32 $0xFFFFFF80  }
0x29b: {  	s15 =	stileid.u32;
	[bflag:$0x0] =	sbarrier.arrive $0xFFFF  }
0x29c: {  	s10 =	sshll.u32 s15, $0x6;
	s13 =	rddreg [dreg:$0x5]  }
0x29d: {  	s10 =	sor.u32 $0x1C09, s10;
	s14 =	rddreg [dreg:$0x11];
	s12 =	sshrl.u32 s13, $0x3  }
0x29e: {  	[hbm:s14], [sflag:s10] =	dma.local [spmem:s12], $0x2C28  }
0x29f: {  	_ =	swait.ge [sflag:s25], $0x2C28  }
0x2a0: {  	s16 =	rddreg [dreg:$0x13]  }
0x2a1: {  	s19 =	rddreg [dreg:$0x12];
	s12 =	sadd.s32 $0x1, s16  }
0x2a2: {  	p0 =	sne.s32 s12, s19  }
.Ltmp4:
0x2a3: {  	_ = 	snop;
	(pc) =	sbr.rel @p0 .LBB2_1-.Ltmp4, $3  }
0x2a4: {  	_ =	sdelay $0x1  }
0x2a5: {  	[sflag:s25] =	ssyncset.done $0x0  }
0x2a6: {  	v0 =	vimm.f32 $0.0e+00;
	[sflag:s25] =	ssyncadd.s32 $0xFFFFD3D8  }
0x2a7: {  	_ =	sfence.sel $0x180000  }
0x2a8: {  	[bflag:$0x0] =	sbarrier.arrive $0xFFFF  }
0x2a9: {  	_ =	strace $0x90000047  }
0x2aa: {  	s0 =	stileid.u32;
	[bflag:$0x2] =	sbarrier.arrive $0xFFFF  }
0x2ab: {  	p0 =	sne.s32 s0, $0x0;
	s0 =	rddreg [dreg:$0x3]  }
0x2ac: {  	s0 =	sadd.s32 @!p0 $0x100000, s0  }
0x2ad: {  	[sflag:s0] =	ssyncadd.tile.s32 @!p0 $0x1;
	_ =	shalt  }
.Lfunc_end2:
_tile_overlayer_lowered:
.L_overlay_start_2:
0x2ae: {  	(tag) =	ssettag $0x2  }
0x2af: {  	s0 =	rddreg [dreg:$0x0];
	s2 =	stileid.u32  }
0x2b0: {  	s1 =	rddreg [dreg:$0x1];
	p0 =	sne.s32 s2, $0x0  }
0x2b1: {  	s3 =	rddreg [dreg:$0x2];
	[bflag:$0x3] =	sbarrier.arrive $0xFFFF;
	s2 =	simm.s32 @!p0 $0x1C09  }
0x2b2: {  	[timem:s3], [sflag:s2] =	dma.local @!p0 [hbm:s0], s1  }
0x2b3: {  	s0 =	simm.s32 @!p0 $0x9  }
0x2b4: {  	_ =	swait.ge @!p0 [sflag:s0], s1  }
0x2b5: {  	s1 =	ssub.s32 @!p0 $0x0, s1;
	[sflag:s0] =	ssyncset.done @!p0 $0x0  }
0x2b6: {  	[sflag:s0] =	ssyncadd.s32 @!p0 s1  }
0x2b7: {  	[bflag:$0x3] =	sbarrier.arrive $0xFFFF  }
0x2b8: {  	_ =	shalt  }

</sc_bundles>
